<compile_context>
chip_gen: v7x
topology: tpu7x:2x2x1
jax: 0.10.2.dev20260603
libtpu: 0.0.44.dev20260713+nightly
codegen_flags: <defaults>
</compile_context>

<pallas_src>
import functools

import jax
import jax.numpy as jnp
from jax import lax
from jax.experimental import pallas as pl
from jax.experimental.pallas import tpu as pltpu
from jax.experimental.pallas import tpu_sc as plsc

B = 4096
D = 32
NC = 2
NS = 16
NW = NC * NS
L = 16
NBUF = 8
NCHUNK = 2
CHUNK = B // NCHUNK


def _make_sc_gather(n_a, n_b):
    pa, pb = n_a // NW, n_b // NW
    assert pa % L == 0 and (n_b == 0 or pb % L == 0) and pa >= pb
    mesh = plsc.VectorSubcoreMesh(core_axis_name="c", subcore_axis_name="s")
    out_type = [jax.ShapeDtypeStruct((n_a, D), jnp.float32)]
    scratch = [
        pltpu.VMEM((pa,), jnp.int32),
        pltpu.VMEM((pa, D), jnp.float32),
        pltpu.VMEM((2 * NBUF, D, 128), jnp.float32),
        pltpu.SemaphoreType.DMA,
        pltpu.SemaphoreType.DMA,
    ]
    if n_b:
        out_type.append(jax.ShapeDtypeStruct((n_b, D), jnp.float32))
        scratch += [
            pltpu.VMEM((pb,), jnp.int32),
            pltpu.VMEM((pb, D), jnp.float32),
        ]

    @functools.partial(
        pl.kernel,
        mesh=mesh,
        compiler_params=pltpu.CompilerParams(needs_layout_passes=False),
        out_type=tuple(out_type) if n_b else out_type[0],
        scratch_types=scratch,
    )
    def gather_kernel(*refs):
        if n_b:
            (emb_a, emb_b, idx_a, idx_b, out_a, out_b,
             idx_va, rows_a, win, sem_a, sem_b, idx_vb, rows_b) = refs
        else:
            emb_a, idx_a, out_a, idx_va, rows_a, win, sem_a, sem_b = refs
        wid = lax.axis_index("s") * NC + lax.axis_index("c")
        lanes = lax.iota(jnp.int32, L)
        rlo = lax.iota(jnp.int32, L)
        rhi = rlo + L

        def scalar_at(vec, l):
            return lax.reduce_max(jnp.where(lanes == l, vec, 0), (0,))

        pltpu.sync_copy(idx_a.at[pl.ds(wid * pa, pa)], idx_va)
        if n_b:
            pltpu.sync_copy(idx_b.at[pl.ds(wid * pb, pb)], idx_vb)

        def fire(emb, vec, l0, s0, count, sem):
            copies = []
            for s in range(count):
                r = scalar_at(vec, l0 + s)
                w = pl.multiple_of((r >> 7) << 7, 128)
                copies.append(pltpu.async_copy(
                    emb.at[:, pl.ds(w, 128)], win.at[s0 + s], sem))
            return copies

        def extract(rows, vec, i0, l0, s0, count):
            for s in range(count):
                col = lax.broadcast(scalar_at(vec, l0 + s) & 127, (L,))
                rows[i0 + s, pl.ds(0, L)] = plsc.load_gather(
                    win.at[s0 + s], [rlo, col])
                rows[i0 + s, pl.ds(L, L)] = plsc.load_gather(
                    win.at[s0 + s], [rhi, col])

        if n_b:
            def chunk_both(j):
                veca = idx_va[pl.ds(j * L, L)]
                vecb = idx_vb[pl.ds(j * L, L)]
                for half in range(2):
                    ca = fire(emb_a, veca, half * NBUF, 0, NBUF, sem_a)
                    cb = fire(emb_b, vecb, half * NBUF, NBUF, NBUF, sem_b)
                    for c in ca + cb:
                        c.wait()
                    extract(rows_a, veca, j * L + half * NBUF,
                            half * NBUF, 0, NBUF)
                    extract(rows_b, vecb, j * L + half * NBUF,
                            half * NBUF, NBUF, NBUF)

            pl.loop(0, pb // L)(chunk_both)

        def chunk_a(j):
            vec = idx_va[pl.ds(j * L, L)]
            ca = fire(emb_a, vec, 0, 0, 2 * NBUF, sem_a)
            for c in ca:
                c.wait()
            extract(rows_a, vec, j * L, 0, 0, 2 * NBUF)

        pl.loop(pb // L, pa // L)(chunk_a)

        pltpu.sync_copy(rows_a, out_a.at[pl.ds(wid * pa, pa), :])
        if n_b:
            pltpu.sync_copy(rows_b, out_b.at[pl.ds(wid * pb, pb), :])

    return gather_kernel

BM = 512


def _mm_body(w_ref, h_ref, o_ref):
    o_ref[...] = lax.dot_general(
        w_ref[...], h_ref[...],
        (((1,), (1,)), ((), ())),
        preferred_element_type=jnp.float32,
    )


def _mm_body_alias(w_ref, h_ref, _, o_ref):
    _mm_body(w_ref, h_ref, o_ref)


def _mm_chunk(w_chunk, h_i, out_prev, row0):
    rows = w_chunk.shape[0]
    out_block = pl.BlockSpec(
        (BM, B), lambda i, row0=row0: (row0 // BM + i, 0))
    if out_prev is None:
        return pl.pallas_call(
            _mm_body,
            grid=(rows // BM,),
            in_specs=[
                pl.BlockSpec((BM, D), lambda i: (i, 0)),
                pl.BlockSpec((B, D), lambda i: (0, 0)),
            ],
            out_specs=out_block,
            out_shape=jax.ShapeDtypeStruct((B, B), jnp.float32),
        )(w_chunk, h_i)
    return pl.pallas_call(
        _mm_body_alias,
        grid=(rows // BM,),
        in_specs=[
            pl.BlockSpec((BM, D), lambda i: (i, 0)),
            pl.BlockSpec((B, D), lambda i: (0, 0)),
            pl.BlockSpec(memory_space=pl.ANY),
        ],
        out_specs=out_block,
        out_shape=jax.ShapeDtypeStruct((B, B), jnp.float32),
        input_output_aliases={2: 0},
    )(w_chunk, h_i, out_prev)


U0 = B

_gather_ab = _make_sc_gather(B, U0)
_gather_b = _make_sc_gather(B - U0, 0) if U0 < B else None


def kernel(user_tensor, item_tensor, user_emb, item_emb):
    u0 = lax.slice(user_tensor, (0,), (U0,))
    h_i, w0 = _gather_ab(item_emb.T, user_emb.T, item_tensor, u0)
    out = _mm_chunk(w0, h_i, None, 0)
    if U0 < B:
        u1 = lax.slice(user_tensor, (U0,), (B,))
        w1 = _gather_b(user_emb.T, u1)
        out = _mm_chunk(w1, h_i, out, U0)
    return out

# --- scband reference (transcript-rebuilt; emitter-appended) ---
"""Pipeline reference for scband-mfmodule-2765958938896 (READ-ONLY COPY).

The authoritative reference and input builder live on the scoring server;
editing this copy changes nothing except your own understanding.
"""

import jax, jax.numpy as jnp
import numpy as np

NUM_USERS = 1000000
NUM_ITEMS = 1000000
NUM_COMPONENTS = 32
BATCH = 4096


def setup_inputs(seed: int = 0) -> dict:
    key = jax.random.key(seed)
    k1, k2, k3, k4 = jax.random.split(key, 4)
    std = min(1.0 / NUM_COMPONENTS ** 0.5, 0.05)
    user_tensor = jax.random.randint(k1, (BATCH,), 0, NUM_USERS, dtype=jnp.int32)
    item_tensor = jax.random.randint(k2, (BATCH,), 0, NUM_ITEMS, dtype=jnp.int32)
    user_emb = jax.random.normal(k3, (NUM_USERS, NUM_COMPONENTS), dtype=jnp.float32) * std
    item_emb = jax.random.normal(k4, (NUM_ITEMS, NUM_COMPONENTS), dtype=jnp.float32) * std
    return {
        "user_tensor": user_tensor,
        "item_tensor": item_tensor,
        "user_emb": user_emb,
        "item_emb": item_emb,
    }


def reference(user_tensor, item_tensor, user_emb, item_emb):
    # w_u = user_embedding(user_tensor); h_i = item_embedding(item_tensor)
    w_u = jnp.take(user_emb, user_tensor, axis=0)
    h_i = jnp.take(item_emb, item_tensor, axis=0)
    # full cross-product of scores: [B_u, B_i]
    return w_u @ h_i.T

if __name__ == "__main__":
    import jax
    _d = setup_inputs()
    print(jax.jit(kernel)(*tuple(_d.values())))

</pallas_src>

<mosaic_0001>
#map = affine_map<(d0, d1) -> (0, 0)>
#map1 = affine_map<(d0, d1) -> (0)>
module attributes {stable_mosaic.version = 14 : i64} {
  func.func @gather_kernel(%arg0: i32, %arg1: i32, %arg2: memref<32x1000000xf32, #tpu.memory_space<hbm>>, %arg3: memref<32x1000000xf32, #tpu.memory_space<hbm>>, %arg4: memref<4096xi32, #tpu.memory_space<hbm>>, %arg5: memref<4096xi32, #tpu.memory_space<hbm>>, %arg6: memref<4096x32xf32, #tpu.memory_space<hbm>>, %arg7: memref<4096x32xf32, #tpu.memory_space<hbm>>, %arg8: memref<128xi32, #tpu.memory_space<vmem>>, %arg9: memref<128x32xf32, #tpu.memory_space<vmem>>, %arg10: memref<16x32x128xf32, #tpu.memory_space<vmem>>, %arg11: memref<!tpu.dma_semaphore, #tpu.memory_space<semaphore_mem>>, %arg12: memref<!tpu.dma_semaphore, #tpu.memory_space<semaphore_mem>>, %arg13: memref<128xi32, #tpu.memory_space<vmem>>, %arg14: memref<128x32xf32, #tpu.memory_space<vmem>>) attributes {dimension_semantics = [#tpu.dimension_semantics<core_parallel>, #tpu.dimension_semantics<subcore_parallel>], iteration_bounds = array<i64: 2, 16>, scalar_prefetch = 0 : i64, scratch_operands = 7 : i64, tpu.core_type = #tpu.core_type<sc_vector_subcore>, window_params = [{transform_indices = #map}, {transform_indices = #map}, {transform_indices = #map1}, {transform_indices = #map1}, {transform_indices = #map}, {transform_indices = #map}]} {
    %mul3A = arith.constant 2 : i32
    %mul3A_0 = arith.muli %arg1, %mul3A : i32
    %add3A = arith.addi %mul3A_0, %arg0 : i32
    %iota3A = tpu.iota {dimensions = array<i32: 0>} : vector<16xi32>
    %iota3A_1 = tpu.iota {dimensions = array<i32: 0>} : vector<16xi32>
    %add3A_2 = arith.constant 16 : i32
    %add3A_3 = vector.broadcast %add3A_2 : i32 to vector<16xi32>
    %add3A_4 = arith.addi %iota3A_1, %add3A_3 : vector<16xi32>
    %mul3A_5 = arith.constant 128 : i32
    %mul3A_6 = arith.muli %add3A, %mul3A_5 : i32
    "tpu.region"() ({
      %run_scoped3A = tpu.sem_alloc : memref<!tpu.dma_semaphore, #tpu.memory_space<semaphore_mem>>
      %dma_start3A = tpu.memref_slice %arg4[%mul3A_6] : memref<4096xi32, #tpu.memory_space<hbm>> -> memref<128xi32, #tpu.memory_space<hbm>>
      %dma_start3A_21 = tpu.memref_slice %arg4[%mul3A_6] : memref<4096xi32, #tpu.memory_space<hbm>> -> memref<128xi32, #tpu.memory_space<hbm>>
      tpu.enqueue_dma source(%dma_start3A_21 : memref<128xi32, #tpu.memory_space<hbm>>) target(%arg8 : memref<128xi32, #tpu.memory_space<vmem>>) target_semaphore(%run_scoped3A : memref<!tpu.dma_semaphore, #tpu.memory_space<semaphore_mem>>)
      %dma_wait3A = tpu.memref_slice %arg4[%mul3A_6] : memref<4096xi32, #tpu.memory_space<hbm>> -> memref<128xi32, #tpu.memory_space<hbm>>
      %dma_wait3A_22 = tpu.memref_slice %arg4[%mul3A_6] : memref<4096xi32, #tpu.memory_space<hbm>> -> memref<128xi32, #tpu.memory_space<hbm>>
      tpu.wait_dma2 semaphore(%run_scoped3A : memref<!tpu.dma_semaphore, #tpu.memory_space<semaphore_mem>>) src(%dma_wait3A_22 : memref<128xi32, #tpu.memory_space<hbm>>) dst(%arg8 : memref<128xi32, #tpu.memory_space<vmem>>)
      tpu.yield
    }) : () -> ()
    %mul3A_7 = arith.constant 128 : i32
    %mul3A_8 = arith.muli %add3A, %mul3A_7 : i32
    "tpu.region"() ({
      %run_scoped3A = tpu.sem_alloc : memref<!tpu.dma_semaphore, #tpu.memory_space<semaphore_mem>>
      %dma_start3A = tpu.memref_slice %arg5[%mul3A_8] : memref<4096xi32, #tpu.memory_space<hbm>> -> memref<128xi32, #tpu.memory_space<hbm>>
      %dma_start3A_21 = tpu.memref_slice %arg5[%mul3A_8] : memref<4096xi32, #tpu.memory_space<hbm>> -> memref<128xi32, #tpu.memory_space<hbm>>
      tpu.enqueue_dma source(%dma_start3A_21 : memref<128xi32, #tpu.memory_space<hbm>>) target(%arg13 : memref<128xi32, #tpu.memory_space<vmem>>) target_semaphore(%run_scoped3A : memref<!tpu.dma_semaphore, #tpu.memory_space<semaphore_mem>>)
      %dma_wait3A = tpu.memref_slice %arg5[%mul3A_8] : memref<4096xi32, #tpu.memory_space<hbm>> -> memref<128xi32, #tpu.memory_space<hbm>>
      %dma_wait3A_22 = tpu.memref_slice %arg5[%mul3A_8] : memref<4096xi32, #tpu.memory_space<hbm>> -> memref<128xi32, #tpu.memory_space<hbm>>
      tpu.wait_dma2 semaphore(%run_scoped3A : memref<!tpu.dma_semaphore, #tpu.memory_space<semaphore_mem>>) src(%dma_wait3A_22 : memref<128xi32, #tpu.memory_space<hbm>>) dst(%arg13 : memref<128xi32, #tpu.memory_space<vmem>>)
      tpu.yield
    }) : () -> ()
    %scan3A = arith.constant 0 : i32
    %scan3A_9 = arith.constant 8 : i32
    %scan3A_10 = arith.addi %scan3A, %scan3A_9 : i32
    %scan3A_11 = arith.constant 1 : i32
    scf.for %scan3A_21 = %scan3A to %scan3A_10 step %scan3A_11  : i32 {
      %mul3A_22 = arith.constant 1 : i32
      %mul3A_23 = arith.muli %scan3A_21, %mul3A_22 : i32
      %add3A_24 = arith.constant 0 : i32
      %add3A_25 = arith.addi %add3A_24, %mul3A_23 : i32
      %mul3A_26 = arith.constant 16 : i32
      %mul3A_27 = arith.muli %add3A_25, %mul3A_26 : i32
      %get3A = arith.index_cast %mul3A_27 : i32 to index
      %get3A_28 = tpu.vector_load %arg8[%get3A] {strides = array<i32>} : memref<128xi32, #tpu.memory_space<vmem>>, vector<16xi32>,
      %mul3A_29 = arith.constant 16 : i32
      %mul3A_30 = arith.muli %add3A_25, %mul3A_29 : i32
      %get3A_31 = arith.index_cast %mul3A_30 : i32 to index
      %get3A_32 = tpu.vector_load %arg13[%get3A_31] {strides = array<i32>} : memref<128xi32, #tpu.memory_space<vmem>>, vector<16xi32>,
      %eq3A = arith.constant 0 : i32
      %eq3A_33 = vector.broadcast %eq3A : i32 to vector<16xi32>
      %eq3A_34 = arith.cmpi eq, %iota3A, %eq3A_33 : vector<16xi32>
      %jit3A = arith.constant 0 : i32
      %broadcast_in_dim3A = vector.broadcast %jit3A : i32 to vector<16xi32>
      %select_n3A = arith.select %eq3A_34, %get3A_28, %broadcast_in_dim3A : vector<16xi1>, vector<16xi32>
      %reduce_max3A = arith.constant true
      %reduce_max3A_35 = vector.broadcast %reduce_max3A : i1 to vector<16xi1>
      %reduce_max3A_36 = arith.constant -2147483648 : i32
      %reduce_max3A_37 = vector.broadcast %reduce_max3A_36 : i32 to vector<16xi32>
      %reduce_max3A_38 = arith.xori %select_n3A, %reduce_max3A_37 : vector<16xi32>
      %reduce_max3A_39 = tpu.scan <max>, %reduce_max3A_38 masked %reduce_max3A_35 : vector<16xi32>, vector<16xi1> -> vector<16xi32>
      %reduce_max3A_40 = arith.xori %reduce_max3A_39, %reduce_max3A_37 : vector<16xi32>
      %reduce_max3A_41 = vector.extract %reduce_max3A_40[15] : i32 from vector<16xi32>
      %shift_right_arithmetic3A = arith.constant 7 : i32
      %shift_right_arithmetic3A_42 = arith.shrsi %reduce_max3A_41, %shift_right_arithmetic3A : i32
      %shift_left3A = arith.constant 7 : i32
      %shift_left3A_43 = arith.shli %shift_right_arithmetic3A_42, %shift_left3A : i32
      %multiple_of3A = tpu.assume_multiple %shift_left3A_43, 128 : i32
      %dma_start3A = arith.constant 0 : i32
      %dma_start3A_44 = arith.constant 0 : i32
      %dma_start3A_45 = arith.constant 0 : i32
      %dma_start3A_46 = tpu.memref_slice %arg10[%dma_start3A, %dma_start3A_44, %dma_start3A_45] : memref<16x32x128xf32, #tpu.memory_space<vmem>> -> memref<1x32x128xf32, #tpu.memory_space<vmem>>
      %dma_start3A_47 = tpu.memref_squeeze %dma_start3A_46 : memref<1x32x128xf32, #tpu.memory_space<vmem>> -> memref<32x128xf32, #tpu.memory_space<vmem>>
      %dma_start3A_48 = arith.constant 0 : i32
      %dma_start3A_49 = tpu.memref_slice %arg2[%dma_start3A_48, %multiple_of3A] : memref<32x1000000xf32, #tpu.memory_space<hbm>> -> memref<32x128xf32, #tpu.memory_space<hbm>>
      %dma_start3A_50 = arith.constant 0 : i32
      %dma_start3A_51 = arith.constant 0 : i32
      %dma_start3A_52 = tpu.memref_slice %arg10[%dma_start3A, %dma_start3A_50, %dma_start3A_51] : memref<16x32x128xf32, #tpu.memory_space<vmem>> -> memref<1x32x128xf32, #tpu.memory_space<vmem>>
      %dma_start3A_53 = tpu.memref_squeeze %dma_start3A_52 : memref<1x32x128xf32, #tpu.memory_space<vmem>> -> memref<32x128xf32, #tpu.memory_space<vmem>>
      %dma_start3A_54 = arith.constant 0 : i32
      %dma_start3A_55 = tpu.memref_slice %arg2[%dma_start3A_54, %multiple_of3A] : memref<32x1000000xf32, #tpu.memory_space<hbm>> -> memref<32x128xf32, #tpu.memory_space<hbm>>
      tpu.enqueue_dma source(%dma_start3A_55 : memref<32x128xf32, #tpu.memory_space<hbm>>) target(%dma_start3A_53 : memref<32x128xf32, #tpu.memory_space<vmem>>) target_semaphore(%arg11 : memref<!tpu.dma_semaphore, #tpu.memory_space<semaphore_mem>>)
      %eq3A_56 = arith.constant 1 : i32
      %eq3A_57 = vector.broadcast %eq3A_56 : i32 to vector<16xi32>
      %eq3A_58 = arith.cmpi eq, %iota3A, %eq3A_57 : vector<16xi32>
      %jit3A_59 = arith.constant 0 : i32
      %broadcast_in_dim3A_60 = vector.broadcast %jit3A_59 : i32 to vector<16xi32>
      %select_n3A_61 = arith.select %eq3A_58, %get3A_28, %broadcast_in_dim3A_60 : vector<16xi1>, vector<16xi32>
      %reduce_max3A_62 = arith.constant true
      %reduce_max3A_63 = vector.broadcast %reduce_max3A_62 : i1 to vector<16xi1>
      %reduce_max3A_64 = arith.constant -2147483648 : i32
      %reduce_max3A_65 = vector.broadcast %reduce_max3A_64 : i32 to vector<16xi32>
      %reduce_max3A_66 = arith.xori %select_n3A_61, %reduce_max3A_65 : vector<16xi32>
      %reduce_max3A_67 = tpu.scan <max>, %reduce_max3A_66 masked %reduce_max3A_63 : vector<16xi32>, vector<16xi1> -> vector<16xi32>
      %reduce_max3A_68 = arith.xori %reduce_max3A_67, %reduce_max3A_65 : vector<16xi32>
      %reduce_max3A_69 = vector.extract %reduce_max3A_68[15] : i32 from vector<16xi32>
      %shift_right_arithmetic3A_70 = arith.constant 7 : i32
      %shift_right_arithmetic3A_71 = arith.shrsi %reduce_max3A_69, %shift_right_arithmetic3A_70 : i32
      %shift_left3A_72 = arith.constant 7 : i32
      %shift_left3A_73 = arith.shli %shift_right_arithmetic3A_71, %shift_left3A_72 : i32
      %multiple_of3A_74 = tpu.assume_multiple %shift_left3A_73, 128 : i32
      %dma_start3A_75 = arith.constant 1 : i32
      %dma_start3A_76 = arith.constant 0 : i32
      %dma_start3A_77 = arith.constant 0 : i32
      %dma_start3A_78 = tpu.memref_slice %arg10[%dma_start3A_75, %dma_start3A_76, %dma_start3A_77] : memref<16x32x128xf32, #tpu.memory_space<vmem>> -> memref<1x32x128xf32, #tpu.memory_space<vmem>>
      %dma_start3A_79 = tpu.memref_squeeze %dma_start3A_78 : memref<1x32x128xf32, #tpu.memory_space<vmem>> -> memref<32x128xf32, #tpu.memory_space<vmem>>
      %dma_start3A_80 = arith.constant 0 : i32
      %dma_start3A_81 = tpu.memref_slice %arg2[%dma_start3A_80, %multiple_of3A_74] : memref<32x1000000xf32, #tpu.memory_space<hbm>> -> memref<32x128xf32, #tpu.memory_space<hbm>>
      %dma_start3A_82 = arith.constant 0 : i32
      %dma_start3A_83 = arith.constant 0 : i32
      %dma_start3A_84 = tpu.memref_slice %arg10[%dma_start3A_75, %dma_start3A_82, %dma_start3A_83] : memref<16x32x128xf32, #tpu.memory_space<vmem>> -> memref<1x32x128xf32, #tpu.memory_space<vmem>>
      %dma_start3A_85 = tpu.memref_squeeze %dma_start3A_84 : memref<1x32x128xf32, #tpu.memory_space<vmem>> -> memref<32x128xf32, #tpu.memory_space<vmem>>
      %dma_start3A_86 = arith.constant 0 : i32
      %dma_start3A_87 = tpu.memref_slice %arg2[%dma_start3A_86, %multiple_of3A_74] : memref<32x1000000xf32, #tpu.memory_space<hbm>> -> memref<32x128xf32, #tpu.memory_space<hbm>>
      tpu.enqueue_dma source(%dma_start3A_87 : memref<32x128xf32, #tpu.memory_space<hbm>>) target(%dma_start3A_85 : memref<32x128xf32, #tpu.memory_space<vmem>>) target_semaphore(%arg11 : memref<!tpu.dma_semaphore, #tpu.memory_space<semaphore_mem>>)
      %eq3A_88 = arith.constant 2 : i32
      %eq3A_89 = vector.broadcast %eq3A_88 : i32 to vector<16xi32>
      %eq3A_90 = arith.cmpi eq, %iota3A, %eq3A_89 : vector<16xi32>
      %jit3A_91 = arith.constant 0 : i32
      %broadcast_in_dim3A_92 = vector.broadcast %jit3A_91 : i32 to vector<16xi32>
      %select_n3A_93 = arith.select %eq3A_90, %get3A_28, %broadcast_in_dim3A_92 : vector<16xi1>, vector<16xi32>
      %reduce_max3A_94 = arith.constant true
      %reduce_max3A_95 = vector.broadcast %reduce_max3A_94 : i1 to vector<16xi1>
      %reduce_max3A_96 = arith.constant -2147483648 : i32
      %reduce_max3A_97 = vector.broadcast %reduce_max3A_96 : i32 to vector<16xi32>
      %reduce_max3A_98 = arith.xori %select_n3A_93, %reduce_max3A_97 : vector<16xi32>
      %reduce_max3A_99 = tpu.scan <max>, %reduce_max3A_98 masked %reduce_max3A_95 : vector<16xi32>, vector<16xi1> -> vector<16xi32>
      %reduce_max3A_100 = arith.xori %reduce_max3A_99, %reduce_max3A_97 : vector<16xi32>
      %reduce_max3A_101 = vector.extract %reduce_max3A_100[15] : i32 from vector<16xi32>
      %shift_right_arithmetic3A_102 = arith.constant 7 : i32
      %shift_right_arithmetic3A_103 = arith.shrsi %reduce_max3A_101, %shift_right_arithmetic3A_102 : i32
      %shift_left3A_104 = arith.constant 7 : i32
      %shift_left3A_105 = arith.shli %shift_right_arithmetic3A_103, %shift_left3A_104 : i32
      %multiple_of3A_106 = tpu.assume_multiple %shift_left3A_105, 128 : i32
      %dma_start3A_107 = arith.constant 2 : i32
      %dma_start3A_108 = arith.constant 0 : i32
      %dma_start3A_109 = arith.constant 0 : i32
      %dma_start3A_110 = tpu.memref_slice %arg10[%dma_start3A_107, %dma_start3A_108, %dma_start3A_109] : memref<16x32x128xf32, #tpu.memory_space<vmem>> -> memref<1x32x128xf32, #tpu.memory_space<vmem>>
      %dma_start3A_111 = tpu.memref_squeeze %dma_start3A_110 : memref<1x32x128xf32, #tpu.memory_space<vmem>> -> memref<32x128xf32, #tpu.memory_space<vmem>>
      %dma_start3A_112 = arith.constant 0 : i32
      %dma_start3A_113 = tpu.memref_slice %arg2[%dma_start3A_112, %multiple_of3A_106] : memref<32x1000000xf32, #tpu.memory_space<hbm>> -> memref<32x128xf32, #tpu.memory_space<hbm>>
      %dma_start3A_114 = arith.constant 0 : i32
      %dma_start3A_115 = arith.constant 0 : i32
      %dma_start3A_116 = tpu.memref_slice %arg10[%dma_start3A_107, %dma_start3A_114, %dma_start3A_115] : memref<16x32x128xf32, #tpu.memory_space<vmem>> -> memref<1x32x128xf32, #tpu.memory_space<vmem>>
      %dma_start3A_117 = tpu.memref_squeeze %dma_start3A_116 : memref<1x32x128xf32, #tpu.memory_space<vmem>> -> memref<32x128xf32, #tpu.memory_space<vmem>>
      %dma_start3A_118 = arith.constant 0 : i32
      %dma_start3A_119 = tpu.memref_slice %arg2[%dma_start3A_118, %multiple_of3A_106] : memref<32x1000000xf32, #tpu.memory_space<hbm>> -> memref<32x128xf32, #tpu.memory_space<hbm>>
      tpu.enqueue_dma source(%dma_start3A_119 : memref<32x128xf32, #tpu.memory_space<hbm>>) target(%dma_start3A_117 : memref<32x128xf32, #tpu.memory_space<vmem>>) target_semaphore(%arg11 : memref<!tpu.dma_semaphore, #tpu.memory_space<semaphore_mem>>)
      %eq3A_120 = arith.constant 3 : i32
      %eq3A_121 = vector.broadcast %eq3A_120 : i32 to vector<16xi32>
      %eq3A_122 = arith.cmpi eq, %iota3A, %eq3A_121 : vector<16xi32>
      %jit3A_123 = arith.constant 0 : i32
      %broadcast_in_dim3A_124 = vector.broadcast %jit3A_123 : i32 to vector<16xi32>
      %select_n3A_125 = arith.select %eq3A_122, %get3A_28, %broadcast_in_dim3A_124 : vector<16xi1>, vector<16xi32>
      %reduce_max3A_126 = arith.constant true
      %reduce_max3A_127 = vector.broadcast %reduce_max3A_126 : i1 to vector<16xi1>
      %reduce_max3A_128 = arith.constant -2147483648 : i32
      %reduce_max3A_129 = vector.broadcast %reduce_max3A_128 : i32 to vector<16xi32>
      %reduce_max3A_130 = arith.xori %select_n3A_125, %reduce_max3A_129 : vector<16xi32>
      %reduce_max3A_131 = tpu.scan <max>, %reduce_max3A_130 masked %reduce_max3A_127 : vector<16xi32>, vector<16xi1> -> vector<16xi32>
      %reduce_max3A_132 = arith.xori %reduce_max3A_131, %reduce_max3A_129 : vector<16xi32>
      %reduce_max3A_133 = vector.extract %reduce_max3A_132[15] : i32 from vector<16xi32>
      %shift_right_arithmetic3A_134 = arith.constant 7 : i32
      %shift_right_arithmetic3A_135 = arith.shrsi %reduce_max3A_133, %shift_right_arithmetic3A_134 : i32
      %shift_left3A_136 = arith.constant 7 : i32
      %shift_left3A_137 = arith.shli %shift_right_arithmetic3A_135, %shift_left3A_136 : i32
      %multiple_of3A_138 = tpu.assume_multiple %shift_left3A_137, 128 : i32
      %dma_start3A_139 = arith.constant 3 : i32
      %dma_start3A_140 = arith.constant 0 : i32
      %dma_start3A_141 = arith.constant 0 : i32
      %dma_start3A_142 = tpu.memref_slice %arg10[%dma_start3A_139, %dma_start3A_140, %dma_start3A_141] : memref<16x32x128xf32, #tpu.memory_space<vmem>> -> memref<1x32x128xf32, #tpu.memory_space<vmem>>
      %dma_start3A_143 = tpu.memref_squeeze %dma_start3A_142 : memref<1x32x128xf32, #tpu.memory_space<vmem>> -> memref<32x128xf32, #tpu.memory_space<vmem>>
      %dma_start3A_144 = arith.constant 0 : i32
      %dma_start3A_145 = tpu.memref_slice %arg2[%dma_start3A_144, %multiple_of3A_138] : memref<32x1000000xf32, #tpu.memory_space<hbm>> -> memref<32x128xf32, #tpu.memory_space<hbm>>
      %dma_start3A_146 = arith.constant 0 : i32
      %dma_start3A_147 = arith.constant 0 : i32
      %dma_start3A_148 = tpu.memref_slice %arg10[%dma_start3A_139, %dma_start3A_146, %dma_start3A_147] : memref<16x32x128xf32, #tpu.memory_space<vmem>> -> memref<1x32x128xf32, #tpu.memory_space<vmem>>
      %dma_start3A_149 = tpu.memref_squeeze %dma_start3A_148 : memref<1x32x128xf32, #tpu.memory_space<vmem>> -> memref<32x128xf32, #tpu.memory_space<vmem>>
      %dma_start3A_150 = arith.constant 0 : i32
      %dma_start3A_151 = tpu.memref_slice %arg2[%dma_start3A_150, %multiple_of3A_138] : memref<32x1000000xf32, #tpu.memory_space<hbm>> -> memref<32x128xf32, #tpu.memory_space<hbm>>
      tpu.enqueue_dma source(%dma_start3A_151 : memref<32x128xf32, #tpu.memory_space<hbm>>) target(%dma_start3A_149 : memref<32x128xf32, #tpu.memory_space<vmem>>) target_semaphore(%arg11 : memref<!tpu.dma_semaphore, #tpu.memory_space<semaphore_mem>>)
      %eq3A_152 = arith.constant 4 : i32
      %eq3A_153 = vector.broadcast %eq3A_152 : i32 to vector<16xi32>
      %eq3A_154 = arith.cmpi eq, %iota3A, %eq3A_153 : vector<16xi32>
      %jit3A_155 = arith.constant 0 : i32
      %broadcast_in_dim3A_156 = vector.broadcast %jit3A_155 : i32 to vector<16xi32>
      %select_n3A_157 = arith.select %eq3A_154, %get3A_28, %broadcast_in_dim3A_156 : vector<16xi1>, vector<16xi32>
      %reduce_max3A_158 = arith.constant true
      %reduce_max3A_159 = vector.broadcast %reduce_max3A_158 : i1 to vector<16xi1>
      %reduce_max3A_160 = arith.constant -2147483648 : i32
      %reduce_max3A_161 = vector.broadcast %reduce_max3A_160 : i32 to vector<16xi32>
      %reduce_max3A_162 = arith.xori %select_n3A_157, %reduce_max3A_161 : vector<16xi32>
      %reduce_max3A_163 = tpu.scan <max>, %reduce_max3A_162 masked %reduce_max3A_159 : vector<16xi32>, vector<16xi1> -> vector<16xi32>
      %reduce_max3A_164 = arith.xori %reduce_max3A_163, %reduce_max3A_161 : vector<16xi32>
      %reduce_max3A_165 = vector.extract %reduce_max3A_164[15] : i32 from vector<16xi32>
      %shift_right_arithmetic3A_166 = arith.constant 7 : i32
      %shift_right_arithmetic3A_167 = arith.shrsi %reduce_max3A_165, %shift_right_arithmetic3A_166 : i32
      %shift_left3A_168 = arith.constant 7 : i32
      %shift_left3A_169 = arith.shli %shift_right_arithmetic3A_167, %shift_left3A_168 : i32
      %multiple_of3A_170 = tpu.assume_multiple %shift_left3A_169, 128 : i32
      %dma_start3A_171 = arith.constant 4 : i32
      %dma_start3A_172 = arith.constant 0 : i32
      %dma_start3A_173 = arith.constant 0 : i32
      %dma_start3A_174 = tpu.memref_slice %arg10[%dma_start3A_171, %dma_start3A_172, %dma_start3A_173] : memref<16x32x128xf32, #tpu.memory_space<vmem>> -> memref<1x32x128xf32, #tpu.memory_space<vmem>>
      %dma_start3A_175 = tpu.memref_squeeze %dma_start3A_174 : memref<1x32x128xf32, #tpu.memory_space<vmem>> -> memref<32x128xf32, #tpu.memory_space<vmem>>
      %dma_start3A_176 = arith.constant 0 : i32
      %dma_start3A_177 = tpu.memref_slice %arg2[%dma_start3A_176, %multiple_of3A_170] : memref<32x1000000xf32, #tpu.memory_space<hbm>> -> memref<32x128xf32, #tpu.memory_space<hbm>>
      %dma_start3A_178 = arith.constant 0 : i32
      %dma_start3A_179 = arith.constant 0 : i32
      %dma_start3A_180 = tpu.memref_slice %arg10[%dma_start3A_171, %dma_start3A_178, %dma_start3A_179] : memref<16x32x128xf32, #tpu.memory_space<vmem>> -> memref<1x32x128xf32, #tpu.memory_space<vmem>>
      %dma_start3A_181 = tpu.memref_squeeze %dma_start3A_180 : memref<1x32x128xf32, #tpu.memory_space<vmem>> -> memref<32x128xf32, #tpu.memory_space<vmem>>
      %dma_start3A_182 = arith.constant 0 : i32
      %dma_start3A_183 = tpu.memref_slice %arg2[%dma_start3A_182, %multiple_of3A_170] : memref<32x1000000xf32, #tpu.memory_space<hbm>> -> memref<32x128xf32, #tpu.memory_space<hbm>>
      tpu.enqueue_dma source(%dma_start3A_183 : memref<32x128xf32, #tpu.memory_space<hbm>>) target(%dma_start3A_181 : memref<32x128xf32, #tpu.memory_space<vmem>>) target_semaphore(%arg11 : memref<!tpu.dma_semaphore, #tpu.memory_space<semaphore_mem>>)
      %eq3A_184 = arith.constant 5 : i32
      %eq3A_185 = vector.broadcast %eq3A_184 : i32 to vector<16xi32>
      %eq3A_186 = arith.cmpi eq, %iota3A, %eq3A_185 : vector<16xi32>
      %jit3A_187 = arith.constant 0 : i32
      %broadcast_in_dim3A_188 = vector.broadcast %jit3A_187 : i32 to vector<16xi32>
      %select_n3A_189 = arith.select %eq3A_186, %get3A_28, %broadcast_in_dim3A_188 : vector<16xi1>, vector<16xi32>
      %reduce_max3A_190 = arith.constant true
      %reduce_max3A_191 = vector.broadcast %reduce_max3A_190 : i1 to vector<16xi1>
      %reduce_max3A_192 = arith.constant -2147483648 : i32
      %reduce_max3A_193 = vector.broadcast %reduce_max3A_192 : i32 to vector<16xi32>
      %reduce_max3A_194 = arith.xori %select_n3A_189, %reduce_max3A_193 : vector<16xi32>
      %reduce_max3A_195 = tpu.scan <max>, %reduce_max3A_194 masked %reduce_max3A_191 : vector<16xi32>, vector<16xi1> -> vector<16xi32>
      %reduce_max3A_196 = arith.xori %reduce_max3A_195, %reduce_max3A_193 : vector<16xi32>
      %reduce_max3A_197 = vector.extract %reduce_max3A_196[15] : i32 from vector<16xi32>
      %shift_right_arithmetic3A_198 = arith.constant 7 : i32
      %shift_right_arithmetic3A_199 = arith.shrsi %reduce_max3A_197, %shift_right_arithmetic3A_198 : i32
      %shift_left3A_200 = arith.constant 7 : i32
      %shift_left3A_201 = arith.shli %shift_right_arithmetic3A_199, %shift_left3A_200 : i32
      %multiple_of3A_202 = tpu.assume_multiple %shift_left3A_201, 128 : i32
      %dma_start3A_203 = arith.constant 5 : i32
      %dma_start3A_204 = arith.constant 0 : i32
      %dma_start3A_205 = arith.constant 0 : i32
      %dma_start3A_206 = tpu.memref_slice %arg10[%dma_start3A_203, %dma_start3A_204, %dma_start3A_205] : memref<16x32x128xf32, #tpu.memory_space<vmem>> -> memref<1x32x128xf32, #tpu.memory_space<vmem>>
      %dma_start3A_207 = tpu.memref_squeeze %dma_start3A_206 : memref<1x32x128xf32, #tpu.memory_space<vmem>> -> memref<32x128xf32, #tpu.memory_space<vmem>>
      %dma_start3A_208 = arith.constant 0 : i32
      %dma_start3A_209 = tpu.memref_slice %arg2[%dma_start3A_208, %multiple_of3A_202] : memref<32x1000000xf32, #tpu.memory_space<hbm>> -> memref<32x128xf32, #tpu.memory_space<hbm>>
      %dma_start3A_210 = arith.constant 0 : i32
      %dma_start3A_211 = arith.constant 0 : i32
      %dma_start3A_212 = tpu.memref_slice %arg10[%dma_start3A_203, %dma_start3A_210, %dma_start3A_211] : memref<16x32x128xf32, #tpu.memory_space<vmem>> -> memref<1x32x128xf32, #tpu.memory_space<vmem>>
      %dma_start3A_213 = tpu.memref_squeeze %dma_start3A_212 : memref<1x32x128xf32, #tpu.memory_space<vmem>> -> memref<32x128xf32, #tpu.memory_space<vmem>>
      %dma_start3A_214 = arith.constant 0 : i32
      %dma_start3A_215 = tpu.memref_slice %arg2[%dma_start3A_214, %multiple_of3A_202] : memref<32x1000000xf32, #tpu.memory_space<hbm>> -> memref<32x128xf32, #tpu.memory_space<hbm>>
      tpu.enqueue_dma source(%dma_start3A_215 : memref<32x128xf32, #tpu.memory_space<hbm>>) target(%dma_start3A_213 : memref<32x128xf32, #tpu.memory_space<vmem>>) target_semaphore(%arg11 : memref<!tpu.dma_semaphore, #tpu.memory_space<semaphore_mem>>)
      %eq3A_216 = arith.constant 6 : i32
      %eq3A_217 = vector.broadcast %eq3A_216 : i32 to vector<16xi32>
      %eq3A_218 = arith.cmpi eq, %iota3A, %eq3A_217 : vector<16xi32>
      %jit3A_219 = arith.constant 0 : i32
      %broadcast_in_dim3A_220 = vector.broadcast %jit3A_219 : i32 to vector<16xi32>
      %select_n3A_221 = arith.select %eq3A_218, %get3A_28, %broadcast_in_dim3A_220 : vector<16xi1>, vector<16xi32>
      %reduce_max3A_222 = arith.constant true
      %reduce_max3A_223 = vector.broadcast %reduce_max3A_222 : i1 to vector<16xi1>
      %reduce_max3A_224 = arith.constant -2147483648 : i32
      %reduce_max3A_225 = vector.broadcast %reduce_max3A_224 : i32 to vector<16xi32>
      %reduce_max3A_226 = arith.xori %select_n3A_221, %reduce_max3A_225 : vector<16xi32>
      %reduce_max3A_227 = tpu.scan <max>, %reduce_max3A_226 masked %reduce_max3A_223 : vector<16xi32>, vector<16xi1> -> vector<16xi32>
      %reduce_max3A_228 = arith.xori %reduce_max3A_227, %reduce_max3A_225 : vector<16xi32>
      %reduce_max3A_229 = vector.extract %reduce_max3A_228[15] : i32 from vector<16xi32>
      %shift_right_arithmetic3A_230 = arith.constant 7 : i32
      %shift_right_arithmetic3A_231 = arith.shrsi %reduce_max3A_229, %shift_right_arithmetic3A_230 : i32
      %shift_left3A_232 = arith.constant 7 : i32
      %shift_left3A_233 = arith.shli %shift_right_arithmetic3A_231, %shift_left3A_232 : i32
      %multiple_of3A_234 = tpu.assume_multiple %shift_left3A_233, 128 : i32
      %dma_start3A_235 = arith.constant 6 : i32
      %dma_start3A_236 = arith.constant 0 : i32
      %dma_start3A_237 = arith.constant 0 : i32
      %dma_start3A_238 = tpu.memref_slice %arg10[%dma_start3A_235, %dma_start3A_236, %dma_start3A_237] : memref<16x32x128xf32, #tpu.memory_space<vmem>> -> memref<1x32x128xf32, #tpu.memory_space<vmem>>
      %dma_start3A_239 = tpu.memref_squeeze %dma_start3A_238 : memref<1x32x128xf32, #tpu.memory_space<vmem>> -> memref<32x128xf32, #tpu.memory_space<vmem>>
      %dma_start3A_240 = arith.constant 0 : i32
      %dma_start3A_241 = tpu.memref_slice %arg2[%dma_start3A_240, %multiple_of3A_234] : memref<32x1000000xf32, #tpu.memory_space<hbm>> -> memref<32x128xf32, #tpu.memory_space<hbm>>
      %dma_start3A_242 = arith.constant 0 : i32
      %dma_start3A_243 = arith.constant 0 : i32
      %dma_start3A_244 = tpu.memref_slice %arg10[%dma_start3A_235, %dma_start3A_242, %dma_start3A_243] : memref<16x32x128xf32, #tpu.memory_space<vmem>> -> memref<1x32x128xf32, #tpu.memory_space<vmem>>
      %dma_start3A_245 = tpu.memref_squeeze %dma_start3A_244 : memref<1x32x128xf32, #tpu.memory_space<vmem>> -> memref<32x128xf32, #tpu.memory_space<vmem>>
      %dma_start3A_246 = arith.constant 0 : i32
      %dma_start3A_247 = tpu.memref_slice %arg2[%dma_start3A_246, %multiple_of3A_234] : memref<32x1000000xf32, #tpu.memory_space<hbm>> -> memref<32x128xf32, #tpu.memory_space<hbm>>
      tpu.enqueue_dma source(%dma_start3A_247 : memref<32x128xf32, #tpu.memory_space<hbm>>) target(%dma_start3A_245 : memref<32x128xf32, #tpu.memory_space<vmem>>) target_semaphore(%arg11 : memref<!tpu.dma_semaphore, #tpu.memory_space<semaphore_mem>>)
      %eq3A_248 = arith.constant 7 : i32
      %eq3A_249 = vector.broadcast %eq3A_248 : i32 to vector<16xi32>
      %eq3A_250 = arith.cmpi eq, %iota3A, %eq3A_249 : vector<16xi32>
      %jit3A_251 = arith.constant 0 : i32
      %broadcast_in_dim3A_252 = vector.broadcast %jit3A_251 : i32 to vector<16xi32>
      %select_n3A_253 = arith.select %eq3A_250, %get3A_28, %broadcast_in_dim3A_252 : vector<16xi1>, vector<16xi32>
      %reduce_max3A_254 = arith.constant true
      %reduce_max3A_255 = vector.broadcast %reduce_max3A_254 : i1 to vector<16xi1>
      %reduce_max3A_256 = arith.constant -2147483648 : i32
      %reduce_max3A_257 = vector.broadcast %reduce_max3A_256 : i32 to vector<16xi32>
      %reduce_max3A_258 = arith.xori %select_n3A_253, %reduce_max3A_257 : vector<16xi32>
      %reduce_max3A_259 = tpu.scan <max>, %reduce_max3A_258 masked %reduce_max3A_255 : vector<16xi32>, vector<16xi1> -> vector<16xi32>
      %reduce_max3A_260 = arith.xori %reduce_max3A_259, %reduce_max3A_257 : vector<16xi32>
      %reduce_max3A_261 = vector.extract %reduce_max3A_260[15] : i32 from vector<16xi32>
      %shift_right_arithmetic3A_262 = arith.constant 7 : i32
      %shift_right_arithmetic3A_263 = arith.shrsi %reduce_max3A_261, %shift_right_arithmetic3A_262 : i32
      %shift_left3A_264 = arith.constant 7 : i32
      %shift_left3A_265 = arith.shli %shift_right_arithmetic3A_263, %shift_left3A_264 : i32
      %multiple_of3A_266 = tpu.assume_multiple %shift_left3A_265, 128 : i32
      %dma_start3A_267 = arith.constant 7 : i32
      %dma_start3A_268 = arith.constant 0 : i32
      %dma_start3A_269 = arith.constant 0 : i32
      %dma_start3A_270 = tpu.memref_slice %arg10[%dma_start3A_267, %dma_start3A_268, %dma_start3A_269] : memref<16x32x128xf32, #tpu.memory_space<vmem>> -> memref<1x32x128xf32, #tpu.memory_space<vmem>>
      %dma_start3A_271 = tpu.memref_squeeze %dma_start3A_270 : memref<1x32x128xf32, #tpu.memory_space<vmem>> -> memref<32x128xf32, #tpu.memory_space<vmem>>
      %dma_start3A_272 = arith.constant 0 : i32
      %dma_start3A_273 = tpu.memref_slice %arg2[%dma_start3A_272, %multiple_of3A_266] : memref<32x1000000xf32, #tpu.memory_space<hbm>> -> memref<32x128xf32, #tpu.memory_space<hbm>>
      %dma_start3A_274 = arith.constant 0 : i32
      %dma_start3A_275 = arith.constant 0 : i32
      %dma_start3A_276 = tpu.memref_slice %arg10[%dma_start3A_267, %dma_start3A_274, %dma_start3A_275] : memref<16x32x128xf32, #tpu.memory_space<vmem>> -> memref<1x32x128xf32, #tpu.memory_space<vmem>>
      %dma_start3A_277 = tpu.memref_squeeze %dma_start3A_276 : memref<1x32x128xf32, #tpu.memory_space<vmem>> -> memref<32x128xf32, #tpu.memory_space<vmem>>
      %dma_start3A_278 = arith.constant 0 : i32
      %dma_start3A_279 = tpu.memref_slice %arg2[%dma_start3A_278, %multiple_of3A_266] : memref<32x1000000xf32, #tpu.memory_space<hbm>> -> memref<32x128xf32, #tpu.memory_space<hbm>>
      tpu.enqueue_dma source(%dma_start3A_279 : memref<32x128xf32, #tpu.memory_space<hbm>>) target(%dma_start3A_277 : memref<32x128xf32, #tpu.memory_space<vmem>>) target_semaphore(%arg11 : memref<!tpu.dma_semaphore, #tpu.memory_space<semaphore_mem>>)
      %eq3A_280 = arith.constant 0 : i32
      %eq3A_281 = vector.broadcast %eq3A_280 : i32 to vector<16xi32>
      %eq3A_282 = arith.cmpi eq, %iota3A, %eq3A_281 : vector<16xi32>
      %jit3A_283 = arith.constant 0 : i32
      %broadcast_in_dim3A_284 = vector.broadcast %jit3A_283 : i32 to vector<16xi32>
      %select_n3A_285 = arith.select %eq3A_282, %get3A_32, %broadcast_in_dim3A_284 : vector<16xi1>, vector<16xi32>
      %reduce_max3A_286 = arith.constant true
      %reduce_max3A_287 = vector.broadcast %reduce_max3A_286 : i1 to vector<16xi1>
      %reduce_max3A_288 = arith.constant -2147483648 : i32
      %reduce_max3A_289 = vector.broadcast %reduce_max3A_288 : i32 to vector<16xi32>
      %reduce_max3A_290 = arith.xori %select_n3A_285, %reduce_max3A_289 : vector<16xi32>
      %reduce_max3A_291 = tpu.scan <max>, %reduce_max3A_290 masked %reduce_max3A_287 : vector<16xi32>, vector<16xi1> -> vector<16xi32>
      %reduce_max3A_292 = arith.xori %reduce_max3A_291, %reduce_max3A_289 : vector<16xi32>
      %reduce_max3A_293 = vector.extract %reduce_max3A_292[15] : i32 from vector<16xi32>
      %shift_right_arithmetic3A_294 = arith.constant 7 : i32
      %shift_right_arithmetic3A_295 = arith.shrsi %reduce_max3A_293, %shift_right_arithmetic3A_294 : i32
      %shift_left3A_296 = arith.constant 7 : i32
      %shift_left3A_297 = arith.shli %shift_right_arithmetic3A_295, %shift_left3A_296 : i32
      %multiple_of3A_298 = tpu.assume_multiple %shift_left3A_297, 128 : i32
      %dma_start3A_299 = arith.constant 8 : i32
      %dma_start3A_300 = arith.constant 0 : i32
      %dma_start3A_301 = arith.constant 0 : i32
      %dma_start3A_302 = tpu.memref_slice %arg10[%dma_start3A_299, %dma_start3A_300, %dma_start3A_301] : memref<16x32x128xf32, #tpu.memory_space<vmem>> -> memref<1x32x128xf32, #tpu.memory_space<vmem>>
      %dma_start3A_303 = tpu.memref_squeeze %dma_start3A_302 : memref<1x32x128xf32, #tpu.memory_space<vmem>> -> memref<32x128xf32, #tpu.memory_space<vmem>>
      %dma_start3A_304 = arith.constant 0 : i32
      %dma_start3A_305 = tpu.memref_slice %arg3[%dma_start3A_304, %multiple_of3A_298] : memref<32x1000000xf32, #tpu.memory_space<hbm>> -> memref<32x128xf32, #tpu.memory_space<hbm>>
      %dma_start3A_306 = arith.constant 0 : i32
      %dma_start3A_307 = arith.constant 0 : i32
      %dma_start3A_308 = tpu.memref_slice %arg10[%dma_start3A_299, %dma_start3A_306, %dma_start3A_307] : memref<16x32x128xf32, #tpu.memory_space<vmem>> -> memref<1x32x128xf32, #tpu.memory_space<vmem>>
      %dma_start3A_309 = tpu.memref_squeeze %dma_start3A_308 : memref<1x32x128xf32, #tpu.memory_space<vmem>> -> memref<32x128xf32, #tpu.memory_space<vmem>>
      %dma_start3A_310 = arith.constant 0 : i32
      %dma_start3A_311 = tpu.memref_slice %arg3[%dma_start3A_310, %multiple_of3A_298] : memref<32x1000000xf32, #tpu.memory_space<hbm>> -> memref<32x128xf32, #tpu.memory_space<hbm>>
      tpu.enqueue_dma source(%dma_start3A_311 : memref<32x128xf32, #tpu.memory_space<hbm>>) target(%dma_start3A_309 : memref<32x128xf32, #tpu.memory_space<vmem>>) target_semaphore(%arg12 : memref<!tpu.dma_semaphore, #tpu.memory_space<semaphore_mem>>)
      %eq3A_312 = arith.constant 1 : i32
      %eq3A_313 = vector.broadcast %eq3A_312 : i32 to vector<16xi32>
      %eq3A_314 = arith.cmpi eq, %iota3A, %eq3A_313 : vector<16xi32>
      %jit3A_315 = arith.constant 0 : i32
      %broadcast_in_dim3A_316 = vector.broadcast %jit3A_315 : i32 to vector<16xi32>
      %select_n3A_317 = arith.select %eq3A_314, %get3A_32, %broadcast_in_dim3A_316 : vector<16xi1>, vector<16xi32>
      %reduce_max3A_318 = arith.constant true
      %reduce_max3A_319 = vector.broadcast %reduce_max3A_318 : i1 to vector<16xi1>
      %reduce_max3A_320 = arith.constant -2147483648 : i32
      %reduce_max3A_321 = vector.broadcast %reduce_max3A_320 : i32 to vector<16xi32>
      %reduce_max3A_322 = arith.xori %select_n3A_317, %reduce_max3A_321 : vector<16xi32>
      %reduce_max3A_323 = tpu.scan <max>, %reduce_max3A_322 masked %reduce_max3A_319 : vector<16xi32>, vector<16xi1> -> vector<16xi32>
      %reduce_max3A_324 = arith.xori %reduce_max3A_323, %reduce_max3A_321 : vector<16xi32>
      %reduce_max3A_325 = vector.extract %reduce_max3A_324[15] : i32 from vector<16xi32>
      %shift_right_arithmetic3A_326 = arith.constant 7 : i32
      %shift_right_arithmetic3A_327 = arith.shrsi %reduce_max3A_325, %shift_right_arithmetic3A_326 : i32
      %shift_left3A_328 = arith.constant 7 : i32
      %shift_left3A_329 = arith.shli %shift_right_arithmetic3A_327, %shift_left3A_328 : i32
      %multiple_of3A_330 = tpu.assume_multiple %shift_left3A_329, 128 : i32
      %dma_start3A_331 = arith.constant 9 : i32
      %dma_start3A_332 = arith.constant 0 : i32
      %dma_start3A_333 = arith.constant 0 : i32
      %dma_start3A_334 = tpu.memref_slice %arg10[%dma_start3A_331, %dma_start3A_332, %dma_start3A_333] : memref<16x32x128xf32, #tpu.memory_space<vmem>> -> memref<1x32x128xf32, #tpu.memory_space<vmem>>
      %dma_start3A_335 = tpu.memref_squeeze %dma_start3A_334 : memref<1x32x128xf32, #tpu.memory_space<vmem>> -> memref<32x128xf32, #tpu.memory_space<vmem>>
      %dma_start3A_336 = arith.constant 0 : i32
      %dma_start3A_337 = tpu.memref_slice %arg3[%dma_start3A_336, %multiple_of3A_330] : memref<32x1000000xf32, #tpu.memory_space<hbm>> -> memref<32x128xf32, #tpu.memory_space<hbm>>
      %dma_start3A_338 = arith.constant 0 : i32
      %dma_start3A_339 = arith.constant 0 : i32
      %dma_start3A_340 = tpu.memref_slice %arg10[%dma_start3A_331, %dma_start3A_338, %dma_start3A_339] : memref<16x32x128xf32, #tpu.memory_space<vmem>> -> memref<1x32x128xf32, #tpu.memory_space<vmem>>
      %dma_start3A_341 = tpu.memref_squeeze %dma_start3A_340 : memref<1x32x128xf32, #tpu.memory_space<vmem>> -> memref<32x128xf32, #tpu.memory_space<vmem>>
      %dma_start3A_342 = arith.constant 0 : i32
      %dma_start3A_343 = tpu.memref_slice %arg3[%dma_start3A_342, %multiple_of3A_330] : memref<32x1000000xf32, #tpu.memory_space<hbm>> -> memref<32x128xf32, #tpu.memory_space<hbm>>
      tpu.enqueue_dma source(%dma_start3A_343 : memref<32x128xf32, #tpu.memory_space<hbm>>) target(%dma_start3A_341 : memref<32x128xf32, #tpu.memory_space<vmem>>) target_semaphore(%arg12 : memref<!tpu.dma_semaphore, #tpu.memory_space<semaphore_mem>>)
      %eq3A_344 = arith.constant 2 : i32
      %eq3A_345 = vector.broadcast %eq3A_344 : i32 to vector<16xi32>
      %eq3A_346 = arith.cmpi eq, %iota3A, %eq3A_345 : vector<16xi32>
      %jit3A_347 = arith.constant 0 : i32
      %broadcast_in_dim3A_348 = vector.broadcast %jit3A_347 : i32 to vector<16xi32>
      %select_n3A_349 = arith.select %eq3A_346, %get3A_32, %broadcast_in_dim3A_348 : vector<16xi1>, vector<16xi32>
      %reduce_max3A_350 = arith.constant true
      %reduce_max3A_351 = vector.broadcast %reduce_max3A_350 : i1 to vector<16xi1>
      %reduce_max3A_352 = arith.constant -2147483648 : i32
      %reduce_max3A_353 = vector.broadcast %reduce_max3A_352 : i32 to vector<16xi32>
      %reduce_max3A_354 = arith.xori %select_n3A_349, %reduce_max3A_353 : vector<16xi32>
      %reduce_max3A_355 = tpu.scan <max>, %reduce_max3A_354 masked %reduce_max3A_351 : vector<16xi32>, vector<16xi1> -> vector<16xi32>
      %reduce_max3A_356 = arith.xori %reduce_max3A_355, %reduce_max3A_353 : vector<16xi32>
      %reduce_max3A_357 = vector.extract %reduce_max3A_356[15] : i32 from vector<16xi32>
      %shift_right_arithmetic3A_358 = arith.constant 7 : i32
      %shift_right_arithmetic3A_359 = arith.shrsi %reduce_max3A_357, %shift_right_arithmetic3A_358 : i32
      %shift_left3A_360 = arith.constant 7 : i32
      %shift_left3A_361 = arith.shli %shift_right_arithmetic3A_359, %shift_left3A_360 : i32
      %multiple_of3A_362 = tpu.assume_multiple %shift_left3A_361, 128 : i32
      %dma_start3A_363 = arith.constant 10 : i32
      %dma_start3A_364 = arith.constant 0 : i32
      %dma_start3A_365 = arith.constant 0 : i32
      %dma_start3A_366 = tpu.memref_slice %arg10[%dma_start3A_363, %dma_start3A_364, %dma_start3A_365] : memref<16x32x128xf32, #tpu.memory_space<vmem>> -> memref<1x32x128xf32, #tpu.memory_space<vmem>>
      %dma_start3A_367 = tpu.memref_squeeze %dma_start3A_366 : memref<1x32x128xf32, #tpu.memory_space<vmem>> -> memref<32x128xf32, #tpu.memory_space<vmem>>
      %dma_start3A_368 = arith.constant 0 : i32
      %dma_start3A_369 = tpu.memref_slice %arg3[%dma_start3A_368, %multiple_of3A_362] : memref<32x1000000xf32, #tpu.memory_space<hbm>> -> memref<32x128xf32, #tpu.memory_space<hbm>>
      %dma_start3A_370 = arith.constant 0 : i32
      %dma_start3A_371 = arith.constant 0 : i32
      %dma_start3A_372 = tpu.memref_slice %arg10[%dma_start3A_363, %dma_start3A_370, %dma_start3A_371] : memref<16x32x128xf32, #tpu.memory_space<vmem>> -> memref<1x32x128xf32, #tpu.memory_space<vmem>>
      %dma_start3A_373 = tpu.memref_squeeze %dma_start3A_372 : memref<1x32x128xf32, #tpu.memory_space<vmem>> -> memref<32x128xf32, #tpu.memory_space<vmem>>
      %dma_start3A_374 = arith.constant 0 : i32
      %dma_start3A_375 = tpu.memref_slice %arg3[%dma_start3A_374, %multiple_of3A_362] : memref<32x1000000xf32, #tpu.memory_space<hbm>> -> memref<32x128xf32, #tpu.memory_space<hbm>>
      tpu.enqueue_dma source(%dma_start3A_375 : memref<32x128xf32, #tpu.memory_space<hbm>>) target(%dma_start3A_373 : memref<32x128xf32, #tpu.memory_space<vmem>>) target_semaphore(%arg12 : memref<!tpu.dma_semaphore, #tpu.memory_space<semaphore_mem>>)
      %eq3A_376 = arith.constant 3 : i32
      %eq3A_377 = vector.broadcast %eq3A_376 : i32 to vector<16xi32>
      %eq3A_378 = arith.cmpi eq, %iota3A, %eq3A_377 : vector<16xi32>
      %jit3A_379 = arith.constant 0 : i32
      %broadcast_in_dim3A_380 = vector.broadcast %jit3A_379 : i32 to vector<16xi32>
      %select_n3A_381 = arith.select %eq3A_378, %get3A_32, %broadcast_in_dim3A_380 : vector<16xi1>, vector<16xi32>
      %reduce_max3A_382 = arith.constant true
      %reduce_max3A_383 = vector.broadcast %reduce_max3A_382 : i1 to vector<16xi1>
      %reduce_max3A_384 = arith.constant -2147483648 : i32
      %reduce_max3A_385 = vector.broadcast %reduce_max3A_384 : i32 to vector<16xi32>
      %reduce_max3A_386 = arith.xori %select_n3A_381, %reduce_max3A_385 : vector<16xi32>
      %reduce_max3A_387 = tpu.scan <max>, %reduce_max3A_386 masked %reduce_max3A_383 : vector<16xi32>, vector<16xi1> -> vector<16xi32>
      %reduce_max3A_388 = arith.xori %reduce_max3A_387, %reduce_max3A_385 : vector<16xi32>
      %reduce_max3A_389 = vector.extract %reduce_max3A_388[15] : i32 from vector<16xi32>
      %shift_right_arithmetic3A_390 = arith.constant 7 : i32
      %shift_right_arithmetic3A_391 = arith.shrsi %reduce_max3A_389, %shift_right_arithmetic3A_390 : i32
      %shift_left3A_392 = arith.constant 7 : i32
      %shift_left3A_393 = arith.shli %shift_right_arithmetic3A_391, %shift_left3A_392 : i32
      %multiple_of3A_394 = tpu.assume_multiple %shift_left3A_393, 128 : i32
      %dma_start3A_395 = arith.constant 11 : i32
      %dma_start3A_396 = arith.constant 0 : i32
      %dma_start3A_397 = arith.constant 0 : i32
      %dma_start3A_398 = tpu.memref_slice %arg10[%dma_start3A_395, %dma_start3A_396, %dma_start3A_397] : memref<16x32x128xf32, #tpu.memory_space<vmem>> -> memref<1x32x128xf32, #tpu.memory_space<vmem>>
      %dma_start3A_399 = tpu.memref_squeeze %dma_start3A_398 : memref<1x32x128xf32, #tpu.memory_space<vmem>> -> memref<32x128xf32, #tpu.memory_space<vmem>>
      %dma_start3A_400 = arith.constant 0 : i32
      %dma_start3A_401 = tpu.memref_slice %arg3[%dma_start3A_400, %multiple_of3A_394] : memref<32x1000000xf32, #tpu.memory_space<hbm>> -> memref<32x128xf32, #tpu.memory_space<hbm>>
      %dma_start3A_402 = arith.constant 0 : i32
      %dma_start3A_403 = arith.constant 0 : i32
      %dma_start3A_404 = tpu.memref_slice %arg10[%dma_start3A_395, %dma_start3A_402, %dma_start3A_403] : memref<16x32x128xf32, #tpu.memory_space<vmem>> -> memref<1x32x128xf32, #tpu.memory_space<vmem>>
      %dma_start3A_405 = tpu.memref_squeeze %dma_start3A_404 : memref<1x32x128xf32, #tpu.memory_space<vmem>> -> memref<32x128xf32, #tpu.memory_space<vmem>>
      %dma_start3A_406 = arith.constant 0 : i32
      %dma_start3A_407 = tpu.memref_slice %arg3[%dma_start3A_406, %multiple_of3A_394] : memref<32x1000000xf32, #tpu.memory_space<hbm>> -> memref<32x128xf32, #tpu.memory_space<hbm>>
      tpu.enqueue_dma source(%dma_start3A_407 : memref<32x128xf32, #tpu.memory_space<hbm>>) target(%dma_start3A_405 : memref<32x128xf32, #tpu.memory_space<vmem>>) target_semaphore(%arg12 : memref<!tpu.dma_semaphore, #tpu.memory_space<semaphore_mem>>)
      %eq3A_408 = arith.constant 4 : i32
      %eq3A_409 = vector.broadcast %eq3A_408 : i32 to vector<16xi32>
      %eq3A_410 = arith.cmpi eq, %iota3A, %eq3A_409 : vector<16xi32>
      %jit3A_411 = arith.constant 0 : i32
      %broadcast_in_dim3A_412 = vector.broadcast %jit3A_411 : i32 to vector<16xi32>
      %select_n3A_413 = arith.select %eq3A_410, %get3A_32, %broadcast_in_dim3A_412 : vector<16xi1>, vector<16xi32>
      %reduce_max3A_414 = arith.constant true
      %reduce_max3A_415 = vector.broadcast %reduce_max3A_414 : i1 to vector<16xi1>
      %reduce_max3A_416 = arith.constant -2147483648 : i32
      %reduce_max3A_417 = vector.broadcast %reduce_max3A_416 : i32 to vector<16xi32>
      %reduce_max3A_418 = arith.xori %select_n3A_413, %reduce_max3A_417 : vector<16xi32>
      %reduce_max3A_419 = tpu.scan <max>, %reduce_max3A_418 masked %reduce_max3A_415 : vector<16xi32>, vector<16xi1> -> vector<16xi32>
      %reduce_max3A_420 = arith.xori %reduce_max3A_419, %reduce_max3A_417 : vector<16xi32>
      %reduce_max3A_421 = vector.extract %reduce_max3A_420[15] : i32 from vector<16xi32>
      %shift_right_arithmetic3A_422 = arith.constant 7 : i32
      %shift_right_arithmetic3A_423 = arith.shrsi %reduce_max3A_421, %shift_right_arithmetic3A_422 : i32
      %shift_left3A_424 = arith.constant 7 : i32
      %shift_left3A_425 = arith.shli %shift_right_arithmetic3A_423, %shift_left3A_424 : i32
      %multiple_of3A_426 = tpu.assume_multiple %shift_left3A_425, 128 : i32
      %dma_start3A_427 = arith.constant 12 : i32
      %dma_start3A_428 = arith.constant 0 : i32
      %dma_start3A_429 = arith.constant 0 : i32
      %dma_start3A_430 = tpu.memref_slice %arg10[%dma_start3A_427, %dma_start3A_428, %dma_start3A_429] : memref<16x32x128xf32, #tpu.memory_space<vmem>> -> memref<1x32x128xf32, #tpu.memory_space<vmem>>
      %dma_start3A_431 = tpu.memref_squeeze %dma_start3A_430 : memref<1x32x128xf32, #tpu.memory_space<vmem>> -> memref<32x128xf32, #tpu.memory_space<vmem>>
      %dma_start3A_432 = arith.constant 0 : i32
      %dma_start3A_433 = tpu.memref_slice %arg3[%dma_start3A_432, %multiple_of3A_426] : memref<32x1000000xf32, #tpu.memory_space<hbm>> -> memref<32x128xf32, #tpu.memory_space<hbm>>
      %dma_start3A_434 = arith.constant 0 : i32
      %dma_start3A_435 = arith.constant 0 : i32
      %dma_start3A_436 = tpu.memref_slice %arg10[%dma_start3A_427, %dma_start3A_434, %dma_start3A_435] : memref<16x32x128xf32, #tpu.memory_space<vmem>> -> memref<1x32x128xf32, #tpu.memory_space<vmem>>
      %dma_start3A_437 = tpu.memref_squeeze %dma_start3A_436 : memref<1x32x128xf32, #tpu.memory_space<vmem>> -> memref<32x128xf32, #tpu.memory_space<vmem>>
      %dma_start3A_438 = arith.constant 0 : i32
      %dma_start3A_439 = tpu.memref_slice %arg3[%dma_start3A_438, %multiple_of3A_426] : memref<32x1000000xf32, #tpu.memory_space<hbm>> -> memref<32x128xf32, #tpu.memory_space<hbm>>
      tpu.enqueue_dma source(%dma_start3A_439 : memref<32x128xf32, #tpu.memory_space<hbm>>) target(%dma_start3A_437 : memref<32x128xf32, #tpu.memory_space<vmem>>) target_semaphore(%arg12 : memref<!tpu.dma_semaphore, #tpu.memory_space<semaphore_mem>>)
      %eq3A_440 = arith.constant 5 : i32
      %eq3A_441 = vector.broadcast %eq3A_440 : i32 to vector<16xi32>
      %eq3A_442 = arith.cmpi eq, %iota3A, %eq3A_441 : vector<16xi32>
      %jit3A_443 = arith.constant 0 : i32
      %broadcast_in_dim3A_444 = vector.broadcast %jit3A_443 : i32 to vector<16xi32>
      %select_n3A_445 = arith.select %eq3A_442, %get3A_32, %broadcast_in_dim3A_444 : vector<16xi1>, vector<16xi32>
      %reduce_max3A_446 = arith.constant true
      %reduce_max3A_447 = vector.broadcast %reduce_max3A_446 : i1 to vector<16xi1>
      %reduce_max3A_448 = arith.constant -2147483648 : i32
      %reduce_max3A_449 = vector.broadcast %reduce_max3A_448 : i32 to vector<16xi32>
      %reduce_max3A_450 = arith.xori %select_n3A_445, %reduce_max3A_449 : vector<16xi32>
      %reduce_max3A_451 = tpu.scan <max>, %reduce_max3A_450 masked %reduce_max3A_447 : vector<16xi32>, vector<16xi1> -> vector<16xi32>
      %reduce_max3A_452 = arith.xori %reduce_max3A_451, %reduce_max3A_449 : vector<16xi32>
      %reduce_max3A_453 = vector.extract %reduce_max3A_452[15] : i32 from vector<16xi32>
      %shift_right_arithmetic3A_454 = arith.constant 7 : i32
      %shift_right_arithmetic3A_455 = arith.shrsi %reduce_max3A_453, %shift_right_arithmetic3A_454 : i32
      %shift_left3A_456 = arith.constant 7 : i32
      %shift_left3A_457 = arith.shli %shift_right_arithmetic3A_455, %shift_left3A_456 : i32
      %multiple_of3A_458 = tpu.assume_multiple %shift_left3A_457, 128 : i32
      %dma_start3A_459 = arith.constant 13 : i32
      %dma_start3A_460 = arith.constant 0 : i32
      %dma_start3A_461 = arith.constant 0 : i32
      %dma_start3A_462 = tpu.memref_slice %arg10[%dma_start3A_459, %dma_start3A_460, %dma_start3A_461] : memref<16x32x128xf32, #tpu.memory_space<vmem>> -> memref<1x32x128xf32, #tpu.memory_space<vmem>>
      %dma_start3A_463 = tpu.memref_squeeze %dma_start3A_462 : memref<1x32x128xf32, #tpu.memory_space<vmem>> -> memref<32x128xf32, #tpu.memory_space<vmem>>
      %dma_start3A_464 = arith.constant 0 : i32
      %dma_start3A_465 = tpu.memref_slice %arg3[%dma_start3A_464, %multiple_of3A_458] : memref<32x1000000xf32, #tpu.memory_space<hbm>> -> memref<32x128xf32, #tpu.memory_space<hbm>>
      %dma_start3A_466 = arith.constant 0 : i32
      %dma_start3A_467 = arith.constant 0 : i32
      %dma_start3A_468 = tpu.memref_slice %arg10[%dma_start3A_459, %dma_start3A_466, %dma_start3A_467] : memref<16x32x128xf32, #tpu.memory_space<vmem>> -> memref<1x32x128xf32, #tpu.memory_space<vmem>>
      %dma_start3A_469 = tpu.memref_squeeze %dma_start3A_468 : memref<1x32x128xf32, #tpu.memory_space<vmem>> -> memref<32x128xf32, #tpu.memory_space<vmem>>
      %dma_start3A_470 = arith.constant 0 : i32
      %dma_start3A_471 = tpu.memref_slice %arg3[%dma_start3A_470, %multiple_of3A_458] : memref<32x1000000xf32, #tpu.memory_space<hbm>> -> memref<32x128xf32, #tpu.memory_space<hbm>>
      tpu.enqueue_dma source(%dma_start3A_471 : memref<32x128xf32, #tpu.memory_space<hbm>>) target(%dma_start3A_469 : memref<32x128xf32, #tpu.memory_space<vmem>>) target_semaphore(%arg12 : memref<!tpu.dma_semaphore, #tpu.memory_space<semaphore_mem>>)
      %eq3A_472 = arith.constant 6 : i32
      %eq3A_473 = vector.broadcast %eq3A_472 : i32 to vector<16xi32>
      %eq3A_474 = arith.cmpi eq, %iota3A, %eq3A_473 : vector<16xi32>
      %jit3A_475 = arith.constant 0 : i32
      %broadcast_in_dim3A_476 = vector.broadcast %jit3A_475 : i32 to vector<16xi32>
      %select_n3A_477 = arith.select %eq3A_474, %get3A_32, %broadcast_in_dim3A_476 : vector<16xi1>, vector<16xi32>
      %reduce_max3A_478 = arith.constant true
      %reduce_max3A_479 = vector.broadcast %reduce_max3A_478 : i1 to vector<16xi1>
      %reduce_max3A_480 = arith.constant -2147483648 : i32
      %reduce_max3A_481 = vector.broadcast %reduce_max3A_480 : i32 to vector<16xi32>
      %reduce_max3A_482 = arith.xori %select_n3A_477, %reduce_max3A_481 : vector<16xi32>
      %reduce_max3A_483 = tpu.scan <max>, %reduce_max3A_482 masked %reduce_max3A_479 : vector<16xi32>, vector<16xi1> -> vector<16xi32>
      %reduce_max3A_484 = arith.xori %reduce_max3A_483, %reduce_max3A_481 : vector<16xi32>
      %reduce_max3A_485 = vector.extract %reduce_max3A_484[15] : i32 from vector<16xi32>
      %shift_right_arithmetic3A_486 = arith.constant 7 : i32
      %shift_right_arithmetic3A_487 = arith.shrsi %reduce_max3A_485, %shift_right_arithmetic3A_486 : i32
      %shift_left3A_488 = arith.constant 7 : i32
      %shift_left3A_489 = arith.shli %shift_right_arithmetic3A_487, %shift_left3A_488 : i32
      %multiple_of3A_490 = tpu.assume_multiple %shift_left3A_489, 128 : i32
      %dma_start3A_491 = arith.constant 14 : i32
      %dma_start3A_492 = arith.constant 0 : i32
      %dma_start3A_493 = arith.constant 0 : i32
      %dma_start3A_494 = tpu.memref_slice %arg10[%dma_start3A_491, %dma_start3A_492, %dma_start3A_493] : memref<16x32x128xf32, #tpu.memory_space<vmem>> -> memref<1x32x128xf32, #tpu.memory_space<vmem>>
      %dma_start3A_495 = tpu.memref_squeeze %dma_start3A_494 : memref<1x32x128xf32, #tpu.memory_space<vmem>> -> memref<32x128xf32, #tpu.memory_space<vmem>>
      %dma_start3A_496 = arith.constant 0 : i32
      %dma_start3A_497 = tpu.memref_slice %arg3[%dma_start3A_496, %multiple_of3A_490] : memref<32x1000000xf32, #tpu.memory_space<hbm>> -> memref<32x128xf32, #tpu.memory_space<hbm>>
      %dma_start3A_498 = arith.constant 0 : i32
      %dma_start3A_499 = arith.constant 0 : i32
      %dma_start3A_500 = tpu.memref_slice %arg10[%dma_start3A_491, %dma_start3A_498, %dma_start3A_499] : memref<16x32x128xf32, #tpu.memory_space<vmem>> -> memref<1x32x128xf32, #tpu.memory_space<vmem>>
      %dma_start3A_501 = tpu.memref_squeeze %dma_start3A_500 : memref<1x32x128xf32, #tpu.memory_space<vmem>> -> memref<32x128xf32, #tpu.memory_space<vmem>>
      %dma_start3A_502 = arith.constant 0 : i32
      %dma_start3A_503 = tpu.memref_slice %arg3[%dma_start3A_502, %multiple_of3A_490] : memref<32x1000000xf32, #tpu.memory_space<hbm>> -> memref<32x128xf32, #tpu.memory_space<hbm>>
      tpu.enqueue_dma source(%dma_start3A_503 : memref<32x128xf32, #tpu.memory_space<hbm>>) target(%dma_start3A_501 : memref<32x128xf32, #tpu.memory_space<vmem>>) target_semaphore(%arg12 : memref<!tpu.dma_semaphore, #tpu.memory_space<semaphore_mem>>)
      %eq3A_504 = arith.constant 7 : i32
      %eq3A_505 = vector.broadcast %eq3A_504 : i32 to vector<16xi32>
      %eq3A_506 = arith.cmpi eq, %iota3A, %eq3A_505 : vector<16xi32>
      %jit3A_507 = arith.constant 0 : i32
      %broadcast_in_dim3A_508 = vector.broadcast %jit3A_507 : i32 to vector<16xi32>
      %select_n3A_509 = arith.select %eq3A_506, %get3A_32, %broadcast_in_dim3A_508 : vector<16xi1>, vector<16xi32>
      %reduce_max3A_510 = arith.constant true
      %reduce_max3A_511 = vector.broadcast %reduce_max3A_510 : i1 to vector<16xi1>
      %reduce_max3A_512 = arith.constant -2147483648 : i32
      %reduce_max3A_513 = vector.broadcast %reduce_max3A_512 : i32 to vector<16xi32>
      %reduce_max3A_514 = arith.xori %select_n3A_509, %reduce_max3A_513 : vector<16xi32>
      %reduce_max3A_515 = tpu.scan <max>, %reduce_max3A_514 masked %reduce_max3A_511 : vector<16xi32>, vector<16xi1> -> vector<16xi32>
      %reduce_max3A_516 = arith.xori %reduce_max3A_515, %reduce_max3A_513 : vector<16xi32>
      %reduce_max3A_517 = vector.extract %reduce_max3A_516[15] : i32 from vector<16xi32>
      %shift_right_arithmetic3A_518 = arith.constant 7 : i32
      %shift_right_arithmetic3A_519 = arith.shrsi %reduce_max3A_517, %shift_right_arithmetic3A_518 : i32
      %shift_left3A_520 = arith.constant 7 : i32
      %shift_left3A_521 = arith.shli %shift_right_arithmetic3A_519, %shift_left3A_520 : i32
      %multiple_of3A_522 = tpu.assume_multiple %shift_left3A_521, 128 : i32
      %dma_start3A_523 = arith.constant 15 : i32
      %dma_start3A_524 = arith.constant 0 : i32
      %dma_start3A_525 = arith.constant 0 : i32
      %dma_start3A_526 = tpu.memref_slice %arg10[%dma_start3A_523, %dma_start3A_524, %dma_start3A_525] : memref<16x32x128xf32, #tpu.memory_space<vmem>> -> memref<1x32x128xf32, #tpu.memory_space<vmem>>
      %dma_start3A_527 = tpu.memref_squeeze %dma_start3A_526 : memref<1x32x128xf32, #tpu.memory_space<vmem>> -> memref<32x128xf32, #tpu.memory_space<vmem>>
      %dma_start3A_528 = arith.constant 0 : i32
      %dma_start3A_529 = tpu.memref_slice %arg3[%dma_start3A_528, %multiple_of3A_522] : memref<32x1000000xf32, #tpu.memory_space<hbm>> -> memref<32x128xf32, #tpu.memory_space<hbm>>
      %dma_start3A_530 = arith.constant 0 : i32
      %dma_start3A_531 = arith.constant 0 : i32
      %dma_start3A_532 = tpu.memref_slice %arg10[%dma_start3A_523, %dma_start3A_530, %dma_start3A_531] : memref<16x32x128xf32, #tpu.memory_space<vmem>> -> memref<1x32x128xf32, #tpu.memory_space<vmem>>
      %dma_start3A_533 = tpu.memref_squeeze %dma_start3A_532 : memref<1x32x128xf32, #tpu.memory_space<vmem>> -> memref<32x128xf32, #tpu.memory_space<vmem>>
      %dma_start3A_534 = arith.constant 0 : i32
      %dma_start3A_535 = tpu.memref_slice %arg3[%dma_start3A_534, %multiple_of3A_522] : memref<32x1000000xf32, #tpu.memory_space<hbm>> -> memref<32x128xf32, #tpu.memory_space<hbm>>
      tpu.enqueue_dma source(%dma_start3A_535 : memref<32x128xf32, #tpu.memory_space<hbm>>) target(%dma_start3A_533 : memref<32x128xf32, #tpu.memory_space<vmem>>) target_semaphore(%arg12 : memref<!tpu.dma_semaphore, #tpu.memory_space<semaphore_mem>>)
      %dma_wait3A = arith.constant 0 : i32
      %dma_wait3A_536 = arith.constant 0 : i32
      %dma_wait3A_537 = arith.constant 0 : i32
      %dma_wait3A_538 = tpu.memref_slice %arg10[%dma_wait3A, %dma_wait3A_536, %dma_wait3A_537] : memref<16x32x128xf32, #tpu.memory_space<vmem>> -> memref<1x32x128xf32, #tpu.memory_space<vmem>>
      %dma_wait3A_539 = tpu.memref_squeeze %dma_wait3A_538 : memref<1x32x128xf32, #tpu.memory_space<vmem>> -> memref<32x128xf32, #tpu.memory_space<vmem>>
      %dma_wait3A_540 = arith.constant 0 : i32
      %dma_wait3A_541 = tpu.memref_slice %arg2[%dma_wait3A_540, %multiple_of3A] : memref<32x1000000xf32, #tpu.memory_space<hbm>> -> memref<32x128xf32, #tpu.memory_space<hbm>>
      %dma_wait3A_542 = arith.constant 0 : i32
      %dma_wait3A_543 = arith.constant 0 : i32
      %dma_wait3A_544 = tpu.memref_slice %arg10[%dma_wait3A, %dma_wait3A_542, %dma_wait3A_543] : memref<16x32x128xf32, #tpu.memory_space<vmem>> -> memref<1x32x128xf32, #tpu.memory_space<vmem>>
      %dma_wait3A_545 = tpu.memref_squeeze %dma_wait3A_544 : memref<1x32x128xf32, #tpu.memory_space<vmem>> -> memref<32x128xf32, #tpu.memory_space<vmem>>
      %dma_wait3A_546 = arith.constant 0 : i32
      %dma_wait3A_547 = tpu.memref_slice %arg2[%dma_wait3A_546, %multiple_of3A] : memref<32x1000000xf32, #tpu.memory_space<hbm>> -> memref<32x128xf32, #tpu.memory_space<hbm>>
      tpu.wait_dma2 semaphore(%arg11 : memref<!tpu.dma_semaphore, #tpu.memory_space<semaphore_mem>>) src(%dma_wait3A_547 : memref<32x128xf32, #tpu.memory_space<hbm>>) dst(%dma_wait3A_545 : memref<32x128xf32, #tpu.memory_space<vmem>>)
      %dma_wait3A_548 = arith.constant 1 : i32
      %dma_wait3A_549 = arith.constant 0 : i32
      %dma_wait3A_550 = arith.constant 0 : i32
      %dma_wait3A_551 = tpu.memref_slice %arg10[%dma_wait3A_548, %dma_wait3A_549, %dma_wait3A_550] : memref<16x32x128xf32, #tpu.memory_space<vmem>> -> memref<1x32x128xf32, #tpu.memory_space<vmem>>
      %dma_wait3A_552 = tpu.memref_squeeze %dma_wait3A_551 : memref<1x32x128xf32, #tpu.memory_space<vmem>> -> memref<32x128xf32, #tpu.memory_space<vmem>>
      %dma_wait3A_553 = arith.constant 0 : i32
      %dma_wait3A_554 = tpu.memref_slice %arg2[%dma_wait3A_553, %multiple_of3A_74] : memref<32x1000000xf32, #tpu.memory_space<hbm>> -> memref<32x128xf32, #tpu.memory_space<hbm>>
      %dma_wait3A_555 = arith.constant 0 : i32
      %dma_wait3A_556 = arith.constant 0 : i32
      %dma_wait3A_557 = tpu.memref_slice %arg10[%dma_wait3A_548, %dma_wait3A_555, %dma_wait3A_556] : memref<16x32x128xf32, #tpu.memory_space<vmem>> -> memref<1x32x128xf32, #tpu.memory_space<vmem>>
      %dma_wait3A_558 = tpu.memref_squeeze %dma_wait3A_557 : memref<1x32x128xf32, #tpu.memory_space<vmem>> -> memref<32x128xf32, #tpu.memory_space<vmem>>
      %dma_wait3A_559 = arith.constant 0 : i32
      %dma_wait3A_560 = tpu.memref_slice %arg2[%dma_wait3A_559, %multiple_of3A_74] : memref<32x1000000xf32, #tpu.memory_space<hbm>> -> memref<32x128xf32, #tpu.memory_space<hbm>>
      tpu.wait_dma2 semaphore(%arg11 : memref<!tpu.dma_semaphore, #tpu.memory_space<semaphore_mem>>) src(%dma_wait3A_560 : memref<32x128xf32, #tpu.memory_space<hbm>>) dst(%dma_wait3A_558 : memref<32x128xf32, #tpu.memory_space<vmem>>)
      %dma_wait3A_561 = arith.constant 2 : i32
      %dma_wait3A_562 = arith.constant 0 : i32
      %dma_wait3A_563 = arith.constant 0 : i32
      %dma_wait3A_564 = tpu.memref_slice %arg10[%dma_wait3A_561, %dma_wait3A_562, %dma_wait3A_563] : memref<16x32x128xf32, #tpu.memory_space<vmem>> -> memref<1x32x128xf32, #tpu.memory_space<vmem>>
      %dma_wait3A_565 = tpu.memref_squeeze %dma_wait3A_564 : memref<1x32x128xf32, #tpu.memory_space<vmem>> -> memref<32x128xf32, #tpu.memory_space<vmem>>
      %dma_wait3A_566 = arith.constant 0 : i32
      %dma_wait3A_567 = tpu.memref_slice %arg2[%dma_wait3A_566, %multiple_of3A_106] : memref<32x1000000xf32, #tpu.memory_space<hbm>> -> memref<32x128xf32, #tpu.memory_space<hbm>>
      %dma_wait3A_568 = arith.constant 0 : i32
      %dma_wait3A_569 = arith.constant 0 : i32
      %dma_wait3A_570 = tpu.memref_slice %arg10[%dma_wait3A_561, %dma_wait3A_568, %dma_wait3A_569] : memref<16x32x128xf32, #tpu.memory_space<vmem>> -> memref<1x32x128xf32, #tpu.memory_space<vmem>>
      %dma_wait3A_571 = tpu.memref_squeeze %dma_wait3A_570 : memref<1x32x128xf32, #tpu.memory_space<vmem>> -> memref<32x128xf32, #tpu.memory_space<vmem>>
      %dma_wait3A_572 = arith.constant 0 : i32
      %dma_wait3A_573 = tpu.memref_slice %arg2[%dma_wait3A_572, %multiple_of3A_106] : memref<32x1000000xf32, #tpu.memory_space<hbm>> -> memref<32x128xf32, #tpu.memory_space<hbm>>
      tpu.wait_dma2 semaphore(%arg11 : memref<!tpu.dma_semaphore, #tpu.memory_space<semaphore_mem>>) src(%dma_wait3A_573 : memref<32x128xf32, #tpu.memory_space<hbm>>) dst(%dma_wait3A_571 : memref<32x128xf32, #tpu.memory_space<vmem>>)
      %dma_wait3A_574 = arith.constant 3 : i32
      %dma_wait3A_575 = arith.constant 0 : i32
      %dma_wait3A_576 = arith.constant 0 : i32
      %dma_wait3A_577 = tpu.memref_slice %arg10[%dma_wait3A_574, %dma_wait3A_575, %dma_wait3A_576] : memref<16x32x128xf32, #tpu.memory_space<vmem>> -> memref<1x32x128xf32, #tpu.memory_space<vmem>>
      %dma_wait3A_578 = tpu.memref_squeeze %dma_wait3A_577 : memref<1x32x128xf32, #tpu.memory_space<vmem>> -> memref<32x128xf32, #tpu.memory_space<vmem>>
      %dma_wait3A_579 = arith.constant 0 : i32
      %dma_wait3A_580 = tpu.memref_slice %arg2[%dma_wait3A_579, %multiple_of3A_138] : memref<32x1000000xf32, #tpu.memory_space<hbm>> -> memref<32x128xf32, #tpu.memory_space<hbm>>
      %dma_wait3A_581 = arith.constant 0 : i32
      %dma_wait3A_582 = arith.constant 0 : i32
      %dma_wait3A_583 = tpu.memref_slice %arg10[%dma_wait3A_574, %dma_wait3A_581, %dma_wait3A_582] : memref<16x32x128xf32, #tpu.memory_space<vmem>> -> memref<1x32x128xf32, #tpu.memory_space<vmem>>
      %dma_wait3A_584 = tpu.memref_squeeze %dma_wait3A_583 : memref<1x32x128xf32, #tpu.memory_space<vmem>> -> memref<32x128xf32, #tpu.memory_space<vmem>>
      %dma_wait3A_585 = arith.constant 0 : i32
      %dma_wait3A_586 = tpu.memref_slice %arg2[%dma_wait3A_585, %multiple_of3A_138] : memref<32x1000000xf32, #tpu.memory_space<hbm>> -> memref<32x128xf32, #tpu.memory_space<hbm>>
      tpu.wait_dma2 semaphore(%arg11 : memref<!tpu.dma_semaphore, #tpu.memory_space<semaphore_mem>>) src(%dma_wait3A_586 : memref<32x128xf32, #tpu.memory_space<hbm>>) dst(%dma_wait3A_584 : memref<32x128xf32, #tpu.memory_space<vmem>>)
      %dma_wait3A_587 = arith.constant 4 : i32
      %dma_wait3A_588 = arith.constant 0 : i32
      %dma_wait3A_589 = arith.constant 0 : i32
      %dma_wait3A_590 = tpu.memref_slice %arg10[%dma_wait3A_587, %dma_wait3A_588, %dma_wait3A_589] : memref<16x32x128xf32, #tpu.memory_space<vmem>> -> memref<1x32x128xf32, #tpu.memory_space<vmem>>
      %dma_wait3A_591 = tpu.memref_squeeze %dma_wait3A_590 : memref<1x32x128xf32, #tpu.memory_space<vmem>> -> memref<32x128xf32, #tpu.memory_space<vmem>>
      %dma_wait3A_592 = arith.constant 0 : i32
      %dma_wait3A_593 = tpu.memref_slice %arg2[%dma_wait3A_592, %multiple_of3A_170] : memref<32x1000000xf32, #tpu.memory_space<hbm>> -> memref<32x128xf32, #tpu.memory_space<hbm>>
      %dma_wait3A_594 = arith.constant 0 : i32
      %dma_wait3A_595 = arith.constant 0 : i32
      %dma_wait3A_596 = tpu.memref_slice %arg10[%dma_wait3A_587, %dma_wait3A_594, %dma_wait3A_595] : memref<16x32x128xf32, #tpu.memory_space<vmem>> -> memref<1x32x128xf32, #tpu.memory_space<vmem>>
      %dma_wait3A_597 = tpu.memref_squeeze %dma_wait3A_596 : memref<1x32x128xf32, #tpu.memory_space<vmem>> -> memref<32x128xf32, #tpu.memory_space<vmem>>
      %dma_wait3A_598 = arith.constant 0 : i32
      %dma_wait3A_599 = tpu.memref_slice %arg2[%dma_wait3A_598, %multiple_of3A_170] : memref<32x1000000xf32, #tpu.memory_space<hbm>> -> memref<32x128xf32, #tpu.memory_space<hbm>>
      tpu.wait_dma2 semaphore(%arg11 : memref<!tpu.dma_semaphore, #tpu.memory_space<semaphore_mem>>) src(%dma_wait3A_599 : memref<32x128xf32, #tpu.memory_space<hbm>>) dst(%dma_wait3A_597 : memref<32x128xf32, #tpu.memory_space<vmem>>)
      %dma_wait3A_600 = arith.constant 5 : i32
      %dma_wait3A_601 = arith.constant 0 : i32
      %dma_wait3A_602 = arith.constant 0 : i32
      %dma_wait3A_603 = tpu.memref_slice %arg10[%dma_wait3A_600, %dma_wait3A_601, %dma_wait3A_602] : memref<16x32x128xf32, #tpu.memory_space<vmem>> -> memref<1x32x128xf32, #tpu.memory_space<vmem>>
      %dma_wait3A_604 = tpu.memref_squeeze %dma_wait3A_603 : memref<1x32x128xf32, #tpu.memory_space<vmem>> -> memref<32x128xf32, #tpu.memory_space<vmem>>
      %dma_wait3A_605 = arith.constant 0 : i32
      %dma_wait3A_606 = tpu.memref_slice %arg2[%dma_wait3A_605, %multiple_of3A_202] : memref<32x1000000xf32, #tpu.memory_space<hbm>> -> memref<32x128xf32, #tpu.memory_space<hbm>>
      %dma_wait3A_607 = arith.constant 0 : i32
      %dma_wait3A_608 = arith.constant 0 : i32
      %dma_wait3A_609 = tpu.memref_slice %arg10[%dma_wait3A_600, %dma_wait3A_607, %dma_wait3A_608] : memref<16x32x128xf32, #tpu.memory_space<vmem>> -> memref<1x32x128xf32, #tpu.memory_space<vmem>>
      %dma_wait3A_610 = tpu.memref_squeeze %dma_wait3A_609 : memref<1x32x128xf32, #tpu.memory_space<vmem>> -> memref<32x128xf32, #tpu.memory_space<vmem>>
      %dma_wait3A_611 = arith.constant 0 : i32
      %dma_wait3A_612 = tpu.memref_slice %arg2[%dma_wait3A_611, %multiple_of3A_202] : memref<32x1000000xf32, #tpu.memory_space<hbm>> -> memref<32x128xf32, #tpu.memory_space<hbm>>
      tpu.wait_dma2 semaphore(%arg11 : memref<!tpu.dma_semaphore, #tpu.memory_space<semaphore_mem>>) src(%dma_wait3A_612 : memref<32x128xf32, #tpu.memory_space<hbm>>) dst(%dma_wait3A_610 : memref<32x128xf32, #tpu.memory_space<vmem>>)
      %dma_wait3A_613 = arith.constant 6 : i32
      %dma_wait3A_614 = arith.constant 0 : i32
      %dma_wait3A_615 = arith.constant 0 : i32
      %dma_wait3A_616 = tpu.memref_slice %arg10[%dma_wait3A_613, %dma_wait3A_614, %dma_wait3A_615] : memref<16x32x128xf32, #tpu.memory_space<vmem>> -> memref<1x32x128xf32, #tpu.memory_space<vmem>>
      %dma_wait3A_617 = tpu.memref_squeeze %dma_wait3A_616 : memref<1x32x128xf32, #tpu.memory_space<vmem>> -> memref<32x128xf32, #tpu.memory_space<vmem>>
      %dma_wait3A_618 = arith.constant 0 : i32
      %dma_wait3A_619 = tpu.memref_slice %arg2[%dma_wait3A_618, %multiple_of3A_234] : memref<32x1000000xf32, #tpu.memory_space<hbm>> -> memref<32x128xf32, #tpu.memory_space<hbm>>
      %dma_wait3A_620 = arith.constant 0 : i32
      %dma_wait3A_621 = arith.constant 0 : i32
      %dma_wait3A_622 = tpu.memref_slice %arg10[%dma_wait3A_613, %dma_wait3A_620, %dma_wait3A_621] : memref<16x32x128xf32, #tpu.memory_space<vmem>> -> memref<1x32x128xf32, #tpu.memory_space<vmem>>
      %dma_wait3A_623 = tpu.memref_squeeze %dma_wait3A_622 : memref<1x32x128xf32, #tpu.memory_space<vmem>> -> memref<32x128xf32, #tpu.memory_space<vmem>>
      %dma_wait3A_624 = arith.constant 0 : i32
      %dma_wait3A_625 = tpu.memref_slice %arg2[%dma_wait3A_624, %multiple_of3A_234] : memref<32x1000000xf32, #tpu.memory_space<hbm>> -> memref<32x128xf32, #tpu.memory_space<hbm>>
      tpu.wait_dma2 semaphore(%arg11 : memref<!tpu.dma_semaphore, #tpu.memory_space<semaphore_mem>>) src(%dma_wait3A_625 : memref<32x128xf32, #tpu.memory_space<hbm>>) dst(%dma_wait3A_623 : memref<32x128xf32, #tpu.memory_space<vmem>>)
      %dma_wait3A_626 = arith.constant 7 : i32
      %dma_wait3A_627 = arith.constant 0 : i32
      %dma_wait3A_628 = arith.constant 0 : i32
      %dma_wait3A_629 = tpu.memref_slice %arg10[%dma_wait3A_626, %dma_wait3A_627, %dma_wait3A_628] : memref<16x32x128xf32, #tpu.memory_space<vmem>> -> memref<1x32x128xf32, #tpu.memory_space<vmem>>
      %dma_wait3A_630 = tpu.memref_squeeze %dma_wait3A_629 : memref<1x32x128xf32, #tpu.memory_space<vmem>> -> memref<32x128xf32, #tpu.memory_space<vmem>>
      %dma_wait3A_631 = arith.constant 0 : i32
      %dma_wait3A_632 = tpu.memref_slice %arg2[%dma_wait3A_631, %multiple_of3A_266] : memref<32x1000000xf32, #tpu.memory_space<hbm>> -> memref<32x128xf32, #tpu.memory_space<hbm>>
      %dma_wait3A_633 = arith.constant 0 : i32
      %dma_wait3A_634 = arith.constant 0 : i32
      %dma_wait3A_635 = tpu.memref_slice %arg10[%dma_wait3A_626, %dma_wait3A_633, %dma_wait3A_634] : memref<16x32x128xf32, #tpu.memory_space<vmem>> -> memref<1x32x128xf32, #tpu.memory_space<vmem>>
      %dma_wait3A_636 = tpu.memref_squeeze %dma_wait3A_635 : memref<1x32x128xf32, #tpu.memory_space<vmem>> -> memref<32x128xf32, #tpu.memory_space<vmem>>
      %dma_wait3A_637 = arith.constant 0 : i32
      %dma_wait3A_638 = tpu.memref_slice %arg2[%dma_wait3A_637, %multiple_of3A_266] : memref<32x1000000xf32, #tpu.memory_space<hbm>> -> memref<32x128xf32, #tpu.memory_space<hbm>>
      tpu.wait_dma2 semaphore(%arg11 : memref<!tpu.dma_semaphore, #tpu.memory_space<semaphore_mem>>) src(%dma_wait3A_638 : memref<32x128xf32, #tpu.memory_space<hbm>>) dst(%dma_wait3A_636 : memref<32x128xf32, #tpu.memory_space<vmem>>)
      %dma_wait3A_639 = arith.constant 8 : i32
      %dma_wait3A_640 = arith.constant 0 : i32
      %dma_wait3A_641 = arith.constant 0 : i32
      %dma_wait3A_642 = tpu.memref_slice %arg10[%dma_wait3A_639, %dma_wait3A_640, %dma_wait3A_641] : memref<16x32x128xf32, #tpu.memory_space<vmem>> -> memref<1x32x128xf32, #tpu.memory_space<vmem>>
      %dma_wait3A_643 = tpu.memref_squeeze %dma_wait3A_642 : memref<1x32x128xf32, #tpu.memory_space<vmem>> -> memref<32x128xf32, #tpu.memory_space<vmem>>
      %dma_wait3A_644 = arith.constant 0 : i32
      %dma_wait3A_645 = tpu.memref_slice %arg3[%dma_wait3A_644, %multiple_of3A_298] : memref<32x1000000xf32, #tpu.memory_space<hbm>> -> memref<32x128xf32, #tpu.memory_space<hbm>>
      %dma_wait3A_646 = arith.constant 0 : i32
      %dma_wait3A_647 = arith.constant 0 : i32
      %dma_wait3A_648 = tpu.memref_slice %arg10[%dma_wait3A_639, %dma_wait3A_646, %dma_wait3A_647] : memref<16x32x128xf32, #tpu.memory_space<vmem>> -> memref<1x32x128xf32, #tpu.memory_space<vmem>>
      %dma_wait3A_649 = tpu.memref_squeeze %dma_wait3A_648 : memref<1x32x128xf32, #tpu.memory_space<vmem>> -> memref<32x128xf32, #tpu.memory_space<vmem>>
      %dma_wait3A_650 = arith.constant 0 : i32
      %dma_wait3A_651 = tpu.memref_slice %arg3[%dma_wait3A_650, %multiple_of3A_298] : memref<32x1000000xf32, #tpu.memory_space<hbm>> -> memref<32x128xf32, #tpu.memory_space<hbm>>
      tpu.wait_dma2 semaphore(%arg12 : memref<!tpu.dma_semaphore, #tpu.memory_space<semaphore_mem>>) src(%dma_wait3A_651 : memref<32x128xf32, #tpu.memory_space<hbm>>) dst(%dma_wait3A_649 : memref<32x128xf32, #tpu.memory_space<vmem>>)
      %dma_wait3A_652 = arith.constant 9 : i32
      %dma_wait3A_653 = arith.constant 0 : i32
      %dma_wait3A_654 = arith.constant 0 : i32
      %dma_wait3A_655 = tpu.memref_slice %arg10[%dma_wait3A_652, %dma_wait3A_653, %dma_wait3A_654] : memref<16x32x128xf32, #tpu.memory_space<vmem>> -> memref<1x32x128xf32, #tpu.memory_space<vmem>>
      %dma_wait3A_656 = tpu.memref_squeeze %dma_wait3A_655 : memref<1x32x128xf32, #tpu.memory_space<vmem>> -> memref<32x128xf32, #tpu.memory_space<vmem>>
      %dma_wait3A_657 = arith.constant 0 : i32
      %dma_wait3A_658 = tpu.memref_slice %arg3[%dma_wait3A_657, %multiple_of3A_330] : memref<32x1000000xf32, #tpu.memory_space<hbm>> -> memref<32x128xf32, #tpu.memory_space<hbm>>
      %dma_wait3A_659 = arith.constant 0 : i32
      %dma_wait3A_660 = arith.constant 0 : i32
      %dma_wait3A_661 = tpu.memref_slice %arg10[%dma_wait3A_652, %dma_wait3A_659, %dma_wait3A_660] : memref<16x32x128xf32, #tpu.memory_space<vmem>> -> memref<1x32x128xf32, #tpu.memory_space<vmem>>
      %dma_wait3A_662 = tpu.memref_squeeze %dma_wait3A_661 : memref<1x32x128xf32, #tpu.memory_space<vmem>> -> memref<32x128xf32, #tpu.memory_space<vmem>>
      %dma_wait3A_663 = arith.constant 0 : i32
      %dma_wait3A_664 = tpu.memref_slice %arg3[%dma_wait3A_663, %multiple_of3A_330] : memref<32x1000000xf32, #tpu.memory_space<hbm>> -> memref<32x128xf32, #tpu.memory_space<hbm>>
      tpu.wait_dma2 semaphore(%arg12 : memref<!tpu.dma_semaphore, #tpu.memory_space<semaphore_mem>>) src(%dma_wait3A_664 : memref<32x128xf32, #tpu.memory_space<hbm>>) dst(%dma_wait3A_662 : memref<32x128xf32, #tpu.memory_space<vmem>>)
      %dma_wait3A_665 = arith.constant 10 : i32
      %dma_wait3A_666 = arith.constant 0 : i32
      %dma_wait3A_667 = arith.constant 0 : i32
      %dma_wait3A_668 = tpu.memref_slice %arg10[%dma_wait3A_665, %dma_wait3A_666, %dma_wait3A_667] : memref<16x32x128xf32, #tpu.memory_space<vmem>> -> memref<1x32x128xf32, #tpu.memory_space<vmem>>
      %dma_wait3A_669 = tpu.memref_squeeze %dma_wait3A_668 : memref<1x32x128xf32, #tpu.memory_space<vmem>> -> memref<32x128xf32, #tpu.memory_space<vmem>>
      %dma_wait3A_670 = arith.constant 0 : i32
      %dma_wait3A_671 = tpu.memref_slice %arg3[%dma_wait3A_670, %multiple_of3A_362] : memref<32x1000000xf32, #tpu.memory_space<hbm>> -> memref<32x128xf32, #tpu.memory_space<hbm>>
      %dma_wait3A_672 = arith.constant 0 : i32
      %dma_wait3A_673 = arith.constant 0 : i32
      %dma_wait3A_674 = tpu.memref_slice %arg10[%dma_wait3A_665, %dma_wait3A_672, %dma_wait3A_673] : memref<16x32x128xf32, #tpu.memory_space<vmem>> -> memref<1x32x128xf32, #tpu.memory_space<vmem>>
      %dma_wait3A_675 = tpu.memref_squeeze %dma_wait3A_674 : memref<1x32x128xf32, #tpu.memory_space<vmem>> -> memref<32x128xf32, #tpu.memory_space<vmem>>
      %dma_wait3A_676 = arith.constant 0 : i32
      %dma_wait3A_677 = tpu.memref_slice %arg3[%dma_wait3A_676, %multiple_of3A_362] : memref<32x1000000xf32, #tpu.memory_space<hbm>> -> memref<32x128xf32, #tpu.memory_space<hbm>>
      tpu.wait_dma2 semaphore(%arg12 : memref<!tpu.dma_semaphore, #tpu.memory_space<semaphore_mem>>) src(%dma_wait3A_677 : memref<32x128xf32, #tpu.memory_space<hbm>>) dst(%dma_wait3A_675 : memref<32x128xf32, #tpu.memory_space<vmem>>)
      %dma_wait3A_678 = arith.constant 11 : i32
      %dma_wait3A_679 = arith.constant 0 : i32
      %dma_wait3A_680 = arith.constant 0 : i32
      %dma_wait3A_681 = tpu.memref_slice %arg10[%dma_wait3A_678, %dma_wait3A_679, %dma_wait3A_680] : memref<16x32x128xf32, #tpu.memory_space<vmem>> -> memref<1x32x128xf32, #tpu.memory_space<vmem>>
      %dma_wait3A_682 = tpu.memref_squeeze %dma_wait3A_681 : memref<1x32x128xf32, #tpu.memory_space<vmem>> -> memref<32x128xf32, #tpu.memory_space<vmem>>
      %dma_wait3A_683 = arith.constant 0 : i32
      %dma_wait3A_684 = tpu.memref_slice %arg3[%dma_wait3A_683, %multiple_of3A_394] : memref<32x1000000xf32, #tpu.memory_space<hbm>> -> memref<32x128xf32, #tpu.memory_space<hbm>>
      %dma_wait3A_685 = arith.constant 0 : i32
      %dma_wait3A_686 = arith.constant 0 : i32
      %dma_wait3A_687 = tpu.memref_slice %arg10[%dma_wait3A_678, %dma_wait3A_685, %dma_wait3A_686] : memref<16x32x128xf32, #tpu.memory_space<vmem>> -> memref<1x32x128xf32, #tpu.memory_space<vmem>>
      %dma_wait3A_688 = tpu.memref_squeeze %dma_wait3A_687 : memref<1x32x128xf32, #tpu.memory_space<vmem>> -> memref<32x128xf32, #tpu.memory_space<vmem>>
      %dma_wait3A_689 = arith.constant 0 : i32
      %dma_wait3A_690 = tpu.memref_slice %arg3[%dma_wait3A_689, %multiple_of3A_394] : memref<32x1000000xf32, #tpu.memory_space<hbm>> -> memref<32x128xf32, #tpu.memory_space<hbm>>
      tpu.wait_dma2 semaphore(%arg12 : memref<!tpu.dma_semaphore, #tpu.memory_space<semaphore_mem>>) src(%dma_wait3A_690 : memref<32x128xf32, #tpu.memory_space<hbm>>) dst(%dma_wait3A_688 : memref<32x128xf32, #tpu.memory_space<vmem>>)
      %dma_wait3A_691 = arith.constant 12 : i32
      %dma_wait3A_692 = arith.constant 0 : i32
      %dma_wait3A_693 = arith.constant 0 : i32
      %dma_wait3A_694 = tpu.memref_slice %arg10[%dma_wait3A_691, %dma_wait3A_692, %dma_wait3A_693] : memref<16x32x128xf32, #tpu.memory_space<vmem>> -> memref<1x32x128xf32, #tpu.memory_space<vmem>>
      %dma_wait3A_695 = tpu.memref_squeeze %dma_wait3A_694 : memref<1x32x128xf32, #tpu.memory_space<vmem>> -> memref<32x128xf32, #tpu.memory_space<vmem>>
      %dma_wait3A_696 = arith.constant 0 : i32
      %dma_wait3A_697 = tpu.memref_slice %arg3[%dma_wait3A_696, %multiple_of3A_426] : memref<32x1000000xf32, #tpu.memory_space<hbm>> -> memref<32x128xf32, #tpu.memory_space<hbm>>
      %dma_wait3A_698 = arith.constant 0 : i32
      %dma_wait3A_699 = arith.constant 0 : i32
      %dma_wait3A_700 = tpu.memref_slice %arg10[%dma_wait3A_691, %dma_wait3A_698, %dma_wait3A_699] : memref<16x32x128xf32, #tpu.memory_space<vmem>> -> memref<1x32x128xf32, #tpu.memory_space<vmem>>
      %dma_wait3A_701 = tpu.memref_squeeze %dma_wait3A_700 : memref<1x32x128xf32, #tpu.memory_space<vmem>> -> memref<32x128xf32, #tpu.memory_space<vmem>>
      %dma_wait3A_702 = arith.constant 0 : i32
      %dma_wait3A_703 = tpu.memref_slice %arg3[%dma_wait3A_702, %multiple_of3A_426] : memref<32x1000000xf32, #tpu.memory_space<hbm>> -> memref<32x128xf32, #tpu.memory_space<hbm>>
      tpu.wait_dma2 semaphore(%arg12 : memref<!tpu.dma_semaphore, #tpu.memory_space<semaphore_mem>>) src(%dma_wait3A_703 : memref<32x128xf32, #tpu.memory_space<hbm>>) dst(%dma_wait3A_701 : memref<32x128xf32, #tpu.memory_space<vmem>>)
      %dma_wait3A_704 = arith.constant 13 : i32
      %dma_wait3A_705 = arith.constant 0 : i32
      %dma_wait3A_706 = arith.constant 0 : i32
      %dma_wait3A_707 = tpu.memref_slice %arg10[%dma_wait3A_704, %dma_wait3A_705, %dma_wait3A_706] : memref<16x32x128xf32, #tpu.memory_space<vmem>> -> memref<1x32x128xf32, #tpu.memory_space<vmem>>
      %dma_wait3A_708 = tpu.memref_squeeze %dma_wait3A_707 : memref<1x32x128xf32, #tpu.memory_space<vmem>> -> memref<32x128xf32, #tpu.memory_space<vmem>>
      %dma_wait3A_709 = arith.constant 0 : i32
      %dma_wait3A_710 = tpu.memref_slice %arg3[%dma_wait3A_709, %multiple_of3A_458] : memref<32x1000000xf32, #tpu.memory_space<hbm>> -> memref<32x128xf32, #tpu.memory_space<hbm>>
      %dma_wait3A_711 = arith.constant 0 : i32
      %dma_wait3A_712 = arith.constant 0 : i32
      %dma_wait3A_713 = tpu.memref_slice %arg10[%dma_wait3A_704, %dma_wait3A_711, %dma_wait3A_712] : memref<16x32x128xf32, #tpu.memory_space<vmem>> -> memref<1x32x128xf32, #tpu.memory_space<vmem>>
      %dma_wait3A_714 = tpu.memref_squeeze %dma_wait3A_713 : memref<1x32x128xf32, #tpu.memory_space<vmem>> -> memref<32x128xf32, #tpu.memory_space<vmem>>
      %dma_wait3A_715 = arith.constant 0 : i32
      %dma_wait3A_716 = tpu.memref_slice %arg3[%dma_wait3A_715, %multiple_of3A_458] : memref<32x1000000xf32, #tpu.memory_space<hbm>> -> memref<32x128xf32, #tpu.memory_space<hbm>>
      tpu.wait_dma2 semaphore(%arg12 : memref<!tpu.dma_semaphore, #tpu.memory_space<semaphore_mem>>) src(%dma_wait3A_716 : memref<32x128xf32, #tpu.memory_space<hbm>>) dst(%dma_wait3A_714 : memref<32x128xf32, #tpu.memory_space<vmem>>)
      %dma_wait3A_717 = arith.constant 14 : i32
      %dma_wait3A_718 = arith.constant 0 : i32
      %dma_wait3A_719 = arith.constant 0 : i32
      %dma_wait3A_720 = tpu.memref_slice %arg10[%dma_wait3A_717, %dma_wait3A_718, %dma_wait3A_719] : memref<16x32x128xf32, #tpu.memory_space<vmem>> -> memref<1x32x128xf32, #tpu.memory_space<vmem>>
      %dma_wait3A_721 = tpu.memref_squeeze %dma_wait3A_720 : memref<1x32x128xf32, #tpu.memory_space<vmem>> -> memref<32x128xf32, #tpu.memory_space<vmem>>
      %dma_wait3A_722 = arith.constant 0 : i32
      %dma_wait3A_723 = tpu.memref_slice %arg3[%dma_wait3A_722, %multiple_of3A_490] : memref<32x1000000xf32, #tpu.memory_space<hbm>> -> memref<32x128xf32, #tpu.memory_space<hbm>>
      %dma_wait3A_724 = arith.constant 0 : i32
      %dma_wait3A_725 = arith.constant 0 : i32
      %dma_wait3A_726 = tpu.memref_slice %arg10[%dma_wait3A_717, %dma_wait3A_724, %dma_wait3A_725] : memref<16x32x128xf32, #tpu.memory_space<vmem>> -> memref<1x32x128xf32, #tpu.memory_space<vmem>>
      %dma_wait3A_727 = tpu.memref_squeeze %dma_wait3A_726 : memref<1x32x128xf32, #tpu.memory_space<vmem>> -> memref<32x128xf32, #tpu.memory_space<vmem>>
      %dma_wait3A_728 = arith.constant 0 : i32
      %dma_wait3A_729 = tpu.memref_slice %arg3[%dma_wait3A_728, %multiple_of3A_490] : memref<32x1000000xf32, #tpu.memory_space<hbm>> -> memref<32x128xf32, #tpu.memory_space<hbm>>
      tpu.wait_dma2 semaphore(%arg12 : memref<!tpu.dma_semaphore, #tpu.memory_space<semaphore_mem>>) src(%dma_wait3A_729 : memref<32x128xf32, #tpu.memory_space<hbm>>) dst(%dma_wait3A_727 : memref<32x128xf32, #tpu.memory_space<vmem>>)
      %dma_wait3A_730 = arith.constant 15 : i32
      %dma_wait3A_731 = arith.constant 0 : i32
      %dma_wait3A_732 = arith.constant 0 : i32
      %dma_wait3A_733 = tpu.memref_slice %arg10[%dma_wait3A_730, %dma_wait3A_731, %dma_wait3A_732] : memref<16x32x128xf32, #tpu.memory_space<vmem>> -> memref<1x32x128xf32, #tpu.memory_space<vmem>>
      %dma_wait3A_734 = tpu.memref_squeeze %dma_wait3A_733 : memref<1x32x128xf32, #tpu.memory_space<vmem>> -> memref<32x128xf32, #tpu.memory_space<vmem>>
      %dma_wait3A_735 = arith.constant 0 : i32
      %dma_wait3A_736 = tpu.memref_slice %arg3[%dma_wait3A_735, %multiple_of3A_522] : memref<32x1000000xf32, #tpu.memory_space<hbm>> -> memref<32x128xf32, #tpu.memory_space<hbm>>
      %dma_wait3A_737 = arith.constant 0 : i32
      %dma_wait3A_738 = arith.constant 0 : i32
      %dma_wait3A_739 = tpu.memref_slice %arg10[%dma_wait3A_730, %dma_wait3A_737, %dma_wait3A_738] : memref<16x32x128xf32, #tpu.memory_space<vmem>> -> memref<1x32x128xf32, #tpu.memory_space<vmem>>
      %dma_wait3A_740 = tpu.memref_squeeze %dma_wait3A_739 : memref<1x32x128xf32, #tpu.memory_space<vmem>> -> memref<32x128xf32, #tpu.memory_space<vmem>>
      %dma_wait3A_741 = arith.constant 0 : i32
      %dma_wait3A_742 = tpu.memref_slice %arg3[%dma_wait3A_741, %multiple_of3A_522] : memref<32x1000000xf32, #tpu.memory_space<hbm>> -> memref<32x128xf32, #tpu.memory_space<hbm>>
      tpu.wait_dma2 semaphore(%arg12 : memref<!tpu.dma_semaphore, #tpu.memory_space<semaphore_mem>>) src(%dma_wait3A_742 : memref<32x128xf32, #tpu.memory_space<hbm>>) dst(%dma_wait3A_740 : memref<32x128xf32, #tpu.memory_space<vmem>>)
      %mul3A_743 = arith.constant 16 : i32
      %mul3A_744 = arith.muli %add3A_25, %mul3A_743 : i32
      %add3A_745 = arith.constant 0 : i32
      %add3A_746 = arith.addi %mul3A_744, %add3A_745 : i32
      %eq3A_747 = arith.constant 0 : i32
      %eq3A_748 = vector.broadcast %eq3A_747 : i32 to vector<16xi32>
      %eq3A_749 = arith.cmpi eq, %iota3A, %eq3A_748 : vector<16xi32>
      %jit3A_750 = arith.constant 0 : i32
      %broadcast_in_dim3A_751 = vector.broadcast %jit3A_750 : i32 to vector<16xi32>
      %select_n3A_752 = arith.select %eq3A_749, %get3A_28, %broadcast_in_dim3A_751 : vector<16xi1>, vector<16xi32>
      %reduce_max3A_753 = arith.constant true
      %reduce_max3A_754 = vector.broadcast %reduce_max3A_753 : i1 to vector<16xi1>
      %reduce_max3A_755 = arith.constant -2147483648 : i32
      %reduce_max3A_756 = vector.broadcast %reduce_max3A_755 : i32 to vector<16xi32>
      %reduce_max3A_757 = arith.xori %select_n3A_752, %reduce_max3A_756 : vector<16xi32>
      %reduce_max3A_758 = tpu.scan <max>, %reduce_max3A_757 masked %reduce_max3A_754 : vector<16xi32>, vector<16xi1> -> vector<16xi32>
      %reduce_max3A_759 = arith.xori %reduce_max3A_758, %reduce_max3A_756 : vector<16xi32>
      %reduce_max3A_760 = vector.extract %reduce_max3A_759[15] : i32 from vector<16xi32>
      %and3A = arith.constant 127 : i32
      %and3A_761 = arith.andi %reduce_max3A_760, %and3A : i32
      %broadcast_in_dim3A_762 = vector.broadcast %and3A_761 : i32 to vector<16xi32>
      %gather3A = arith.constant 0 : i32
      %gather3A_763 = arith.constant 0 : i32
      %gather3A_764 = arith.constant 0 : i32
      %gather3A_765 = tpu.memref_slice %arg10[%gather3A, %gather3A_763, %gather3A_764] : memref<16x32x128xf32, #tpu.memory_space<vmem>> -> memref<1x32x128xf32, #tpu.memory_space<vmem>>
      %gather3A_766 = tpu.memref_squeeze %gather3A_765 : memref<1x32x128xf32, #tpu.memory_space<vmem>> -> memref<32x128xf32, #tpu.memory_space<vmem>>
      %gather3A_767 = tpu.vector_load_idx %gather3A_766[%iota3A_1, %broadcast_in_dim3A_762] : memref<32x128xf32, #tpu.memory_space<vmem>>[vector<16xi32>, vector<16xi32>], vector<16xf32>,
      %add3A_768 = arith.constant 0 : i32
      %add3A_769 = arith.addi %add3A_746, %add3A_768 : i32
      %swap3A = arith.index_cast %add3A_769 : i32 to index
      %swap3A_770 = arith.constant 0 : index
      %swap3A_771 = tpu.vector_load %arg9[%swap3A, %swap3A_770] {strides = array<i32>} : memref<128x32xf32, #tpu.memory_space<vmem>>, vector<16xf32>,
      tpu.vector_store %arg9[%swap3A, %swap3A_770], %gather3A_767 {strides = array<i32>} : memref<128x32xf32, #tpu.memory_space<vmem>>, vector<16xf32>,
      %gather3A_772 = arith.constant 0 : i32
      %gather3A_773 = arith.constant 0 : i32
      %gather3A_774 = arith.constant 0 : i32
      %gather3A_775 = tpu.memref_slice %arg10[%gather3A_772, %gather3A_773, %gather3A_774] : memref<16x32x128xf32, #tpu.memory_space<vmem>> -> memref<1x32x128xf32, #tpu.memory_space<vmem>>
      %gather3A_776 = tpu.memref_squeeze %gather3A_775 : memref<1x32x128xf32, #tpu.memory_space<vmem>> -> memref<32x128xf32, #tpu.memory_space<vmem>>
      %gather3A_777 = tpu.vector_load_idx %gather3A_776[%add3A_4, %broadcast_in_dim3A_762] : memref<32x128xf32, #tpu.memory_space<vmem>>[vector<16xi32>, vector<16xi32>], vector<16xf32>,
      %add3A_778 = arith.constant 0 : i32
      %add3A_779 = arith.addi %add3A_746, %add3A_778 : i32
      %swap3A_780 = arith.index_cast %add3A_779 : i32 to index
      %swap3A_781 = arith.constant 16 : index
      %swap3A_782 = tpu.vector_load %arg9[%swap3A_780, %swap3A_781] {strides = array<i32>} : memref<128x32xf32, #tpu.memory_space<vmem>>, vector<16xf32>,
      tpu.vector_store %arg9[%swap3A_780, %swap3A_781], %gather3A_777 {strides = array<i32>} : memref<128x32xf32, #tpu.memory_space<vmem>>, vector<16xf32>,
      %eq3A_783 = arith.constant 1 : i32
      %eq3A_784 = vector.broadcast %eq3A_783 : i32 to vector<16xi32>
      %eq3A_785 = arith.cmpi eq, %iota3A, %eq3A_784 : vector<16xi32>
      %jit3A_786 = arith.constant 0 : i32
      %broadcast_in_dim3A_787 = vector.broadcast %jit3A_786 : i32 to vector<16xi32>
      %select_n3A_788 = arith.select %eq3A_785, %get3A_28, %broadcast_in_dim3A_787 : vector<16xi1>, vector<16xi32>
      %reduce_max3A_789 = arith.constant true
      %reduce_max3A_790 = vector.broadcast %reduce_max3A_789 : i1 to vector<16xi1>
      %reduce_max3A_791 = arith.constant -2147483648 : i32
      %reduce_max3A_792 = vector.broadcast %reduce_max3A_791 : i32 to vector<16xi32>
      %reduce_max3A_793 = arith.xori %select_n3A_788, %reduce_max3A_792 : vector<16xi32>
      %reduce_max3A_794 = tpu.scan <max>, %reduce_max3A_793 masked %reduce_max3A_790 : vector<16xi32>, vector<16xi1> -> vector<16xi32>
      %reduce_max3A_795 = arith.xori %reduce_max3A_794, %reduce_max3A_792 : vector<16xi32>
      %reduce_max3A_796 = vector.extract %reduce_max3A_795[15] : i32 from vector<16xi32>
      %and3A_797 = arith.constant 127 : i32
      %and3A_798 = arith.andi %reduce_max3A_796, %and3A_797 : i32
      %broadcast_in_dim3A_799 = vector.broadcast %and3A_798 : i32 to vector<16xi32>
      %gather3A_800 = arith.constant 1 : i32
      %gather3A_801 = arith.constant 0 : i32
      %gather3A_802 = arith.constant 0 : i32
      %gather3A_803 = tpu.memref_slice %arg10[%gather3A_800, %gather3A_801, %gather3A_802] : memref<16x32x128xf32, #tpu.memory_space<vmem>> -> memref<1x32x128xf32, #tpu.memory_space<vmem>>
      %gather3A_804 = tpu.memref_squeeze %gather3A_803 : memref<1x32x128xf32, #tpu.memory_space<vmem>> -> memref<32x128xf32, #tpu.memory_space<vmem>>
      %gather3A_805 = tpu.vector_load_idx %gather3A_804[%iota3A_1, %broadcast_in_dim3A_799] : memref<32x128xf32, #tpu.memory_space<vmem>>[vector<16xi32>, vector<16xi32>], vector<16xf32>,
      %add3A_806 = arith.constant 1 : i32
      %add3A_807 = arith.addi %add3A_746, %add3A_806 : i32
      %swap3A_808 = arith.index_cast %add3A_807 : i32 to index
      %swap3A_809 = arith.constant 0 : index
      %swap3A_810 = tpu.vector_load %arg9[%swap3A_808, %swap3A_809] {strides = array<i32>} : memref<128x32xf32, #tpu.memory_space<vmem>>, vector<16xf32>,
      tpu.vector_store %arg9[%swap3A_808, %swap3A_809], %gather3A_805 {strides = array<i32>} : memref<128x32xf32, #tpu.memory_space<vmem>>, vector<16xf32>,
      %gather3A_811 = arith.constant 1 : i32
      %gather3A_812 = arith.constant 0 : i32
      %gather3A_813 = arith.constant 0 : i32
      %gather3A_814 = tpu.memref_slice %arg10[%gather3A_811, %gather3A_812, %gather3A_813] : memref<16x32x128xf32, #tpu.memory_space<vmem>> -> memref<1x32x128xf32, #tpu.memory_space<vmem>>
      %gather3A_815 = tpu.memref_squeeze %gather3A_814 : memref<1x32x128xf32, #tpu.memory_space<vmem>> -> memref<32x128xf32, #tpu.memory_space<vmem>>
      %gather3A_816 = tpu.vector_load_idx %gather3A_815[%add3A_4, %broadcast_in_dim3A_799] : memref<32x128xf32, #tpu.memory_space<vmem>>[vector<16xi32>, vector<16xi32>], vector<16xf32>,
      %add3A_817 = arith.constant 1 : i32
      %add3A_818 = arith.addi %add3A_746, %add3A_817 : i32
      %swap3A_819 = arith.index_cast %add3A_818 : i32 to index
      %swap3A_820 = arith.constant 16 : index
      %swap3A_821 = tpu.vector_load %arg9[%swap3A_819, %swap3A_820] {strides = array<i32>} : memref<128x32xf32, #tpu.memory_space<vmem>>, vector<16xf32>,
      tpu.vector_store %arg9[%swap3A_819, %swap3A_820], %gather3A_816 {strides = array<i32>} : memref<128x32xf32, #tpu.memory_space<vmem>>, vector<16xf32>,
      %eq3A_822 = arith.constant 2 : i32
      %eq3A_823 = vector.broadcast %eq3A_822 : i32 to vector<16xi32>
      %eq3A_824 = arith.cmpi eq, %iota3A, %eq3A_823 : vector<16xi32>
      %jit3A_825 = arith.constant 0 : i32
      %broadcast_in_dim3A_826 = vector.broadcast %jit3A_825 : i32 to vector<16xi32>
      %select_n3A_827 = arith.select %eq3A_824, %get3A_28, %broadcast_in_dim3A_826 : vector<16xi1>, vector<16xi32>
      %reduce_max3A_828 = arith.constant true
      %reduce_max3A_829 = vector.broadcast %reduce_max3A_828 : i1 to vector<16xi1>
      %reduce_max3A_830 = arith.constant -2147483648 : i32
      %reduce_max3A_831 = vector.broadcast %reduce_max3A_830 : i32 to vector<16xi32>
      %reduce_max3A_832 = arith.xori %select_n3A_827, %reduce_max3A_831 : vector<16xi32>
      %reduce_max3A_833 = tpu.scan <max>, %reduce_max3A_832 masked %reduce_max3A_829 : vector<16xi32>, vector<16xi1> -> vector<16xi32>
      %reduce_max3A_834 = arith.xori %reduce_max3A_833, %reduce_max3A_831 : vector<16xi32>
      %reduce_max3A_835 = vector.extract %reduce_max3A_834[15] : i32 from vector<16xi32>
      %and3A_836 = arith.constant 127 : i32
      %and3A_837 = arith.andi %reduce_max3A_835, %and3A_836 : i32
      %broadcast_in_dim3A_838 = vector.broadcast %and3A_837 : i32 to vector<16xi32>
      %gather3A_839 = arith.constant 2 : i32
      %gather3A_840 = arith.constant 0 : i32
      %gather3A_841 = arith.constant 0 : i32
      %gather3A_842 = tpu.memref_slice %arg10[%gather3A_839, %gather3A_840, %gather3A_841] : memref<16x32x128xf32, #tpu.memory_space<vmem>> -> memref<1x32x128xf32, #tpu.memory_space<vmem>>
      %gather3A_843 = tpu.memref_squeeze %gather3A_842 : memref<1x32x128xf32, #tpu.memory_space<vmem>> -> memref<32x128xf32, #tpu.memory_space<vmem>>
      %gather3A_844 = tpu.vector_load_idx %gather3A_843[%iota3A_1, %broadcast_in_dim3A_838] : memref<32x128xf32, #tpu.memory_space<vmem>>[vector<16xi32>, vector<16xi32>], vector<16xf32>,
      %add3A_845 = arith.constant 2 : i32
      %add3A_846 = arith.addi %add3A_746, %add3A_845 : i32
      %swap3A_847 = arith.index_cast %add3A_846 : i32 to index
      %swap3A_848 = arith.constant 0 : index
      %swap3A_849 = tpu.vector_load %arg9[%swap3A_847, %swap3A_848] {strides = array<i32>} : memref<128x32xf32, #tpu.memory_space<vmem>>, vector<16xf32>,
      tpu.vector_store %arg9[%swap3A_847, %swap3A_848], %gather3A_844 {strides = array<i32>} : memref<128x32xf32, #tpu.memory_space<vmem>>, vector<16xf32>,
      %gather3A_850 = arith.constant 2 : i32
      %gather3A_851 = arith.constant 0 : i32
      %gather3A_852 = arith.constant 0 : i32
      %gather3A_853 = tpu.memref_slice %arg10[%gather3A_850, %gather3A_851, %gather3A_852] : memref<16x32x128xf32, #tpu.memory_space<vmem>> -> memref<1x32x128xf32, #tpu.memory_space<vmem>>
      %gather3A_854 = tpu.memref_squeeze %gather3A_853 : memref<1x32x128xf32, #tpu.memory_space<vmem>> -> memref<32x128xf32, #tpu.memory_space<vmem>>
      %gather3A_855 = tpu.vector_load_idx %gather3A_854[%add3A_4, %broadcast_in_dim3A_838] : memref<32x128xf32, #tpu.memory_space<vmem>>[vector<16xi32>, vector<16xi32>], vector<16xf32>,
      %add3A_856 = arith.constant 2 : i32
      %add3A_857 = arith.addi %add3A_746, %add3A_856 : i32
      %swap3A_858 = arith.index_cast %add3A_857 : i32 to index
      %swap3A_859 = arith.constant 16 : index
      %swap3A_860 = tpu.vector_load %arg9[%swap3A_858, %swap3A_859] {strides = array<i32>} : memref<128x32xf32, #tpu.memory_space<vmem>>, vector<16xf32>,
      tpu.vector_store %arg9[%swap3A_858, %swap3A_859], %gather3A_855 {strides = array<i32>} : memref<128x32xf32, #tpu.memory_space<vmem>>, vector<16xf32>,
      %eq3A_861 = arith.constant 3 : i32
      %eq3A_862 = vector.broadcast %eq3A_861 : i32 to vector<16xi32>
      %eq3A_863 = arith.cmpi eq, %iota3A, %eq3A_862 : vector<16xi32>
      %jit3A_864 = arith.constant 0 : i32
      %broadcast_in_dim3A_865 = vector.broadcast %jit3A_864 : i32 to vector<16xi32>
      %select_n3A_866 = arith.select %eq3A_863, %get3A_28, %broadcast_in_dim3A_865 : vector<16xi1>, vector<16xi32>
      %reduce_max3A_867 = arith.constant true
      %reduce_max3A_868 = vector.broadcast %reduce_max3A_867 : i1 to vector<16xi1>
      %reduce_max3A_869 = arith.constant -2147483648 : i32
      %reduce_max3A_870 = vector.broadcast %reduce_max3A_869 : i32 to vector<16xi32>
      %reduce_max3A_871 = arith.xori %select_n3A_866, %reduce_max3A_870 : vector<16xi32>
      %reduce_max3A_872 = tpu.scan <max>, %reduce_max3A_871 masked %reduce_max3A_868 : vector<16xi32>, vector<16xi1> -> vector<16xi32>
      %reduce_max3A_873 = arith.xori %reduce_max3A_872, %reduce_max3A_870 : vector<16xi32>
      %reduce_max3A_874 = vector.extract %reduce_max3A_873[15] : i32 from vector<16xi32>
      %and3A_875 = arith.constant 127 : i32
      %and3A_876 = arith.andi %reduce_max3A_874, %and3A_875 : i32
      %broadcast_in_dim3A_877 = vector.broadcast %and3A_876 : i32 to vector<16xi32>
      %gather3A_878 = arith.constant 3 : i32
      %gather3A_879 = arith.constant 0 : i32
      %gather3A_880 = arith.constant 0 : i32
      %gather3A_881 = tpu.memref_slice %arg10[%gather3A_878, %gather3A_879, %gather3A_880] : memref<16x32x128xf32, #tpu.memory_space<vmem>> -> memref<1x32x128xf32, #tpu.memory_space<vmem>>
      %gather3A_882 = tpu.memref_squeeze %gather3A_881 : memref<1x32x128xf32, #tpu.memory_space<vmem>> -> memref<32x128xf32, #tpu.memory_space<vmem>>
      %gather3A_883 = tpu.vector_load_idx %gather3A_882[%iota3A_1, %broadcast_in_dim3A_877] : memref<32x128xf32, #tpu.memory_space<vmem>>[vector<16xi32>, vector<16xi32>], vector<16xf32>,
      %add3A_884 = arith.constant 3 : i32
      %add3A_885 = arith.addi %add3A_746, %add3A_884 : i32
      %swap3A_886 = arith.index_cast %add3A_885 : i32 to index
      %swap3A_887 = arith.constant 0 : index
      %swap3A_888 = tpu.vector_load %arg9[%swap3A_886, %swap3A_887] {strides = array<i32>} : memref<128x32xf32, #tpu.memory_space<vmem>>, vector<16xf32>,
      tpu.vector_store %arg9[%swap3A_886, %swap3A_887], %gather3A_883 {strides = array<i32>} : memref<128x32xf32, #tpu.memory_space<vmem>>, vector<16xf32>,
      %gather3A_889 = arith.constant 3 : i32
      %gather3A_890 = arith.constant 0 : i32
      %gather3A_891 = arith.constant 0 : i32
      %gather3A_892 = tpu.memref_slice %arg10[%gather3A_889, %gather3A_890, %gather3A_891] : memref<16x32x128xf32, #tpu.memory_space<vmem>> -> memref<1x32x128xf32, #tpu.memory_space<vmem>>
      %gather3A_893 = tpu.memref_squeeze %gather3A_892 : memref<1x32x128xf32, #tpu.memory_space<vmem>> -> memref<32x128xf32, #tpu.memory_space<vmem>>
      %gather3A_894 = tpu.vector_load_idx %gather3A_893[%add3A_4, %broadcast_in_dim3A_877] : memref<32x128xf32, #tpu.memory_space<vmem>>[vector<16xi32>, vector<16xi32>], vector<16xf32>,
      %add3A_895 = arith.constant 3 : i32
      %add3A_896 = arith.addi %add3A_746, %add3A_895 : i32
      %swap3A_897 = arith.index_cast %add3A_896 : i32 to index
      %swap3A_898 = arith.constant 16 : index
      %swap3A_899 = tpu.vector_load %arg9[%swap3A_897, %swap3A_898] {strides = array<i32>} : memref<128x32xf32, #tpu.memory_space<vmem>>, vector<16xf32>,
      tpu.vector_store %arg9[%swap3A_897, %swap3A_898], %gather3A_894 {strides = array<i32>} : memref<128x32xf32, #tpu.memory_space<vmem>>, vector<16xf32>,
      %eq3A_900 = arith.constant 4 : i32
      %eq3A_901 = vector.broadcast %eq3A_900 : i32 to vector<16xi32>
      %eq3A_902 = arith.cmpi eq, %iota3A, %eq3A_901 : vector<16xi32>
      %jit3A_903 = arith.constant 0 : i32
      %broadcast_in_dim3A_904 = vector.broadcast %jit3A_903 : i32 to vector<16xi32>
      %select_n3A_905 = arith.select %eq3A_902, %get3A_28, %broadcast_in_dim3A_904 : vector<16xi1>, vector<16xi32>
      %reduce_max3A_906 = arith.constant true
      %reduce_max3A_907 = vector.broadcast %reduce_max3A_906 : i1 to vector<16xi1>
      %reduce_max3A_908 = arith.constant -2147483648 : i32
      %reduce_max3A_909 = vector.broadcast %reduce_max3A_908 : i32 to vector<16xi32>
      %reduce_max3A_910 = arith.xori %select_n3A_905, %reduce_max3A_909 : vector<16xi32>
      %reduce_max3A_911 = tpu.scan <max>, %reduce_max3A_910 masked %reduce_max3A_907 : vector<16xi32>, vector<16xi1> -> vector<16xi32>
      %reduce_max3A_912 = arith.xori %reduce_max3A_911, %reduce_max3A_909 : vector<16xi32>
      %reduce_max3A_913 = vector.extract %reduce_max3A_912[15] : i32 from vector<16xi32>
      %and3A_914 = arith.constant 127 : i32
      %and3A_915 = arith.andi %reduce_max3A_913, %and3A_914 : i32
      %broadcast_in_dim3A_916 = vector.broadcast %and3A_915 : i32 to vector<16xi32>
      %gather3A_917 = arith.constant 4 : i32
      %gather3A_918 = arith.constant 0 : i32
      %gather3A_919 = arith.constant 0 : i32
      %gather3A_920 = tpu.memref_slice %arg10[%gather3A_917, %gather3A_918, %gather3A_919] : memref<16x32x128xf32, #tpu.memory_space<vmem>> -> memref<1x32x128xf32, #tpu.memory_space<vmem>>
      %gather3A_921 = tpu.memref_squeeze %gather3A_920 : memref<1x32x128xf32, #tpu.memory_space<vmem>> -> memref<32x128xf32, #tpu.memory_space<vmem>>
      %gather3A_922 = tpu.vector_load_idx %gather3A_921[%iota3A_1, %broadcast_in_dim3A_916] : memref<32x128xf32, #tpu.memory_space<vmem>>[vector<16xi32>, vector<16xi32>], vector<16xf32>,
      %add3A_923 = arith.constant 4 : i32
      %add3A_924 = arith.addi %add3A_746, %add3A_923 : i32
      %swap3A_925 = arith.index_cast %add3A_924 : i32 to index
      %swap3A_926 = arith.constant 0 : index
      %swap3A_927 = tpu.vector_load %arg9[%swap3A_925, %swap3A_926] {strides = array<i32>} : memref<128x32xf32, #tpu.memory_space<vmem>>, vector<16xf32>,
      tpu.vector_store %arg9[%swap3A_925, %swap3A_926], %gather3A_922 {strides = array<i32>} : memref<128x32xf32, #tpu.memory_space<vmem>>, vector<16xf32>,
      %gather3A_928 = arith.constant 4 : i32
      %gather3A_929 = arith.constant 0 : i32
      %gather3A_930 = arith.constant 0 : i32
      %gather3A_931 = tpu.memref_slice %arg10[%gather3A_928, %gather3A_929, %gather3A_930] : memref<16x32x128xf32, #tpu.memory_space<vmem>> -> memref<1x32x128xf32, #tpu.memory_space<vmem>>
      %gather3A_932 = tpu.memref_squeeze %gather3A_931 : memref<1x32x128xf32, #tpu.memory_space<vmem>> -> memref<32x128xf32, #tpu.memory_space<vmem>>
      %gather3A_933 = tpu.vector_load_idx %gather3A_932[%add3A_4, %broadcast_in_dim3A_916] : memref<32x128xf32, #tpu.memory_space<vmem>>[vector<16xi32>, vector<16xi32>], vector<16xf32>,
      %add3A_934 = arith.constant 4 : i32
      %add3A_935 = arith.addi %add3A_746, %add3A_934 : i32
      %swap3A_936 = arith.index_cast %add3A_935 : i32 to index
      %swap3A_937 = arith.constant 16 : index
      %swap3A_938 = tpu.vector_load %arg9[%swap3A_936, %swap3A_937] {strides = array<i32>} : memref<128x32xf32, #tpu.memory_space<vmem>>, vector<16xf32>,
      tpu.vector_store %arg9[%swap3A_936, %swap3A_937], %gather3A_933 {strides = array<i32>} : memref<128x32xf32, #tpu.memory_space<vmem>>, vector<16xf32>,
      %eq3A_939 = arith.constant 5 : i32
      %eq3A_940 = vector.broadcast %eq3A_939 : i32 to vector<16xi32>
      %eq3A_941 = arith.cmpi eq, %iota3A, %eq3A_940 : vector<16xi32>
      %jit3A_942 = arith.constant 0 : i32
      %broadcast_in_dim3A_943 = vector.broadcast %jit3A_942 : i32 to vector<16xi32>
      %select_n3A_944 = arith.select %eq3A_941, %get3A_28, %broadcast_in_dim3A_943 : vector<16xi1>, vector<16xi32>
      %reduce_max3A_945 = arith.constant true
      %reduce_max3A_946 = vector.broadcast %reduce_max3A_945 : i1 to vector<16xi1>
      %reduce_max3A_947 = arith.constant -2147483648 : i32
      %reduce_max3A_948 = vector.broadcast %reduce_max3A_947 : i32 to vector<16xi32>
      %reduce_max3A_949 = arith.xori %select_n3A_944, %reduce_max3A_948 : vector<16xi32>
      %reduce_max3A_950 = tpu.scan <max>, %reduce_max3A_949 masked %reduce_max3A_946 : vector<16xi32>, vector<16xi1> -> vector<16xi32>
      %reduce_max3A_951 = arith.xori %reduce_max3A_950, %reduce_max3A_948 : vector<16xi32>
      %reduce_max3A_952 = vector.extract %reduce_max3A_951[15] : i32 from vector<16xi32>
      %and3A_953 = arith.constant 127 : i32
      %and3A_954 = arith.andi %reduce_max3A_952, %and3A_953 : i32
      %broadcast_in_dim3A_955 = vector.broadcast %and3A_954 : i32 to vector<16xi32>
      %gather3A_956 = arith.constant 5 : i32
      %gather3A_957 = arith.constant 0 : i32
      %gather3A_958 = arith.constant 0 : i32
      %gather3A_959 = tpu.memref_slice %arg10[%gather3A_956, %gather3A_957, %gather3A_958] : memref<16x32x128xf32, #tpu.memory_space<vmem>> -> memref<1x32x128xf32, #tpu.memory_space<vmem>>
      %gather3A_960 = tpu.memref_squeeze %gather3A_959 : memref<1x32x128xf32, #tpu.memory_space<vmem>> -> memref<32x128xf32, #tpu.memory_space<vmem>>
      %gather3A_961 = tpu.vector_load_idx %gather3A_960[%iota3A_1, %broadcast_in_dim3A_955] : memref<32x128xf32, #tpu.memory_space<vmem>>[vector<16xi32>, vector<16xi32>], vector<16xf32>,
      %add3A_962 = arith.constant 5 : i32
      %add3A_963 = arith.addi %add3A_746, %add3A_962 : i32
      %swap3A_964 = arith.index_cast %add3A_963 : i32 to index
      %swap3A_965 = arith.constant 0 : index
      %swap3A_966 = tpu.vector_load %arg9[%swap3A_964, %swap3A_965] {strides = array<i32>} : memref<128x32xf32, #tpu.memory_space<vmem>>, vector<16xf32>,
      tpu.vector_store %arg9[%swap3A_964, %swap3A_965], %gather3A_961 {strides = array<i32>} : memref<128x32xf32, #tpu.memory_space<vmem>>, vector<16xf32>,
      %gather3A_967 = arith.constant 5 : i32
      %gather3A_968 = arith.constant 0 : i32
      %gather3A_969 = arith.constant 0 : i32
      %gather3A_970 = tpu.memref_slice %arg10[%gather3A_967, %gather3A_968, %gather3A_969] : memref<16x32x128xf32, #tpu.memory_space<vmem>> -> memref<1x32x128xf32, #tpu.memory_space<vmem>>
      %gather3A_971 = tpu.memref_squeeze %gather3A_970 : memref<1x32x128xf32, #tpu.memory_space<vmem>> -> memref<32x128xf32, #tpu.memory_space<vmem>>
      %gather3A_972 = tpu.vector_load_idx %gather3A_971[%add3A_4, %broadcast_in_dim3A_955] : memref<32x128xf32, #tpu.memory_space<vmem>>[vector<16xi32>, vector<16xi32>], vector<16xf32>,
      %add3A_973 = arith.constant 5 : i32
      %add3A_974 = arith.addi %add3A_746, %add3A_973 : i32
      %swap3A_975 = arith.index_cast %add3A_974 : i32 to index
      %swap3A_976 = arith.constant 16 : index
      %swap3A_977 = tpu.vector_load %arg9[%swap3A_975, %swap3A_976] {strides = array<i32>} : memref<128x32xf32, #tpu.memory_space<vmem>>, vector<16xf32>,
      tpu.vector_store %arg9[%swap3A_975, %swap3A_976], %gather3A_972 {strides = array<i32>} : memref<128x32xf32, #tpu.memory_space<vmem>>, vector<16xf32>,
      %eq3A_978 = arith.constant 6 : i32
      %eq3A_979 = vector.broadcast %eq3A_978 : i32 to vector<16xi32>
      %eq3A_980 = arith.cmpi eq, %iota3A, %eq3A_979 : vector<16xi32>
      %jit3A_981 = arith.constant 0 : i32
      %broadcast_in_dim3A_982 = vector.broadcast %jit3A_981 : i32 to vector<16xi32>
      %select_n3A_983 = arith.select %eq3A_980, %get3A_28, %broadcast_in_dim3A_982 : vector<16xi1>, vector<16xi32>
      %reduce_max3A_984 = arith.constant true
      %reduce_max3A_985 = vector.broadcast %reduce_max3A_984 : i1 to vector<16xi1>
      %reduce_max3A_986 = arith.constant -2147483648 : i32
      %reduce_max3A_987 = vector.broadcast %reduce_max3A_986 : i32 to vector<16xi32>
      %reduce_max3A_988 = arith.xori %select_n3A_983, %reduce_max3A_987 : vector<16xi32>
      %reduce_max3A_989 = tpu.scan <max>, %reduce_max3A_988 masked %reduce_max3A_985 : vector<16xi32>, vector<16xi1> -> vector<16xi32>
      %reduce_max3A_990 = arith.xori %reduce_max3A_989, %reduce_max3A_987 : vector<16xi32>
      %reduce_max3A_991 = vector.extract %reduce_max3A_990[15] : i32 from vector<16xi32>
      %and3A_992 = arith.constant 127 : i32
      %and3A_993 = arith.andi %reduce_max3A_991, %and3A_992 : i32
      %broadcast_in_dim3A_994 = vector.broadcast %and3A_993 : i32 to vector<16xi32>
      %gather3A_995 = arith.constant 6 : i32
      %gather3A_996 = arith.constant 0 : i32
      %gather3A_997 = arith.constant 0 : i32
      %gather3A_998 = tpu.memref_slice %arg10[%gather3A_995, %gather3A_996, %gather3A_997] : memref<16x32x128xf32, #tpu.memory_space<vmem>> -> memref<1x32x128xf32, #tpu.memory_space<vmem>>
      %gather3A_999 = tpu.memref_squeeze %gather3A_998 : memref<1x32x128xf32, #tpu.memory_space<vmem>> -> memref<32x128xf32, #tpu.memory_space<vmem>>
      %gather3A_1000 = tpu.vector_load_idx %gather3A_999[%iota3A_1, %broadcast_in_dim3A_994] : memref<32x128xf32, #tpu.memory_space<vmem>>[vector<16xi32>, vector<16xi32>], vector<16xf32>,
      %add3A_1001 = arith.constant 6 : i32
      %add3A_1002 = arith.addi %add3A_746, %add3A_1001 : i32
      %swap3A_1003 = arith.index_cast %add3A_1002 : i32 to index
      %swap3A_1004 = arith.constant 0 : index
      %swap3A_1005 = tpu.vector_load %arg9[%swap3A_1003, %swap3A_1004] {strides = array<i32>} : memref<128x32xf32, #tpu.memory_space<vmem>>, vector<16xf32>,
      tpu.vector_store %arg9[%swap3A_1003, %swap3A_1004], %gather3A_1000 {strides = array<i32>} : memref<128x32xf32, #tpu.memory_space<vmem>>, vector<16xf32>,
      %gather3A_1006 = arith.constant 6 : i32
      %gather3A_1007 = arith.constant 0 : i32
      %gather3A_1008 = arith.constant 0 : i32
      %gather3A_1009 = tpu.memref_slice %arg10[%gather3A_1006, %gather3A_1007, %gather3A_1008] : memref<16x32x128xf32, #tpu.memory_space<vmem>> -> memref<1x32x128xf32, #tpu.memory_space<vmem>>
      %gather3A_1010 = tpu.memref_squeeze %gather3A_1009 : memref<1x32x128xf32, #tpu.memory_space<vmem>> -> memref<32x128xf32, #tpu.memory_space<vmem>>
      %gather3A_1011 = tpu.vector_load_idx %gather3A_1010[%add3A_4, %broadcast_in_dim3A_994] : memref<32x128xf32, #tpu.memory_space<vmem>>[vector<16xi32>, vector<16xi32>], vector<16xf32>,
      %add3A_1012 = arith.constant 6 : i32
      %add3A_1013 = arith.addi %add3A_746, %add3A_1012 : i32
      %swap3A_1014 = arith.index_cast %add3A_1013 : i32 to index
      %swap3A_1015 = arith.constant 16 : index
      %swap3A_1016 = tpu.vector_load %arg9[%swap3A_1014, %swap3A_1015] {strides = array<i32>} : memref<128x32xf32, #tpu.memory_space<vmem>>, vector<16xf32>,
      tpu.vector_store %arg9[%swap3A_1014, %swap3A_1015], %gather3A_1011 {strides = array<i32>} : memref<128x32xf32, #tpu.memory_space<vmem>>, vector<16xf32>,
      %eq3A_1017 = arith.constant 7 : i32
      %eq3A_1018 = vector.broadcast %eq3A_1017 : i32 to vector<16xi32>
      %eq3A_1019 = arith.cmpi eq, %iota3A, %eq3A_1018 : vector<16xi32>
      %jit3A_1020 = arith.constant 0 : i32
      %broadcast_in_dim3A_1021 = vector.broadcast %jit3A_1020 : i32 to vector<16xi32>
      %select_n3A_1022 = arith.select %eq3A_1019, %get3A_28, %broadcast_in_dim3A_1021 : vector<16xi1>, vector<16xi32>
      %reduce_max3A_1023 = arith.constant true
      %reduce_max3A_1024 = vector.broadcast %reduce_max3A_1023 : i1 to vector<16xi1>
      %reduce_max3A_1025 = arith.constant -2147483648 : i32
      %reduce_max3A_1026 = vector.broadcast %reduce_max3A_1025 : i32 to vector<16xi32>
      %reduce_max3A_1027 = arith.xori %select_n3A_1022, %reduce_max3A_1026 : vector<16xi32>
      %reduce_max3A_1028 = tpu.scan <max>, %reduce_max3A_1027 masked %reduce_max3A_1024 : vector<16xi32>, vector<16xi1> -> vector<16xi32>
      %reduce_max3A_1029 = arith.xori %reduce_max3A_1028, %reduce_max3A_1026 : vector<16xi32>
      %reduce_max3A_1030 = vector.extract %reduce_max3A_1029[15] : i32 from vector<16xi32>
      %and3A_1031 = arith.constant 127 : i32
      %and3A_1032 = arith.andi %reduce_max3A_1030, %and3A_1031 : i32
      %broadcast_in_dim3A_1033 = vector.broadcast %and3A_1032 : i32 to vector<16xi32>
      %gather3A_1034 = arith.constant 7 : i32
      %gather3A_1035 = arith.constant 0 : i32
      %gather3A_1036 = arith.constant 0 : i32
      %gather3A_1037 = tpu.memref_slice %arg10[%gather3A_1034, %gather3A_1035, %gather3A_1036] : memref<16x32x128xf32, #tpu.memory_space<vmem>> -> memref<1x32x128xf32, #tpu.memory_space<vmem>>
      %gather3A_1038 = tpu.memref_squeeze %gather3A_1037 : memref<1x32x128xf32, #tpu.memory_space<vmem>> -> memref<32x128xf32, #tpu.memory_space<vmem>>
      %gather3A_1039 = tpu.vector_load_idx %gather3A_1038[%iota3A_1, %broadcast_in_dim3A_1033] : memref<32x128xf32, #tpu.memory_space<vmem>>[vector<16xi32>, vector<16xi32>], vector<16xf32>,
      %add3A_1040 = arith.constant 7 : i32
      %add3A_1041 = arith.addi %add3A_746, %add3A_1040 : i32
      %swap3A_1042 = arith.index_cast %add3A_1041 : i32 to index
      %swap3A_1043 = arith.constant 0 : index
      %swap3A_1044 = tpu.vector_load %arg9[%swap3A_1042, %swap3A_1043] {strides = array<i32>} : memref<128x32xf32, #tpu.memory_space<vmem>>, vector<16xf32>,
      tpu.vector_store %arg9[%swap3A_1042, %swap3A_1043], %gather3A_1039 {strides = array<i32>} : memref<128x32xf32, #tpu.memory_space<vmem>>, vector<16xf32>,
      %gather3A_1045 = arith.constant 7 : i32
      %gather3A_1046 = arith.constant 0 : i32
      %gather3A_1047 = arith.constant 0 : i32
      %gather3A_1048 = tpu.memref_slice %arg10[%gather3A_1045, %gather3A_1046, %gather3A_1047] : memref<16x32x128xf32, #tpu.memory_space<vmem>> -> memref<1x32x128xf32, #tpu.memory_space<vmem>>
      %gather3A_1049 = tpu.memref_squeeze %gather3A_1048 : memref<1x32x128xf32, #tpu.memory_space<vmem>> -> memref<32x128xf32, #tpu.memory_space<vmem>>
      %gather3A_1050 = tpu.vector_load_idx %gather3A_1049[%add3A_4, %broadcast_in_dim3A_1033] : memref<32x128xf32, #tpu.memory_space<vmem>>[vector<16xi32>, vector<16xi32>], vector<16xf32>,
      %add3A_1051 = arith.constant 7 : i32
      %add3A_1052 = arith.addi %add3A_746, %add3A_1051 : i32
      %swap3A_1053 = arith.index_cast %add3A_1052 : i32 to index
      %swap3A_1054 = arith.constant 16 : index
      %swap3A_1055 = tpu.vector_load %arg9[%swap3A_1053, %swap3A_1054] {strides = array<i32>} : memref<128x32xf32, #tpu.memory_space<vmem>>, vector<16xf32>,
      tpu.vector_store %arg9[%swap3A_1053, %swap3A_1054], %gather3A_1050 {strides = array<i32>} : memref<128x32xf32, #tpu.memory_space<vmem>>, vector<16xf32>,
      %mul3A_1056 = arith.constant 16 : i32
      %mul3A_1057 = arith.muli %add3A_25, %mul3A_1056 : i32
      %add3A_1058 = arith.constant 0 : i32
      %add3A_1059 = arith.addi %mul3A_1057, %add3A_1058 : i32
      %eq3A_1060 = arith.constant 0 : i32
      %eq3A_1061 = vector.broadcast %eq3A_1060 : i32 to vector<16xi32>
      %eq3A_1062 = arith.cmpi eq, %iota3A, %eq3A_1061 : vector<16xi32>
      %jit3A_1063 = arith.constant 0 : i32
      %broadcast_in_dim3A_1064 = vector.broadcast %jit3A_1063 : i32 to vector<16xi32>
      %select_n3A_1065 = arith.select %eq3A_1062, %get3A_32, %broadcast_in_dim3A_1064 : vector<16xi1>, vector<16xi32>
      %reduce_max3A_1066 = arith.constant true
      %reduce_max3A_1067 = vector.broadcast %reduce_max3A_1066 : i1 to vector<16xi1>
      %reduce_max3A_1068 = arith.constant -2147483648 : i32
      %reduce_max3A_1069 = vector.broadcast %reduce_max3A_1068 : i32 to vector<16xi32>
      %reduce_max3A_1070 = arith.xori %select_n3A_1065, %reduce_max3A_1069 : vector<16xi32>
      %reduce_max3A_1071 = tpu.scan <max>, %reduce_max3A_1070 masked %reduce_max3A_1067 : vector<16xi32>, vector<16xi1> -> vector<16xi32>
      %reduce_max3A_1072 = arith.xori %reduce_max3A_1071, %reduce_max3A_1069 : vector<16xi32>
      %reduce_max3A_1073 = vector.extract %reduce_max3A_1072[15] : i32 from vector<16xi32>
      %and3A_1074 = arith.constant 127 : i32
      %and3A_1075 = arith.andi %reduce_max3A_1073, %and3A_1074 : i32
      %broadcast_in_dim3A_1076 = vector.broadcast %and3A_1075 : i32 to vector<16xi32>
      %gather3A_1077 = arith.constant 8 : i32
      %gather3A_1078 = arith.constant 0 : i32
      %gather3A_1079 = arith.constant 0 : i32
      %gather3A_1080 = tpu.memref_slice %arg10[%gather3A_1077, %gather3A_1078, %gather3A_1079] : memref<16x32x128xf32, #tpu.memory_space<vmem>> -> memref<1x32x128xf32, #tpu.memory_space<vmem>>
      %gather3A_1081 = tpu.memref_squeeze %gather3A_1080 : memref<1x32x128xf32, #tpu.memory_space<vmem>> -> memref<32x128xf32, #tpu.memory_space<vmem>>
      %gather3A_1082 = tpu.vector_load_idx %gather3A_1081[%iota3A_1, %broadcast_in_dim3A_1076] : memref<32x128xf32, #tpu.memory_space<vmem>>[vector<16xi32>, vector<16xi32>], vector<16xf32>,
      %add3A_1083 = arith.constant 0 : i32
      %add3A_1084 = arith.addi %add3A_1059, %add3A_1083 : i32
      %swap3A_1085 = arith.index_cast %add3A_1084 : i32 to index
      %swap3A_1086 = arith.constant 0 : index
      %swap3A_1087 = tpu.vector_load %arg14[%swap3A_1085, %swap3A_1086] {strides = array<i32>} : memref<128x32xf32, #tpu.memory_space<vmem>>, vector<16xf32>,
      tpu.vector_store %arg14[%swap3A_1085, %swap3A_1086], %gather3A_1082 {strides = array<i32>} : memref<128x32xf32, #tpu.memory_space<vmem>>, vector<16xf32>,
      %gather3A_1088 = arith.constant 8 : i32
      %gather3A_1089 = arith.constant 0 : i32
      %gather3A_1090 = arith.constant 0 : i32
      %gather3A_1091 = tpu.memref_slice %arg10[%gather3A_1088, %gather3A_1089, %gather3A_1090] : memref<16x32x128xf32, #tpu.memory_space<vmem>> -> memref<1x32x128xf32, #tpu.memory_space<vmem>>
      %gather3A_1092 = tpu.memref_squeeze %gather3A_1091 : memref<1x32x128xf32, #tpu.memory_space<vmem>> -> memref<32x128xf32, #tpu.memory_space<vmem>>
      %gather3A_1093 = tpu.vector_load_idx %gather3A_1092[%add3A_4, %broadcast_in_dim3A_1076] : memref<32x128xf32, #tpu.memory_space<vmem>>[vector<16xi32>, vector<16xi32>], vector<16xf32>,
      %add3A_1094 = arith.constant 0 : i32
      %add3A_1095 = arith.addi %add3A_1059, %add3A_1094 : i32
      %swap3A_1096 = arith.index_cast %add3A_1095 : i32 to index
      %swap3A_1097 = arith.constant 16 : index
      %swap3A_1098 = tpu.vector_load %arg14[%swap3A_1096, %swap3A_1097] {strides = array<i32>} : memref<128x32xf32, #tpu.memory_space<vmem>>, vector<16xf32>,
      tpu.vector_store %arg14[%swap3A_1096, %swap3A_1097], %gather3A_1093 {strides = array<i32>} : memref<128x32xf32, #tpu.memory_space<vmem>>, vector<16xf32>,
      %eq3A_1099 = arith.constant 1 : i32
      %eq3A_1100 = vector.broadcast %eq3A_1099 : i32 to vector<16xi32>
      %eq3A_1101 = arith.cmpi eq, %iota3A, %eq3A_1100 : vector<16xi32>
      %jit3A_1102 = arith.constant 0 : i32
      %broadcast_in_dim3A_1103 = vector.broadcast %jit3A_1102 : i32 to vector<16xi32>
      %select_n3A_1104 = arith.select %eq3A_1101, %get3A_32, %broadcast_in_dim3A_1103 : vector<16xi1>, vector<16xi32>
      %reduce_max3A_1105 = arith.constant true
      %reduce_max3A_1106 = vector.broadcast %reduce_max3A_1105 : i1 to vector<16xi1>
      %reduce_max3A_1107 = arith.constant -2147483648 : i32
      %reduce_max3A_1108 = vector.broadcast %reduce_max3A_1107 : i32 to vector<16xi32>
      %reduce_max3A_1109 = arith.xori %select_n3A_1104, %reduce_max3A_1108 : vector<16xi32>
      %reduce_max3A_1110 = tpu.scan <max>, %reduce_max3A_1109 masked %reduce_max3A_1106 : vector<16xi32>, vector<16xi1> -> vector<16xi32>
      %reduce_max3A_1111 = arith.xori %reduce_max3A_1110, %reduce_max3A_1108 : vector<16xi32>
      %reduce_max3A_1112 = vector.extract %reduce_max3A_1111[15] : i32 from vector<16xi32>
      %and3A_1113 = arith.constant 127 : i32
      %and3A_1114 = arith.andi %reduce_max3A_1112, %and3A_1113 : i32
      %broadcast_in_dim3A_1115 = vector.broadcast %and3A_1114 : i32 to vector<16xi32>
      %gather3A_1116 = arith.constant 9 : i32
      %gather3A_1117 = arith.constant 0 : i32
      %gather3A_1118 = arith.constant 0 : i32
      %gather3A_1119 = tpu.memref_slice %arg10[%gather3A_1116, %gather3A_1117, %gather3A_1118] : memref<16x32x128xf32, #tpu.memory_space<vmem>> -> memref<1x32x128xf32, #tpu.memory_space<vmem>>
      %gather3A_1120 = tpu.memref_squeeze %gather3A_1119 : memref<1x32x128xf32, #tpu.memory_space<vmem>> -> memref<32x128xf32, #tpu.memory_space<vmem>>
      %gather3A_1121 = tpu.vector_load_idx %gather3A_1120[%iota3A_1, %broadcast_in_dim3A_1115] : memref<32x128xf32, #tpu.memory_space<vmem>>[vector<16xi32>, vector<16xi32>], vector<16xf32>,
      %add3A_1122 = arith.constant 1 : i32
      %add3A_1123 = arith.addi %add3A_1059, %add3A_1122 : i32
      %swap3A_1124 = arith.index_cast %add3A_1123 : i32 to index
      %swap3A_1125 = arith.constant 0 : index
      %swap3A_1126 = tpu.vector_load %arg14[%swap3A_1124, %swap3A_1125] {strides = array<i32>} : memref<128x32xf32, #tpu.memory_space<vmem>>, vector<16xf32>,
      tpu.vector_store %arg14[%swap3A_1124, %swap3A_1125], %gather3A_1121 {strides = array<i32>} : memref<128x32xf32, #tpu.memory_space<vmem>>, vector<16xf32>,
      %gather3A_1127 = arith.constant 9 : i32
      %gather3A_1128 = arith.constant 0 : i32
      %gather3A_1129 = arith.constant 0 : i32
      %gather3A_1130 = tpu.memref_slice %arg10[%gather3A_1127, %gather3A_1128, %gather3A_1129] : memref<16x32x128xf32, #tpu.memory_space<vmem>> -> memref<1x32x128xf32, #tpu.memory_space<vmem>>
      %gather3A_1131 = tpu.memref_squeeze %gather3A_1130 : memref<1x32x128xf32, #tpu.memory_space<vmem>> -> memref<32x128xf32, #tpu.memory_space<vmem>>
      %gather3A_1132 = tpu.vector_load_idx %gather3A_1131[%add3A_4, %broadcast_in_dim3A_1115] : memref<32x128xf32, #tpu.memory_space<vmem>>[vector<16xi32>, vector<16xi32>], vector<16xf32>,
      %add3A_1133 = arith.constant 1 : i32
      %add3A_1134 = arith.addi %add3A_1059, %add3A_1133 : i32
      %swap3A_1135 = arith.index_cast %add3A_1134 : i32 to index
      %swap3A_1136 = arith.constant 16 : index
      %swap3A_1137 = tpu.vector_load %arg14[%swap3A_1135, %swap3A_1136] {strides = array<i32>} : memref<128x32xf32, #tpu.memory_space<vmem>>, vector<16xf32>,
      tpu.vector_store %arg14[%swap3A_1135, %swap3A_1136], %gather3A_1132 {strides = array<i32>} : memref<128x32xf32, #tpu.memory_space<vmem>>, vector<16xf32>,
      %eq3A_1138 = arith.constant 2 : i32
      %eq3A_1139 = vector.broadcast %eq3A_1138 : i32 to vector<16xi32>
      %eq3A_1140 = arith.cmpi eq, %iota3A, %eq3A_1139 : vector<16xi32>
      %jit3A_1141 = arith.constant 0 : i32
      %broadcast_in_dim3A_1142 = vector.broadcast %jit3A_1141 : i32 to vector<16xi32>
      %select_n3A_1143 = arith.select %eq3A_1140, %get3A_32, %broadcast_in_dim3A_1142 : vector<16xi1>, vector<16xi32>
      %reduce_max3A_1144 = arith.constant true
      %reduce_max3A_1145 = vector.broadcast %reduce_max3A_1144 : i1 to vector<16xi1>
      %reduce_max3A_1146 = arith.constant -2147483648 : i32
      %reduce_max3A_1147 = vector.broadcast %reduce_max3A_1146 : i32 to vector<16xi32>
      %reduce_max3A_1148 = arith.xori %select_n3A_1143, %reduce_max3A_1147 : vector<16xi32>
      %reduce_max3A_1149 = tpu.scan <max>, %reduce_max3A_1148 masked %reduce_max3A_1145 : vector<16xi32>, vector<16xi1> -> vector<16xi32>
      %reduce_max3A_1150 = arith.xori %reduce_max3A_1149, %reduce_max3A_1147 : vector<16xi32>
      %reduce_max3A_1151 = vector.extract %reduce_max3A_1150[15] : i32 from vector<16xi32>
      %and3A_1152 = arith.constant 127 : i32
      %and3A_1153 = arith.andi %reduce_max3A_1151, %and3A_1152 : i32
      %broadcast_in_dim3A_1154 = vector.broadcast %and3A_1153 : i32 to vector<16xi32>
      %gather3A_1155 = arith.constant 10 : i32
      %gather3A_1156 = arith.constant 0 : i32
      %gather3A_1157 = arith.constant 0 : i32
      %gather3A_1158 = tpu.memref_slice %arg10[%gather3A_1155, %gather3A_1156, %gather3A_1157] : memref<16x32x128xf32, #tpu.memory_space<vmem>> -> memref<1x32x128xf32, #tpu.memory_space<vmem>>
      %gather3A_1159 = tpu.memref_squeeze %gather3A_1158 : memref<1x32x128xf32, #tpu.memory_space<vmem>> -> memref<32x128xf32, #tpu.memory_space<vmem>>
      %gather3A_1160 = tpu.vector_load_idx %gather3A_1159[%iota3A_1, %broadcast_in_dim3A_1154] : memref<32x128xf32, #tpu.memory_space<vmem>>[vector<16xi32>, vector<16xi32>], vector<16xf32>,
      %add3A_1161 = arith.constant 2 : i32
      %add3A_1162 = arith.addi %add3A_1059, %add3A_1161 : i32
      %swap3A_1163 = arith.index_cast %add3A_1162 : i32 to index
      %swap3A_1164 = arith.constant 0 : index
      %swap3A_1165 = tpu.vector_load %arg14[%swap3A_1163, %swap3A_1164] {strides = array<i32>} : memref<128x32xf32, #tpu.memory_space<vmem>>, vector<16xf32>,
      tpu.vector_store %arg14[%swap3A_1163, %swap3A_1164], %gather3A_1160 {strides = array<i32>} : memref<128x32xf32, #tpu.memory_space<vmem>>, vector<16xf32>,
      %gather3A_1166 = arith.constant 10 : i32
      %gather3A_1167 = arith.constant 0 : i32
      %gather3A_1168 = arith.constant 0 : i32
      %gather3A_1169 = tpu.memref_slice %arg10[%gather3A_1166, %gather3A_1167, %gather3A_1168] : memref<16x32x128xf32, #tpu.memory_space<vmem>> -> memref<1x32x128xf32, #tpu.memory_space<vmem>>
      %gather3A_1170 = tpu.memref_squeeze %gather3A_1169 : memref<1x32x128xf32, #tpu.memory_space<vmem>> -> memref<32x128xf32, #tpu.memory_space<vmem>>
      %gather3A_1171 = tpu.vector_load_idx %gather3A_1170[%add3A_4, %broadcast_in_dim3A_1154] : memref<32x128xf32, #tpu.memory_space<vmem>>[vector<16xi32>, vector<16xi32>], vector<16xf32>,
      %add3A_1172 = arith.constant 2 : i32
      %add3A_1173 = arith.addi %add3A_1059, %add3A_1172 : i32
      %swap3A_1174 = arith.index_cast %add3A_1173 : i32 to index
      %swap3A_1175 = arith.constant 16 : index
      %swap3A_1176 = tpu.vector_load %arg14[%swap3A_1174, %swap3A_1175] {strides = array<i32>} : memref<128x32xf32, #tpu.memory_space<vmem>>, vector<16xf32>,
      tpu.vector_store %arg14[%swap3A_1174, %swap3A_1175], %gather3A_1171 {strides = array<i32>} : memref<128x32xf32, #tpu.memory_space<vmem>>, vector<16xf32>,
      %eq3A_1177 = arith.constant 3 : i32
      %eq3A_1178 = vector.broadcast %eq3A_1177 : i32 to vector<16xi32>
      %eq3A_1179 = arith.cmpi eq, %iota3A, %eq3A_1178 : vector<16xi32>
      %jit3A_1180 = arith.constant 0 : i32
      %broadcast_in_dim3A_1181 = vector.broadcast %jit3A_1180 : i32 to vector<16xi32>
      %select_n3A_1182 = arith.select %eq3A_1179, %get3A_32, %broadcast_in_dim3A_1181 : vector<16xi1>, vector<16xi32>
      %reduce_max3A_1183 = arith.constant true
      %reduce_max3A_1184 = vector.broadcast %reduce_max3A_1183 : i1 to vector<16xi1>
      %reduce_max3A_1185 = arith.constant -2147483648 : i32
      %reduce_max3A_1186 = vector.broadcast %reduce_max3A_1185 : i32 to vector<16xi32>
      %reduce_max3A_1187 = arith.xori %select_n3A_1182, %reduce_max3A_1186 : vector<16xi32>
      %reduce_max3A_1188 = tpu.scan <max>, %reduce_max3A_1187 masked %reduce_max3A_1184 : vector<16xi32>, vector<16xi1> -> vector<16xi32>
      %reduce_max3A_1189 = arith.xori %reduce_max3A_1188, %reduce_max3A_1186 : vector<16xi32>
      %reduce_max3A_1190 = vector.extract %reduce_max3A_1189[15] : i32 from vector<16xi32>
      %and3A_1191 = arith.constant 127 : i32
      %and3A_1192 = arith.andi %reduce_max3A_1190, %and3A_1191 : i32
      %broadcast_in_dim3A_1193 = vector.broadcast %and3A_1192 : i32 to vector<16xi32>
      %gather3A_1194 = arith.constant 11 : i32
      %gather3A_1195 = arith.constant 0 : i32
      %gather3A_1196 = arith.constant 0 : i32
      %gather3A_1197 = tpu.memref_slice %arg10[%gather3A_1194, %gather3A_1195, %gather3A_1196] : memref<16x32x128xf32, #tpu.memory_space<vmem>> -> memref<1x32x128xf32, #tpu.memory_space<vmem>>
      %gather3A_1198 = tpu.memref_squeeze %gather3A_1197 : memref<1x32x128xf32, #tpu.memory_space<vmem>> -> memref<32x128xf32, #tpu.memory_space<vmem>>
      %gather3A_1199 = tpu.vector_load_idx %gather3A_1198[%iota3A_1, %broadcast_in_dim3A_1193] : memref<32x128xf32, #tpu.memory_space<vmem>>[vector<16xi32>, vector<16xi32>], vector<16xf32>,
      %add3A_1200 = arith.constant 3 : i32
      %add3A_1201 = arith.addi %add3A_1059, %add3A_1200 : i32
      %swap3A_1202 = arith.index_cast %add3A_1201 : i32 to index
      %swap3A_1203 = arith.constant 0 : index
      %swap3A_1204 = tpu.vector_load %arg14[%swap3A_1202, %swap3A_1203] {strides = array<i32>} : memref<128x32xf32, #tpu.memory_space<vmem>>, vector<16xf32>,
      tpu.vector_store %arg14[%swap3A_1202, %swap3A_1203], %gather3A_1199 {strides = array<i32>} : memref<128x32xf32, #tpu.memory_space<vmem>>, vector<16xf32>,
      %gather3A_1205 = arith.constant 11 : i32
      %gather3A_1206 = arith.constant 0 : i32
      %gather3A_1207 = arith.constant 0 : i32
      %gather3A_1208 = tpu.memref_slice %arg10[%gather3A_1205, %gather3A_1206, %gather3A_1207] : memref<16x32x128xf32, #tpu.memory_space<vmem>> -> memref<1x32x128xf32, #tpu.memory_space<vmem>>
      %gather3A_1209 = tpu.memref_squeeze %gather3A_1208 : memref<1x32x128xf32, #tpu.memory_space<vmem>> -> memref<32x128xf32, #tpu.memory_space<vmem>>
      %gather3A_1210 = tpu.vector_load_idx %gather3A_1209[%add3A_4, %broadcast_in_dim3A_1193] : memref<32x128xf32, #tpu.memory_space<vmem>>[vector<16xi32>, vector<16xi32>], vector<16xf32>,
      %add3A_1211 = arith.constant 3 : i32
      %add3A_1212 = arith.addi %add3A_1059, %add3A_1211 : i32
      %swap3A_1213 = arith.index_cast %add3A_1212 : i32 to index
      %swap3A_1214 = arith.constant 16 : index
      %swap3A_1215 = tpu.vector_load %arg14[%swap3A_1213, %swap3A_1214] {strides = array<i32>} : memref<128x32xf32, #tpu.memory_space<vmem>>, vector<16xf32>,
      tpu.vector_store %arg14[%swap3A_1213, %swap3A_1214], %gather3A_1210 {strides = array<i32>} : memref<128x32xf32, #tpu.memory_space<vmem>>, vector<16xf32>,
      %eq3A_1216 = arith.constant 4 : i32
      %eq3A_1217 = vector.broadcast %eq3A_1216 : i32 to vector<16xi32>
      %eq3A_1218 = arith.cmpi eq, %iota3A, %eq3A_1217 : vector<16xi32>
      %jit3A_1219 = arith.constant 0 : i32
      %broadcast_in_dim3A_1220 = vector.broadcast %jit3A_1219 : i32 to vector<16xi32>
      %select_n3A_1221 = arith.select %eq3A_1218, %get3A_32, %broadcast_in_dim3A_1220 : vector<16xi1>, vector<16xi32>
      %reduce_max3A_1222 = arith.constant true
      %reduce_max3A_1223 = vector.broadcast %reduce_max3A_1222 : i1 to vector<16xi1>
      %reduce_max3A_1224 = arith.constant -2147483648 : i32
      %reduce_max3A_1225 = vector.broadcast %reduce_max3A_1224 : i32 to vector<16xi32>
      %reduce_max3A_1226 = arith.xori %select_n3A_1221, %reduce_max3A_1225 : vector<16xi32>
      %reduce_max3A_1227 = tpu.scan <max>, %reduce_max3A_1226 masked %reduce_max3A_1223 : vector<16xi32>, vector<16xi1> -> vector<16xi32>
      %reduce_max3A_1228 = arith.xori %reduce_max3A_1227, %reduce_max3A_1225 : vector<16xi32>
      %reduce_max3A_1229 = vector.extract %reduce_max3A_1228[15] : i32 from vector<16xi32>
      %and3A_1230 = arith.constant 127 : i32
      %and3A_1231 = arith.andi %reduce_max3A_1229, %and3A_1230 : i32
      %broadcast_in_dim3A_1232 = vector.broadcast %and3A_1231 : i32 to vector<16xi32>
      %gather3A_1233 = arith.constant 12 : i32
      %gather3A_1234 = arith.constant 0 : i32
      %gather3A_1235 = arith.constant 0 : i32
      %gather3A_1236 = tpu.memref_slice %arg10[%gather3A_1233, %gather3A_1234, %gather3A_1235] : memref<16x32x128xf32, #tpu.memory_space<vmem>> -> memref<1x32x128xf32, #tpu.memory_space<vmem>>
      %gather3A_1237 = tpu.memref_squeeze %gather3A_1236 : memref<1x32x128xf32, #tpu.memory_space<vmem>> -> memref<32x128xf32, #tpu.memory_space<vmem>>
      %gather3A_1238 = tpu.vector_load_idx %gather3A_1237[%iota3A_1, %broadcast_in_dim3A_1232] : memref<32x128xf32, #tpu.memory_space<vmem>>[vector<16xi32>, vector<16xi32>], vector<16xf32>,
      %add3A_1239 = arith.constant 4 : i32
      %add3A_1240 = arith.addi %add3A_1059, %add3A_1239 : i32
      %swap3A_1241 = arith.index_cast %add3A_1240 : i32 to index
      %swap3A_1242 = arith.constant 0 : index
      %swap3A_1243 = tpu.vector_load %arg14[%swap3A_1241, %swap3A_1242] {strides = array<i32>} : memref<128x32xf32, #tpu.memory_space<vmem>>, vector<16xf32>,
      tpu.vector_store %arg14[%swap3A_1241, %swap3A_1242], %gather3A_1238 {strides = array<i32>} : memref<128x32xf32, #tpu.memory_space<vmem>>, vector<16xf32>,
      %gather3A_1244 = arith.constant 12 : i32
      %gather3A_1245 = arith.constant 0 : i32
      %gather3A_1246 = arith.constant 0 : i32
      %gather3A_1247 = tpu.memref_slice %arg10[%gather3A_1244, %gather3A_1245, %gather3A_1246] : memref<16x32x128xf32, #tpu.memory_space<vmem>> -> memref<1x32x128xf32, #tpu.memory_space<vmem>>
      %gather3A_1248 = tpu.memref_squeeze %gather3A_1247 : memref<1x32x128xf32, #tpu.memory_space<vmem>> -> memref<32x128xf32, #tpu.memory_space<vmem>>
      %gather3A_1249 = tpu.vector_load_idx %gather3A_1248[%add3A_4, %broadcast_in_dim3A_1232] : memref<32x128xf32, #tpu.memory_space<vmem>>[vector<16xi32>, vector<16xi32>], vector<16xf32>,
      %add3A_1250 = arith.constant 4 : i32
      %add3A_1251 = arith.addi %add3A_1059, %add3A_1250 : i32
      %swap3A_1252 = arith.index_cast %add3A_1251 : i32 to index
      %swap3A_1253 = arith.constant 16 : index
      %swap3A_1254 = tpu.vector_load %arg14[%swap3A_1252, %swap3A_1253] {strides = array<i32>} : memref<128x32xf32, #tpu.memory_space<vmem>>, vector<16xf32>,
      tpu.vector_store %arg14[%swap3A_1252, %swap3A_1253], %gather3A_1249 {strides = array<i32>} : memref<128x32xf32, #tpu.memory_space<vmem>>, vector<16xf32>,
      %eq3A_1255 = arith.constant 5 : i32
      %eq3A_1256 = vector.broadcast %eq3A_1255 : i32 to vector<16xi32>
      %eq3A_1257 = arith.cmpi eq, %iota3A, %eq3A_1256 : vector<16xi32>
      %jit3A_1258 = arith.constant 0 : i32
      %broadcast_in_dim3A_1259 = vector.broadcast %jit3A_1258 : i32 to vector<16xi32>
      %select_n3A_1260 = arith.select %eq3A_1257, %get3A_32, %broadcast_in_dim3A_1259 : vector<16xi1>, vector<16xi32>
      %reduce_max3A_1261 = arith.constant true
      %reduce_max3A_1262 = vector.broadcast %reduce_max3A_1261 : i1 to vector<16xi1>
      %reduce_max3A_1263 = arith.constant -2147483648 : i32
      %reduce_max3A_1264 = vector.broadcast %reduce_max3A_1263 : i32 to vector<16xi32>
      %reduce_max3A_1265 = arith.xori %select_n3A_1260, %reduce_max3A_1264 : vector<16xi32>
      %reduce_max3A_1266 = tpu.scan <max>, %reduce_max3A_1265 masked %reduce_max3A_1262 : vector<16xi32>, vector<16xi1> -> vector<16xi32>
      %reduce_max3A_1267 = arith.xori %reduce_max3A_1266, %reduce_max3A_1264 : vector<16xi32>
      %reduce_max3A_1268 = vector.extract %reduce_max3A_1267[15] : i32 from vector<16xi32>
      %and3A_1269 = arith.constant 127 : i32
      %and3A_1270 = arith.andi %reduce_max3A_1268, %and3A_1269 : i32
      %broadcast_in_dim3A_1271 = vector.broadcast %and3A_1270 : i32 to vector<16xi32>
      %gather3A_1272 = arith.constant 13 : i32
      %gather3A_1273 = arith.constant 0 : i32
      %gather3A_1274 = arith.constant 0 : i32
      %gather3A_1275 = tpu.memref_slice %arg10[%gather3A_1272, %gather3A_1273, %gather3A_1274] : memref<16x32x128xf32, #tpu.memory_space<vmem>> -> memref<1x32x128xf32, #tpu.memory_space<vmem>>
      %gather3A_1276 = tpu.memref_squeeze %gather3A_1275 : memref<1x32x128xf32, #tpu.memory_space<vmem>> -> memref<32x128xf32, #tpu.memory_space<vmem>>
      %gather3A_1277 = tpu.vector_load_idx %gather3A_1276[%iota3A_1, %broadcast_in_dim3A_1271] : memref<32x128xf32, #tpu.memory_space<vmem>>[vector<16xi32>, vector<16xi32>], vector<16xf32>,
      %add3A_1278 = arith.constant 5 : i32
      %add3A_1279 = arith.addi %add3A_1059, %add3A_1278 : i32
      %swap3A_1280 = arith.index_cast %add3A_1279 : i32 to index
      %swap3A_1281 = arith.constant 0 : index
      %swap3A_1282 = tpu.vector_load %arg14[%swap3A_1280, %swap3A_1281] {strides = array<i32>} : memref<128x32xf32, #tpu.memory_space<vmem>>, vector<16xf32>,
      tpu.vector_store %arg14[%swap3A_1280, %swap3A_1281], %gather3A_1277 {strides = array<i32>} : memref<128x32xf32, #tpu.memory_space<vmem>>, vector<16xf32>,
      %gather3A_1283 = arith.constant 13 : i32
      %gather3A_1284 = arith.constant 0 : i32
      %gather3A_1285 = arith.constant 0 : i32
      %gather3A_1286 = tpu.memref_slice %arg10[%gather3A_1283, %gather3A_1284, %gather3A_1285] : memref<16x32x128xf32, #tpu.memory_space<vmem>> -> memref<1x32x128xf32, #tpu.memory_space<vmem>>
      %gather3A_1287 = tpu.memref_squeeze %gather3A_1286 : memref<1x32x128xf32, #tpu.memory_space<vmem>> -> memref<32x128xf32, #tpu.memory_space<vmem>>
      %gather3A_1288 = tpu.vector_load_idx %gather3A_1287[%add3A_4, %broadcast_in_dim3A_1271] : memref<32x128xf32, #tpu.memory_space<vmem>>[vector<16xi32>, vector<16xi32>], vector<16xf32>,
      %add3A_1289 = arith.constant 5 : i32
      %add3A_1290 = arith.addi %add3A_1059, %add3A_1289 : i32
      %swap3A_1291 = arith.index_cast %add3A_1290 : i32 to index
      %swap3A_1292 = arith.constant 16 : index
      %swap3A_1293 = tpu.vector_load %arg14[%swap3A_1291, %swap3A_1292] {strides = array<i32>} : memref<128x32xf32, #tpu.memory_space<vmem>>, vector<16xf32>,
      tpu.vector_store %arg14[%swap3A_1291, %swap3A_1292], %gather3A_1288 {strides = array<i32>} : memref<128x32xf32, #tpu.memory_space<vmem>>, vector<16xf32>,
      %eq3A_1294 = arith.constant 6 : i32
      %eq3A_1295 = vector.broadcast %eq3A_1294 : i32 to vector<16xi32>
      %eq3A_1296 = arith.cmpi eq, %iota3A, %eq3A_1295 : vector<16xi32>
      %jit3A_1297 = arith.constant 0 : i32
      %broadcast_in_dim3A_1298 = vector.broadcast %jit3A_1297 : i32 to vector<16xi32>
      %select_n3A_1299 = arith.select %eq3A_1296, %get3A_32, %broadcast_in_dim3A_1298 : vector<16xi1>, vector<16xi32>
      %reduce_max3A_1300 = arith.constant true
      %reduce_max3A_1301 = vector.broadcast %reduce_max3A_1300 : i1 to vector<16xi1>
      %reduce_max3A_1302 = arith.constant -2147483648 : i32
      %reduce_max3A_1303 = vector.broadcast %reduce_max3A_1302 : i32 to vector<16xi32>
      %reduce_max3A_1304 = arith.xori %select_n3A_1299, %reduce_max3A_1303 : vector<16xi32>
      %reduce_max3A_1305 = tpu.scan <max>, %reduce_max3A_1304 masked %reduce_max3A_1301 : vector<16xi32>, vector<16xi1> -> vector<16xi32>
      %reduce_max3A_1306 = arith.xori %reduce_max3A_1305, %reduce_max3A_1303 : vector<16xi32>
      %reduce_max3A_1307 = vector.extract %reduce_max3A_1306[15] : i32 from vector<16xi32>
      %and3A_1308 = arith.constant 127 : i32
      %and3A_1309 = arith.andi %reduce_max3A_1307, %and3A_1308 : i32
      %broadcast_in_dim3A_1310 = vector.broadcast %and3A_1309 : i32 to vector<16xi32>
      %gather3A_1311 = arith.constant 14 : i32
      %gather3A_1312 = arith.constant 0 : i32
      %gather3A_1313 = arith.constant 0 : i32
      %gather3A_1314 = tpu.memref_slice %arg10[%gather3A_1311, %gather3A_1312, %gather3A_1313] : memref<16x32x128xf32, #tpu.memory_space<vmem>> -> memref<1x32x128xf32, #tpu.memory_space<vmem>>
      %gather3A_1315 = tpu.memref_squeeze %gather3A_1314 : memref<1x32x128xf32, #tpu.memory_space<vmem>> -> memref<32x128xf32, #tpu.memory_space<vmem>>
      %gather3A_1316 = tpu.vector_load_idx %gather3A_1315[%iota3A_1, %broadcast_in_dim3A_1310] : memref<32x128xf32, #tpu.memory_space<vmem>>[vector<16xi32>, vector<16xi32>], vector<16xf32>,
      %add3A_1317 = arith.constant 6 : i32
      %add3A_1318 = arith.addi %add3A_1059, %add3A_1317 : i32
      %swap3A_1319 = arith.index_cast %add3A_1318 : i32 to index
      %swap3A_1320 = arith.constant 0 : index
      %swap3A_1321 = tpu.vector_load %arg14[%swap3A_1319, %swap3A_1320] {strides = array<i32>} : memref<128x32xf32, #tpu.memory_space<vmem>>, vector<16xf32>,
      tpu.vector_store %arg14[%swap3A_1319, %swap3A_1320], %gather3A_1316 {strides = array<i32>} : memref<128x32xf32, #tpu.memory_space<vmem>>, vector<16xf32>,
      %gather3A_1322 = arith.constant 14 : i32
      %gather3A_1323 = arith.constant 0 : i32
      %gather3A_1324 = arith.constant 0 : i32
      %gather3A_1325 = tpu.memref_slice %arg10[%gather3A_1322, %gather3A_1323, %gather3A_1324] : memref<16x32x128xf32, #tpu.memory_space<vmem>> -> memref<1x32x128xf32, #tpu.memory_space<vmem>>
      %gather3A_1326 = tpu.memref_squeeze %gather3A_1325 : memref<1x32x128xf32, #tpu.memory_space<vmem>> -> memref<32x128xf32, #tpu.memory_space<vmem>>
      %gather3A_1327 = tpu.vector_load_idx %gather3A_1326[%add3A_4, %broadcast_in_dim3A_1310] : memref<32x128xf32, #tpu.memory_space<vmem>>[vector<16xi32>, vector<16xi32>], vector<16xf32>,
      %add3A_1328 = arith.constant 6 : i32
      %add3A_1329 = arith.addi %add3A_1059, %add3A_1328 : i32
      %swap3A_1330 = arith.index_cast %add3A_1329 : i32 to index
      %swap3A_1331 = arith.constant 16 : index
      %swap3A_1332 = tpu.vector_load %arg14[%swap3A_1330, %swap3A_1331] {strides = array<i32>} : memref<128x32xf32, #tpu.memory_space<vmem>>, vector<16xf32>,
      tpu.vector_store %arg14[%swap3A_1330, %swap3A_1331], %gather3A_1327 {strides = array<i32>} : memref<128x32xf32, #tpu.memory_space<vmem>>, vector<16xf32>,
      %eq3A_1333 = arith.constant 7 : i32
      %eq3A_1334 = vector.broadcast %eq3A_1333 : i32 to vector<16xi32>
      %eq3A_1335 = arith.cmpi eq, %iota3A, %eq3A_1334 : vector<16xi32>
      %jit3A_1336 = arith.constant 0 : i32
      %broadcast_in_dim3A_1337 = vector.broadcast %jit3A_1336 : i32 to vector<16xi32>
      %select_n3A_1338 = arith.select %eq3A_1335, %get3A_32, %broadcast_in_dim3A_1337 : vector<16xi1>, vector<16xi32>
      %reduce_max3A_1339 = arith.constant true
      %reduce_max3A_1340 = vector.broadcast %reduce_max3A_1339 : i1 to vector<16xi1>
      %reduce_max3A_1341 = arith.constant -2147483648 : i32
      %reduce_max3A_1342 = vector.broadcast %reduce_max3A_1341 : i32 to vector<16xi32>
      %reduce_max3A_1343 = arith.xori %select_n3A_1338, %reduce_max3A_1342 : vector<16xi32>
      %reduce_max3A_1344 = tpu.scan <max>, %reduce_max3A_1343 masked %reduce_max3A_1340 : vector<16xi32>, vector<16xi1> -> vector<16xi32>
      %reduce_max3A_1345 = arith.xori %reduce_max3A_1344, %reduce_max3A_1342 : vector<16xi32>
      %reduce_max3A_1346 = vector.extract %reduce_max3A_1345[15] : i32 from vector<16xi32>
      %and3A_1347 = arith.constant 127 : i32
      %and3A_1348 = arith.andi %reduce_max3A_1346, %and3A_1347 : i32
      %broadcast_in_dim3A_1349 = vector.broadcast %and3A_1348 : i32 to vector<16xi32>
      %gather3A_1350 = arith.constant 15 : i32
      %gather3A_1351 = arith.constant 0 : i32
      %gather3A_1352 = arith.constant 0 : i32
      %gather3A_1353 = tpu.memref_slice %arg10[%gather3A_1350, %gather3A_1351, %gather3A_1352] : memref<16x32x128xf32, #tpu.memory_space<vmem>> -> memref<1x32x128xf32, #tpu.memory_space<vmem>>
      %gather3A_1354 = tpu.memref_squeeze %gather3A_1353 : memref<1x32x128xf32, #tpu.memory_space<vmem>> -> memref<32x128xf32, #tpu.memory_space<vmem>>
      %gather3A_1355 = tpu.vector_load_idx %gather3A_1354[%iota3A_1, %broadcast_in_dim3A_1349] : memref<32x128xf32, #tpu.memory_space<vmem>>[vector<16xi32>, vector<16xi32>], vector<16xf32>,
      %add3A_1356 = arith.constant 7 : i32
      %add3A_1357 = arith.addi %add3A_1059, %add3A_1356 : i32
      %swap3A_1358 = arith.index_cast %add3A_1357 : i32 to index
      %swap3A_1359 = arith.constant 0 : index
      %swap3A_1360 = tpu.vector_load %arg14[%swap3A_1358, %swap3A_1359] {strides = array<i32>} : memref<128x32xf32, #tpu.memory_space<vmem>>, vector<16xf32>,
      tpu.vector_store %arg14[%swap3A_1358, %swap3A_1359], %gather3A_1355 {strides = array<i32>} : memref<128x32xf32, #tpu.memory_space<vmem>>, vector<16xf32>,
      %gather3A_1361 = arith.constant 15 : i32
      %gather3A_1362 = arith.constant 0 : i32
      %gather3A_1363 = arith.constant 0 : i32
      %gather3A_1364 = tpu.memref_slice %arg10[%gather3A_1361, %gather3A_1362, %gather3A_1363] : memref<16x32x128xf32, #tpu.memory_space<vmem>> -> memref<1x32x128xf32, #tpu.memory_space<vmem>>
      %gather3A_1365 = tpu.memref_squeeze %gather3A_1364 : memref<1x32x128xf32, #tpu.memory_space<vmem>> -> memref<32x128xf32, #tpu.memory_space<vmem>>
      %gather3A_1366 = tpu.vector_load_idx %gather3A_1365[%add3A_4, %broadcast_in_dim3A_1349] : memref<32x128xf32, #tpu.memory_space<vmem>>[vector<16xi32>, vector<16xi32>], vector<16xf32>,
      %add3A_1367 = arith.constant 7 : i32
      %add3A_1368 = arith.addi %add3A_1059, %add3A_1367 : i32
      %swap3A_1369 = arith.index_cast %add3A_1368 : i32 to index
      %swap3A_1370 = arith.constant 16 : index
      %swap3A_1371 = tpu.vector_load %arg14[%swap3A_1369, %swap3A_1370] {strides = array<i32>} : memref<128x32xf32, #tpu.memory_space<vmem>>, vector<16xf32>,
      tpu.vector_store %arg14[%swap3A_1369, %swap3A_1370], %gather3A_1366 {strides = array<i32>} : memref<128x32xf32, #tpu.memory_space<vmem>>, vector<16xf32>,
      %eq3A_1372 = arith.constant 8 : i32
      %eq3A_1373 = vector.broadcast %eq3A_1372 : i32 to vector<16xi32>
      %eq3A_1374 = arith.cmpi eq, %iota3A, %eq3A_1373 : vector<16xi32>
      %jit3A_1375 = arith.constant 0 : i32
      %broadcast_in_dim3A_1376 = vector.broadcast %jit3A_1375 : i32 to vector<16xi32>
      %select_n3A_1377 = arith.select %eq3A_1374, %get3A_28, %broadcast_in_dim3A_1376 : vector<16xi1>, vector<16xi32>
      %reduce_max3A_1378 = arith.constant true
      %reduce_max3A_1379 = vector.broadcast %reduce_max3A_1378 : i1 to vector<16xi1>
      %reduce_max3A_1380 = arith.constant -2147483648 : i32
      %reduce_max3A_1381 = vector.broadcast %reduce_max3A_1380 : i32 to vector<16xi32>
      %reduce_max3A_1382 = arith.xori %select_n3A_1377, %reduce_max3A_1381 : vector<16xi32>
      %reduce_max3A_1383 = tpu.scan <max>, %reduce_max3A_1382 masked %reduce_max3A_1379 : vector<16xi32>, vector<16xi1> -> vector<16xi32>
      %reduce_max3A_1384 = arith.xori %reduce_max3A_1383, %reduce_max3A_1381 : vector<16xi32>
      %reduce_max3A_1385 = vector.extract %reduce_max3A_1384[15] : i32 from vector<16xi32>
      %shift_right_arithmetic3A_1386 = arith.constant 7 : i32
      %shift_right_arithmetic3A_1387 = arith.shrsi %reduce_max3A_1385, %shift_right_arithmetic3A_1386 : i32
      %shift_left3A_1388 = arith.constant 7 : i32
      %shift_left3A_1389 = arith.shli %shift_right_arithmetic3A_1387, %shift_left3A_1388 : i32
      %multiple_of3A_1390 = tpu.assume_multiple %shift_left3A_1389, 128 : i32
      %dma_start3A_1391 = arith.constant 0 : i32
      %dma_start3A_1392 = arith.constant 0 : i32
      %dma_start3A_1393 = arith.constant 0 : i32
      %dma_start3A_1394 = tpu.memref_slice %arg10[%dma_start3A_1391, %dma_start3A_1392, %dma_start3A_1393] : memref<16x32x128xf32, #tpu.memory_space<vmem>> -> memref<1x32x128xf32, #tpu.memory_space<vmem>>
      %dma_start3A_1395 = tpu.memref_squeeze %dma_start3A_1394 : memref<1x32x128xf32, #tpu.memory_space<vmem>> -> memref<32x128xf32, #tpu.memory_space<vmem>>
      %dma_start3A_1396 = arith.constant 0 : i32
      %dma_start3A_1397 = tpu.memref_slice %arg2[%dma_start3A_1396, %multiple_of3A_1390] : memref<32x1000000xf32, #tpu.memory_space<hbm>> -> memref<32x128xf32, #tpu.memory_space<hbm>>
      %dma_start3A_1398 = arith.constant 0 : i32
      %dma_start3A_1399 = arith.constant 0 : i32
      %dma_start3A_1400 = tpu.memref_slice %arg10[%dma_start3A_1391, %dma_start3A_1398, %dma_start3A_1399] : memref<16x32x128xf32, #tpu.memory_space<vmem>> -> memref<1x32x128xf32, #tpu.memory_space<vmem>>
      %dma_start3A_1401 = tpu.memref_squeeze %dma_start3A_1400 : memref<1x32x128xf32, #tpu.memory_space<vmem>> -> memref<32x128xf32, #tpu.memory_space<vmem>>
      %dma_start3A_1402 = arith.constant 0 : i32
      %dma_start3A_1403 = tpu.memref_slice %arg2[%dma_start3A_1402, %multiple_of3A_1390] : memref<32x1000000xf32, #tpu.memory_space<hbm>> -> memref<32x128xf32, #tpu.memory_space<hbm>>
      tpu.enqueue_dma source(%dma_start3A_1403 : memref<32x128xf32, #tpu.memory_space<hbm>>) target(%dma_start3A_1401 : memref<32x128xf32, #tpu.memory_space<vmem>>) target_semaphore(%arg11 : memref<!tpu.dma_semaphore, #tpu.memory_space<semaphore_mem>>)
      %eq3A_1404 = arith.constant 9 : i32
      %eq3A_1405 = vector.broadcast %eq3A_1404 : i32 to vector<16xi32>
      %eq3A_1406 = arith.cmpi eq, %iota3A, %eq3A_1405 : vector<16xi32>
      %jit3A_1407 = arith.constant 0 : i32
      %broadcast_in_dim3A_1408 = vector.broadcast %jit3A_1407 : i32 to vector<16xi32>
      %select_n3A_1409 = arith.select %eq3A_1406, %get3A_28, %broadcast_in_dim3A_1408 : vector<16xi1>, vector<16xi32>
      %reduce_max3A_1410 = arith.constant true
      %reduce_max3A_1411 = vector.broadcast %reduce_max3A_1410 : i1 to vector<16xi1>
      %reduce_max3A_1412 = arith.constant -2147483648 : i32
      %reduce_max3A_1413 = vector.broadcast %reduce_max3A_1412 : i32 to vector<16xi32>
      %reduce_max3A_1414 = arith.xori %select_n3A_1409, %reduce_max3A_1413 : vector<16xi32>
      %reduce_max3A_1415 = tpu.scan <max>, %reduce_max3A_1414 masked %reduce_max3A_1411 : vector<16xi32>, vector<16xi1> -> vector<16xi32>
      %reduce_max3A_1416 = arith.xori %reduce_max3A_1415, %reduce_max3A_1413 : vector<16xi32>
      %reduce_max3A_1417 = vector.extract %reduce_max3A_1416[15] : i32 from vector<16xi32>
      %shift_right_arithmetic3A_1418 = arith.constant 7 : i32
      %shift_right_arithmetic3A_1419 = arith.shrsi %reduce_max3A_1417, %shift_right_arithmetic3A_1418 : i32
      %shift_left3A_1420 = arith.constant 7 : i32
      %shift_left3A_1421 = arith.shli %shift_right_arithmetic3A_1419, %shift_left3A_1420 : i32
      %multiple_of3A_1422 = tpu.assume_multiple %shift_left3A_1421, 128 : i32
      %dma_start3A_1423 = arith.constant 1 : i32
      %dma_start3A_1424 = arith.constant 0 : i32
      %dma_start3A_1425 = arith.constant 0 : i32
      %dma_start3A_1426 = tpu.memref_slice %arg10[%dma_start3A_1423, %dma_start3A_1424, %dma_start3A_1425] : memref<16x32x128xf32, #tpu.memory_space<vmem>> -> memref<1x32x128xf32, #tpu.memory_space<vmem>>
      %dma_start3A_1427 = tpu.memref_squeeze %dma_start3A_1426 : memref<1x32x128xf32, #tpu.memory_space<vmem>> -> memref<32x128xf32, #tpu.memory_space<vmem>>
      %dma_start3A_1428 = arith.constant 0 : i32
      %dma_start3A_1429 = tpu.memref_slice %arg2[%dma_start3A_1428, %multiple_of3A_1422] : memref<32x1000000xf32, #tpu.memory_space<hbm>> -> memref<32x128xf32, #tpu.memory_space<hbm>>
      %dma_start3A_1430 = arith.constant 0 : i32
      %dma_start3A_1431 = arith.constant 0 : i32
      %dma_start3A_1432 = tpu.memref_slice %arg10[%dma_start3A_1423, %dma_start3A_1430, %dma_start3A_1431] : memref<16x32x128xf32, #tpu.memory_space<vmem>> -> memref<1x32x128xf32, #tpu.memory_space<vmem>>
      %dma_start3A_1433 = tpu.memref_squeeze %dma_start3A_1432 : memref<1x32x128xf32, #tpu.memory_space<vmem>> -> memref<32x128xf32, #tpu.memory_space<vmem>>
      %dma_start3A_1434 = arith.constant 0 : i32
      %dma_start3A_1435 = tpu.memref_slice %arg2[%dma_start3A_1434, %multiple_of3A_1422] : memref<32x1000000xf32, #tpu.memory_space<hbm>> -> memref<32x128xf32, #tpu.memory_space<hbm>>
      tpu.enqueue_dma source(%dma_start3A_1435 : memref<32x128xf32, #tpu.memory_space<hbm>>) target(%dma_start3A_1433 : memref<32x128xf32, #tpu.memory_space<vmem>>) target_semaphore(%arg11 : memref<!tpu.dma_semaphore, #tpu.memory_space<semaphore_mem>>)
      %eq3A_1436 = arith.constant 10 : i32
      %eq3A_1437 = vector.broadcast %eq3A_1436 : i32 to vector<16xi32>
      %eq3A_1438 = arith.cmpi eq, %iota3A, %eq3A_1437 : vector<16xi32>
      %jit3A_1439 = arith.constant 0 : i32
      %broadcast_in_dim3A_1440 = vector.broadcast %jit3A_1439 : i32 to vector<16xi32>
      %select_n3A_1441 = arith.select %eq3A_1438, %get3A_28, %broadcast_in_dim3A_1440 : vector<16xi1>, vector<16xi32>
      %reduce_max3A_1442 = arith.constant true
      %reduce_max3A_1443 = vector.broadcast %reduce_max3A_1442 : i1 to vector<16xi1>
      %reduce_max3A_1444 = arith.constant -2147483648 : i32
      %reduce_max3A_1445 = vector.broadcast %reduce_max3A_1444 : i32 to vector<16xi32>
      %reduce_max3A_1446 = arith.xori %select_n3A_1441, %reduce_max3A_1445 : vector<16xi32>
      %reduce_max3A_1447 = tpu.scan <max>, %reduce_max3A_1446 masked %reduce_max3A_1443 : vector<16xi32>, vector<16xi1> -> vector<16xi32>
      %reduce_max3A_1448 = arith.xori %reduce_max3A_1447, %reduce_max3A_1445 : vector<16xi32>
      %reduce_max3A_1449 = vector.extract %reduce_max3A_1448[15] : i32 from vector<16xi32>
      %shift_right_arithmetic3A_1450 = arith.constant 7 : i32
      %shift_right_arithmetic3A_1451 = arith.shrsi %reduce_max3A_1449, %shift_right_arithmetic3A_1450 : i32
      %shift_left3A_1452 = arith.constant 7 : i32
      %shift_left3A_1453 = arith.shli %shift_right_arithmetic3A_1451, %shift_left3A_1452 : i32
      %multiple_of3A_1454 = tpu.assume_multiple %shift_left3A_1453, 128 : i32
      %dma_start3A_1455 = arith.constant 2 : i32
      %dma_start3A_1456 = arith.constant 0 : i32
      %dma_start3A_1457 = arith.constant 0 : i32
      %dma_start3A_1458 = tpu.memref_slice %arg10[%dma_start3A_1455, %dma_start3A_1456, %dma_start3A_1457] : memref<16x32x128xf32, #tpu.memory_space<vmem>> -> memref<1x32x128xf32, #tpu.memory_space<vmem>>
      %dma_start3A_1459 = tpu.memref_squeeze %dma_start3A_1458 : memref<1x32x128xf32, #tpu.memory_space<vmem>> -> memref<32x128xf32, #tpu.memory_space<vmem>>
      %dma_start3A_1460 = arith.constant 0 : i32
      %dma_start3A_1461 = tpu.memref_slice %arg2[%dma_start3A_1460, %multiple_of3A_1454] : memref<32x1000000xf32, #tpu.memory_space<hbm>> -> memref<32x128xf32, #tpu.memory_space<hbm>>
      %dma_start3A_1462 = arith.constant 0 : i32
      %dma_start3A_1463 = arith.constant 0 : i32
      %dma_start3A_1464 = tpu.memref_slice %arg10[%dma_start3A_1455, %dma_start3A_1462, %dma_start3A_1463] : memref<16x32x128xf32, #tpu.memory_space<vmem>> -> memref<1x32x128xf32, #tpu.memory_space<vmem>>
      %dma_start3A_1465 = tpu.memref_squeeze %dma_start3A_1464 : memref<1x32x128xf32, #tpu.memory_space<vmem>> -> memref<32x128xf32, #tpu.memory_space<vmem>>
      %dma_start3A_1466 = arith.constant 0 : i32
      %dma_start3A_1467 = tpu.memref_slice %arg2[%dma_start3A_1466, %multiple_of3A_1454] : memref<32x1000000xf32, #tpu.memory_space<hbm>> -> memref<32x128xf32, #tpu.memory_space<hbm>>
      tpu.enqueue_dma source(%dma_start3A_1467 : memref<32x128xf32, #tpu.memory_space<hbm>>) target(%dma_start3A_1465 : memref<32x128xf32, #tpu.memory_space<vmem>>) target_semaphore(%arg11 : memref<!tpu.dma_semaphore, #tpu.memory_space<semaphore_mem>>)
      %eq3A_1468 = arith.constant 11 : i32
      %eq3A_1469 = vector.broadcast %eq3A_1468 : i32 to vector<16xi32>
      %eq3A_1470 = arith.cmpi eq, %iota3A, %eq3A_1469 : vector<16xi32>
      %jit3A_1471 = arith.constant 0 : i32
      %broadcast_in_dim3A_1472 = vector.broadcast %jit3A_1471 : i32 to vector<16xi32>
      %select_n3A_1473 = arith.select %eq3A_1470, %get3A_28, %broadcast_in_dim3A_1472 : vector<16xi1>, vector<16xi32>
      %reduce_max3A_1474 = arith.constant true
      %reduce_max3A_1475 = vector.broadcast %reduce_max3A_1474 : i1 to vector<16xi1>
      %reduce_max3A_1476 = arith.constant -2147483648 : i32
      %reduce_max3A_1477 = vector.broadcast %reduce_max3A_1476 : i32 to vector<16xi32>
      %reduce_max3A_1478 = arith.xori %select_n3A_1473, %reduce_max3A_1477 : vector<16xi32>
      %reduce_max3A_1479 = tpu.scan <max>, %reduce_max3A_1478 masked %reduce_max3A_1475 : vector<16xi32>, vector<16xi1> -> vector<16xi32>
      %reduce_max3A_1480 = arith.xori %reduce_max3A_1479, %reduce_max3A_1477 : vector<16xi32>
      %reduce_max3A_1481 = vector.extract %reduce_max3A_1480[15] : i32 from vector<16xi32>
      %shift_right_arithmetic3A_1482 = arith.constant 7 : i32
      %shift_right_arithmetic3A_1483 = arith.shrsi %reduce_max3A_1481, %shift_right_arithmetic3A_1482 : i32
      %shift_left3A_1484 = arith.constant 7 : i32
      %shift_left3A_1485 = arith.shli %shift_right_arithmetic3A_1483, %shift_left3A_1484 : i32
      %multiple_of3A_1486 = tpu.assume_multiple %shift_left3A_1485, 128 : i32
      %dma_start3A_1487 = arith.constant 3 : i32
      %dma_start3A_1488 = arith.constant 0 : i32
      %dma_start3A_1489 = arith.constant 0 : i32
      %dma_start3A_1490 = tpu.memref_slice %arg10[%dma_start3A_1487, %dma_start3A_1488, %dma_start3A_1489] : memref<16x32x128xf32, #tpu.memory_space<vmem>> -> memref<1x32x128xf32, #tpu.memory_space<vmem>>
      %dma_start3A_1491 = tpu.memref_squeeze %dma_start3A_1490 : memref<1x32x128xf32, #tpu.memory_space<vmem>> -> memref<32x128xf32, #tpu.memory_space<vmem>>
      %dma_start3A_1492 = arith.constant 0 : i32
      %dma_start3A_1493 = tpu.memref_slice %arg2[%dma_start3A_1492, %multiple_of3A_1486] : memref<32x1000000xf32, #tpu.memory_space<hbm>> -> memref<32x128xf32, #tpu.memory_space<hbm>>
      %dma_start3A_1494 = arith.constant 0 : i32
      %dma_start3A_1495 = arith.constant 0 : i32
      %dma_start3A_1496 = tpu.memref_slice %arg10[%dma_start3A_1487, %dma_start3A_1494, %dma_start3A_1495] : memref<16x32x128xf32, #tpu.memory_space<vmem>> -> memref<1x32x128xf32, #tpu.memory_space<vmem>>
      %dma_start3A_1497 = tpu.memref_squeeze %dma_start3A_1496 : memref<1x32x128xf32, #tpu.memory_space<vmem>> -> memref<32x128xf32, #tpu.memory_space<vmem>>
      %dma_start3A_1498 = arith.constant 0 : i32
      %dma_start3A_1499 = tpu.memref_slice %arg2[%dma_start3A_1498, %multiple_of3A_1486] : memref<32x1000000xf32, #tpu.memory_space<hbm>> -> memref<32x128xf32, #tpu.memory_space<hbm>>
      tpu.enqueue_dma source(%dma_start3A_1499 : memref<32x128xf32, #tpu.memory_space<hbm>>) target(%dma_start3A_1497 : memref<32x128xf32, #tpu.memory_space<vmem>>) target_semaphore(%arg11 : memref<!tpu.dma_semaphore, #tpu.memory_space<semaphore_mem>>)
      %eq3A_1500 = arith.constant 12 : i32
      %eq3A_1501 = vector.broadcast %eq3A_1500 : i32 to vector<16xi32>
      %eq3A_1502 = arith.cmpi eq, %iota3A, %eq3A_1501 : vector<16xi32>
      %jit3A_1503 = arith.constant 0 : i32
      %broadcast_in_dim3A_1504 = vector.broadcast %jit3A_1503 : i32 to vector<16xi32>
      %select_n3A_1505 = arith.select %eq3A_1502, %get3A_28, %broadcast_in_dim3A_1504 : vector<16xi1>, vector<16xi32>
      %reduce_max3A_1506 = arith.constant true
      %reduce_max3A_1507 = vector.broadcast %reduce_max3A_1506 : i1 to vector<16xi1>
      %reduce_max3A_1508 = arith.constant -2147483648 : i32
      %reduce_max3A_1509 = vector.broadcast %reduce_max3A_1508 : i32 to vector<16xi32>
      %reduce_max3A_1510 = arith.xori %select_n3A_1505, %reduce_max3A_1509 : vector<16xi32>
      %reduce_max3A_1511 = tpu.scan <max>, %reduce_max3A_1510 masked %reduce_max3A_1507 : vector<16xi32>, vector<16xi1> -> vector<16xi32>
      %reduce_max3A_1512 = arith.xori %reduce_max3A_1511, %reduce_max3A_1509 : vector<16xi32>
      %reduce_max3A_1513 = vector.extract %reduce_max3A_1512[15] : i32 from vector<16xi32>
      %shift_right_arithmetic3A_1514 = arith.constant 7 : i32
      %shift_right_arithmetic3A_1515 = arith.shrsi %reduce_max3A_1513, %shift_right_arithmetic3A_1514 : i32
      %shift_left3A_1516 = arith.constant 7 : i32
      %shift_left3A_1517 = arith.shli %shift_right_arithmetic3A_1515, %shift_left3A_1516 : i32
      %multiple_of3A_1518 = tpu.assume_multiple %shift_left3A_1517, 128 : i32
      %dma_start3A_1519 = arith.constant 4 : i32
      %dma_start3A_1520 = arith.constant 0 : i32
      %dma_start3A_1521 = arith.constant 0 : i32
      %dma_start3A_1522 = tpu.memref_slice %arg10[%dma_start3A_1519, %dma_start3A_1520, %dma_start3A_1521] : memref<16x32x128xf32, #tpu.memory_space<vmem>> -> memref<1x32x128xf32, #tpu.memory_space<vmem>>
      %dma_start3A_1523 = tpu.memref_squeeze %dma_start3A_1522 : memref<1x32x128xf32, #tpu.memory_space<vmem>> -> memref<32x128xf32, #tpu.memory_space<vmem>>
      %dma_start3A_1524 = arith.constant 0 : i32
      %dma_start3A_1525 = tpu.memref_slice %arg2[%dma_start3A_1524, %multiple_of3A_1518] : memref<32x1000000xf32, #tpu.memory_space<hbm>> -> memref<32x128xf32, #tpu.memory_space<hbm>>
      %dma_start3A_1526 = arith.constant 0 : i32
      %dma_start3A_1527 = arith.constant 0 : i32
      %dma_start3A_1528 = tpu.memref_slice %arg10[%dma_start3A_1519, %dma_start3A_1526, %dma_start3A_1527] : memref<16x32x128xf32, #tpu.memory_space<vmem>> -> memref<1x32x128xf32, #tpu.memory_space<vmem>>
      %dma_start3A_1529 = tpu.memref_squeeze %dma_start3A_1528 : memref<1x32x128xf32, #tpu.memory_space<vmem>> -> memref<32x128xf32, #tpu.memory_space<vmem>>
      %dma_start3A_1530 = arith.constant 0 : i32
      %dma_start3A_1531 = tpu.memref_slice %arg2[%dma_start3A_1530, %multiple_of3A_1518] : memref<32x1000000xf32, #tpu.memory_space<hbm>> -> memref<32x128xf32, #tpu.memory_space<hbm>>
      tpu.enqueue_dma source(%dma_start3A_1531 : memref<32x128xf32, #tpu.memory_space<hbm>>) target(%dma_start3A_1529 : memref<32x128xf32, #tpu.memory_space<vmem>>) target_semaphore(%arg11 : memref<!tpu.dma_semaphore, #tpu.memory_space<semaphore_mem>>)
      %eq3A_1532 = arith.constant 13 : i32
      %eq3A_1533 = vector.broadcast %eq3A_1532 : i32 to vector<16xi32>
      %eq3A_1534 = arith.cmpi eq, %iota3A, %eq3A_1533 : vector<16xi32>
      %jit3A_1535 = arith.constant 0 : i32
      %broadcast_in_dim3A_1536 = vector.broadcast %jit3A_1535 : i32 to vector<16xi32>
      %select_n3A_1537 = arith.select %eq3A_1534, %get3A_28, %broadcast_in_dim3A_1536 : vector<16xi1>, vector<16xi32>
      %reduce_max3A_1538 = arith.constant true
      %reduce_max3A_1539 = vector.broadcast %reduce_max3A_1538 : i1 to vector<16xi1>
      %reduce_max3A_1540 = arith.constant -2147483648 : i32
      %reduce_max3A_1541 = vector.broadcast %reduce_max3A_1540 : i32 to vector<16xi32>
      %reduce_max3A_1542 = arith.xori %select_n3A_1537, %reduce_max3A_1541 : vector<16xi32>
      %reduce_max3A_1543 = tpu.scan <max>, %reduce_max3A_1542 masked %reduce_max3A_1539 : vector<16xi32>, vector<16xi1> -> vector<16xi32>
      %reduce_max3A_1544 = arith.xori %reduce_max3A_1543, %reduce_max3A_1541 : vector<16xi32>
      %reduce_max3A_1545 = vector.extract %reduce_max3A_1544[15] : i32 from vector<16xi32>
      %shift_right_arithmetic3A_1546 = arith.constant 7 : i32
      %shift_right_arithmetic3A_1547 = arith.shrsi %reduce_max3A_1545, %shift_right_arithmetic3A_1546 : i32
      %shift_left3A_1548 = arith.constant 7 : i32
      %shift_left3A_1549 = arith.shli %shift_right_arithmetic3A_1547, %shift_left3A_1548 : i32
      %multiple_of3A_1550 = tpu.assume_multiple %shift_left3A_1549, 128 : i32
      %dma_start3A_1551 = arith.constant 5 : i32
      %dma_start3A_1552 = arith.constant 0 : i32
      %dma_start3A_1553 = arith.constant 0 : i32
      %dma_start3A_1554 = tpu.memref_slice %arg10[%dma_start3A_1551, %dma_start3A_1552, %dma_start3A_1553] : memref<16x32x128xf32, #tpu.memory_space<vmem>> -> memref<1x32x128xf32, #tpu.memory_space<vmem>>
      %dma_start3A_1555 = tpu.memref_squeeze %dma_start3A_1554 : memref<1x32x128xf32, #tpu.memory_space<vmem>> -> memref<32x128xf32, #tpu.memory_space<vmem>>
      %dma_start3A_1556 = arith.constant 0 : i32
      %dma_start3A_1557 = tpu.memref_slice %arg2[%dma_start3A_1556, %multiple_of3A_1550] : memref<32x1000000xf32, #tpu.memory_space<hbm>> -> memref<32x128xf32, #tpu.memory_space<hbm>>
      %dma_start3A_1558 = arith.constant 0 : i32
      %dma_start3A_1559 = arith.constant 0 : i32
      %dma_start3A_1560 = tpu.memref_slice %arg10[%dma_start3A_1551, %dma_start3A_1558, %dma_start3A_1559] : memref<16x32x128xf32, #tpu.memory_space<vmem>> -> memref<1x32x128xf32, #tpu.memory_space<vmem>>
      %dma_start3A_1561 = tpu.memref_squeeze %dma_start3A_1560 : memref<1x32x128xf32, #tpu.memory_space<vmem>> -> memref<32x128xf32, #tpu.memory_space<vmem>>
      %dma_start3A_1562 = arith.constant 0 : i32
      %dma_start3A_1563 = tpu.memref_slice %arg2[%dma_start3A_1562, %multiple_of3A_1550] : memref<32x1000000xf32, #tpu.memory_space<hbm>> -> memref<32x128xf32, #tpu.memory_space<hbm>>
      tpu.enqueue_dma source(%dma_start3A_1563 : memref<32x128xf32, #tpu.memory_space<hbm>>) target(%dma_start3A_1561 : memref<32x128xf32, #tpu.memory_space<vmem>>) target_semaphore(%arg11 : memref<!tpu.dma_semaphore, #tpu.memory_space<semaphore_mem>>)
      %eq3A_1564 = arith.constant 14 : i32
      %eq3A_1565 = vector.broadcast %eq3A_1564 : i32 to vector<16xi32>
      %eq3A_1566 = arith.cmpi eq, %iota3A, %eq3A_1565 : vector<16xi32>
      %jit3A_1567 = arith.constant 0 : i32
      %broadcast_in_dim3A_1568 = vector.broadcast %jit3A_1567 : i32 to vector<16xi32>
      %select_n3A_1569 = arith.select %eq3A_1566, %get3A_28, %broadcast_in_dim3A_1568 : vector<16xi1>, vector<16xi32>
      %reduce_max3A_1570 = arith.constant true
      %reduce_max3A_1571 = vector.broadcast %reduce_max3A_1570 : i1 to vector<16xi1>
      %reduce_max3A_1572 = arith.constant -2147483648 : i32
      %reduce_max3A_1573 = vector.broadcast %reduce_max3A_1572 : i32 to vector<16xi32>
      %reduce_max3A_1574 = arith.xori %select_n3A_1569, %reduce_max3A_1573 : vector<16xi32>
      %reduce_max3A_1575 = tpu.scan <max>, %reduce_max3A_1574 masked %reduce_max3A_1571 : vector<16xi32>, vector<16xi1> -> vector<16xi32>
      %reduce_max3A_1576 = arith.xori %reduce_max3A_1575, %reduce_max3A_1573 : vector<16xi32>
      %reduce_max3A_1577 = vector.extract %reduce_max3A_1576[15] : i32 from vector<16xi32>
      %shift_right_arithmetic3A_1578 = arith.constant 7 : i32
      %shift_right_arithmetic3A_1579 = arith.shrsi %reduce_max3A_1577, %shift_right_arithmetic3A_1578 : i32
      %shift_left3A_1580 = arith.constant 7 : i32
      %shift_left3A_1581 = arith.shli %shift_right_arithmetic3A_1579, %shift_left3A_1580 : i32
      %multiple_of3A_1582 = tpu.assume_multiple %shift_left3A_1581, 128 : i32
      %dma_start3A_1583 = arith.constant 6 : i32
      %dma_start3A_1584 = arith.constant 0 : i32
      %dma_start3A_1585 = arith.constant 0 : i32
      %dma_start3A_1586 = tpu.memref_slice %arg10[%dma_start3A_1583, %dma_start3A_1584, %dma_start3A_1585] : memref<16x32x128xf32, #tpu.memory_space<vmem>> -> memref<1x32x128xf32, #tpu.memory_space<vmem>>
      %dma_start3A_1587 = tpu.memref_squeeze %dma_start3A_1586 : memref<1x32x128xf32, #tpu.memory_space<vmem>> -> memref<32x128xf32, #tpu.memory_space<vmem>>
      %dma_start3A_1588 = arith.constant 0 : i32
      %dma_start3A_1589 = tpu.memref_slice %arg2[%dma_start3A_1588, %multiple_of3A_1582] : memref<32x1000000xf32, #tpu.memory_space<hbm>> -> memref<32x128xf32, #tpu.memory_space<hbm>>
      %dma_start3A_1590 = arith.constant 0 : i32
      %dma_start3A_1591 = arith.constant 0 : i32
      %dma_start3A_1592 = tpu.memref_slice %arg10[%dma_start3A_1583, %dma_start3A_1590, %dma_start3A_1591] : memref<16x32x128xf32, #tpu.memory_space<vmem>> -> memref<1x32x128xf32, #tpu.memory_space<vmem>>
      %dma_start3A_1593 = tpu.memref_squeeze %dma_start3A_1592 : memref<1x32x128xf32, #tpu.memory_space<vmem>> -> memref<32x128xf32, #tpu.memory_space<vmem>>
      %dma_start3A_1594 = arith.constant 0 : i32
      %dma_start3A_1595 = tpu.memref_slice %arg2[%dma_start3A_1594, %multiple_of3A_1582] : memref<32x1000000xf32, #tpu.memory_space<hbm>> -> memref<32x128xf32, #tpu.memory_space<hbm>>
      tpu.enqueue_dma source(%dma_start3A_1595 : memref<32x128xf32, #tpu.memory_space<hbm>>) target(%dma_start3A_1593 : memref<32x128xf32, #tpu.memory_space<vmem>>) target_semaphore(%arg11 : memref<!tpu.dma_semaphore, #tpu.memory_space<semaphore_mem>>)
      %eq3A_1596 = arith.constant 15 : i32
      %eq3A_1597 = vector.broadcast %eq3A_1596 : i32 to vector<16xi32>
      %eq3A_1598 = arith.cmpi eq, %iota3A, %eq3A_1597 : vector<16xi32>
      %jit3A_1599 = arith.constant 0 : i32
      %broadcast_in_dim3A_1600 = vector.broadcast %jit3A_1599 : i32 to vector<16xi32>
      %select_n3A_1601 = arith.select %eq3A_1598, %get3A_28, %broadcast_in_dim3A_1600 : vector<16xi1>, vector<16xi32>
      %reduce_max3A_1602 = arith.constant true
      %reduce_max3A_1603 = vector.broadcast %reduce_max3A_1602 : i1 to vector<16xi1>
      %reduce_max3A_1604 = arith.constant -2147483648 : i32
      %reduce_max3A_1605 = vector.broadcast %reduce_max3A_1604 : i32 to vector<16xi32>
      %reduce_max3A_1606 = arith.xori %select_n3A_1601, %reduce_max3A_1605 : vector<16xi32>
      %reduce_max3A_1607 = tpu.scan <max>, %reduce_max3A_1606 masked %reduce_max3A_1603 : vector<16xi32>, vector<16xi1> -> vector<16xi32>
      %reduce_max3A_1608 = arith.xori %reduce_max3A_1607, %reduce_max3A_1605 : vector<16xi32>
      %reduce_max3A_1609 = vector.extract %reduce_max3A_1608[15] : i32 from vector<16xi32>
      %shift_right_arithmetic3A_1610 = arith.constant 7 : i32
      %shift_right_arithmetic3A_1611 = arith.shrsi %reduce_max3A_1609, %shift_right_arithmetic3A_1610 : i32
      %shift_left3A_1612 = arith.constant 7 : i32
      %shift_left3A_1613 = arith.shli %shift_right_arithmetic3A_1611, %shift_left3A_1612 : i32
      %multiple_of3A_1614 = tpu.assume_multiple %shift_left3A_1613, 128 : i32
      %dma_start3A_1615 = arith.constant 7 : i32
      %dma_start3A_1616 = arith.constant 0 : i32
      %dma_start3A_1617 = arith.constant 0 : i32
      %dma_start3A_1618 = tpu.memref_slice %arg10[%dma_start3A_1615, %dma_start3A_1616, %dma_start3A_1617] : memref<16x32x128xf32, #tpu.memory_space<vmem>> -> memref<1x32x128xf32, #tpu.memory_space<vmem>>
      %dma_start3A_1619 = tpu.memref_squeeze %dma_start3A_1618 : memref<1x32x128xf32, #tpu.memory_space<vmem>> -> memref<32x128xf32, #tpu.memory_space<vmem>>
      %dma_start3A_1620 = arith.constant 0 : i32
      %dma_start3A_1621 = tpu.memref_slice %arg2[%dma_start3A_1620, %multiple_of3A_1614] : memref<32x1000000xf32, #tpu.memory_space<hbm>> -> memref<32x128xf32, #tpu.memory_space<hbm>>
      %dma_start3A_1622 = arith.constant 0 : i32
      %dma_start3A_1623 = arith.constant 0 : i32
      %dma_start3A_1624 = tpu.memref_slice %arg10[%dma_start3A_1615, %dma_start3A_1622, %dma_start3A_1623] : memref<16x32x128xf32, #tpu.memory_space<vmem>> -> memref<1x32x128xf32, #tpu.memory_space<vmem>>
      %dma_start3A_1625 = tpu.memref_squeeze %dma_start3A_1624 : memref<1x32x128xf32, #tpu.memory_space<vmem>> -> memref<32x128xf32, #tpu.memory_space<vmem>>
      %dma_start3A_1626 = arith.constant 0 : i32
      %dma_start3A_1627 = tpu.memref_slice %arg2[%dma_start3A_1626, %multiple_of3A_1614] : memref<32x1000000xf32, #tpu.memory_space<hbm>> -> memref<32x128xf32, #tpu.memory_space<hbm>>
      tpu.enqueue_dma source(%dma_start3A_1627 : memref<32x128xf32, #tpu.memory_space<hbm>>) target(%dma_start3A_1625 : memref<32x128xf32, #tpu.memory_space<vmem>>) target_semaphore(%arg11 : memref<!tpu.dma_semaphore, #tpu.memory_space<semaphore_mem>>)
      %eq3A_1628 = arith.constant 8 : i32
      %eq3A_1629 = vector.broadcast %eq3A_1628 : i32 to vector<16xi32>
      %eq3A_1630 = arith.cmpi eq, %iota3A, %eq3A_1629 : vector<16xi32>
      %jit3A_1631 = arith.constant 0 : i32
      %broadcast_in_dim3A_1632 = vector.broadcast %jit3A_1631 : i32 to vector<16xi32>
      %select_n3A_1633 = arith.select %eq3A_1630, %get3A_32, %broadcast_in_dim3A_1632 : vector<16xi1>, vector<16xi32>
      %reduce_max3A_1634 = arith.constant true
      %reduce_max3A_1635 = vector.broadcast %reduce_max3A_1634 : i1 to vector<16xi1>
      %reduce_max3A_1636 = arith.constant -2147483648 : i32
      %reduce_max3A_1637 = vector.broadcast %reduce_max3A_1636 : i32 to vector<16xi32>
      %reduce_max3A_1638 = arith.xori %select_n3A_1633, %reduce_max3A_1637 : vector<16xi32>
      %reduce_max3A_1639 = tpu.scan <max>, %reduce_max3A_1638 masked %reduce_max3A_1635 : vector<16xi32>, vector<16xi1> -> vector<16xi32>
      %reduce_max3A_1640 = arith.xori %reduce_max3A_1639, %reduce_max3A_1637 : vector<16xi32>
      %reduce_max3A_1641 = vector.extract %reduce_max3A_1640[15] : i32 from vector<16xi32>
      %shift_right_arithmetic3A_1642 = arith.constant 7 : i32
      %shift_right_arithmetic3A_1643 = arith.shrsi %reduce_max3A_1641, %shift_right_arithmetic3A_1642 : i32
      %shift_left3A_1644 = arith.constant 7 : i32
      %shift_left3A_1645 = arith.shli %shift_right_arithmetic3A_1643, %shift_left3A_1644 : i32
      %multiple_of3A_1646 = tpu.assume_multiple %shift_left3A_1645, 128 : i32
      %dma_start3A_1647 = arith.constant 8 : i32
      %dma_start3A_1648 = arith.constant 0 : i32
      %dma_start3A_1649 = arith.constant 0 : i32
      %dma_start3A_1650 = tpu.memref_slice %arg10[%dma_start3A_1647, %dma_start3A_1648, %dma_start3A_1649] : memref<16x32x128xf32, #tpu.memory_space<vmem>> -> memref<1x32x128xf32, #tpu.memory_space<vmem>>
      %dma_start3A_1651 = tpu.memref_squeeze %dma_start3A_1650 : memref<1x32x128xf32, #tpu.memory_space<vmem>> -> memref<32x128xf32, #tpu.memory_space<vmem>>
      %dma_start3A_1652 = arith.constant 0 : i32
      %dma_start3A_1653 = tpu.memref_slice %arg3[%dma_start3A_1652, %multiple_of3A_1646] : memref<32x1000000xf32, #tpu.memory_space<hbm>> -> memref<32x128xf32, #tpu.memory_space<hbm>>
      %dma_start3A_1654 = arith.constant 0 : i32
      %dma_start3A_1655 = arith.constant 0 : i32
      %dma_start3A_1656 = tpu.memref_slice %arg10[%dma_start3A_1647, %dma_start3A_1654, %dma_start3A_1655] : memref<16x32x128xf32, #tpu.memory_space<vmem>> -> memref<1x32x128xf32, #tpu.memory_space<vmem>>
      %dma_start3A_1657 = tpu.memref_squeeze %dma_start3A_1656 : memref<1x32x128xf32, #tpu.memory_space<vmem>> -> memref<32x128xf32, #tpu.memory_space<vmem>>
      %dma_start3A_1658 = arith.constant 0 : i32
      %dma_start3A_1659 = tpu.memref_slice %arg3[%dma_start3A_1658, %multiple_of3A_1646] : memref<32x1000000xf32, #tpu.memory_space<hbm>> -> memref<32x128xf32, #tpu.memory_space<hbm>>
      tpu.enqueue_dma source(%dma_start3A_1659 : memref<32x128xf32, #tpu.memory_space<hbm>>) target(%dma_start3A_1657 : memref<32x128xf32, #tpu.memory_space<vmem>>) target_semaphore(%arg12 : memref<!tpu.dma_semaphore, #tpu.memory_space<semaphore_mem>>)
      %eq3A_1660 = arith.constant 9 : i32
      %eq3A_1661 = vector.broadcast %eq3A_1660 : i32 to vector<16xi32>
      %eq3A_1662 = arith.cmpi eq, %iota3A, %eq3A_1661 : vector<16xi32>
      %jit3A_1663 = arith.constant 0 : i32
      %broadcast_in_dim3A_1664 = vector.broadcast %jit3A_1663 : i32 to vector<16xi32>
      %select_n3A_1665 = arith.select %eq3A_1662, %get3A_32, %broadcast_in_dim3A_1664 : vector<16xi1>, vector<16xi32>
      %reduce_max3A_1666 = arith.constant true
      %reduce_max3A_1667 = vector.broadcast %reduce_max3A_1666 : i1 to vector<16xi1>
      %reduce_max3A_1668 = arith.constant -2147483648 : i32
      %reduce_max3A_1669 = vector.broadcast %reduce_max3A_1668 : i32 to vector<16xi32>
      %reduce_max3A_1670 = arith.xori %select_n3A_1665, %reduce_max3A_1669 : vector<16xi32>
      %reduce_max3A_1671 = tpu.scan <max>, %reduce_max3A_1670 masked %reduce_max3A_1667 : vector<16xi32>, vector<16xi1> -> vector<16xi32>
      %reduce_max3A_1672 = arith.xori %reduce_max3A_1671, %reduce_max3A_1669 : vector<16xi32>
      %reduce_max3A_1673 = vector.extract %reduce_max3A_1672[15] : i32 from vector<16xi32>
      %shift_right_arithmetic3A_1674 = arith.constant 7 : i32
      %shift_right_arithmetic3A_1675 = arith.shrsi %reduce_max3A_1673, %shift_right_arithmetic3A_1674 : i32
      %shift_left3A_1676 = arith.constant 7 : i32
      %shift_left3A_1677 = arith.shli %shift_right_arithmetic3A_1675, %shift_left3A_1676 : i32
      %multiple_of3A_1678 = tpu.assume_multiple %shift_left3A_1677, 128 : i32
      %dma_start3A_1679 = arith.constant 9 : i32
      %dma_start3A_1680 = arith.constant 0 : i32
      %dma_start3A_1681 = arith.constant 0 : i32
      %dma_start3A_1682 = tpu.memref_slice %arg10[%dma_start3A_1679, %dma_start3A_1680, %dma_start3A_1681] : memref<16x32x128xf32, #tpu.memory_space<vmem>> -> memref<1x32x128xf32, #tpu.memory_space<vmem>>
      %dma_start3A_1683 = tpu.memref_squeeze %dma_start3A_1682 : memref<1x32x128xf32, #tpu.memory_space<vmem>> -> memref<32x128xf32, #tpu.memory_space<vmem>>
      %dma_start3A_1684 = arith.constant 0 : i32
      %dma_start3A_1685 = tpu.memref_slice %arg3[%dma_start3A_1684, %multiple_of3A_1678] : memref<32x1000000xf32, #tpu.memory_space<hbm>> -> memref<32x128xf32, #tpu.memory_space<hbm>>
      %dma_start3A_1686 = arith.constant 0 : i32
      %dma_start3A_1687 = arith.constant 0 : i32
      %dma_start3A_1688 = tpu.memref_slice %arg10[%dma_start3A_1679, %dma_start3A_1686, %dma_start3A_1687] : memref<16x32x128xf32, #tpu.memory_space<vmem>> -> memref<1x32x128xf32, #tpu.memory_space<vmem>>
      %dma_start3A_1689 = tpu.memref_squeeze %dma_start3A_1688 : memref<1x32x128xf32, #tpu.memory_space<vmem>> -> memref<32x128xf32, #tpu.memory_space<vmem>>
      %dma_start3A_1690 = arith.constant 0 : i32
      %dma_start3A_1691 = tpu.memref_slice %arg3[%dma_start3A_1690, %multiple_of3A_1678] : memref<32x1000000xf32, #tpu.memory_space<hbm>> -> memref<32x128xf32, #tpu.memory_space<hbm>>
      tpu.enqueue_dma source(%dma_start3A_1691 : memref<32x128xf32, #tpu.memory_space<hbm>>) target(%dma_start3A_1689 : memref<32x128xf32, #tpu.memory_space<vmem>>) target_semaphore(%arg12 : memref<!tpu.dma_semaphore, #tpu.memory_space<semaphore_mem>>)
      %eq3A_1692 = arith.constant 10 : i32
      %eq3A_1693 = vector.broadcast %eq3A_1692 : i32 to vector<16xi32>
      %eq3A_1694 = arith.cmpi eq, %iota3A, %eq3A_1693 : vector<16xi32>
      %jit3A_1695 = arith.constant 0 : i32
      %broadcast_in_dim3A_1696 = vector.broadcast %jit3A_1695 : i32 to vector<16xi32>
      %select_n3A_1697 = arith.select %eq3A_1694, %get3A_32, %broadcast_in_dim3A_1696 : vector<16xi1>, vector<16xi32>
      %reduce_max3A_1698 = arith.constant true
      %reduce_max3A_1699 = vector.broadcast %reduce_max3A_1698 : i1 to vector<16xi1>
      %reduce_max3A_1700 = arith.constant -2147483648 : i32
      %reduce_max3A_1701 = vector.broadcast %reduce_max3A_1700 : i32 to vector<16xi32>
      %reduce_max3A_1702 = arith.xori %select_n3A_1697, %reduce_max3A_1701 : vector<16xi32>
      %reduce_max3A_1703 = tpu.scan <max>, %reduce_max3A_1702 masked %reduce_max3A_1699 : vector<16xi32>, vector<16xi1> -> vector<16xi32>
      %reduce_max3A_1704 = arith.xori %reduce_max3A_1703, %reduce_max3A_1701 : vector<16xi32>
      %reduce_max3A_1705 = vector.extract %reduce_max3A_1704[15] : i32 from vector<16xi32>
      %shift_right_arithmetic3A_1706 = arith.constant 7 : i32
      %shift_right_arithmetic3A_1707 = arith.shrsi %reduce_max3A_1705, %shift_right_arithmetic3A_1706 : i32
      %shift_left3A_1708 = arith.constant 7 : i32
      %shift_left3A_1709 = arith.shli %shift_right_arithmetic3A_1707, %shift_left3A_1708 : i32
      %multiple_of3A_1710 = tpu.assume_multiple %shift_left3A_1709, 128 : i32
      %dma_start3A_1711 = arith.constant 10 : i32
      %dma_start3A_1712 = arith.constant 0 : i32
      %dma_start3A_1713 = arith.constant 0 : i32
      %dma_start3A_1714 = tpu.memref_slice %arg10[%dma_start3A_1711, %dma_start3A_1712, %dma_start3A_1713] : memref<16x32x128xf32, #tpu.memory_space<vmem>> -> memref<1x32x128xf32, #tpu.memory_space<vmem>>
      %dma_start3A_1715 = tpu.memref_squeeze %dma_start3A_1714 : memref<1x32x128xf32, #tpu.memory_space<vmem>> -> memref<32x128xf32, #tpu.memory_space<vmem>>
      %dma_start3A_1716 = arith.constant 0 : i32
      %dma_start3A_1717 = tpu.memref_slice %arg3[%dma_start3A_1716, %multiple_of3A_1710] : memref<32x1000000xf32, #tpu.memory_space<hbm>> -> memref<32x128xf32, #tpu.memory_space<hbm>>
      %dma_start3A_1718 = arith.constant 0 : i32
      %dma_start3A_1719 = arith.constant 0 : i32
      %dma_start3A_1720 = tpu.memref_slice %arg10[%dma_start3A_1711, %dma_start3A_1718, %dma_start3A_1719] : memref<16x32x128xf32, #tpu.memory_space<vmem>> -> memref<1x32x128xf32, #tpu.memory_space<vmem>>
      %dma_start3A_1721 = tpu.memref_squeeze %dma_start3A_1720 : memref<1x32x128xf32, #tpu.memory_space<vmem>> -> memref<32x128xf32, #tpu.memory_space<vmem>>
      %dma_start3A_1722 = arith.constant 0 : i32
      %dma_start3A_1723 = tpu.memref_slice %arg3[%dma_start3A_1722, %multiple_of3A_1710] : memref<32x1000000xf32, #tpu.memory_space<hbm>> -> memref<32x128xf32, #tpu.memory_space<hbm>>
      tpu.enqueue_dma source(%dma_start3A_1723 : memref<32x128xf32, #tpu.memory_space<hbm>>) target(%dma_start3A_1721 : memref<32x128xf32, #tpu.memory_space<vmem>>) target_semaphore(%arg12 : memref<!tpu.dma_semaphore, #tpu.memory_space<semaphore_mem>>)
      %eq3A_1724 = arith.constant 11 : i32
      %eq3A_1725 = vector.broadcast %eq3A_1724 : i32 to vector<16xi32>
      %eq3A_1726 = arith.cmpi eq, %iota3A, %eq3A_1725 : vector<16xi32>
      %jit3A_1727 = arith.constant 0 : i32
      %broadcast_in_dim3A_1728 = vector.broadcast %jit3A_1727 : i32 to vector<16xi32>
      %select_n3A_1729 = arith.select %eq3A_1726, %get3A_32, %broadcast_in_dim3A_1728 : vector<16xi1>, vector<16xi32>
      %reduce_max3A_1730 = arith.constant true
      %reduce_max3A_1731 = vector.broadcast %reduce_max3A_1730 : i1 to vector<16xi1>
      %reduce_max3A_1732 = arith.constant -2147483648 : i32
      %reduce_max3A_1733 = vector.broadcast %reduce_max3A_1732 : i32 to vector<16xi32>
      %reduce_max3A_1734 = arith.xori %select_n3A_1729, %reduce_max3A_1733 : vector<16xi32>
      %reduce_max3A_1735 = tpu.scan <max>, %reduce_max3A_1734 masked %reduce_max3A_1731 : vector<16xi32>, vector<16xi1> -> vector<16xi32>
      %reduce_max3A_1736 = arith.xori %reduce_max3A_1735, %reduce_max3A_1733 : vector<16xi32>
      %reduce_max3A_1737 = vector.extract %reduce_max3A_1736[15] : i32 from vector<16xi32>
      %shift_right_arithmetic3A_1738 = arith.constant 7 : i32
      %shift_right_arithmetic3A_1739 = arith.shrsi %reduce_max3A_1737, %shift_right_arithmetic3A_1738 : i32
      %shift_left3A_1740 = arith.constant 7 : i32
      %shift_left3A_1741 = arith.shli %shift_right_arithmetic3A_1739, %shift_left3A_1740 : i32
      %multiple_of3A_1742 = tpu.assume_multiple %shift_left3A_1741, 128 : i32
      %dma_start3A_1743 = arith.constant 11 : i32
      %dma_start3A_1744 = arith.constant 0 : i32
      %dma_start3A_1745 = arith.constant 0 : i32
      %dma_start3A_1746 = tpu.memref_slice %arg10[%dma_start3A_1743, %dma_start3A_1744, %dma_start3A_1745] : memref<16x32x128xf32, #tpu.memory_space<vmem>> -> memref<1x32x128xf32, #tpu.memory_space<vmem>>
      %dma_start3A_1747 = tpu.memref_squeeze %dma_start3A_1746 : memref<1x32x128xf32, #tpu.memory_space<vmem>> -> memref<32x128xf32, #tpu.memory_space<vmem>>
      %dma_start3A_1748 = arith.constant 0 : i32
      %dma_start3A_1749 = tpu.memref_slice %arg3[%dma_start3A_1748, %multiple_of3A_1742] : memref<32x1000000xf32, #tpu.memory_space<hbm>> -> memref<32x128xf32, #tpu.memory_space<hbm>>
      %dma_start3A_1750 = arith.constant 0 : i32
      %dma_start3A_1751 = arith.constant 0 : i32
      %dma_start3A_1752 = tpu.memref_slice %arg10[%dma_start3A_1743, %dma_start3A_1750, %dma_start3A_1751] : memref<16x32x128xf32, #tpu.memory_space<vmem>> -> memref<1x32x128xf32, #tpu.memory_space<vmem>>
      %dma_start3A_1753 = tpu.memref_squeeze %dma_start3A_1752 : memref<1x32x128xf32, #tpu.memory_space<vmem>> -> memref<32x128xf32, #tpu.memory_space<vmem>>
      %dma_start3A_1754 = arith.constant 0 : i32
      %dma_start3A_1755 = tpu.memref_slice %arg3[%dma_start3A_1754, %multiple_of3A_1742] : memref<32x1000000xf32, #tpu.memory_space<hbm>> -> memref<32x128xf32, #tpu.memory_space<hbm>>
      tpu.enqueue_dma source(%dma_start3A_1755 : memref<32x128xf32, #tpu.memory_space<hbm>>) target(%dma_start3A_1753 : memref<32x128xf32, #tpu.memory_space<vmem>>) target_semaphore(%arg12 : memref<!tpu.dma_semaphore, #tpu.memory_space<semaphore_mem>>)
      %eq3A_1756 = arith.constant 12 : i32
      %eq3A_1757 = vector.broadcast %eq3A_1756 : i32 to vector<16xi32>
      %eq3A_1758 = arith.cmpi eq, %iota3A, %eq3A_1757 : vector<16xi32>
      %jit3A_1759 = arith.constant 0 : i32
      %broadcast_in_dim3A_1760 = vector.broadcast %jit3A_1759 : i32 to vector<16xi32>
      %select_n3A_1761 = arith.select %eq3A_1758, %get3A_32, %broadcast_in_dim3A_1760 : vector<16xi1>, vector<16xi32>
      %reduce_max3A_1762 = arith.constant true
      %reduce_max3A_1763 = vector.broadcast %reduce_max3A_1762 : i1 to vector<16xi1>
      %reduce_max3A_1764 = arith.constant -2147483648 : i32
      %reduce_max3A_1765 = vector.broadcast %reduce_max3A_1764 : i32 to vector<16xi32>
      %reduce_max3A_1766 = arith.xori %select_n3A_1761, %reduce_max3A_1765 : vector<16xi32>
      %reduce_max3A_1767 = tpu.scan <max>, %reduce_max3A_1766 masked %reduce_max3A_1763 : vector<16xi32>, vector<16xi1> -> vector<16xi32>
      %reduce_max3A_1768 = arith.xori %reduce_max3A_1767, %reduce_max3A_1765 : vector<16xi32>
      %reduce_max3A_1769 = vector.extract %reduce_max3A_1768[15] : i32 from vector<16xi32>
      %shift_right_arithmetic3A_1770 = arith.constant 7 : i32
      %shift_right_arithmetic3A_1771 = arith.shrsi %reduce_max3A_1769, %shift_right_arithmetic3A_1770 : i32
      %shift_left3A_1772 = arith.constant 7 : i32
      %shift_left3A_1773 = arith.shli %shift_right_arithmetic3A_1771, %shift_left3A_1772 : i32
      %multiple_of3A_1774 = tpu.assume_multiple %shift_left3A_1773, 128 : i32
      %dma_start3A_1775 = arith.constant 12 : i32
      %dma_start3A_1776 = arith.constant 0 : i32
      %dma_start3A_1777 = arith.constant 0 : i32
      %dma_start3A_1778 = tpu.memref_slice %arg10[%dma_start3A_1775, %dma_start3A_1776, %dma_start3A_1777] : memref<16x32x128xf32, #tpu.memory_space<vmem>> -> memref<1x32x128xf32, #tpu.memory_space<vmem>>
      %dma_start3A_1779 = tpu.memref_squeeze %dma_start3A_1778 : memref<1x32x128xf32, #tpu.memory_space<vmem>> -> memref<32x128xf32, #tpu.memory_space<vmem>>
      %dma_start3A_1780 = arith.constant 0 : i32
      %dma_start3A_1781 = tpu.memref_slice %arg3[%dma_start3A_1780, %multiple_of3A_1774] : memref<32x1000000xf32, #tpu.memory_space<hbm>> -> memref<32x128xf32, #tpu.memory_space<hbm>>
      %dma_start3A_1782 = arith.constant 0 : i32
      %dma_start3A_1783 = arith.constant 0 : i32
      %dma_start3A_1784 = tpu.memref_slice %arg10[%dma_start3A_1775, %dma_start3A_1782, %dma_start3A_1783] : memref<16x32x128xf32, #tpu.memory_space<vmem>> -> memref<1x32x128xf32, #tpu.memory_space<vmem>>
      %dma_start3A_1785 = tpu.memref_squeeze %dma_start3A_1784 : memref<1x32x128xf32, #tpu.memory_space<vmem>> -> memref<32x128xf32, #tpu.memory_space<vmem>>
      %dma_start3A_1786 = arith.constant 0 : i32
      %dma_start3A_1787 = tpu.memref_slice %arg3[%dma_start3A_1786, %multiple_of3A_1774] : memref<32x1000000xf32, #tpu.memory_space<hbm>> -> memref<32x128xf32, #tpu.memory_space<hbm>>
      tpu.enqueue_dma source(%dma_start3A_1787 : memref<32x128xf32, #tpu.memory_space<hbm>>) target(%dma_start3A_1785 : memref<32x128xf32, #tpu.memory_space<vmem>>) target_semaphore(%arg12 : memref<!tpu.dma_semaphore, #tpu.memory_space<semaphore_mem>>)
      %eq3A_1788 = arith.constant 13 : i32
      %eq3A_1789 = vector.broadcast %eq3A_1788 : i32 to vector<16xi32>
      %eq3A_1790 = arith.cmpi eq, %iota3A, %eq3A_1789 : vector<16xi32>
      %jit3A_1791 = arith.constant 0 : i32
      %broadcast_in_dim3A_1792 = vector.broadcast %jit3A_1791 : i32 to vector<16xi32>
      %select_n3A_1793 = arith.select %eq3A_1790, %get3A_32, %broadcast_in_dim3A_1792 : vector<16xi1>, vector<16xi32>
      %reduce_max3A_1794 = arith.constant true
      %reduce_max3A_1795 = vector.broadcast %reduce_max3A_1794 : i1 to vector<16xi1>
      %reduce_max3A_1796 = arith.constant -2147483648 : i32
      %reduce_max3A_1797 = vector.broadcast %reduce_max3A_1796 : i32 to vector<16xi32>
      %reduce_max3A_1798 = arith.xori %select_n3A_1793, %reduce_max3A_1797 : vector<16xi32>
      %reduce_max3A_1799 = tpu.scan <max>, %reduce_max3A_1798 masked %reduce_max3A_1795 : vector<16xi32>, vector<16xi1> -> vector<16xi32>
      %reduce_max3A_1800 = arith.xori %reduce_max3A_1799, %reduce_max3A_1797 : vector<16xi32>
      %reduce_max3A_1801 = vector.extract %reduce_max3A_1800[15] : i32 from vector<16xi32>
      %shift_right_arithmetic3A_1802 = arith.constant 7 : i32
      %shift_right_arithmetic3A_1803 = arith.shrsi %reduce_max3A_1801, %shift_right_arithmetic3A_1802 : i32
      %shift_left3A_1804 = arith.constant 7 : i32
      %shift_left3A_1805 = arith.shli %shift_right_arithmetic3A_1803, %shift_left3A_1804 : i32
      %multiple_of3A_1806 = tpu.assume_multiple %shift_left3A_1805, 128 : i32
      %dma_start3A_1807 = arith.constant 13 : i32
      %dma_start3A_1808 = arith.constant 0 : i32
      %dma_start3A_1809 = arith.constant 0 : i32
      %dma_start3A_1810 = tpu.memref_slice %arg10[%dma_start3A_1807, %dma_start3A_1808, %dma_start3A_1809] : memref<16x32x128xf32, #tpu.memory_space<vmem>> -> memref<1x32x128xf32, #tpu.memory_space<vmem>>
      %dma_start3A_1811 = tpu.memref_squeeze %dma_start3A_1810 : memref<1x32x128xf32, #tpu.memory_space<vmem>> -> memref<32x128xf32, #tpu.memory_space<vmem>>
      %dma_start3A_1812 = arith.constant 0 : i32
      %dma_start3A_1813 = tpu.memref_slice %arg3[%dma_start3A_1812, %multiple_of3A_1806] : memref<32x1000000xf32, #tpu.memory_space<hbm>> -> memref<32x128xf32, #tpu.memory_space<hbm>>
      %dma_start3A_1814 = arith.constant 0 : i32
      %dma_start3A_1815 = arith.constant 0 : i32
      %dma_start3A_1816 = tpu.memref_slice %arg10[%dma_start3A_1807, %dma_start3A_1814, %dma_start3A_1815] : memref<16x32x128xf32, #tpu.memory_space<vmem>> -> memref<1x32x128xf32, #tpu.memory_space<vmem>>
      %dma_start3A_1817 = tpu.memref_squeeze %dma_start3A_1816 : memref<1x32x128xf32, #tpu.memory_space<vmem>> -> memref<32x128xf32, #tpu.memory_space<vmem>>
      %dma_start3A_1818 = arith.constant 0 : i32
      %dma_start3A_1819 = tpu.memref_slice %arg3[%dma_start3A_1818, %multiple_of3A_1806] : memref<32x1000000xf32, #tpu.memory_space<hbm>> -> memref<32x128xf32, #tpu.memory_space<hbm>>
      tpu.enqueue_dma source(%dma_start3A_1819 : memref<32x128xf32, #tpu.memory_space<hbm>>) target(%dma_start3A_1817 : memref<32x128xf32, #tpu.memory_space<vmem>>) target_semaphore(%arg12 : memref<!tpu.dma_semaphore, #tpu.memory_space<semaphore_mem>>)
      %eq3A_1820 = arith.constant 14 : i32
      %eq3A_1821 = vector.broadcast %eq3A_1820 : i32 to vector<16xi32>
      %eq3A_1822 = arith.cmpi eq, %iota3A, %eq3A_1821 : vector<16xi32>
      %jit3A_1823 = arith.constant 0 : i32
      %broadcast_in_dim3A_1824 = vector.broadcast %jit3A_1823 : i32 to vector<16xi32>
      %select_n3A_1825 = arith.select %eq3A_1822, %get3A_32, %broadcast_in_dim3A_1824 : vector<16xi1>, vector<16xi32>
      %reduce_max3A_1826 = arith.constant true
      %reduce_max3A_1827 = vector.broadcast %reduce_max3A_1826 : i1 to vector<16xi1>
      %reduce_max3A_1828 = arith.constant -2147483648 : i32
      %reduce_max3A_1829 = vector.broadcast %reduce_max3A_1828 : i32 to vector<16xi32>
      %reduce_max3A_1830 = arith.xori %select_n3A_1825, %reduce_max3A_1829 : vector<16xi32>
      %reduce_max3A_1831 = tpu.scan <max>, %reduce_max3A_1830 masked %reduce_max3A_1827 : vector<16xi32>, vector<16xi1> -> vector<16xi32>
      %reduce_max3A_1832 = arith.xori %reduce_max3A_1831, %reduce_max3A_1829 : vector<16xi32>
      %reduce_max3A_1833 = vector.extract %reduce_max3A_1832[15] : i32 from vector<16xi32>
      %shift_right_arithmetic3A_1834 = arith.constant 7 : i32
      %shift_right_arithmetic3A_1835 = arith.shrsi %reduce_max3A_1833, %shift_right_arithmetic3A_1834 : i32
      %shift_left3A_1836 = arith.constant 7 : i32
      %shift_left3A_1837 = arith.shli %shift_right_arithmetic3A_1835, %shift_left3A_1836 : i32
      %multiple_of3A_1838 = tpu.assume_multiple %shift_left3A_1837, 128 : i32
      %dma_start3A_1839 = arith.constant 14 : i32
      %dma_start3A_1840 = arith.constant 0 : i32
      %dma_start3A_1841 = arith.constant 0 : i32
      %dma_start3A_1842 = tpu.memref_slice %arg10[%dma_start3A_1839, %dma_start3A_1840, %dma_start3A_1841] : memref<16x32x128xf32, #tpu.memory_space<vmem>> -> memref<1x32x128xf32, #tpu.memory_space<vmem>>
      %dma_start3A_1843 = tpu.memref_squeeze %dma_start3A_1842 : memref<1x32x128xf32, #tpu.memory_space<vmem>> -> memref<32x128xf32, #tpu.memory_space<vmem>>
      %dma_start3A_1844 = arith.constant 0 : i32
      %dma_start3A_1845 = tpu.memref_slice %arg3[%dma_start3A_1844, %multiple_of3A_1838] : memref<32x1000000xf32, #tpu.memory_space<hbm>> -> memref<32x128xf32, #tpu.memory_space<hbm>>
      %dma_start3A_1846 = arith.constant 0 : i32
      %dma_start3A_1847 = arith.constant 0 : i32
      %dma_start3A_1848 = tpu.memref_slice %arg10[%dma_start3A_1839, %dma_start3A_1846, %dma_start3A_1847] : memref<16x32x128xf32, #tpu.memory_space<vmem>> -> memref<1x32x128xf32, #tpu.memory_space<vmem>>
      %dma_start3A_1849 = tpu.memref_squeeze %dma_start3A_1848 : memref<1x32x128xf32, #tpu.memory_space<vmem>> -> memref<32x128xf32, #tpu.memory_space<vmem>>
      %dma_start3A_1850 = arith.constant 0 : i32
      %dma_start3A_1851 = tpu.memref_slice %arg3[%dma_start3A_1850, %multiple_of3A_1838] : memref<32x1000000xf32, #tpu.memory_space<hbm>> -> memref<32x128xf32, #tpu.memory_space<hbm>>
      tpu.enqueue_dma source(%dma_start3A_1851 : memref<32x128xf32, #tpu.memory_space<hbm>>) target(%dma_start3A_1849 : memref<32x128xf32, #tpu.memory_space<vmem>>) target_semaphore(%arg12 : memref<!tpu.dma_semaphore, #tpu.memory_space<semaphore_mem>>)
      %eq3A_1852 = arith.constant 15 : i32
      %eq3A_1853 = vector.broadcast %eq3A_1852 : i32 to vector<16xi32>
      %eq3A_1854 = arith.cmpi eq, %iota3A, %eq3A_1853 : vector<16xi32>
      %jit3A_1855 = arith.constant 0 : i32
      %broadcast_in_dim3A_1856 = vector.broadcast %jit3A_1855 : i32 to vector<16xi32>
      %select_n3A_1857 = arith.select %eq3A_1854, %get3A_32, %broadcast_in_dim3A_1856 : vector<16xi1>, vector<16xi32>
      %reduce_max3A_1858 = arith.constant true
      %reduce_max3A_1859 = vector.broadcast %reduce_max3A_1858 : i1 to vector<16xi1>
      %reduce_max3A_1860 = arith.constant -2147483648 : i32
      %reduce_max3A_1861 = vector.broadcast %reduce_max3A_1860 : i32 to vector<16xi32>
      %reduce_max3A_1862 = arith.xori %select_n3A_1857, %reduce_max3A_1861 : vector<16xi32>
      %reduce_max3A_1863 = tpu.scan <max>, %reduce_max3A_1862 masked %reduce_max3A_1859 : vector<16xi32>, vector<16xi1> -> vector<16xi32>
      %reduce_max3A_1864 = arith.xori %reduce_max3A_1863, %reduce_max3A_1861 : vector<16xi32>
      %reduce_max3A_1865 = vector.extract %reduce_max3A_1864[15] : i32 from vector<16xi32>
      %shift_right_arithmetic3A_1866 = arith.constant 7 : i32
      %shift_right_arithmetic3A_1867 = arith.shrsi %reduce_max3A_1865, %shift_right_arithmetic3A_1866 : i32
      %shift_left3A_1868 = arith.constant 7 : i32
      %shift_left3A_1869 = arith.shli %shift_right_arithmetic3A_1867, %shift_left3A_1868 : i32
      %multiple_of3A_1870 = tpu.assume_multiple %shift_left3A_1869, 128 : i32
      %dma_start3A_1871 = arith.constant 15 : i32
      %dma_start3A_1872 = arith.constant 0 : i32
      %dma_start3A_1873 = arith.constant 0 : i32
      %dma_start3A_1874 = tpu.memref_slice %arg10[%dma_start3A_1871, %dma_start3A_1872, %dma_start3A_1873] : memref<16x32x128xf32, #tpu.memory_space<vmem>> -> memref<1x32x128xf32, #tpu.memory_space<vmem>>
      %dma_start3A_1875 = tpu.memref_squeeze %dma_start3A_1874 : memref<1x32x128xf32, #tpu.memory_space<vmem>> -> memref<32x128xf32, #tpu.memory_space<vmem>>
      %dma_start3A_1876 = arith.constant 0 : i32
      %dma_start3A_1877 = tpu.memref_slice %arg3[%dma_start3A_1876, %multiple_of3A_1870] : memref<32x1000000xf32, #tpu.memory_space<hbm>> -> memref<32x128xf32, #tpu.memory_space<hbm>>
      %dma_start3A_1878 = arith.constant 0 : i32
      %dma_start3A_1879 = arith.constant 0 : i32
      %dma_start3A_1880 = tpu.memref_slice %arg10[%dma_start3A_1871, %dma_start3A_1878, %dma_start3A_1879] : memref<16x32x128xf32, #tpu.memory_space<vmem>> -> memref<1x32x128xf32, #tpu.memory_space<vmem>>
      %dma_start3A_1881 = tpu.memref_squeeze %dma_start3A_1880 : memref<1x32x128xf32, #tpu.memory_space<vmem>> -> memref<32x128xf32, #tpu.memory_space<vmem>>
      %dma_start3A_1882 = arith.constant 0 : i32
      %dma_start3A_1883 = tpu.memref_slice %arg3[%dma_start3A_1882, %multiple_of3A_1870] : memref<32x1000000xf32, #tpu.memory_space<hbm>> -> memref<32x128xf32, #tpu.memory_space<hbm>>
      tpu.enqueue_dma source(%dma_start3A_1883 : memref<32x128xf32, #tpu.memory_space<hbm>>) target(%dma_start3A_1881 : memref<32x128xf32, #tpu.memory_space<vmem>>) target_semaphore(%arg12 : memref<!tpu.dma_semaphore, #tpu.memory_space<semaphore_mem>>)
      %dma_wait3A_1884 = arith.constant 0 : i32
      %dma_wait3A_1885 = arith.constant 0 : i32
      %dma_wait3A_1886 = arith.constant 0 : i32
      %dma_wait3A_1887 = tpu.memref_slice %arg10[%dma_wait3A_1884, %dma_wait3A_1885, %dma_wait3A_1886] : memref<16x32x128xf32, #tpu.memory_space<vmem>> -> memref<1x32x128xf32, #tpu.memory_space<vmem>>
      %dma_wait3A_1888 = tpu.memref_squeeze %dma_wait3A_1887 : memref<1x32x128xf32, #tpu.memory_space<vmem>> -> memref<32x128xf32, #tpu.memory_space<vmem>>
      %dma_wait3A_1889 = arith.constant 0 : i32
      %dma_wait3A_1890 = tpu.memref_slice %arg2[%dma_wait3A_1889, %multiple_of3A_1390] : memref<32x1000000xf32, #tpu.memory_space<hbm>> -> memref<32x128xf32, #tpu.memory_space<hbm>>
      %dma_wait3A_1891 = arith.constant 0 : i32
      %dma_wait3A_1892 = arith.constant 0 : i32
      %dma_wait3A_1893 = tpu.memref_slice %arg10[%dma_wait3A_1884, %dma_wait3A_1891, %dma_wait3A_1892] : memref<16x32x128xf32, #tpu.memory_space<vmem>> -> memref<1x32x128xf32, #tpu.memory_space<vmem>>
      %dma_wait3A_1894 = tpu.memref_squeeze %dma_wait3A_1893 : memref<1x32x128xf32, #tpu.memory_space<vmem>> -> memref<32x128xf32, #tpu.memory_space<vmem>>
      %dma_wait3A_1895 = arith.constant 0 : i32
      %dma_wait3A_1896 = tpu.memref_slice %arg2[%dma_wait3A_1895, %multiple_of3A_1390] : memref<32x1000000xf32, #tpu.memory_space<hbm>> -> memref<32x128xf32, #tpu.memory_space<hbm>>
      tpu.wait_dma2 semaphore(%arg11 : memref<!tpu.dma_semaphore, #tpu.memory_space<semaphore_mem>>) src(%dma_wait3A_1896 : memref<32x128xf32, #tpu.memory_space<hbm>>) dst(%dma_wait3A_1894 : memref<32x128xf32, #tpu.memory_space<vmem>>)
      %dma_wait3A_1897 = arith.constant 1 : i32
      %dma_wait3A_1898 = arith.constant 0 : i32
      %dma_wait3A_1899 = arith.constant 0 : i32
      %dma_wait3A_1900 = tpu.memref_slice %arg10[%dma_wait3A_1897, %dma_wait3A_1898, %dma_wait3A_1899] : memref<16x32x128xf32, #tpu.memory_space<vmem>> -> memref<1x32x128xf32, #tpu.memory_space<vmem>>
      %dma_wait3A_1901 = tpu.memref_squeeze %dma_wait3A_1900 : memref<1x32x128xf32, #tpu.memory_space<vmem>> -> memref<32x128xf32, #tpu.memory_space<vmem>>
      %dma_wait3A_1902 = arith.constant 0 : i32
      %dma_wait3A_1903 = tpu.memref_slice %arg2[%dma_wait3A_1902, %multiple_of3A_1422] : memref<32x1000000xf32, #tpu.memory_space<hbm>> -> memref<32x128xf32, #tpu.memory_space<hbm>>
      %dma_wait3A_1904 = arith.constant 0 : i32
      %dma_wait3A_1905 = arith.constant 0 : i32
      %dma_wait3A_1906 = tpu.memref_slice %arg10[%dma_wait3A_1897, %dma_wait3A_1904, %dma_wait3A_1905] : memref<16x32x128xf32, #tpu.memory_space<vmem>> -> memref<1x32x128xf32, #tpu.memory_space<vmem>>
      %dma_wait3A_1907 = tpu.memref_squeeze %dma_wait3A_1906 : memref<1x32x128xf32, #tpu.memory_space<vmem>> -> memref<32x128xf32, #tpu.memory_space<vmem>>
      %dma_wait3A_1908 = arith.constant 0 : i32
      %dma_wait3A_1909 = tpu.memref_slice %arg2[%dma_wait3A_1908, %multiple_of3A_1422] : memref<32x1000000xf32, #tpu.memory_space<hbm>> -> memref<32x128xf32, #tpu.memory_space<hbm>>
      tpu.wait_dma2 semaphore(%arg11 : memref<!tpu.dma_semaphore, #tpu.memory_space<semaphore_mem>>) src(%dma_wait3A_1909 : memref<32x128xf32, #tpu.memory_space<hbm>>) dst(%dma_wait3A_1907 : memref<32x128xf32, #tpu.memory_space<vmem>>)
      %dma_wait3A_1910 = arith.constant 2 : i32
      %dma_wait3A_1911 = arith.constant 0 : i32
      %dma_wait3A_1912 = arith.constant 0 : i32
      %dma_wait3A_1913 = tpu.memref_slice %arg10[%dma_wait3A_1910, %dma_wait3A_1911, %dma_wait3A_1912] : memref<16x32x128xf32, #tpu.memory_space<vmem>> -> memref<1x32x128xf32, #tpu.memory_space<vmem>>
      %dma_wait3A_1914 = tpu.memref_squeeze %dma_wait3A_1913 : memref<1x32x128xf32, #tpu.memory_space<vmem>> -> memref<32x128xf32, #tpu.memory_space<vmem>>
      %dma_wait3A_1915 = arith.constant 0 : i32
      %dma_wait3A_1916 = tpu.memref_slice %arg2[%dma_wait3A_1915, %multiple_of3A_1454] : memref<32x1000000xf32, #tpu.memory_space<hbm>> -> memref<32x128xf32, #tpu.memory_space<hbm>>
      %dma_wait3A_1917 = arith.constant 0 : i32
      %dma_wait3A_1918 = arith.constant 0 : i32
      %dma_wait3A_1919 = tpu.memref_slice %arg10[%dma_wait3A_1910, %dma_wait3A_1917, %dma_wait3A_1918] : memref<16x32x128xf32, #tpu.memory_space<vmem>> -> memref<1x32x128xf32, #tpu.memory_space<vmem>>
      %dma_wait3A_1920 = tpu.memref_squeeze %dma_wait3A_1919 : memref<1x32x128xf32, #tpu.memory_space<vmem>> -> memref<32x128xf32, #tpu.memory_space<vmem>>
      %dma_wait3A_1921 = arith.constant 0 : i32
      %dma_wait3A_1922 = tpu.memref_slice %arg2[%dma_wait3A_1921, %multiple_of3A_1454] : memref<32x1000000xf32, #tpu.memory_space<hbm>> -> memref<32x128xf32, #tpu.memory_space<hbm>>
      tpu.wait_dma2 semaphore(%arg11 : memref<!tpu.dma_semaphore, #tpu.memory_space<semaphore_mem>>) src(%dma_wait3A_1922 : memref<32x128xf32, #tpu.memory_space<hbm>>) dst(%dma_wait3A_1920 : memref<32x128xf32, #tpu.memory_space<vmem>>)
      %dma_wait3A_1923 = arith.constant 3 : i32
      %dma_wait3A_1924 = arith.constant 0 : i32
      %dma_wait3A_1925 = arith.constant 0 : i32
      %dma_wait3A_1926 = tpu.memref_slice %arg10[%dma_wait3A_1923, %dma_wait3A_1924, %dma_wait3A_1925] : memref<16x32x128xf32, #tpu.memory_space<vmem>> -> memref<1x32x128xf32, #tpu.memory_space<vmem>>
      %dma_wait3A_1927 = tpu.memref_squeeze %dma_wait3A_1926 : memref<1x32x128xf32, #tpu.memory_space<vmem>> -> memref<32x128xf32, #tpu.memory_space<vmem>>
      %dma_wait3A_1928 = arith.constant 0 : i32
      %dma_wait3A_1929 = tpu.memref_slice %arg2[%dma_wait3A_1928, %multiple_of3A_1486] : memref<32x1000000xf32, #tpu.memory_space<hbm>> -> memref<32x128xf32, #tpu.memory_space<hbm>>
      %dma_wait3A_1930 = arith.constant 0 : i32
      %dma_wait3A_1931 = arith.constant 0 : i32
      %dma_wait3A_1932 = tpu.memref_slice %arg10[%dma_wait3A_1923, %dma_wait3A_1930, %dma_wait3A_1931] : memref<16x32x128xf32, #tpu.memory_space<vmem>> -> memref<1x32x128xf32, #tpu.memory_space<vmem>>
      %dma_wait3A_1933 = tpu.memref_squeeze %dma_wait3A_1932 : memref<1x32x128xf32, #tpu.memory_space<vmem>> -> memref<32x128xf32, #tpu.memory_space<vmem>>
      %dma_wait3A_1934 = arith.constant 0 : i32
      %dma_wait3A_1935 = tpu.memref_slice %arg2[%dma_wait3A_1934, %multiple_of3A_1486] : memref<32x1000000xf32, #tpu.memory_space<hbm>> -> memref<32x128xf32, #tpu.memory_space<hbm>>
      tpu.wait_dma2 semaphore(%arg11 : memref<!tpu.dma_semaphore, #tpu.memory_space<semaphore_mem>>) src(%dma_wait3A_1935 : memref<32x128xf32, #tpu.memory_space<hbm>>) dst(%dma_wait3A_1933 : memref<32x128xf32, #tpu.memory_space<vmem>>)
      %dma_wait3A_1936 = arith.constant 4 : i32
      %dma_wait3A_1937 = arith.constant 0 : i32
      %dma_wait3A_1938 = arith.constant 0 : i32
      %dma_wait3A_1939 = tpu.memref_slice %arg10[%dma_wait3A_1936, %dma_wait3A_1937, %dma_wait3A_1938] : memref<16x32x128xf32, #tpu.memory_space<vmem>> -> memref<1x32x128xf32, #tpu.memory_space<vmem>>
      %dma_wait3A_1940 = tpu.memref_squeeze %dma_wait3A_1939 : memref<1x32x128xf32, #tpu.memory_space<vmem>> -> memref<32x128xf32, #tpu.memory_space<vmem>>
      %dma_wait3A_1941 = arith.constant 0 : i32
      %dma_wait3A_1942 = tpu.memref_slice %arg2[%dma_wait3A_1941, %multiple_of3A_1518] : memref<32x1000000xf32, #tpu.memory_space<hbm>> -> memref<32x128xf32, #tpu.memory_space<hbm>>
      %dma_wait3A_1943 = arith.constant 0 : i32
      %dma_wait3A_1944 = arith.constant 0 : i32
      %dma_wait3A_1945 = tpu.memref_slice %arg10[%dma_wait3A_1936, %dma_wait3A_1943, %dma_wait3A_1944] : memref<16x32x128xf32, #tpu.memory_space<vmem>> -> memref<1x32x128xf32, #tpu.memory_space<vmem>>
      %dma_wait3A_1946 = tpu.memref_squeeze %dma_wait3A_1945 : memref<1x32x128xf32, #tpu.memory_space<vmem>> -> memref<32x128xf32, #tpu.memory_space<vmem>>
      %dma_wait3A_1947 = arith.constant 0 : i32
      %dma_wait3A_1948 = tpu.memref_slice %arg2[%dma_wait3A_1947, %multiple_of3A_1518] : memref<32x1000000xf32, #tpu.memory_space<hbm>> -> memref<32x128xf32, #tpu.memory_space<hbm>>
      tpu.wait_dma2 semaphore(%arg11 : memref<!tpu.dma_semaphore, #tpu.memory_space<semaphore_mem>>) src(%dma_wait3A_1948 : memref<32x128xf32, #tpu.memory_space<hbm>>) dst(%dma_wait3A_1946 : memref<32x128xf32, #tpu.memory_space<vmem>>)
      %dma_wait3A_1949 = arith.constant 5 : i32
      %dma_wait3A_1950 = arith.constant 0 : i32
      %dma_wait3A_1951 = arith.constant 0 : i32
      %dma_wait3A_1952 = tpu.memref_slice %arg10[%dma_wait3A_1949, %dma_wait3A_1950, %dma_wait3A_1951] : memref<16x32x128xf32, #tpu.memory_space<vmem>> -> memref<1x32x128xf32, #tpu.memory_space<vmem>>
      %dma_wait3A_1953 = tpu.memref_squeeze %dma_wait3A_1952 : memref<1x32x128xf32, #tpu.memory_space<vmem>> -> memref<32x128xf32, #tpu.memory_space<vmem>>
      %dma_wait3A_1954 = arith.constant 0 : i32
      %dma_wait3A_1955 = tpu.memref_slice %arg2[%dma_wait3A_1954, %multiple_of3A_1550] : memref<32x1000000xf32, #tpu.memory_space<hbm>> -> memref<32x128xf32, #tpu.memory_space<hbm>>
      %dma_wait3A_1956 = arith.constant 0 : i32
      %dma_wait3A_1957 = arith.constant 0 : i32
      %dma_wait3A_1958 = tpu.memref_slice %arg10[%dma_wait3A_1949, %dma_wait3A_1956, %dma_wait3A_1957] : memref<16x32x128xf32, #tpu.memory_space<vmem>> -> memref<1x32x128xf32, #tpu.memory_space<vmem>>
      %dma_wait3A_1959 = tpu.memref_squeeze %dma_wait3A_1958 : memref<1x32x128xf32, #tpu.memory_space<vmem>> -> memref<32x128xf32, #tpu.memory_space<vmem>>
      %dma_wait3A_1960 = arith.constant 0 : i32
      %dma_wait3A_1961 = tpu.memref_slice %arg2[%dma_wait3A_1960, %multiple_of3A_1550] : memref<32x1000000xf32, #tpu.memory_space<hbm>> -> memref<32x128xf32, #tpu.memory_space<hbm>>
      tpu.wait_dma2 semaphore(%arg11 : memref<!tpu.dma_semaphore, #tpu.memory_space<semaphore_mem>>) src(%dma_wait3A_1961 : memref<32x128xf32, #tpu.memory_space<hbm>>) dst(%dma_wait3A_1959 : memref<32x128xf32, #tpu.memory_space<vmem>>)
      %dma_wait3A_1962 = arith.constant 6 : i32
      %dma_wait3A_1963 = arith.constant 0 : i32
      %dma_wait3A_1964 = arith.constant 0 : i32
      %dma_wait3A_1965 = tpu.memref_slice %arg10[%dma_wait3A_1962, %dma_wait3A_1963, %dma_wait3A_1964] : memref<16x32x128xf32, #tpu.memory_space<vmem>> -> memref<1x32x128xf32, #tpu.memory_space<vmem>>
      %dma_wait3A_1966 = tpu.memref_squeeze %dma_wait3A_1965 : memref<1x32x128xf32, #tpu.memory_space<vmem>> -> memref<32x128xf32, #tpu.memory_space<vmem>>
      %dma_wait3A_1967 = arith.constant 0 : i32
      %dma_wait3A_1968 = tpu.memref_slice %arg2[%dma_wait3A_1967, %multiple_of3A_1582] : memref<32x1000000xf32, #tpu.memory_space<hbm>> -> memref<32x128xf32, #tpu.memory_space<hbm>>
      %dma_wait3A_1969 = arith.constant 0 : i32
      %dma_wait3A_1970 = arith.constant 0 : i32
      %dma_wait3A_1971 = tpu.memref_slice %arg10[%dma_wait3A_1962, %dma_wait3A_1969, %dma_wait3A_1970] : memref<16x32x128xf32, #tpu.memory_space<vmem>> -> memref<1x32x128xf32, #tpu.memory_space<vmem>>
      %dma_wait3A_1972 = tpu.memref_squeeze %dma_wait3A_1971 : memref<1x32x128xf32, #tpu.memory_space<vmem>> -> memref<32x128xf32, #tpu.memory_space<vmem>>
      %dma_wait3A_1973 = arith.constant 0 : i32
      %dma_wait3A_1974 = tpu.memref_slice %arg2[%dma_wait3A_1973, %multiple_of3A_1582] : memref<32x1000000xf32, #tpu.memory_space<hbm>> -> memref<32x128xf32, #tpu.memory_space<hbm>>
      tpu.wait_dma2 semaphore(%arg11 : memref<!tpu.dma_semaphore, #tpu.memory_space<semaphore_mem>>) src(%dma_wait3A_1974 : memref<32x128xf32, #tpu.memory_space<hbm>>) dst(%dma_wait3A_1972 : memref<32x128xf32, #tpu.memory_space<vmem>>)
      %dma_wait3A_1975 = arith.constant 7 : i32
      %dma_wait3A_1976 = arith.constant 0 : i32
      %dma_wait3A_1977 = arith.constant 0 : i32
      %dma_wait3A_1978 = tpu.memref_slice %arg10[%dma_wait3A_1975, %dma_wait3A_1976, %dma_wait3A_1977] : memref<16x32x128xf32, #tpu.memory_space<vmem>> -> memref<1x32x128xf32, #tpu.memory_space<vmem>>
      %dma_wait3A_1979 = tpu.memref_squeeze %dma_wait3A_1978 : memref<1x32x128xf32, #tpu.memory_space<vmem>> -> memref<32x128xf32, #tpu.memory_space<vmem>>
      %dma_wait3A_1980 = arith.constant 0 : i32
      %dma_wait3A_1981 = tpu.memref_slice %arg2[%dma_wait3A_1980, %multiple_of3A_1614] : memref<32x1000000xf32, #tpu.memory_space<hbm>> -> memref<32x128xf32, #tpu.memory_space<hbm>>
      %dma_wait3A_1982 = arith.constant 0 : i32
      %dma_wait3A_1983 = arith.constant 0 : i32
      %dma_wait3A_1984 = tpu.memref_slice %arg10[%dma_wait3A_1975, %dma_wait3A_1982, %dma_wait3A_1983] : memref<16x32x128xf32, #tpu.memory_space<vmem>> -> memref<1x32x128xf32, #tpu.memory_space<vmem>>
      %dma_wait3A_1985 = tpu.memref_squeeze %dma_wait3A_1984 : memref<1x32x128xf32, #tpu.memory_space<vmem>> -> memref<32x128xf32, #tpu.memory_space<vmem>>
      %dma_wait3A_1986 = arith.constant 0 : i32
      %dma_wait3A_1987 = tpu.memref_slice %arg2[%dma_wait3A_1986, %multiple_of3A_1614] : memref<32x1000000xf32, #tpu.memory_space<hbm>> -> memref<32x128xf32, #tpu.memory_space<hbm>>
      tpu.wait_dma2 semaphore(%arg11 : memref<!tpu.dma_semaphore, #tpu.memory_space<semaphore_mem>>) src(%dma_wait3A_1987 : memref<32x128xf32, #tpu.memory_space<hbm>>) dst(%dma_wait3A_1985 : memref<32x128xf32, #tpu.memory_space<vmem>>)
      %dma_wait3A_1988 = arith.constant 8 : i32
      %dma_wait3A_1989 = arith.constant 0 : i32
      %dma_wait3A_1990 = arith.constant 0 : i32
      %dma_wait3A_1991 = tpu.memref_slice %arg10[%dma_wait3A_1988, %dma_wait3A_1989, %dma_wait3A_1990] : memref<16x32x128xf32, #tpu.memory_space<vmem>> -> memref<1x32x128xf32, #tpu.memory_space<vmem>>
      %dma_wait3A_1992 = tpu.memref_squeeze %dma_wait3A_1991 : memref<1x32x128xf32, #tpu.memory_space<vmem>> -> memref<32x128xf32, #tpu.memory_space<vmem>>
      %dma_wait3A_1993 = arith.constant 0 : i32
      %dma_wait3A_1994 = tpu.memref_slice %arg3[%dma_wait3A_1993, %multiple_of3A_1646] : memref<32x1000000xf32, #tpu.memory_space<hbm>> -> memref<32x128xf32, #tpu.memory_space<hbm>>
      %dma_wait3A_1995 = arith.constant 0 : i32
      %dma_wait3A_1996 = arith.constant 0 : i32
      %dma_wait3A_1997 = tpu.memref_slice %arg10[%dma_wait3A_1988, %dma_wait3A_1995, %dma_wait3A_1996] : memref<16x32x128xf32, #tpu.memory_space<vmem>> -> memref<1x32x128xf32, #tpu.memory_space<vmem>>
      %dma_wait3A_1998 = tpu.memref_squeeze %dma_wait3A_1997 : memref<1x32x128xf32, #tpu.memory_space<vmem>> -> memref<32x128xf32, #tpu.memory_space<vmem>>
      %dma_wait3A_1999 = arith.constant 0 : i32
      %dma_wait3A_2000 = tpu.memref_slice %arg3[%dma_wait3A_1999, %multiple_of3A_1646] : memref<32x1000000xf32, #tpu.memory_space<hbm>> -> memref<32x128xf32, #tpu.memory_space<hbm>>
      tpu.wait_dma2 semaphore(%arg12 : memref<!tpu.dma_semaphore, #tpu.memory_space<semaphore_mem>>) src(%dma_wait3A_2000 : memref<32x128xf32, #tpu.memory_space<hbm>>) dst(%dma_wait3A_1998 : memref<32x128xf32, #tpu.memory_space<vmem>>)
      %dma_wait3A_2001 = arith.constant 9 : i32
      %dma_wait3A_2002 = arith.constant 0 : i32
      %dma_wait3A_2003 = arith.constant 0 : i32
      %dma_wait3A_2004 = tpu.memref_slice %arg10[%dma_wait3A_2001, %dma_wait3A_2002, %dma_wait3A_2003] : memref<16x32x128xf32, #tpu.memory_space<vmem>> -> memref<1x32x128xf32, #tpu.memory_space<vmem>>
      %dma_wait3A_2005 = tpu.memref_squeeze %dma_wait3A_2004 : memref<1x32x128xf32, #tpu.memory_space<vmem>> -> memref<32x128xf32, #tpu.memory_space<vmem>>
      %dma_wait3A_2006 = arith.constant 0 : i32
      %dma_wait3A_2007 = tpu.memref_slice %arg3[%dma_wait3A_2006, %multiple_of3A_1678] : memref<32x1000000xf32, #tpu.memory_space<hbm>> -> memref<32x128xf32, #tpu.memory_space<hbm>>
      %dma_wait3A_2008 = arith.constant 0 : i32
      %dma_wait3A_2009 = arith.constant 0 : i32
      %dma_wait3A_2010 = tpu.memref_slice %arg10[%dma_wait3A_2001, %dma_wait3A_2008, %dma_wait3A_2009] : memref<16x32x128xf32, #tpu.memory_space<vmem>> -> memref<1x32x128xf32, #tpu.memory_space<vmem>>
      %dma_wait3A_2011 = tpu.memref_squeeze %dma_wait3A_2010 : memref<1x32x128xf32, #tpu.memory_space<vmem>> -> memref<32x128xf32, #tpu.memory_space<vmem>>
      %dma_wait3A_2012 = arith.constant 0 : i32
      %dma_wait3A_2013 = tpu.memref_slice %arg3[%dma_wait3A_2012, %multiple_of3A_1678] : memref<32x1000000xf32, #tpu.memory_space<hbm>> -> memref<32x128xf32, #tpu.memory_space<hbm>>
      tpu.wait_dma2 semaphore(%arg12 : memref<!tpu.dma_semaphore, #tpu.memory_space<semaphore_mem>>) src(%dma_wait3A_2013 : memref<32x128xf32, #tpu.memory_space<hbm>>) dst(%dma_wait3A_2011 : memref<32x128xf32, #tpu.memory_space<vmem>>)
      %dma_wait3A_2014 = arith.constant 10 : i32
      %dma_wait3A_2015 = arith.constant 0 : i32
      %dma_wait3A_2016 = arith.constant 0 : i32
      %dma_wait3A_2017 = tpu.memref_slice %arg10[%dma_wait3A_2014, %dma_wait3A_2015, %dma_wait3A_2016] : memref<16x32x128xf32, #tpu.memory_space<vmem>> -> memref<1x32x128xf32, #tpu.memory_space<vmem>>
      %dma_wait3A_2018 = tpu.memref_squeeze %dma_wait3A_2017 : memref<1x32x128xf32, #tpu.memory_space<vmem>> -> memref<32x128xf32, #tpu.memory_space<vmem>>
      %dma_wait3A_2019 = arith.constant 0 : i32
      %dma_wait3A_2020 = tpu.memref_slice %arg3[%dma_wait3A_2019, %multiple_of3A_1710] : memref<32x1000000xf32, #tpu.memory_space<hbm>> -> memref<32x128xf32, #tpu.memory_space<hbm>>
      %dma_wait3A_2021 = arith.constant 0 : i32
      %dma_wait3A_2022 = arith.constant 0 : i32
      %dma_wait3A_2023 = tpu.memref_slice %arg10[%dma_wait3A_2014, %dma_wait3A_2021, %dma_wait3A_2022] : memref<16x32x128xf32, #tpu.memory_space<vmem>> -> memref<1x32x128xf32, #tpu.memory_space<vmem>>
      %dma_wait3A_2024 = tpu.memref_squeeze %dma_wait3A_2023 : memref<1x32x128xf32, #tpu.memory_space<vmem>> -> memref<32x128xf32, #tpu.memory_space<vmem>>
      %dma_wait3A_2025 = arith.constant 0 : i32
      %dma_wait3A_2026 = tpu.memref_slice %arg3[%dma_wait3A_2025, %multiple_of3A_1710] : memref<32x1000000xf32, #tpu.memory_space<hbm>> -> memref<32x128xf32, #tpu.memory_space<hbm>>
      tpu.wait_dma2 semaphore(%arg12 : memref<!tpu.dma_semaphore, #tpu.memory_space<semaphore_mem>>) src(%dma_wait3A_2026 : memref<32x128xf32, #tpu.memory_space<hbm>>) dst(%dma_wait3A_2024 : memref<32x128xf32, #tpu.memory_space<vmem>>)
      %dma_wait3A_2027 = arith.constant 11 : i32
      %dma_wait3A_2028 = arith.constant 0 : i32
      %dma_wait3A_2029 = arith.constant 0 : i32
      %dma_wait3A_2030 = tpu.memref_slice %arg10[%dma_wait3A_2027, %dma_wait3A_2028, %dma_wait3A_2029] : memref<16x32x128xf32, #tpu.memory_space<vmem>> -> memref<1x32x128xf32, #tpu.memory_space<vmem>>
      %dma_wait3A_2031 = tpu.memref_squeeze %dma_wait3A_2030 : memref<1x32x128xf32, #tpu.memory_space<vmem>> -> memref<32x128xf32, #tpu.memory_space<vmem>>
      %dma_wait3A_2032 = arith.constant 0 : i32
      %dma_wait3A_2033 = tpu.memref_slice %arg3[%dma_wait3A_2032, %multiple_of3A_1742] : memref<32x1000000xf32, #tpu.memory_space<hbm>> -> memref<32x128xf32, #tpu.memory_space<hbm>>
      %dma_wait3A_2034 = arith.constant 0 : i32
      %dma_wait3A_2035 = arith.constant 0 : i32
      %dma_wait3A_2036 = tpu.memref_slice %arg10[%dma_wait3A_2027, %dma_wait3A_2034, %dma_wait3A_2035] : memref<16x32x128xf32, #tpu.memory_space<vmem>> -> memref<1x32x128xf32, #tpu.memory_space<vmem>>
      %dma_wait3A_2037 = tpu.memref_squeeze %dma_wait3A_2036 : memref<1x32x128xf32, #tpu.memory_space<vmem>> -> memref<32x128xf32, #tpu.memory_space<vmem>>
      %dma_wait3A_2038 = arith.constant 0 : i32
      %dma_wait3A_2039 = tpu.memref_slice %arg3[%dma_wait3A_2038, %multiple_of3A_1742] : memref<32x1000000xf32, #tpu.memory_space<hbm>> -> memref<32x128xf32, #tpu.memory_space<hbm>>
      tpu.wait_dma2 semaphore(%arg12 : memref<!tpu.dma_semaphore, #tpu.memory_space<semaphore_mem>>) src(%dma_wait3A_2039 : memref<32x128xf32, #tpu.memory_space<hbm>>) dst(%dma_wait3A_2037 : memref<32x128xf32, #tpu.memory_space<vmem>>)
      %dma_wait3A_2040 = arith.constant 12 : i32
      %dma_wait3A_2041 = arith.constant 0 : i32
      %dma_wait3A_2042 = arith.constant 0 : i32
      %dma_wait3A_2043 = tpu.memref_slice %arg10[%dma_wait3A_2040, %dma_wait3A_2041, %dma_wait3A_2042] : memref<16x32x128xf32, #tpu.memory_space<vmem>> -> memref<1x32x128xf32, #tpu.memory_space<vmem>>
      %dma_wait3A_2044 = tpu.memref_squeeze %dma_wait3A_2043 : memref<1x32x128xf32, #tpu.memory_space<vmem>> -> memref<32x128xf32, #tpu.memory_space<vmem>>
      %dma_wait3A_2045 = arith.constant 0 : i32
      %dma_wait3A_2046 = tpu.memref_slice %arg3[%dma_wait3A_2045, %multiple_of3A_1774] : memref<32x1000000xf32, #tpu.memory_space<hbm>> -> memref<32x128xf32, #tpu.memory_space<hbm>>
      %dma_wait3A_2047 = arith.constant 0 : i32
      %dma_wait3A_2048 = arith.constant 0 : i32
      %dma_wait3A_2049 = tpu.memref_slice %arg10[%dma_wait3A_2040, %dma_wait3A_2047, %dma_wait3A_2048] : memref<16x32x128xf32, #tpu.memory_space<vmem>> -> memref<1x32x128xf32, #tpu.memory_space<vmem>>
      %dma_wait3A_2050 = tpu.memref_squeeze %dma_wait3A_2049 : memref<1x32x128xf32, #tpu.memory_space<vmem>> -> memref<32x128xf32, #tpu.memory_space<vmem>>
      %dma_wait3A_2051 = arith.constant 0 : i32
      %dma_wait3A_2052 = tpu.memref_slice %arg3[%dma_wait3A_2051, %multiple_of3A_1774] : memref<32x1000000xf32, #tpu.memory_space<hbm>> -> memref<32x128xf32, #tpu.memory_space<hbm>>
      tpu.wait_dma2 semaphore(%arg12 : memref<!tpu.dma_semaphore, #tpu.memory_space<semaphore_mem>>) src(%dma_wait3A_2052 : memref<32x128xf32, #tpu.memory_space<hbm>>) dst(%dma_wait3A_2050 : memref<32x128xf32, #tpu.memory_space<vmem>>)
      %dma_wait3A_2053 = arith.constant 13 : i32
      %dma_wait3A_2054 = arith.constant 0 : i32
      %dma_wait3A_2055 = arith.constant 0 : i32
      %dma_wait3A_2056 = tpu.memref_slice %arg10[%dma_wait3A_2053, %dma_wait3A_2054, %dma_wait3A_2055] : memref<16x32x128xf32, #tpu.memory_space<vmem>> -> memref<1x32x128xf32, #tpu.memory_space<vmem>>
      %dma_wait3A_2057 = tpu.memref_squeeze %dma_wait3A_2056 : memref<1x32x128xf32, #tpu.memory_space<vmem>> -> memref<32x128xf32, #tpu.memory_space<vmem>>
      %dma_wait3A_2058 = arith.constant 0 : i32
      %dma_wait3A_2059 = tpu.memref_slice %arg3[%dma_wait3A_2058, %multiple_of3A_1806] : memref<32x1000000xf32, #tpu.memory_space<hbm>> -> memref<32x128xf32, #tpu.memory_space<hbm>>
      %dma_wait3A_2060 = arith.constant 0 : i32
      %dma_wait3A_2061 = arith.constant 0 : i32
      %dma_wait3A_2062 = tpu.memref_slice %arg10[%dma_wait3A_2053, %dma_wait3A_2060, %dma_wait3A_2061] : memref<16x32x128xf32, #tpu.memory_space<vmem>> -> memref<1x32x128xf32, #tpu.memory_space<vmem>>
      %dma_wait3A_2063 = tpu.memref_squeeze %dma_wait3A_2062 : memref<1x32x128xf32, #tpu.memory_space<vmem>> -> memref<32x128xf32, #tpu.memory_space<vmem>>
      %dma_wait3A_2064 = arith.constant 0 : i32
      %dma_wait3A_2065 = tpu.memref_slice %arg3[%dma_wait3A_2064, %multiple_of3A_1806] : memref<32x1000000xf32, #tpu.memory_space<hbm>> -> memref<32x128xf32, #tpu.memory_space<hbm>>
      tpu.wait_dma2 semaphore(%arg12 : memref<!tpu.dma_semaphore, #tpu.memory_space<semaphore_mem>>) src(%dma_wait3A_2065 : memref<32x128xf32, #tpu.memory_space<hbm>>) dst(%dma_wait3A_2063 : memref<32x128xf32, #tpu.memory_space<vmem>>)
      %dma_wait3A_2066 = arith.constant 14 : i32
      %dma_wait3A_2067 = arith.constant 0 : i32
      %dma_wait3A_2068 = arith.constant 0 : i32
      %dma_wait3A_2069 = tpu.memref_slice %arg10[%dma_wait3A_2066, %dma_wait3A_2067, %dma_wait3A_2068] : memref<16x32x128xf32, #tpu.memory_space<vmem>> -> memref<1x32x128xf32, #tpu.memory_space<vmem>>
      %dma_wait3A_2070 = tpu.memref_squeeze %dma_wait3A_2069 : memref<1x32x128xf32, #tpu.memory_space<vmem>> -> memref<32x128xf32, #tpu.memory_space<vmem>>
      %dma_wait3A_2071 = arith.constant 0 : i32
      %dma_wait3A_2072 = tpu.memref_slice %arg3[%dma_wait3A_2071, %multiple_of3A_1838] : memref<32x1000000xf32, #tpu.memory_space<hbm>> -> memref<32x128xf32, #tpu.memory_space<hbm>>
      %dma_wait3A_2073 = arith.constant 0 : i32
      %dma_wait3A_2074 = arith.constant 0 : i32
      %dma_wait3A_2075 = tpu.memref_slice %arg10[%dma_wait3A_2066, %dma_wait3A_2073, %dma_wait3A_2074] : memref<16x32x128xf32, #tpu.memory_space<vmem>> -> memref<1x32x128xf32, #tpu.memory_space<vmem>>
      %dma_wait3A_2076 = tpu.memref_squeeze %dma_wait3A_2075 : memref<1x32x128xf32, #tpu.memory_space<vmem>> -> memref<32x128xf32, #tpu.memory_space<vmem>>
      %dma_wait3A_2077 = arith.constant 0 : i32
      %dma_wait3A_2078 = tpu.memref_slice %arg3[%dma_wait3A_2077, %multiple_of3A_1838] : memref<32x1000000xf32, #tpu.memory_space<hbm>> -> memref<32x128xf32, #tpu.memory_space<hbm>>
      tpu.wait_dma2 semaphore(%arg12 : memref<!tpu.dma_semaphore, #tpu.memory_space<semaphore_mem>>) src(%dma_wait3A_2078 : memref<32x128xf32, #tpu.memory_space<hbm>>) dst(%dma_wait3A_2076 : memref<32x128xf32, #tpu.memory_space<vmem>>)
      %dma_wait3A_2079 = arith.constant 15 : i32
      %dma_wait3A_2080 = arith.constant 0 : i32
      %dma_wait3A_2081 = arith.constant 0 : i32
      %dma_wait3A_2082 = tpu.memref_slice %arg10[%dma_wait3A_2079, %dma_wait3A_2080, %dma_wait3A_2081] : memref<16x32x128xf32, #tpu.memory_space<vmem>> -> memref<1x32x128xf32, #tpu.memory_space<vmem>>
      %dma_wait3A_2083 = tpu.memref_squeeze %dma_wait3A_2082 : memref<1x32x128xf32, #tpu.memory_space<vmem>> -> memref<32x128xf32, #tpu.memory_space<vmem>>
      %dma_wait3A_2084 = arith.constant 0 : i32
      %dma_wait3A_2085 = tpu.memref_slice %arg3[%dma_wait3A_2084, %multiple_of3A_1870] : memref<32x1000000xf32, #tpu.memory_space<hbm>> -> memref<32x128xf32, #tpu.memory_space<hbm>>
      %dma_wait3A_2086 = arith.constant 0 : i32
      %dma_wait3A_2087 = arith.constant 0 : i32
      %dma_wait3A_2088 = tpu.memref_slice %arg10[%dma_wait3A_2079, %dma_wait3A_2086, %dma_wait3A_2087] : memref<16x32x128xf32, #tpu.memory_space<vmem>> -> memref<1x32x128xf32, #tpu.memory_space<vmem>>
      %dma_wait3A_2089 = tpu.memref_squeeze %dma_wait3A_2088 : memref<1x32x128xf32, #tpu.memory_space<vmem>> -> memref<32x128xf32, #tpu.memory_space<vmem>>
      %dma_wait3A_2090 = arith.constant 0 : i32
      %dma_wait3A_2091 = tpu.memref_slice %arg3[%dma_wait3A_2090, %multiple_of3A_1870] : memref<32x1000000xf32, #tpu.memory_space<hbm>> -> memref<32x128xf32, #tpu.memory_space<hbm>>
      tpu.wait_dma2 semaphore(%arg12 : memref<!tpu.dma_semaphore, #tpu.memory_space<semaphore_mem>>) src(%dma_wait3A_2091 : memref<32x128xf32, #tpu.memory_space<hbm>>) dst(%dma_wait3A_2089 : memref<32x128xf32, #tpu.memory_space<vmem>>)
      %mul3A_2092 = arith.constant 16 : i32
      %mul3A_2093 = arith.muli %add3A_25, %mul3A_2092 : i32
      %add3A_2094 = arith.constant 8 : i32
      %add3A_2095 = arith.addi %mul3A_2093, %add3A_2094 : i32
      %eq3A_2096 = arith.constant 8 : i32
      %eq3A_2097 = vector.broadcast %eq3A_2096 : i32 to vector<16xi32>
      %eq3A_2098 = arith.cmpi eq, %iota3A, %eq3A_2097 : vector<16xi32>
      %jit3A_2099 = arith.constant 0 : i32
      %broadcast_in_dim3A_2100 = vector.broadcast %jit3A_2099 : i32 to vector<16xi32>
      %select_n3A_2101 = arith.select %eq3A_2098, %get3A_28, %broadcast_in_dim3A_2100 : vector<16xi1>, vector<16xi32>
      %reduce_max3A_2102 = arith.constant true
      %reduce_max3A_2103 = vector.broadcast %reduce_max3A_2102 : i1 to vector<16xi1>
      %reduce_max3A_2104 = arith.constant -2147483648 : i32
      %reduce_max3A_2105 = vector.broadcast %reduce_max3A_2104 : i32 to vector<16xi32>
      %reduce_max3A_2106 = arith.xori %select_n3A_2101, %reduce_max3A_2105 : vector<16xi32>
      %reduce_max3A_2107 = tpu.scan <max>, %reduce_max3A_2106 masked %reduce_max3A_2103 : vector<16xi32>, vector<16xi1> -> vector<16xi32>
      %reduce_max3A_2108 = arith.xori %reduce_max3A_2107, %reduce_max3A_2105 : vector<16xi32>
      %reduce_max3A_2109 = vector.extract %reduce_max3A_2108[15] : i32 from vector<16xi32>
      %and3A_2110 = arith.constant 127 : i32
      %and3A_2111 = arith.andi %reduce_max3A_2109, %and3A_2110 : i32
      %broadcast_in_dim3A_2112 = vector.broadcast %and3A_2111 : i32 to vector<16xi32>
      %gather3A_2113 = arith.constant 0 : i32
      %gather3A_2114 = arith.constant 0 : i32
      %gather3A_2115 = arith.constant 0 : i32
      %gather3A_2116 = tpu.memref_slice %arg10[%gather3A_2113, %gather3A_2114, %gather3A_2115] : memref<16x32x128xf32, #tpu.memory_space<vmem>> -> memref<1x32x128xf32, #tpu.memory_space<vmem>>
      %gather3A_2117 = tpu.memref_squeeze %gather3A_2116 : memref<1x32x128xf32, #tpu.memory_space<vmem>> -> memref<32x128xf32, #tpu.memory_space<vmem>>
      %gather3A_2118 = tpu.vector_load_idx %gather3A_2117[%iota3A_1, %broadcast_in_dim3A_2112] : memref<32x128xf32, #tpu.memory_space<vmem>>[vector<16xi32>, vector<16xi32>], vector<16xf32>,
      %add3A_2119 = arith.constant 0 : i32
      %add3A_2120 = arith.addi %add3A_2095, %add3A_2119 : i32
      %swap3A_2121 = arith.index_cast %add3A_2120 : i32 to index
      %swap3A_2122 = arith.constant 0 : index
      %swap3A_2123 = tpu.vector_load %arg9[%swap3A_2121, %swap3A_2122] {strides = array<i32>} : memref<128x32xf32, #tpu.memory_space<vmem>>, vector<16xf32>,
      tpu.vector_store %arg9[%swap3A_2121, %swap3A_2122], %gather3A_2118 {strides = array<i32>} : memref<128x32xf32, #tpu.memory_space<vmem>>, vector<16xf32>,
      %gather3A_2124 = arith.constant 0 : i32
      %gather3A_2125 = arith.constant 0 : i32
      %gather3A_2126 = arith.constant 0 : i32
      %gather3A_2127 = tpu.memref_slice %arg10[%gather3A_2124, %gather3A_2125, %gather3A_2126] : memref<16x32x128xf32, #tpu.memory_space<vmem>> -> memref<1x32x128xf32, #tpu.memory_space<vmem>>
      %gather3A_2128 = tpu.memref_squeeze %gather3A_2127 : memref<1x32x128xf32, #tpu.memory_space<vmem>> -> memref<32x128xf32, #tpu.memory_space<vmem>>
      %gather3A_2129 = tpu.vector_load_idx %gather3A_2128[%add3A_4, %broadcast_in_dim3A_2112] : memref<32x128xf32, #tpu.memory_space<vmem>>[vector<16xi32>, vector<16xi32>], vector<16xf32>,
      %add3A_2130 = arith.constant 0 : i32
      %add3A_2131 = arith.addi %add3A_2095, %add3A_2130 : i32
      %swap3A_2132 = arith.index_cast %add3A_2131 : i32 to index
      %swap3A_2133 = arith.constant 16 : index
      %swap3A_2134 = tpu.vector_load %arg9[%swap3A_2132, %swap3A_2133] {strides = array<i32>} : memref<128x32xf32, #tpu.memory_space<vmem>>, vector<16xf32>,
      tpu.vector_store %arg9[%swap3A_2132, %swap3A_2133], %gather3A_2129 {strides = array<i32>} : memref<128x32xf32, #tpu.memory_space<vmem>>, vector<16xf32>,
      %eq3A_2135 = arith.constant 9 : i32
      %eq3A_2136 = vector.broadcast %eq3A_2135 : i32 to vector<16xi32>
      %eq3A_2137 = arith.cmpi eq, %iota3A, %eq3A_2136 : vector<16xi32>
      %jit3A_2138 = arith.constant 0 : i32
      %broadcast_in_dim3A_2139 = vector.broadcast %jit3A_2138 : i32 to vector<16xi32>
      %select_n3A_2140 = arith.select %eq3A_2137, %get3A_28, %broadcast_in_dim3A_2139 : vector<16xi1>, vector<16xi32>
      %reduce_max3A_2141 = arith.constant true
      %reduce_max3A_2142 = vector.broadcast %reduce_max3A_2141 : i1 to vector<16xi1>
      %reduce_max3A_2143 = arith.constant -2147483648 : i32
      %reduce_max3A_2144 = vector.broadcast %reduce_max3A_2143 : i32 to vector<16xi32>
      %reduce_max3A_2145 = arith.xori %select_n3A_2140, %reduce_max3A_2144 : vector<16xi32>
      %reduce_max3A_2146 = tpu.scan <max>, %reduce_max3A_2145 masked %reduce_max3A_2142 : vector<16xi32>, vector<16xi1> -> vector<16xi32>
      %reduce_max3A_2147 = arith.xori %reduce_max3A_2146, %reduce_max3A_2144 : vector<16xi32>
      %reduce_max3A_2148 = vector.extract %reduce_max3A_2147[15] : i32 from vector<16xi32>
      %and3A_2149 = arith.constant 127 : i32
      %and3A_2150 = arith.andi %reduce_max3A_2148, %and3A_2149 : i32
      %broadcast_in_dim3A_2151 = vector.broadcast %and3A_2150 : i32 to vector<16xi32>
      %gather3A_2152 = arith.constant 1 : i32
      %gather3A_2153 = arith.constant 0 : i32
      %gather3A_2154 = arith.constant 0 : i32
      %gather3A_2155 = tpu.memref_slice %arg10[%gather3A_2152, %gather3A_2153, %gather3A_2154] : memref<16x32x128xf32, #tpu.memory_space<vmem>> -> memref<1x32x128xf32, #tpu.memory_space<vmem>>
      %gather3A_2156 = tpu.memref_squeeze %gather3A_2155 : memref<1x32x128xf32, #tpu.memory_space<vmem>> -> memref<32x128xf32, #tpu.memory_space<vmem>>
      %gather3A_2157 = tpu.vector_load_idx %gather3A_2156[%iota3A_1, %broadcast_in_dim3A_2151] : memref<32x128xf32, #tpu.memory_space<vmem>>[vector<16xi32>, vector<16xi32>], vector<16xf32>,
      %add3A_2158 = arith.constant 1 : i32
      %add3A_2159 = arith.addi %add3A_2095, %add3A_2158 : i32
      %swap3A_2160 = arith.index_cast %add3A_2159 : i32 to index
      %swap3A_2161 = arith.constant 0 : index
      %swap3A_2162 = tpu.vector_load %arg9[%swap3A_2160, %swap3A_2161] {strides = array<i32>} : memref<128x32xf32, #tpu.memory_space<vmem>>, vector<16xf32>,
      tpu.vector_store %arg9[%swap3A_2160, %swap3A_2161], %gather3A_2157 {strides = array<i32>} : memref<128x32xf32, #tpu.memory_space<vmem>>, vector<16xf32>,
      %gather3A_2163 = arith.constant 1 : i32
      %gather3A_2164 = arith.constant 0 : i32
      %gather3A_2165 = arith.constant 0 : i32
      %gather3A_2166 = tpu.memref_slice %arg10[%gather3A_2163, %gather3A_2164, %gather3A_2165] : memref<16x32x128xf32, #tpu.memory_space<vmem>> -> memref<1x32x128xf32, #tpu.memory_space<vmem>>
      %gather3A_2167 = tpu.memref_squeeze %gather3A_2166 : memref<1x32x128xf32, #tpu.memory_space<vmem>> -> memref<32x128xf32, #tpu.memory_space<vmem>>
      %gather3A_2168 = tpu.vector_load_idx %gather3A_2167[%add3A_4, %broadcast_in_dim3A_2151] : memref<32x128xf32, #tpu.memory_space<vmem>>[vector<16xi32>, vector<16xi32>], vector<16xf32>,
      %add3A_2169 = arith.constant 1 : i32
      %add3A_2170 = arith.addi %add3A_2095, %add3A_2169 : i32
      %swap3A_2171 = arith.index_cast %add3A_2170 : i32 to index
      %swap3A_2172 = arith.constant 16 : index
      %swap3A_2173 = tpu.vector_load %arg9[%swap3A_2171, %swap3A_2172] {strides = array<i32>} : memref<128x32xf32, #tpu.memory_space<vmem>>, vector<16xf32>,
      tpu.vector_store %arg9[%swap3A_2171, %swap3A_2172], %gather3A_2168 {strides = array<i32>} : memref<128x32xf32, #tpu.memory_space<vmem>>, vector<16xf32>,
      %eq3A_2174 = arith.constant 10 : i32
      %eq3A_2175 = vector.broadcast %eq3A_2174 : i32 to vector<16xi32>
      %eq3A_2176 = arith.cmpi eq, %iota3A, %eq3A_2175 : vector<16xi32>
      %jit3A_2177 = arith.constant 0 : i32
      %broadcast_in_dim3A_2178 = vector.broadcast %jit3A_2177 : i32 to vector<16xi32>
      %select_n3A_2179 = arith.select %eq3A_2176, %get3A_28, %broadcast_in_dim3A_2178 : vector<16xi1>, vector<16xi32>
      %reduce_max3A_2180 = arith.constant true
      %reduce_max3A_2181 = vector.broadcast %reduce_max3A_2180 : i1 to vector<16xi1>
      %reduce_max3A_2182 = arith.constant -2147483648 : i32
      %reduce_max3A_2183 = vector.broadcast %reduce_max3A_2182 : i32 to vector<16xi32>
      %reduce_max3A_2184 = arith.xori %select_n3A_2179, %reduce_max3A_2183 : vector<16xi32>
      %reduce_max3A_2185 = tpu.scan <max>, %reduce_max3A_2184 masked %reduce_max3A_2181 : vector<16xi32>, vector<16xi1> -> vector<16xi32>
      %reduce_max3A_2186 = arith.xori %reduce_max3A_2185, %reduce_max3A_2183 : vector<16xi32>
      %reduce_max3A_2187 = vector.extract %reduce_max3A_2186[15] : i32 from vector<16xi32>
      %and3A_2188 = arith.constant 127 : i32
      %and3A_2189 = arith.andi %reduce_max3A_2187, %and3A_2188 : i32
      %broadcast_in_dim3A_2190 = vector.broadcast %and3A_2189 : i32 to vector<16xi32>
      %gather3A_2191 = arith.constant 2 : i32
      %gather3A_2192 = arith.constant 0 : i32
      %gather3A_2193 = arith.constant 0 : i32
      %gather3A_2194 = tpu.memref_slice %arg10[%gather3A_2191, %gather3A_2192, %gather3A_2193] : memref<16x32x128xf32, #tpu.memory_space<vmem>> -> memref<1x32x128xf32, #tpu.memory_space<vmem>>
      %gather3A_2195 = tpu.memref_squeeze %gather3A_2194 : memref<1x32x128xf32, #tpu.memory_space<vmem>> -> memref<32x128xf32, #tpu.memory_space<vmem>>
      %gather3A_2196 = tpu.vector_load_idx %gather3A_2195[%iota3A_1, %broadcast_in_dim3A_2190] : memref<32x128xf32, #tpu.memory_space<vmem>>[vector<16xi32>, vector<16xi32>], vector<16xf32>,
      %add3A_2197 = arith.constant 2 : i32
      %add3A_2198 = arith.addi %add3A_2095, %add3A_2197 : i32
      %swap3A_2199 = arith.index_cast %add3A_2198 : i32 to index
      %swap3A_2200 = arith.constant 0 : index
      %swap3A_2201 = tpu.vector_load %arg9[%swap3A_2199, %swap3A_2200] {strides = array<i32>} : memref<128x32xf32, #tpu.memory_space<vmem>>, vector<16xf32>,
      tpu.vector_store %arg9[%swap3A_2199, %swap3A_2200], %gather3A_2196 {strides = array<i32>} : memref<128x32xf32, #tpu.memory_space<vmem>>, vector<16xf32>,
      %gather3A_2202 = arith.constant 2 : i32
      %gather3A_2203 = arith.constant 0 : i32
      %gather3A_2204 = arith.constant 0 : i32
      %gather3A_2205 = tpu.memref_slice %arg10[%gather3A_2202, %gather3A_2203, %gather3A_2204] : memref<16x32x128xf32, #tpu.memory_space<vmem>> -> memref<1x32x128xf32, #tpu.memory_space<vmem>>
      %gather3A_2206 = tpu.memref_squeeze %gather3A_2205 : memref<1x32x128xf32, #tpu.memory_space<vmem>> -> memref<32x128xf32, #tpu.memory_space<vmem>>
      %gather3A_2207 = tpu.vector_load_idx %gather3A_2206[%add3A_4, %broadcast_in_dim3A_2190] : memref<32x128xf32, #tpu.memory_space<vmem>>[vector<16xi32>, vector<16xi32>], vector<16xf32>,
      %add3A_2208 = arith.constant 2 : i32
      %add3A_2209 = arith.addi %add3A_2095, %add3A_2208 : i32
      %swap3A_2210 = arith.index_cast %add3A_2209 : i32 to index
      %swap3A_2211 = arith.constant 16 : index
      %swap3A_2212 = tpu.vector_load %arg9[%swap3A_2210, %swap3A_2211] {strides = array<i32>} : memref<128x32xf32, #tpu.memory_space<vmem>>, vector<16xf32>,
      tpu.vector_store %arg9[%swap3A_2210, %swap3A_2211], %gather3A_2207 {strides = array<i32>} : memref<128x32xf32, #tpu.memory_space<vmem>>, vector<16xf32>,
      %eq3A_2213 = arith.constant 11 : i32
      %eq3A_2214 = vector.broadcast %eq3A_2213 : i32 to vector<16xi32>
      %eq3A_2215 = arith.cmpi eq, %iota3A, %eq3A_2214 : vector<16xi32>
      %jit3A_2216 = arith.constant 0 : i32
      %broadcast_in_dim3A_2217 = vector.broadcast %jit3A_2216 : i32 to vector<16xi32>
      %select_n3A_2218 = arith.select %eq3A_2215, %get3A_28, %broadcast_in_dim3A_2217 : vector<16xi1>, vector<16xi32>
      %reduce_max3A_2219 = arith.constant true
      %reduce_max3A_2220 = vector.broadcast %reduce_max3A_2219 : i1 to vector<16xi1>
      %reduce_max3A_2221 = arith.constant -2147483648 : i32
      %reduce_max3A_2222 = vector.broadcast %reduce_max3A_2221 : i32 to vector<16xi32>
      %reduce_max3A_2223 = arith.xori %select_n3A_2218, %reduce_max3A_2222 : vector<16xi32>
      %reduce_max3A_2224 = tpu.scan <max>, %reduce_max3A_2223 masked %reduce_max3A_2220 : vector<16xi32>, vector<16xi1> -> vector<16xi32>
      %reduce_max3A_2225 = arith.xori %reduce_max3A_2224, %reduce_max3A_2222 : vector<16xi32>
      %reduce_max3A_2226 = vector.extract %reduce_max3A_2225[15] : i32 from vector<16xi32>
      %and3A_2227 = arith.constant 127 : i32
      %and3A_2228 = arith.andi %reduce_max3A_2226, %and3A_2227 : i32
      %broadcast_in_dim3A_2229 = vector.broadcast %and3A_2228 : i32 to vector<16xi32>
      %gather3A_2230 = arith.constant 3 : i32
      %gather3A_2231 = arith.constant 0 : i32
      %gather3A_2232 = arith.constant 0 : i32
      %gather3A_2233 = tpu.memref_slice %arg10[%gather3A_2230, %gather3A_2231, %gather3A_2232] : memref<16x32x128xf32, #tpu.memory_space<vmem>> -> memref<1x32x128xf32, #tpu.memory_space<vmem>>
      %gather3A_2234 = tpu.memref_squeeze %gather3A_2233 : memref<1x32x128xf32, #tpu.memory_space<vmem>> -> memref<32x128xf32, #tpu.memory_space<vmem>>
      %gather3A_2235 = tpu.vector_load_idx %gather3A_2234[%iota3A_1, %broadcast_in_dim3A_2229] : memref<32x128xf32, #tpu.memory_space<vmem>>[vector<16xi32>, vector<16xi32>], vector<16xf32>,
      %add3A_2236 = arith.constant 3 : i32
      %add3A_2237 = arith.addi %add3A_2095, %add3A_2236 : i32
      %swap3A_2238 = arith.index_cast %add3A_2237 : i32 to index
      %swap3A_2239 = arith.constant 0 : index
      %swap3A_2240 = tpu.vector_load %arg9[%swap3A_2238, %swap3A_2239] {strides = array<i32>} : memref<128x32xf32, #tpu.memory_space<vmem>>, vector<16xf32>,
      tpu.vector_store %arg9[%swap3A_2238, %swap3A_2239], %gather3A_2235 {strides = array<i32>} : memref<128x32xf32, #tpu.memory_space<vmem>>, vector<16xf32>,
      %gather3A_2241 = arith.constant 3 : i32
      %gather3A_2242 = arith.constant 0 : i32
      %gather3A_2243 = arith.constant 0 : i32
      %gather3A_2244 = tpu.memref_slice %arg10[%gather3A_2241, %gather3A_2242, %gather3A_2243] : memref<16x32x128xf32, #tpu.memory_space<vmem>> -> memref<1x32x128xf32, #tpu.memory_space<vmem>>
      %gather3A_2245 = tpu.memref_squeeze %gather3A_2244 : memref<1x32x128xf32, #tpu.memory_space<vmem>> -> memref<32x128xf32, #tpu.memory_space<vmem>>
      %gather3A_2246 = tpu.vector_load_idx %gather3A_2245[%add3A_4, %broadcast_in_dim3A_2229] : memref<32x128xf32, #tpu.memory_space<vmem>>[vector<16xi32>, vector<16xi32>], vector<16xf32>,
      %add3A_2247 = arith.constant 3 : i32
      %add3A_2248 = arith.addi %add3A_2095, %add3A_2247 : i32
      %swap3A_2249 = arith.index_cast %add3A_2248 : i32 to index
      %swap3A_2250 = arith.constant 16 : index
      %swap3A_2251 = tpu.vector_load %arg9[%swap3A_2249, %swap3A_2250] {strides = array<i32>} : memref<128x32xf32, #tpu.memory_space<vmem>>, vector<16xf32>,
      tpu.vector_store %arg9[%swap3A_2249, %swap3A_2250], %gather3A_2246 {strides = array<i32>} : memref<128x32xf32, #tpu.memory_space<vmem>>, vector<16xf32>,
      %eq3A_2252 = arith.constant 12 : i32
      %eq3A_2253 = vector.broadcast %eq3A_2252 : i32 to vector<16xi32>
      %eq3A_2254 = arith.cmpi eq, %iota3A, %eq3A_2253 : vector<16xi32>
      %jit3A_2255 = arith.constant 0 : i32
      %broadcast_in_dim3A_2256 = vector.broadcast %jit3A_2255 : i32 to vector<16xi32>
      %select_n3A_2257 = arith.select %eq3A_2254, %get3A_28, %broadcast_in_dim3A_2256 : vector<16xi1>, vector<16xi32>
      %reduce_max3A_2258 = arith.constant true
      %reduce_max3A_2259 = vector.broadcast %reduce_max3A_2258 : i1 to vector<16xi1>
      %reduce_max3A_2260 = arith.constant -2147483648 : i32
      %reduce_max3A_2261 = vector.broadcast %reduce_max3A_2260 : i32 to vector<16xi32>
      %reduce_max3A_2262 = arith.xori %select_n3A_2257, %reduce_max3A_2261 : vector<16xi32>
      %reduce_max3A_2263 = tpu.scan <max>, %reduce_max3A_2262 masked %reduce_max3A_2259 : vector<16xi32>, vector<16xi1> -> vector<16xi32>
      %reduce_max3A_2264 = arith.xori %reduce_max3A_2263, %reduce_max3A_2261 : vector<16xi32>
      %reduce_max3A_2265 = vector.extract %reduce_max3A_2264[15] : i32 from vector<16xi32>
      %and3A_2266 = arith.constant 127 : i32
      %and3A_2267 = arith.andi %reduce_max3A_2265, %and3A_2266 : i32
      %broadcast_in_dim3A_2268 = vector.broadcast %and3A_2267 : i32 to vector<16xi32>
      %gather3A_2269 = arith.constant 4 : i32
      %gather3A_2270 = arith.constant 0 : i32
      %gather3A_2271 = arith.constant 0 : i32
      %gather3A_2272 = tpu.memref_slice %arg10[%gather3A_2269, %gather3A_2270, %gather3A_2271] : memref<16x32x128xf32, #tpu.memory_space<vmem>> -> memref<1x32x128xf32, #tpu.memory_space<vmem>>
      %gather3A_2273 = tpu.memref_squeeze %gather3A_2272 : memref<1x32x128xf32, #tpu.memory_space<vmem>> -> memref<32x128xf32, #tpu.memory_space<vmem>>
      %gather3A_2274 = tpu.vector_load_idx %gather3A_2273[%iota3A_1, %broadcast_in_dim3A_2268] : memref<32x128xf32, #tpu.memory_space<vmem>>[vector<16xi32>, vector<16xi32>], vector<16xf32>,
      %add3A_2275 = arith.constant 4 : i32
      %add3A_2276 = arith.addi %add3A_2095, %add3A_2275 : i32
      %swap3A_2277 = arith.index_cast %add3A_2276 : i32 to index
      %swap3A_2278 = arith.constant 0 : index
      %swap3A_2279 = tpu.vector_load %arg9[%swap3A_2277, %swap3A_2278] {strides = array<i32>} : memref<128x32xf32, #tpu.memory_space<vmem>>, vector<16xf32>,
      tpu.vector_store %arg9[%swap3A_2277, %swap3A_2278], %gather3A_2274 {strides = array<i32>} : memref<128x32xf32, #tpu.memory_space<vmem>>, vector<16xf32>,
      %gather3A_2280 = arith.constant 4 : i32
      %gather3A_2281 = arith.constant 0 : i32
      %gather3A_2282 = arith.constant 0 : i32
      %gather3A_2283 = tpu.memref_slice %arg10[%gather3A_2280, %gather3A_2281, %gather3A_2282] : memref<16x32x128xf32, #tpu.memory_space<vmem>> -> memref<1x32x128xf32, #tpu.memory_space<vmem>>
      %gather3A_2284 = tpu.memref_squeeze %gather3A_2283 : memref<1x32x128xf32, #tpu.memory_space<vmem>> -> memref<32x128xf32, #tpu.memory_space<vmem>>
      %gather3A_2285 = tpu.vector_load_idx %gather3A_2284[%add3A_4, %broadcast_in_dim3A_2268] : memref<32x128xf32, #tpu.memory_space<vmem>>[vector<16xi32>, vector<16xi32>], vector<16xf32>,
      %add3A_2286 = arith.constant 4 : i32
      %add3A_2287 = arith.addi %add3A_2095, %add3A_2286 : i32
      %swap3A_2288 = arith.index_cast %add3A_2287 : i32 to index
      %swap3A_2289 = arith.constant 16 : index
      %swap3A_2290 = tpu.vector_load %arg9[%swap3A_2288, %swap3A_2289] {strides = array<i32>} : memref<128x32xf32, #tpu.memory_space<vmem>>, vector<16xf32>,
      tpu.vector_store %arg9[%swap3A_2288, %swap3A_2289], %gather3A_2285 {strides = array<i32>} : memref<128x32xf32, #tpu.memory_space<vmem>>, vector<16xf32>,
      %eq3A_2291 = arith.constant 13 : i32
      %eq3A_2292 = vector.broadcast %eq3A_2291 : i32 to vector<16xi32>
      %eq3A_2293 = arith.cmpi eq, %iota3A, %eq3A_2292 : vector<16xi32>
      %jit3A_2294 = arith.constant 0 : i32
      %broadcast_in_dim3A_2295 = vector.broadcast %jit3A_2294 : i32 to vector<16xi32>
      %select_n3A_2296 = arith.select %eq3A_2293, %get3A_28, %broadcast_in_dim3A_2295 : vector<16xi1>, vector<16xi32>
      %reduce_max3A_2297 = arith.constant true
      %reduce_max3A_2298 = vector.broadcast %reduce_max3A_2297 : i1 to vector<16xi1>
      %reduce_max3A_2299 = arith.constant -2147483648 : i32
      %reduce_max3A_2300 = vector.broadcast %reduce_max3A_2299 : i32 to vector<16xi32>
      %reduce_max3A_2301 = arith.xori %select_n3A_2296, %reduce_max3A_2300 : vector<16xi32>
      %reduce_max3A_2302 = tpu.scan <max>, %reduce_max3A_2301 masked %reduce_max3A_2298 : vector<16xi32>, vector<16xi1> -> vector<16xi32>
      %reduce_max3A_2303 = arith.xori %reduce_max3A_2302, %reduce_max3A_2300 : vector<16xi32>
      %reduce_max3A_2304 = vector.extract %reduce_max3A_2303[15] : i32 from vector<16xi32>
      %and3A_2305 = arith.constant 127 : i32
      %and3A_2306 = arith.andi %reduce_max3A_2304, %and3A_2305 : i32
      %broadcast_in_dim3A_2307 = vector.broadcast %and3A_2306 : i32 to vector<16xi32>
      %gather3A_2308 = arith.constant 5 : i32
      %gather3A_2309 = arith.constant 0 : i32
      %gather3A_2310 = arith.constant 0 : i32
      %gather3A_2311 = tpu.memref_slice %arg10[%gather3A_2308, %gather3A_2309, %gather3A_2310] : memref<16x32x128xf32, #tpu.memory_space<vmem>> -> memref<1x32x128xf32, #tpu.memory_space<vmem>>
      %gather3A_2312 = tpu.memref_squeeze %gather3A_2311 : memref<1x32x128xf32, #tpu.memory_space<vmem>> -> memref<32x128xf32, #tpu.memory_space<vmem>>
      %gather3A_2313 = tpu.vector_load_idx %gather3A_2312[%iota3A_1, %broadcast_in_dim3A_2307] : memref<32x128xf32, #tpu.memory_space<vmem>>[vector<16xi32>, vector<16xi32>], vector<16xf32>,
      %add3A_2314 = arith.constant 5 : i32
      %add3A_2315 = arith.addi %add3A_2095, %add3A_2314 : i32
      %swap3A_2316 = arith.index_cast %add3A_2315 : i32 to index
      %swap3A_2317 = arith.constant 0 : index
      %swap3A_2318 = tpu.vector_load %arg9[%swap3A_2316, %swap3A_2317] {strides = array<i32>} : memref<128x32xf32, #tpu.memory_space<vmem>>, vector<16xf32>,
      tpu.vector_store %arg9[%swap3A_2316, %swap3A_2317], %gather3A_2313 {strides = array<i32>} : memref<128x32xf32, #tpu.memory_space<vmem>>, vector<16xf32>,
      %gather3A_2319 = arith.constant 5 : i32
      %gather3A_2320 = arith.constant 0 : i32
      %gather3A_2321 = arith.constant 0 : i32
      %gather3A_2322 = tpu.memref_slice %arg10[%gather3A_2319, %gather3A_2320, %gather3A_2321] : memref<16x32x128xf32, #tpu.memory_space<vmem>> -> memref<1x32x128xf32, #tpu.memory_space<vmem>>
      %gather3A_2323 = tpu.memref_squeeze %gather3A_2322 : memref<1x32x128xf32, #tpu.memory_space<vmem>> -> memref<32x128xf32, #tpu.memory_space<vmem>>
      %gather3A_2324 = tpu.vector_load_idx %gather3A_2323[%add3A_4, %broadcast_in_dim3A_2307] : memref<32x128xf32, #tpu.memory_space<vmem>>[vector<16xi32>, vector<16xi32>], vector<16xf32>,
      %add3A_2325 = arith.constant 5 : i32
      %add3A_2326 = arith.addi %add3A_2095, %add3A_2325 : i32
      %swap3A_2327 = arith.index_cast %add3A_2326 : i32 to index
      %swap3A_2328 = arith.constant 16 : index
      %swap3A_2329 = tpu.vector_load %arg9[%swap3A_2327, %swap3A_2328] {strides = array<i32>} : memref<128x32xf32, #tpu.memory_space<vmem>>, vector<16xf32>,
      tpu.vector_store %arg9[%swap3A_2327, %swap3A_2328], %gather3A_2324 {strides = array<i32>} : memref<128x32xf32, #tpu.memory_space<vmem>>, vector<16xf32>,
      %eq3A_2330 = arith.constant 14 : i32
      %eq3A_2331 = vector.broadcast %eq3A_2330 : i32 to vector<16xi32>
      %eq3A_2332 = arith.cmpi eq, %iota3A, %eq3A_2331 : vector<16xi32>
      %jit3A_2333 = arith.constant 0 : i32
      %broadcast_in_dim3A_2334 = vector.broadcast %jit3A_2333 : i32 to vector<16xi32>
      %select_n3A_2335 = arith.select %eq3A_2332, %get3A_28, %broadcast_in_dim3A_2334 : vector<16xi1>, vector<16xi32>
      %reduce_max3A_2336 = arith.constant true
      %reduce_max3A_2337 = vector.broadcast %reduce_max3A_2336 : i1 to vector<16xi1>
      %reduce_max3A_2338 = arith.constant -2147483648 : i32
      %reduce_max3A_2339 = vector.broadcast %reduce_max3A_2338 : i32 to vector<16xi32>
      %reduce_max3A_2340 = arith.xori %select_n3A_2335, %reduce_max3A_2339 : vector<16xi32>
      %reduce_max3A_2341 = tpu.scan <max>, %reduce_max3A_2340 masked %reduce_max3A_2337 : vector<16xi32>, vector<16xi1> -> vector<16xi32>
      %reduce_max3A_2342 = arith.xori %reduce_max3A_2341, %reduce_max3A_2339 : vector<16xi32>
      %reduce_max3A_2343 = vector.extract %reduce_max3A_2342[15] : i32 from vector<16xi32>
      %and3A_2344 = arith.constant 127 : i32
      %and3A_2345 = arith.andi %reduce_max3A_2343, %and3A_2344 : i32
      %broadcast_in_dim3A_2346 = vector.broadcast %and3A_2345 : i32 to vector<16xi32>
      %gather3A_2347 = arith.constant 6 : i32
      %gather3A_2348 = arith.constant 0 : i32
      %gather3A_2349 = arith.constant 0 : i32
      %gather3A_2350 = tpu.memref_slice %arg10[%gather3A_2347, %gather3A_2348, %gather3A_2349] : memref<16x32x128xf32, #tpu.memory_space<vmem>> -> memref<1x32x128xf32, #tpu.memory_space<vmem>>
      %gather3A_2351 = tpu.memref_squeeze %gather3A_2350 : memref<1x32x128xf32, #tpu.memory_space<vmem>> -> memref<32x128xf32, #tpu.memory_space<vmem>>
      %gather3A_2352 = tpu.vector_load_idx %gather3A_2351[%iota3A_1, %broadcast_in_dim3A_2346] : memref<32x128xf32, #tpu.memory_space<vmem>>[vector<16xi32>, vector<16xi32>], vector<16xf32>,
      %add3A_2353 = arith.constant 6 : i32
      %add3A_2354 = arith.addi %add3A_2095, %add3A_2353 : i32
      %swap3A_2355 = arith.index_cast %add3A_2354 : i32 to index
      %swap3A_2356 = arith.constant 0 : index
      %swap3A_2357 = tpu.vector_load %arg9[%swap3A_2355, %swap3A_2356] {strides = array<i32>} : memref<128x32xf32, #tpu.memory_space<vmem>>, vector<16xf32>,
      tpu.vector_store %arg9[%swap3A_2355, %swap3A_2356], %gather3A_2352 {strides = array<i32>} : memref<128x32xf32, #tpu.memory_space<vmem>>, vector<16xf32>,
      %gather3A_2358 = arith.constant 6 : i32
      %gather3A_2359 = arith.constant 0 : i32
      %gather3A_2360 = arith.constant 0 : i32
      %gather3A_2361 = tpu.memref_slice %arg10[%gather3A_2358, %gather3A_2359, %gather3A_2360] : memref<16x32x128xf32, #tpu.memory_space<vmem>> -> memref<1x32x128xf32, #tpu.memory_space<vmem>>
      %gather3A_2362 = tpu.memref_squeeze %gather3A_2361 : memref<1x32x128xf32, #tpu.memory_space<vmem>> -> memref<32x128xf32, #tpu.memory_space<vmem>>
      %gather3A_2363 = tpu.vector_load_idx %gather3A_2362[%add3A_4, %broadcast_in_dim3A_2346] : memref<32x128xf32, #tpu.memory_space<vmem>>[vector<16xi32>, vector<16xi32>], vector<16xf32>,
      %add3A_2364 = arith.constant 6 : i32
      %add3A_2365 = arith.addi %add3A_2095, %add3A_2364 : i32
      %swap3A_2366 = arith.index_cast %add3A_2365 : i32 to index
      %swap3A_2367 = arith.constant 16 : index
      %swap3A_2368 = tpu.vector_load %arg9[%swap3A_2366, %swap3A_2367] {strides = array<i32>} : memref<128x32xf32, #tpu.memory_space<vmem>>, vector<16xf32>,
      tpu.vector_store %arg9[%swap3A_2366, %swap3A_2367], %gather3A_2363 {strides = array<i32>} : memref<128x32xf32, #tpu.memory_space<vmem>>, vector<16xf32>,
      %eq3A_2369 = arith.constant 15 : i32
      %eq3A_2370 = vector.broadcast %eq3A_2369 : i32 to vector<16xi32>
      %eq3A_2371 = arith.cmpi eq, %iota3A, %eq3A_2370 : vector<16xi32>
      %jit3A_2372 = arith.constant 0 : i32
      %broadcast_in_dim3A_2373 = vector.broadcast %jit3A_2372 : i32 to vector<16xi32>
      %select_n3A_2374 = arith.select %eq3A_2371, %get3A_28, %broadcast_in_dim3A_2373 : vector<16xi1>, vector<16xi32>
      %reduce_max3A_2375 = arith.constant true
      %reduce_max3A_2376 = vector.broadcast %reduce_max3A_2375 : i1 to vector<16xi1>
      %reduce_max3A_2377 = arith.constant -2147483648 : i32
      %reduce_max3A_2378 = vector.broadcast %reduce_max3A_2377 : i32 to vector<16xi32>
      %reduce_max3A_2379 = arith.xori %select_n3A_2374, %reduce_max3A_2378 : vector<16xi32>
      %reduce_max3A_2380 = tpu.scan <max>, %reduce_max3A_2379 masked %reduce_max3A_2376 : vector<16xi32>, vector<16xi1> -> vector<16xi32>
      %reduce_max3A_2381 = arith.xori %reduce_max3A_2380, %reduce_max3A_2378 : vector<16xi32>
      %reduce_max3A_2382 = vector.extract %reduce_max3A_2381[15] : i32 from vector<16xi32>
      %and3A_2383 = arith.constant 127 : i32
      %and3A_2384 = arith.andi %reduce_max3A_2382, %and3A_2383 : i32
      %broadcast_in_dim3A_2385 = vector.broadcast %and3A_2384 : i32 to vector<16xi32>
      %gather3A_2386 = arith.constant 7 : i32
      %gather3A_2387 = arith.constant 0 : i32
      %gather3A_2388 = arith.constant 0 : i32
      %gather3A_2389 = tpu.memref_slice %arg10[%gather3A_2386, %gather3A_2387, %gather3A_2388] : memref<16x32x128xf32, #tpu.memory_space<vmem>> -> memref<1x32x128xf32, #tpu.memory_space<vmem>>
      %gather3A_2390 = tpu.memref_squeeze %gather3A_2389 : memref<1x32x128xf32, #tpu.memory_space<vmem>> -> memref<32x128xf32, #tpu.memory_space<vmem>>
      %gather3A_2391 = tpu.vector_load_idx %gather3A_2390[%iota3A_1, %broadcast_in_dim3A_2385] : memref<32x128xf32, #tpu.memory_space<vmem>>[vector<16xi32>, vector<16xi32>], vector<16xf32>,
      %add3A_2392 = arith.constant 7 : i32
      %add3A_2393 = arith.addi %add3A_2095, %add3A_2392 : i32
      %swap3A_2394 = arith.index_cast %add3A_2393 : i32 to index
      %swap3A_2395 = arith.constant 0 : index
      %swap3A_2396 = tpu.vector_load %arg9[%swap3A_2394, %swap3A_2395] {strides = array<i32>} : memref<128x32xf32, #tpu.memory_space<vmem>>, vector<16xf32>,
      tpu.vector_store %arg9[%swap3A_2394, %swap3A_2395], %gather3A_2391 {strides = array<i32>} : memref<128x32xf32, #tpu.memory_space<vmem>>, vector<16xf32>,
      %gather3A_2397 = arith.constant 7 : i32
      %gather3A_2398 = arith.constant 0 : i32
      %gather3A_2399 = arith.constant 0 : i32
      %gather3A_2400 = tpu.memref_slice %arg10[%gather3A_2397, %gather3A_2398, %gather3A_2399] : memref<16x32x128xf32, #tpu.memory_space<vmem>> -> memref<1x32x128xf32, #tpu.memory_space<vmem>>
      %gather3A_2401 = tpu.memref_squeeze %gather3A_2400 : memref<1x32x128xf32, #tpu.memory_space<vmem>> -> memref<32x128xf32, #tpu.memory_space<vmem>>
      %gather3A_2402 = tpu.vector_load_idx %gather3A_2401[%add3A_4, %broadcast_in_dim3A_2385] : memref<32x128xf32, #tpu.memory_space<vmem>>[vector<16xi32>, vector<16xi32>], vector<16xf32>,
      %add3A_2403 = arith.constant 7 : i32
      %add3A_2404 = arith.addi %add3A_2095, %add3A_2403 : i32
      %swap3A_2405 = arith.index_cast %add3A_2404 : i32 to index
      %swap3A_2406 = arith.constant 16 : index
      %swap3A_2407 = tpu.vector_load %arg9[%swap3A_2405, %swap3A_2406] {strides = array<i32>} : memref<128x32xf32, #tpu.memory_space<vmem>>, vector<16xf32>,
      tpu.vector_store %arg9[%swap3A_2405, %swap3A_2406], %gather3A_2402 {strides = array<i32>} : memref<128x32xf32, #tpu.memory_space<vmem>>, vector<16xf32>,
      %mul3A_2408 = arith.constant 16 : i32
      %mul3A_2409 = arith.muli %add3A_25, %mul3A_2408 : i32
      %add3A_2410 = arith.constant 8 : i32
      %add3A_2411 = arith.addi %mul3A_2409, %add3A_2410 : i32
      %eq3A_2412 = arith.constant 8 : i32
      %eq3A_2413 = vector.broadcast %eq3A_2412 : i32 to vector<16xi32>
      %eq3A_2414 = arith.cmpi eq, %iota3A, %eq3A_2413 : vector<16xi32>
      %jit3A_2415 = arith.constant 0 : i32
      %broadcast_in_dim3A_2416 = vector.broadcast %jit3A_2415 : i32 to vector<16xi32>
      %select_n3A_2417 = arith.select %eq3A_2414, %get3A_32, %broadcast_in_dim3A_2416 : vector<16xi1>, vector<16xi32>
      %reduce_max3A_2418 = arith.constant true
      %reduce_max3A_2419 = vector.broadcast %reduce_max3A_2418 : i1 to vector<16xi1>
      %reduce_max3A_2420 = arith.constant -2147483648 : i32
      %reduce_max3A_2421 = vector.broadcast %reduce_max3A_2420 : i32 to vector<16xi32>
      %reduce_max3A_2422 = arith.xori %select_n3A_2417, %reduce_max3A_2421 : vector<16xi32>
      %reduce_max3A_2423 = tpu.scan <max>, %reduce_max3A_2422 masked %reduce_max3A_2419 : vector<16xi32>, vector<16xi1> -> vector<16xi32>
      %reduce_max3A_2424 = arith.xori %reduce_max3A_2423, %reduce_max3A_2421 : vector<16xi32>
      %reduce_max3A_2425 = vector.extract %reduce_max3A_2424[15] : i32 from vector<16xi32>
      %and3A_2426 = arith.constant 127 : i32
      %and3A_2427 = arith.andi %reduce_max3A_2425, %and3A_2426 : i32
      %broadcast_in_dim3A_2428 = vector.broadcast %and3A_2427 : i32 to vector<16xi32>
      %gather3A_2429 = arith.constant 8 : i32
      %gather3A_2430 = arith.constant 0 : i32
      %gather3A_2431 = arith.constant 0 : i32
      %gather3A_2432 = tpu.memref_slice %arg10[%gather3A_2429, %gather3A_2430, %gather3A_2431] : memref<16x32x128xf32, #tpu.memory_space<vmem>> -> memref<1x32x128xf32, #tpu.memory_space<vmem>>
      %gather3A_2433 = tpu.memref_squeeze %gather3A_2432 : memref<1x32x128xf32, #tpu.memory_space<vmem>> -> memref<32x128xf32, #tpu.memory_space<vmem>>
      %gather3A_2434 = tpu.vector_load_idx %gather3A_2433[%iota3A_1, %broadcast_in_dim3A_2428] : memref<32x128xf32, #tpu.memory_space<vmem>>[vector<16xi32>, vector<16xi32>], vector<16xf32>,
      %add3A_2435 = arith.constant 0 : i32
      %add3A_2436 = arith.addi %add3A_2411, %add3A_2435 : i32
      %swap3A_2437 = arith.index_cast %add3A_2436 : i32 to index
      %swap3A_2438 = arith.constant 0 : index
      %swap3A_2439 = tpu.vector_load %arg14[%swap3A_2437, %swap3A_2438] {strides = array<i32>} : memref<128x32xf32, #tpu.memory_space<vmem>>, vector<16xf32>,
      tpu.vector_store %arg14[%swap3A_2437, %swap3A_2438], %gather3A_2434 {strides = array<i32>} : memref<128x32xf32, #tpu.memory_space<vmem>>, vector<16xf32>,
      %gather3A_2440 = arith.constant 8 : i32
      %gather3A_2441 = arith.constant 0 : i32
      %gather3A_2442 = arith.constant 0 : i32
      %gather3A_2443 = tpu.memref_slice %arg10[%gather3A_2440, %gather3A_2441, %gather3A_2442] : memref<16x32x128xf32, #tpu.memory_space<vmem>> -> memref<1x32x128xf32, #tpu.memory_space<vmem>>
      %gather3A_2444 = tpu.memref_squeeze %gather3A_2443 : memref<1x32x128xf32, #tpu.memory_space<vmem>> -> memref<32x128xf32, #tpu.memory_space<vmem>>
      %gather3A_2445 = tpu.vector_load_idx %gather3A_2444[%add3A_4, %broadcast_in_dim3A_2428] : memref<32x128xf32, #tpu.memory_space<vmem>>[vector<16xi32>, vector<16xi32>], vector<16xf32>,
      %add3A_2446 = arith.constant 0 : i32
      %add3A_2447 = arith.addi %add3A_2411, %add3A_2446 : i32
      %swap3A_2448 = arith.index_cast %add3A_2447 : i32 to index
      %swap3A_2449 = arith.constant 16 : index
      %swap3A_2450 = tpu.vector_load %arg14[%swap3A_2448, %swap3A_2449] {strides = array<i32>} : memref<128x32xf32, #tpu.memory_space<vmem>>, vector<16xf32>,
      tpu.vector_store %arg14[%swap3A_2448, %swap3A_2449], %gather3A_2445 {strides = array<i32>} : memref<128x32xf32, #tpu.memory_space<vmem>>, vector<16xf32>,
      %eq3A_2451 = arith.constant 9 : i32
      %eq3A_2452 = vector.broadcast %eq3A_2451 : i32 to vector<16xi32>
      %eq3A_2453 = arith.cmpi eq, %iota3A, %eq3A_2452 : vector<16xi32>
      %jit3A_2454 = arith.constant 0 : i32
      %broadcast_in_dim3A_2455 = vector.broadcast %jit3A_2454 : i32 to vector<16xi32>
      %select_n3A_2456 = arith.select %eq3A_2453, %get3A_32, %broadcast_in_dim3A_2455 : vector<16xi1>, vector<16xi32>
      %reduce_max3A_2457 = arith.constant true
      %reduce_max3A_2458 = vector.broadcast %reduce_max3A_2457 : i1 to vector<16xi1>
      %reduce_max3A_2459 = arith.constant -2147483648 : i32
      %reduce_max3A_2460 = vector.broadcast %reduce_max3A_2459 : i32 to vector<16xi32>
      %reduce_max3A_2461 = arith.xori %select_n3A_2456, %reduce_max3A_2460 : vector<16xi32>
      %reduce_max3A_2462 = tpu.scan <max>, %reduce_max3A_2461 masked %reduce_max3A_2458 : vector<16xi32>, vector<16xi1> -> vector<16xi32>
      %reduce_max3A_2463 = arith.xori %reduce_max3A_2462, %reduce_max3A_2460 : vector<16xi32>
      %reduce_max3A_2464 = vector.extract %reduce_max3A_2463[15] : i32 from vector<16xi32>
      %and3A_2465 = arith.constant 127 : i32
      %and3A_2466 = arith.andi %reduce_max3A_2464, %and3A_2465 : i32
      %broadcast_in_dim3A_2467 = vector.broadcast %and3A_2466 : i32 to vector<16xi32>
      %gather3A_2468 = arith.constant 9 : i32
      %gather3A_2469 = arith.constant 0 : i32
      %gather3A_2470 = arith.constant 0 : i32
      %gather3A_2471 = tpu.memref_slice %arg10[%gather3A_2468, %gather3A_2469, %gather3A_2470] : memref<16x32x128xf32, #tpu.memory_space<vmem>> -> memref<1x32x128xf32, #tpu.memory_space<vmem>>
      %gather3A_2472 = tpu.memref_squeeze %gather3A_2471 : memref<1x32x128xf32, #tpu.memory_space<vmem>> -> memref<32x128xf32, #tpu.memory_space<vmem>>
      %gather3A_2473 = tpu.vector_load_idx %gather3A_2472[%iota3A_1, %broadcast_in_dim3A_2467] : memref<32x128xf32, #tpu.memory_space<vmem>>[vector<16xi32>, vector<16xi32>], vector<16xf32>,
      %add3A_2474 = arith.constant 1 : i32
      %add3A_2475 = arith.addi %add3A_2411, %add3A_2474 : i32
      %swap3A_2476 = arith.index_cast %add3A_2475 : i32 to index
      %swap3A_2477 = arith.constant 0 : index
      %swap3A_2478 = tpu.vector_load %arg14[%swap3A_2476, %swap3A_2477] {strides = array<i32>} : memref<128x32xf32, #tpu.memory_space<vmem>>, vector<16xf32>,
      tpu.vector_store %arg14[%swap3A_2476, %swap3A_2477], %gather3A_2473 {strides = array<i32>} : memref<128x32xf32, #tpu.memory_space<vmem>>, vector<16xf32>,
      %gather3A_2479 = arith.constant 9 : i32
      %gather3A_2480 = arith.constant 0 : i32
      %gather3A_2481 = arith.constant 0 : i32
      %gather3A_2482 = tpu.memref_slice %arg10[%gather3A_2479, %gather3A_2480, %gather3A_2481] : memref<16x32x128xf32, #tpu.memory_space<vmem>> -> memref<1x32x128xf32, #tpu.memory_space<vmem>>
      %gather3A_2483 = tpu.memref_squeeze %gather3A_2482 : memref<1x32x128xf32, #tpu.memory_space<vmem>> -> memref<32x128xf32, #tpu.memory_space<vmem>>
      %gather3A_2484 = tpu.vector_load_idx %gather3A_2483[%add3A_4, %broadcast_in_dim3A_2467] : memref<32x128xf32, #tpu.memory_space<vmem>>[vector<16xi32>, vector<16xi32>], vector<16xf32>,
      %add3A_2485 = arith.constant 1 : i32
      %add3A_2486 = arith.addi %add3A_2411, %add3A_2485 : i32
      %swap3A_2487 = arith.index_cast %add3A_2486 : i32 to index
      %swap3A_2488 = arith.constant 16 : index
      %swap3A_2489 = tpu.vector_load %arg14[%swap3A_2487, %swap3A_2488] {strides = array<i32>} : memref<128x32xf32, #tpu.memory_space<vmem>>, vector<16xf32>,
      tpu.vector_store %arg14[%swap3A_2487, %swap3A_2488], %gather3A_2484 {strides = array<i32>} : memref<128x32xf32, #tpu.memory_space<vmem>>, vector<16xf32>,
      %eq3A_2490 = arith.constant 10 : i32
      %eq3A_2491 = vector.broadcast %eq3A_2490 : i32 to vector<16xi32>
      %eq3A_2492 = arith.cmpi eq, %iota3A, %eq3A_2491 : vector<16xi32>
      %jit3A_2493 = arith.constant 0 : i32
      %broadcast_in_dim3A_2494 = vector.broadcast %jit3A_2493 : i32 to vector<16xi32>
      %select_n3A_2495 = arith.select %eq3A_2492, %get3A_32, %broadcast_in_dim3A_2494 : vector<16xi1>, vector<16xi32>
      %reduce_max3A_2496 = arith.constant true
      %reduce_max3A_2497 = vector.broadcast %reduce_max3A_2496 : i1 to vector<16xi1>
      %reduce_max3A_2498 = arith.constant -2147483648 : i32
      %reduce_max3A_2499 = vector.broadcast %reduce_max3A_2498 : i32 to vector<16xi32>
      %reduce_max3A_2500 = arith.xori %select_n3A_2495, %reduce_max3A_2499 : vector<16xi32>
      %reduce_max3A_2501 = tpu.scan <max>, %reduce_max3A_2500 masked %reduce_max3A_2497 : vector<16xi32>, vector<16xi1> -> vector<16xi32>
      %reduce_max3A_2502 = arith.xori %reduce_max3A_2501, %reduce_max3A_2499 : vector<16xi32>
      %reduce_max3A_2503 = vector.extract %reduce_max3A_2502[15] : i32 from vector<16xi32>
      %and3A_2504 = arith.constant 127 : i32
      %and3A_2505 = arith.andi %reduce_max3A_2503, %and3A_2504 : i32
      %broadcast_in_dim3A_2506 = vector.broadcast %and3A_2505 : i32 to vector<16xi32>
      %gather3A_2507 = arith.constant 10 : i32
      %gather3A_2508 = arith.constant 0 : i32
      %gather3A_2509 = arith.constant 0 : i32
      %gather3A_2510 = tpu.memref_slice %arg10[%gather3A_2507, %gather3A_2508, %gather3A_2509] : memref<16x32x128xf32, #tpu.memory_space<vmem>> -> memref<1x32x128xf32, #tpu.memory_space<vmem>>
      %gather3A_2511 = tpu.memref_squeeze %gather3A_2510 : memref<1x32x128xf32, #tpu.memory_space<vmem>> -> memref<32x128xf32, #tpu.memory_space<vmem>>
      %gather3A_2512 = tpu.vector_load_idx %gather3A_2511[%iota3A_1, %broadcast_in_dim3A_2506] : memref<32x128xf32, #tpu.memory_space<vmem>>[vector<16xi32>, vector<16xi32>], vector<16xf32>,
      %add3A_2513 = arith.constant 2 : i32
      %add3A_2514 = arith.addi %add3A_2411, %add3A_2513 : i32
      %swap3A_2515 = arith.index_cast %add3A_2514 : i32 to index
      %swap3A_2516 = arith.constant 0 : index
      %swap3A_2517 = tpu.vector_load %arg14[%swap3A_2515, %swap3A_2516] {strides = array<i32>} : memref<128x32xf32, #tpu.memory_space<vmem>>, vector<16xf32>,
      tpu.vector_store %arg14[%swap3A_2515, %swap3A_2516], %gather3A_2512 {strides = array<i32>} : memref<128x32xf32, #tpu.memory_space<vmem>>, vector<16xf32>,
      %gather3A_2518 = arith.constant 10 : i32
      %gather3A_2519 = arith.constant 0 : i32
      %gather3A_2520 = arith.constant 0 : i32
      %gather3A_2521 = tpu.memref_slice %arg10[%gather3A_2518, %gather3A_2519, %gather3A_2520] : memref<16x32x128xf32, #tpu.memory_space<vmem>> -> memref<1x32x128xf32, #tpu.memory_space<vmem>>
      %gather3A_2522 = tpu.memref_squeeze %gather3A_2521 : memref<1x32x128xf32, #tpu.memory_space<vmem>> -> memref<32x128xf32, #tpu.memory_space<vmem>>
      %gather3A_2523 = tpu.vector_load_idx %gather3A_2522[%add3A_4, %broadcast_in_dim3A_2506] : memref<32x128xf32, #tpu.memory_space<vmem>>[vector<16xi32>, vector<16xi32>], vector<16xf32>,
      %add3A_2524 = arith.constant 2 : i32
      %add3A_2525 = arith.addi %add3A_2411, %add3A_2524 : i32
      %swap3A_2526 = arith.index_cast %add3A_2525 : i32 to index
      %swap3A_2527 = arith.constant 16 : index
      %swap3A_2528 = tpu.vector_load %arg14[%swap3A_2526, %swap3A_2527] {strides = array<i32>} : memref<128x32xf32, #tpu.memory_space<vmem>>, vector<16xf32>,
      tpu.vector_store %arg14[%swap3A_2526, %swap3A_2527], %gather3A_2523 {strides = array<i32>} : memref<128x32xf32, #tpu.memory_space<vmem>>, vector<16xf32>,
      %eq3A_2529 = arith.constant 11 : i32
      %eq3A_2530 = vector.broadcast %eq3A_2529 : i32 to vector<16xi32>
      %eq3A_2531 = arith.cmpi eq, %iota3A, %eq3A_2530 : vector<16xi32>
      %jit3A_2532 = arith.constant 0 : i32
      %broadcast_in_dim3A_2533 = vector.broadcast %jit3A_2532 : i32 to vector<16xi32>
      %select_n3A_2534 = arith.select %eq3A_2531, %get3A_32, %broadcast_in_dim3A_2533 : vector<16xi1>, vector<16xi32>
      %reduce_max3A_2535 = arith.constant true
      %reduce_max3A_2536 = vector.broadcast %reduce_max3A_2535 : i1 to vector<16xi1>
      %reduce_max3A_2537 = arith.constant -2147483648 : i32
      %reduce_max3A_2538 = vector.broadcast %reduce_max3A_2537 : i32 to vector<16xi32>
      %reduce_max3A_2539 = arith.xori %select_n3A_2534, %reduce_max3A_2538 : vector<16xi32>
      %reduce_max3A_2540 = tpu.scan <max>, %reduce_max3A_2539 masked %reduce_max3A_2536 : vector<16xi32>, vector<16xi1> -> vector<16xi32>
      %reduce_max3A_2541 = arith.xori %reduce_max3A_2540, %reduce_max3A_2538 : vector<16xi32>
      %reduce_max3A_2542 = vector.extract %reduce_max3A_2541[15] : i32 from vector<16xi32>
      %and3A_2543 = arith.constant 127 : i32
      %and3A_2544 = arith.andi %reduce_max3A_2542, %and3A_2543 : i32
      %broadcast_in_dim3A_2545 = vector.broadcast %and3A_2544 : i32 to vector<16xi32>
      %gather3A_2546 = arith.constant 11 : i32
      %gather3A_2547 = arith.constant 0 : i32
      %gather3A_2548 = arith.constant 0 : i32
      %gather3A_2549 = tpu.memref_slice %arg10[%gather3A_2546, %gather3A_2547, %gather3A_2548] : memref<16x32x128xf32, #tpu.memory_space<vmem>> -> memref<1x32x128xf32, #tpu.memory_space<vmem>>
      %gather3A_2550 = tpu.memref_squeeze %gather3A_2549 : memref<1x32x128xf32, #tpu.memory_space<vmem>> -> memref<32x128xf32, #tpu.memory_space<vmem>>
      %gather3A_2551 = tpu.vector_load_idx %gather3A_2550[%iota3A_1, %broadcast_in_dim3A_2545] : memref<32x128xf32, #tpu.memory_space<vmem>>[vector<16xi32>, vector<16xi32>], vector<16xf32>,
      %add3A_2552 = arith.constant 3 : i32
      %add3A_2553 = arith.addi %add3A_2411, %add3A_2552 : i32
      %swap3A_2554 = arith.index_cast %add3A_2553 : i32 to index
      %swap3A_2555 = arith.constant 0 : index
      %swap3A_2556 = tpu.vector_load %arg14[%swap3A_2554, %swap3A_2555] {strides = array<i32>} : memref<128x32xf32, #tpu.memory_space<vmem>>, vector<16xf32>,
      tpu.vector_store %arg14[%swap3A_2554, %swap3A_2555], %gather3A_2551 {strides = array<i32>} : memref<128x32xf32, #tpu.memory_space<vmem>>, vector<16xf32>,
      %gather3A_2557 = arith.constant 11 : i32
      %gather3A_2558 = arith.constant 0 : i32
      %gather3A_2559 = arith.constant 0 : i32
      %gather3A_2560 = tpu.memref_slice %arg10[%gather3A_2557, %gather3A_2558, %gather3A_2559] : memref<16x32x128xf32, #tpu.memory_space<vmem>> -> memref<1x32x128xf32, #tpu.memory_space<vmem>>
      %gather3A_2561 = tpu.memref_squeeze %gather3A_2560 : memref<1x32x128xf32, #tpu.memory_space<vmem>> -> memref<32x128xf32, #tpu.memory_space<vmem>>
      %gather3A_2562 = tpu.vector_load_idx %gather3A_2561[%add3A_4, %broadcast_in_dim3A_2545] : memref<32x128xf32, #tpu.memory_space<vmem>>[vector<16xi32>, vector<16xi32>], vector<16xf32>,
      %add3A_2563 = arith.constant 3 : i32
      %add3A_2564 = arith.addi %add3A_2411, %add3A_2563 : i32
      %swap3A_2565 = arith.index_cast %add3A_2564 : i32 to index
      %swap3A_2566 = arith.constant 16 : index
      %swap3A_2567 = tpu.vector_load %arg14[%swap3A_2565, %swap3A_2566] {strides = array<i32>} : memref<128x32xf32, #tpu.memory_space<vmem>>, vector<16xf32>,
      tpu.vector_store %arg14[%swap3A_2565, %swap3A_2566], %gather3A_2562 {strides = array<i32>} : memref<128x32xf32, #tpu.memory_space<vmem>>, vector<16xf32>,
      %eq3A_2568 = arith.constant 12 : i32
      %eq3A_2569 = vector.broadcast %eq3A_2568 : i32 to vector<16xi32>
      %eq3A_2570 = arith.cmpi eq, %iota3A, %eq3A_2569 : vector<16xi32>
      %jit3A_2571 = arith.constant 0 : i32
      %broadcast_in_dim3A_2572 = vector.broadcast %jit3A_2571 : i32 to vector<16xi32>
      %select_n3A_2573 = arith.select %eq3A_2570, %get3A_32, %broadcast_in_dim3A_2572 : vector<16xi1>, vector<16xi32>
      %reduce_max3A_2574 = arith.constant true
      %reduce_max3A_2575 = vector.broadcast %reduce_max3A_2574 : i1 to vector<16xi1>
      %reduce_max3A_2576 = arith.constant -2147483648 : i32
      %reduce_max3A_2577 = vector.broadcast %reduce_max3A_2576 : i32 to vector<16xi32>
      %reduce_max3A_2578 = arith.xori %select_n3A_2573, %reduce_max3A_2577 : vector<16xi32>
      %reduce_max3A_2579 = tpu.scan <max>, %reduce_max3A_2578 masked %reduce_max3A_2575 : vector<16xi32>, vector<16xi1> -> vector<16xi32>
      %reduce_max3A_2580 = arith.xori %reduce_max3A_2579, %reduce_max3A_2577 : vector<16xi32>
      %reduce_max3A_2581 = vector.extract %reduce_max3A_2580[15] : i32 from vector<16xi32>
      %and3A_2582 = arith.constant 127 : i32
      %and3A_2583 = arith.andi %reduce_max3A_2581, %and3A_2582 : i32
      %broadcast_in_dim3A_2584 = vector.broadcast %and3A_2583 : i32 to vector<16xi32>
      %gather3A_2585 = arith.constant 12 : i32
      %gather3A_2586 = arith.constant 0 : i32
      %gather3A_2587 = arith.constant 0 : i32
      %gather3A_2588 = tpu.memref_slice %arg10[%gather3A_2585, %gather3A_2586, %gather3A_2587] : memref<16x32x128xf32, #tpu.memory_space<vmem>> -> memref<1x32x128xf32, #tpu.memory_space<vmem>>
      %gather3A_2589 = tpu.memref_squeeze %gather3A_2588 : memref<1x32x128xf32, #tpu.memory_space<vmem>> -> memref<32x128xf32, #tpu.memory_space<vmem>>
      %gather3A_2590 = tpu.vector_load_idx %gather3A_2589[%iota3A_1, %broadcast_in_dim3A_2584] : memref<32x128xf32, #tpu.memory_space<vmem>>[vector<16xi32>, vector<16xi32>], vector<16xf32>,
      %add3A_2591 = arith.constant 4 : i32
      %add3A_2592 = arith.addi %add3A_2411, %add3A_2591 : i32
      %swap3A_2593 = arith.index_cast %add3A_2592 : i32 to index
      %swap3A_2594 = arith.constant 0 : index
      %swap3A_2595 = tpu.vector_load %arg14[%swap3A_2593, %swap3A_2594] {strides = array<i32>} : memref<128x32xf32, #tpu.memory_space<vmem>>, vector<16xf32>,
      tpu.vector_store %arg14[%swap3A_2593, %swap3A_2594], %gather3A_2590 {strides = array<i32>} : memref<128x32xf32, #tpu.memory_space<vmem>>, vector<16xf32>,
      %gather3A_2596 = arith.constant 12 : i32
      %gather3A_2597 = arith.constant 0 : i32
      %gather3A_2598 = arith.constant 0 : i32
      %gather3A_2599 = tpu.memref_slice %arg10[%gather3A_2596, %gather3A_2597, %gather3A_2598] : memref<16x32x128xf32, #tpu.memory_space<vmem>> -> memref<1x32x128xf32, #tpu.memory_space<vmem>>
      %gather3A_2600 = tpu.memref_squeeze %gather3A_2599 : memref<1x32x128xf32, #tpu.memory_space<vmem>> -> memref<32x128xf32, #tpu.memory_space<vmem>>
      %gather3A_2601 = tpu.vector_load_idx %gather3A_2600[%add3A_4, %broadcast_in_dim3A_2584] : memref<32x128xf32, #tpu.memory_space<vmem>>[vector<16xi32>, vector<16xi32>], vector<16xf32>,
      %add3A_2602 = arith.constant 4 : i32
      %add3A_2603 = arith.addi %add3A_2411, %add3A_2602 : i32
      %swap3A_2604 = arith.index_cast %add3A_2603 : i32 to index
      %swap3A_2605 = arith.constant 16 : index
      %swap3A_2606 = tpu.vector_load %arg14[%swap3A_2604, %swap3A_2605] {strides = array<i32>} : memref<128x32xf32, #tpu.memory_space<vmem>>, vector<16xf32>,
      tpu.vector_store %arg14[%swap3A_2604, %swap3A_2605], %gather3A_2601 {strides = array<i32>} : memref<128x32xf32, #tpu.memory_space<vmem>>, vector<16xf32>,
      %eq3A_2607 = arith.constant 13 : i32
      %eq3A_2608 = vector.broadcast %eq3A_2607 : i32 to vector<16xi32>
      %eq3A_2609 = arith.cmpi eq, %iota3A, %eq3A_2608 : vector<16xi32>
      %jit3A_2610 = arith.constant 0 : i32
      %broadcast_in_dim3A_2611 = vector.broadcast %jit3A_2610 : i32 to vector<16xi32>
      %select_n3A_2612 = arith.select %eq3A_2609, %get3A_32, %broadcast_in_dim3A_2611 : vector<16xi1>, vector<16xi32>
      %reduce_max3A_2613 = arith.constant true
      %reduce_max3A_2614 = vector.broadcast %reduce_max3A_2613 : i1 to vector<16xi1>
      %reduce_max3A_2615 = arith.constant -2147483648 : i32
      %reduce_max3A_2616 = vector.broadcast %reduce_max3A_2615 : i32 to vector<16xi32>
      %reduce_max3A_2617 = arith.xori %select_n3A_2612, %reduce_max3A_2616 : vector<16xi32>
      %reduce_max3A_2618 = tpu.scan <max>, %reduce_max3A_2617 masked %reduce_max3A_2614 : vector<16xi32>, vector<16xi1> -> vector<16xi32>
      %reduce_max3A_2619 = arith.xori %reduce_max3A_2618, %reduce_max3A_2616 : vector<16xi32>
      %reduce_max3A_2620 = vector.extract %reduce_max3A_2619[15] : i32 from vector<16xi32>
      %and3A_2621 = arith.constant 127 : i32
      %and3A_2622 = arith.andi %reduce_max3A_2620, %and3A_2621 : i32
      %broadcast_in_dim3A_2623 = vector.broadcast %and3A_2622 : i32 to vector<16xi32>
      %gather3A_2624 = arith.constant 13 : i32
      %gather3A_2625 = arith.constant 0 : i32
      %gather3A_2626 = arith.constant 0 : i32
      %gather3A_2627 = tpu.memref_slice %arg10[%gather3A_2624, %gather3A_2625, %gather3A_2626] : memref<16x32x128xf32, #tpu.memory_space<vmem>> -> memref<1x32x128xf32, #tpu.memory_space<vmem>>
      %gather3A_2628 = tpu.memref_squeeze %gather3A_2627 : memref<1x32x128xf32, #tpu.memory_space<vmem>> -> memref<32x128xf32, #tpu.memory_space<vmem>>
      %gather3A_2629 = tpu.vector_load_idx %gather3A_2628[%iota3A_1, %broadcast_in_dim3A_2623] : memref<32x128xf32, #tpu.memory_space<vmem>>[vector<16xi32>, vector<16xi32>], vector<16xf32>,
      %add3A_2630 = arith.constant 5 : i32
      %add3A_2631 = arith.addi %add3A_2411, %add3A_2630 : i32
      %swap3A_2632 = arith.index_cast %add3A_2631 : i32 to index
      %swap3A_2633 = arith.constant 0 : index
      %swap3A_2634 = tpu.vector_load %arg14[%swap3A_2632, %swap3A_2633] {strides = array<i32>} : memref<128x32xf32, #tpu.memory_space<vmem>>, vector<16xf32>,
      tpu.vector_store %arg14[%swap3A_2632, %swap3A_2633], %gather3A_2629 {strides = array<i32>} : memref<128x32xf32, #tpu.memory_space<vmem>>, vector<16xf32>,
      %gather3A_2635 = arith.constant 13 : i32
      %gather3A_2636 = arith.constant 0 : i32
      %gather3A_2637 = arith.constant 0 : i32
      %gather3A_2638 = tpu.memref_slice %arg10[%gather3A_2635, %gather3A_2636, %gather3A_2637] : memref<16x32x128xf32, #tpu.memory_space<vmem>> -> memref<1x32x128xf32, #tpu.memory_space<vmem>>
      %gather3A_2639 = tpu.memref_squeeze %gather3A_2638 : memref<1x32x128xf32, #tpu.memory_space<vmem>> -> memref<32x128xf32, #tpu.memory_space<vmem>>
      %gather3A_2640 = tpu.vector_load_idx %gather3A_2639[%add3A_4, %broadcast_in_dim3A_2623] : memref<32x128xf32, #tpu.memory_space<vmem>>[vector<16xi32>, vector<16xi32>], vector<16xf32>,
      %add3A_2641 = arith.constant 5 : i32
      %add3A_2642 = arith.addi %add3A_2411, %add3A_2641 : i32
      %swap3A_2643 = arith.index_cast %add3A_2642 : i32 to index
      %swap3A_2644 = arith.constant 16 : index
      %swap3A_2645 = tpu.vector_load %arg14[%swap3A_2643, %swap3A_2644] {strides = array<i32>} : memref<128x32xf32, #tpu.memory_space<vmem>>, vector<16xf32>,
      tpu.vector_store %arg14[%swap3A_2643, %swap3A_2644], %gather3A_2640 {strides = array<i32>} : memref<128x32xf32, #tpu.memory_space<vmem>>, vector<16xf32>,
      %eq3A_2646 = arith.constant 14 : i32
      %eq3A_2647 = vector.broadcast %eq3A_2646 : i32 to vector<16xi32>
      %eq3A_2648 = arith.cmpi eq, %iota3A, %eq3A_2647 : vector<16xi32>
      %jit3A_2649 = arith.constant 0 : i32
      %broadcast_in_dim3A_2650 = vector.broadcast %jit3A_2649 : i32 to vector<16xi32>
      %select_n3A_2651 = arith.select %eq3A_2648, %get3A_32, %broadcast_in_dim3A_2650 : vector<16xi1>, vector<16xi32>
      %reduce_max3A_2652 = arith.constant true
      %reduce_max3A_2653 = vector.broadcast %reduce_max3A_2652 : i1 to vector<16xi1>
      %reduce_max3A_2654 = arith.constant -2147483648 : i32
      %reduce_max3A_2655 = vector.broadcast %reduce_max3A_2654 : i32 to vector<16xi32>
      %reduce_max3A_2656 = arith.xori %select_n3A_2651, %reduce_max3A_2655 : vector<16xi32>
      %reduce_max3A_2657 = tpu.scan <max>, %reduce_max3A_2656 masked %reduce_max3A_2653 : vector<16xi32>, vector<16xi1> -> vector<16xi32>
      %reduce_max3A_2658 = arith.xori %reduce_max3A_2657, %reduce_max3A_2655 : vector<16xi32>
      %reduce_max3A_2659 = vector.extract %reduce_max3A_2658[15] : i32 from vector<16xi32>
      %and3A_2660 = arith.constant 127 : i32
      %and3A_2661 = arith.andi %reduce_max3A_2659, %and3A_2660 : i32
      %broadcast_in_dim3A_2662 = vector.broadcast %and3A_2661 : i32 to vector<16xi32>
      %gather3A_2663 = arith.constant 14 : i32
      %gather3A_2664 = arith.constant 0 : i32
      %gather3A_2665 = arith.constant 0 : i32
      %gather3A_2666 = tpu.memref_slice %arg10[%gather3A_2663, %gather3A_2664, %gather3A_2665] : memref<16x32x128xf32, #tpu.memory_space<vmem>> -> memref<1x32x128xf32, #tpu.memory_space<vmem>>
      %gather3A_2667 = tpu.memref_squeeze %gather3A_2666 : memref<1x32x128xf32, #tpu.memory_space<vmem>> -> memref<32x128xf32, #tpu.memory_space<vmem>>
      %gather3A_2668 = tpu.vector_load_idx %gather3A_2667[%iota3A_1, %broadcast_in_dim3A_2662] : memref<32x128xf32, #tpu.memory_space<vmem>>[vector<16xi32>, vector<16xi32>], vector<16xf32>,
      %add3A_2669 = arith.constant 6 : i32
      %add3A_2670 = arith.addi %add3A_2411, %add3A_2669 : i32
      %swap3A_2671 = arith.index_cast %add3A_2670 : i32 to index
      %swap3A_2672 = arith.constant 0 : index
      %swap3A_2673 = tpu.vector_load %arg14[%swap3A_2671, %swap3A_2672] {strides = array<i32>} : memref<128x32xf32, #tpu.memory_space<vmem>>, vector<16xf32>,
      tpu.vector_store %arg14[%swap3A_2671, %swap3A_2672], %gather3A_2668 {strides = array<i32>} : memref<128x32xf32, #tpu.memory_space<vmem>>, vector<16xf32>,
      %gather3A_2674 = arith.constant 14 : i32
      %gather3A_2675 = arith.constant 0 : i32
      %gather3A_2676 = arith.constant 0 : i32
      %gather3A_2677 = tpu.memref_slice %arg10[%gather3A_2674, %gather3A_2675, %gather3A_2676] : memref<16x32x128xf32, #tpu.memory_space<vmem>> -> memref<1x32x128xf32, #tpu.memory_space<vmem>>
      %gather3A_2678 = tpu.memref_squeeze %gather3A_2677 : memref<1x32x128xf32, #tpu.memory_space<vmem>> -> memref<32x128xf32, #tpu.memory_space<vmem>>
      %gather3A_2679 = tpu.vector_load_idx %gather3A_2678[%add3A_4, %broadcast_in_dim3A_2662] : memref<32x128xf32, #tpu.memory_space<vmem>>[vector<16xi32>, vector<16xi32>], vector<16xf32>,
      %add3A_2680 = arith.constant 6 : i32
      %add3A_2681 = arith.addi %add3A_2411, %add3A_2680 : i32
      %swap3A_2682 = arith.index_cast %add3A_2681 : i32 to index
      %swap3A_2683 = arith.constant 16 : index
      %swap3A_2684 = tpu.vector_load %arg14[%swap3A_2682, %swap3A_2683] {strides = array<i32>} : memref<128x32xf32, #tpu.memory_space<vmem>>, vector<16xf32>,
      tpu.vector_store %arg14[%swap3A_2682, %swap3A_2683], %gather3A_2679 {strides = array<i32>} : memref<128x32xf32, #tpu.memory_space<vmem>>, vector<16xf32>,
      %eq3A_2685 = arith.constant 15 : i32
      %eq3A_2686 = vector.broadcast %eq3A_2685 : i32 to vector<16xi32>
      %eq3A_2687 = arith.cmpi eq, %iota3A, %eq3A_2686 : vector<16xi32>
      %jit3A_2688 = arith.constant 0 : i32
      %broadcast_in_dim3A_2689 = vector.broadcast %jit3A_2688 : i32 to vector<16xi32>
      %select_n3A_2690 = arith.select %eq3A_2687, %get3A_32, %broadcast_in_dim3A_2689 : vector<16xi1>, vector<16xi32>
      %reduce_max3A_2691 = arith.constant true
      %reduce_max3A_2692 = vector.broadcast %reduce_max3A_2691 : i1 to vector<16xi1>
      %reduce_max3A_2693 = arith.constant -2147483648 : i32
      %reduce_max3A_2694 = vector.broadcast %reduce_max3A_2693 : i32 to vector<16xi32>
      %reduce_max3A_2695 = arith.xori %select_n3A_2690, %reduce_max3A_2694 : vector<16xi32>
      %reduce_max3A_2696 = tpu.scan <max>, %reduce_max3A_2695 masked %reduce_max3A_2692 : vector<16xi32>, vector<16xi1> -> vector<16xi32>
      %reduce_max3A_2697 = arith.xori %reduce_max3A_2696, %reduce_max3A_2694 : vector<16xi32>
      %reduce_max3A_2698 = vector.extract %reduce_max3A_2697[15] : i32 from vector<16xi32>
      %and3A_2699 = arith.constant 127 : i32
      %and3A_2700 = arith.andi %reduce_max3A_2698, %and3A_2699 : i32
      %broadcast_in_dim3A_2701 = vector.broadcast %and3A_2700 : i32 to vector<16xi32>
      %gather3A_2702 = arith.constant 15 : i32
      %gather3A_2703 = arith.constant 0 : i32
      %gather3A_2704 = arith.constant 0 : i32
      %gather3A_2705 = tpu.memref_slice %arg10[%gather3A_2702, %gather3A_2703, %gather3A_2704] : memref<16x32x128xf32, #tpu.memory_space<vmem>> -> memref<1x32x128xf32, #tpu.memory_space<vmem>>
      %gather3A_2706 = tpu.memref_squeeze %gather3A_2705 : memref<1x32x128xf32, #tpu.memory_space<vmem>> -> memref<32x128xf32, #tpu.memory_space<vmem>>
      %gather3A_2707 = tpu.vector_load_idx %gather3A_2706[%iota3A_1, %broadcast_in_dim3A_2701] : memref<32x128xf32, #tpu.memory_space<vmem>>[vector<16xi32>, vector<16xi32>], vector<16xf32>,
      %add3A_2708 = arith.constant 7 : i32
      %add3A_2709 = arith.addi %add3A_2411, %add3A_2708 : i32
      %swap3A_2710 = arith.index_cast %add3A_2709 : i32 to index
      %swap3A_2711 = arith.constant 0 : index
      %swap3A_2712 = tpu.vector_load %arg14[%swap3A_2710, %swap3A_2711] {strides = array<i32>} : memref<128x32xf32, #tpu.memory_space<vmem>>, vector<16xf32>,
      tpu.vector_store %arg14[%swap3A_2710, %swap3A_2711], %gather3A_2707 {strides = array<i32>} : memref<128x32xf32, #tpu.memory_space<vmem>>, vector<16xf32>,
      %gather3A_2713 = arith.constant 15 : i32
      %gather3A_2714 = arith.constant 0 : i32
      %gather3A_2715 = arith.constant 0 : i32
      %gather3A_2716 = tpu.memref_slice %arg10[%gather3A_2713, %gather3A_2714, %gather3A_2715] : memref<16x32x128xf32, #tpu.memory_space<vmem>> -> memref<1x32x128xf32, #tpu.memory_space<vmem>>
      %gather3A_2717 = tpu.memref_squeeze %gather3A_2716 : memref<1x32x128xf32, #tpu.memory_space<vmem>> -> memref<32x128xf32, #tpu.memory_space<vmem>>
      %gather3A_2718 = tpu.vector_load_idx %gather3A_2717[%add3A_4, %broadcast_in_dim3A_2701] : memref<32x128xf32, #tpu.memory_space<vmem>>[vector<16xi32>, vector<16xi32>], vector<16xf32>,
      %add3A_2719 = arith.constant 7 : i32
      %add3A_2720 = arith.addi %add3A_2411, %add3A_2719 : i32
      %swap3A_2721 = arith.index_cast %add3A_2720 : i32 to index
      %swap3A_2722 = arith.constant 16 : index
      %swap3A_2723 = tpu.vector_load %arg14[%swap3A_2721, %swap3A_2722] {strides = array<i32>} : memref<128x32xf32, #tpu.memory_space<vmem>>, vector<16xf32>,
      tpu.vector_store %arg14[%swap3A_2721, %swap3A_2722], %gather3A_2718 {strides = array<i32>} : memref<128x32xf32, #tpu.memory_space<vmem>>, vector<16xf32>,
    }
    %scan3A_12 = arith.constant 8 : i32
    %scan3A_13 = arith.constant 0 : i32
    %scan3A_14 = arith.constant 0 : i32
    %scan3A_15 = arith.addi %scan3A_13, %scan3A_14 : i32
    %scan3A_16 = arith.constant 0 : i32
    %mul3A_17 = arith.constant 128 : i32
    %mul3A_18 = arith.muli %add3A, %mul3A_17 : i32
    "tpu.region"() ({
      %run_scoped3A = tpu.sem_alloc : memref<!tpu.dma_semaphore, #tpu.memory_space<semaphore_mem>>
      %dma_start3A = arith.constant 0 : i32
      %dma_start3A_21 = tpu.memref_slice %arg6[%mul3A_18, %dma_start3A] : memref<4096x32xf32, #tpu.memory_space<hbm>> -> memref<128x32xf32, #tpu.memory_space<hbm>>
      %dma_start3A_22 = arith.constant 0 : i32
      %dma_start3A_23 = tpu.memref_slice %arg6[%mul3A_18, %dma_start3A_22] : memref<4096x32xf32, #tpu.memory_space<hbm>> -> memref<128x32xf32, #tpu.memory_space<hbm>>
      tpu.enqueue_dma source(%arg9 : memref<128x32xf32, #tpu.memory_space<vmem>>) target(%dma_start3A_23 : memref<128x32xf32, #tpu.memory_space<hbm>>) target_semaphore(%run_scoped3A : memref<!tpu.dma_semaphore, #tpu.memory_space<semaphore_mem>>)
      %dma_wait3A = arith.constant 0 : i32
      %dma_wait3A_24 = tpu.memref_slice %arg6[%mul3A_18, %dma_wait3A] : memref<4096x32xf32, #tpu.memory_space<hbm>> -> memref<128x32xf32, #tpu.memory_space<hbm>>
      %dma_wait3A_25 = arith.constant 0 : i32
      %dma_wait3A_26 = tpu.memref_slice %arg6[%mul3A_18, %dma_wait3A_25] : memref<4096x32xf32, #tpu.memory_space<hbm>> -> memref<128x32xf32, #tpu.memory_space<hbm>>
      tpu.wait_dma2 semaphore(%run_scoped3A : memref<!tpu.dma_semaphore, #tpu.memory_space<semaphore_mem>>) src(%arg9 : memref<128x32xf32, #tpu.memory_space<vmem>>) dst(%dma_wait3A_26 : memref<128x32xf32, #tpu.memory_space<hbm>>)
      tpu.yield
    }) : () -> ()
    %mul3A_19 = arith.constant 128 : i32
    %mul3A_20 = arith.muli %add3A, %mul3A_19 : i32
    "tpu.region"() ({
      %run_scoped3A = tpu.sem_alloc : memref<!tpu.dma_semaphore, #tpu.memory_space<semaphore_mem>>
      %dma_start3A = arith.constant 0 : i32
      %dma_start3A_21 = tpu.memref_slice %arg7[%mul3A_20, %dma_start3A] : memref<4096x32xf32, #tpu.memory_space<hbm>> -> memref<128x32xf32, #tpu.memory_space<hbm>>
      %dma_start3A_22 = arith.constant 0 : i32
      %dma_start3A_23 = tpu.memref_slice %arg7[%mul3A_20, %dma_start3A_22] : memref<4096x32xf32, #tpu.memory_space<hbm>> -> memref<128x32xf32, #tpu.memory_space<hbm>>
      tpu.enqueue_dma source(%arg14 : memref<128x32xf32, #tpu.memory_space<vmem>>) target(%dma_start3A_23 : memref<128x32xf32, #tpu.memory_space<hbm>>) target_semaphore(%run_scoped3A : memref<!tpu.dma_semaphore, #tpu.memory_space<semaphore_mem>>)
      %dma_wait3A = arith.constant 0 : i32
      %dma_wait3A_24 = tpu.memref_slice %arg7[%mul3A_20, %dma_wait3A] : memref<4096x32xf32, #tpu.memory_space<hbm>> -> memref<128x32xf32, #tpu.memory_space<hbm>>
      %dma_wait3A_25 = arith.constant 0 : i32
      %dma_wait3A_26 = tpu.memref_slice %arg7[%mul3A_20, %dma_wait3A_25] : memref<4096x32xf32, #tpu.memory_space<hbm>> -> memref<128x32xf32, #tpu.memory_space<hbm>>
      tpu.wait_dma2 semaphore(%run_scoped3A : memref<!tpu.dma_semaphore, #tpu.memory_space<semaphore_mem>>) src(%arg14 : memref<128x32xf32, #tpu.memory_space<vmem>>) dst(%dma_wait3A_26 : memref<128x32xf32, #tpu.memory_space<hbm>>)
      tpu.yield
    }) : () -> ()
    return
  }
}

module attributes {stable_mosaic.version = 14 : i64} {
  func.func @_mm_body(%arg0: i32, %arg1: memref<512x32xf32, #tpu.memory_space<vmem>>, %arg2: memref<4096x32xf32, #tpu.memory_space<vmem>>, %arg3: memref<512x4096xf32, #tpu.memory_space<vmem>>) attributes {dimension_semantics = [#tpu.dimension_semantics<arbitrary>], iteration_bounds = array<i64: 8>, scalar_prefetch = 0 : i64, scratch_operands = 0 : i64, tpu.core_type = #tpu.core_type<tc>, window_params = [{transform_indices = @transform_0, window_bounds = array<i64: 512, 32>}, {pipeline_mode = #tpu.pipeline_mode<synchronous>, transform_indices = @transform_1, window_bounds = array<i64: 4096, 32>}, {transform_indices = @transform_2, window_bounds = array<i64: 512, 4096>}]} {
    %get3A = arith.constant 0 : index
    %get3A_0 = arith.constant 0 : index
    %get3A_1 = vector.load %arg1[%get3A, %get3A_0] : memref<512x32xf32, #tpu.memory_space<vmem>>, vector<512x32xf32>
    %get3A_2 = arith.constant 0 : index
    %get3A_3 = arith.constant 0 : index
    %get3A_4 = vector.load %arg2[%get3A_2, %get3A_3] : memref<4096x32xf32, #tpu.memory_space<vmem>>, vector<4096x32xf32>
    %dot_general3A = arith.constant dense<0.000000e+00> : vector<512x4096xf32>
    %dot_general3A_5 = tpu.matmul %get3A_1, %get3A_4, %dot_general3A {dimension_numbers = #tpu.dot_dimension_numbers<[1], [1], [0], [0], [0, 0, 1, 0], [], []>, transpose_lhs_hint = false} : vector<512x32xf32>, vector<4096x32xf32>, vector<512x4096xf32> -> vector<512x4096xf32>
    %swap3A = arith.constant 0 : index
    %swap3A_6 = arith.constant 0 : index
    %swap3A_7 = vector.load %arg3[%swap3A, %swap3A_6] : memref<512x4096xf32, #tpu.memory_space<vmem>>, vector<512x4096xf32>
    tpu.vector_store %arg3[%swap3A, %swap3A_6], %dot_general3A_5 {strides = array<i32>} : memref<512x4096xf32, #tpu.memory_space<vmem>>, vector<512x4096xf32>,
    return
  }
  func.func @transform_0(%arg0: i32) -> (i32, i32) {
    %c0_i32 = arith.constant 0 : i32
    %c0_i32_0 = arith.constant 0 : i32
    return %arg0, %c0_i32 : i32, i32
  }
  func.func @transform_1(%arg0: i32) -> (i32, i32) {
    %c0_i32 = arith.constant 0 : i32
    %c0_i32_0 = arith.constant 0 : i32
    %c0_i32_1 = arith.constant 0 : i32
    return %c0_i32, %c0_i32_0 : i32, i32
  }
  func.func @transform_2(%arg0: i32) -> (i32, i32) {
    %add3A = arith.constant 0 : i32
    %add3A_0 = arith.addi %add3A, %arg0 : i32
    %c0_i32 = arith.constant 0 : i32
    %c0_i32_1 = arith.constant 0 : i32
    return %add3A_0, %c0_i32 : i32, i32
  }
}

</mosaic_0001>

<sc_bundles>
// kernel: kernel.4.cloned.1.call-start
scs
__scs_entry_jumppad:
0x0: {  	(pc) =	sbr.rel $0x88, $3  }
0x1: {  	(tag) =	ssettag $0x0;
	lr =	simm.s32 $0x1  }
0x2: {  	[smem:$0x3F9D] =	sst lr;
	_ =	strace $0xD0000000  }
0x3: {  	_ = 	snop  }
0x4: {  	_ = 	snop  }
0x5: {  	_ = 	snop  }
0x6: {  	_ = 	snop  }
0x7: {  	_ = 	snop  }
__scs_overlays_trampoline_lowered:
0x8: {  	[smem:$0x3FAC] =	sst s0  }
0x9: {  	[smem:$0x3FAD] =	sst s1  }
0xa: {  	[smem:$0x3FAE] =	sst s2  }
0xb: {  	[smem:$0x3FAF] =	sst s3  }
0xc: {  	[smem:$0x3FB0] =	sst s4  }
0xd: {  	[smem:$0x3FB1] =	sst s5  }
0xe: {  	[smem:$0x3FB2] =	sst s6  }
0xf: {  	[smem:$0x3FB3] =	sst s7  }
0x10: {  	[smem:$0x3FB4] =	sst s8  }
0x11: {  	[smem:$0x3FB5] =	sst s9;
	s0 =	simm.s32 @!p0 $0x0  }
0x12: {  	s1 =	sld [smem:$0x3F9B];
	s0 =	simm.s32 @p0 $0x1  }
0x13: {  	[smem:$0x3FB6] =	sst s0;
	s0 =	simm.s32 @!p1 $0x0  }
0x14: {  	s2 =	sld [smem:$0x3F9A];
	s0 =	simm.s32 @p1 $0x1  }
0x15: {  	[smem:$0x3FB7] =	sst s0;
	s0 =	simm.s32 @!p2 $0x0  }
0x16: {  	s3 =	sld [smem:$0x3FDB];
	s0 =	simm.s32 @p2 $0x1  }
0x17: {  	s4 =	simm.s32 $0x1BF5;
	[smem:$0x3FB9] =	sst s0  }
0x18: {  	s0 =	sld [smem:$0x3F9C];
	_ =	swait.ge [sflag:s4], $0x0  }
0x19: {  	s7 =	sld [smem:$0x3F9D]  }
0x1a: {  	s8 =	sadd.s32 $0xFFFFE003, lr  }
0x1b: {  	s9 =	sadd.s32 $0xFFFFFEF7, lr;
	s5 =	simm.s32 $0xFFFFFFFF;
	p2 =	slt.u32 s8, $0xFFFFF086  }
0x1c: {  	p1 =	slt.u32 s9, $0xF7A;
	s5 =	simm.s32 @!p2 $0x0  }
0x1d: {  	s5 =	simm.s32 @p1 $0x1;
	p0 =	seq.s32 s7, s2  }
0x1e: {  	s7 =	smul.u32 @!p0 $0xF7A, s2;
	p2 =	seq.s32 @!p0 s5, $0x0  }
0x1f: {  	s9 =	smul.u32 $0xF7A, s1;
	s8 =	simm.s32 @!p0 $0x1BF5;
	p2 =	por !p2, p0  }
0x20: {  	[sflag:s8] =	ssyncset.s32 @!p0 $0xFFFFF086;
	s6 =	sadd.s32 @!p0 s3, s7;
	s7 =	simm.s32 @!p0 $0x108  }
0x21: {  	s3 =	sadd.s32 s3, s9;
	s6 =	sadd.s32 @!p0 $0x88, s6;
	s7 =	simm.s32 @p2 $0x1082  }
0x22: {  	[simem:s7], [sflag:s8] =	dma.local @!p0 [hbm:s6], $0xF7A  }
0x23: {  	s9 =	sor.u32 $0xD0000000, s2;
	s6 =	simm.s32 $0x108;
	_ =	swait.ge @!p0 [sflag:s8], $0x0  }
0x24: {  	s3 =	sadd.s32 $0x88, s3;
	s6 =	simm.s32 @!p1 $0x1082;
	[sflag:s4] =	ssyncset.s32 $0xFFFFF086  }
0x25: {  	[simem:s6], [sflag:s4] =	dma.local [hbm:s3], $0xF7A  }
0x26: {  	[smem:$0x3F9D] =	sst s1;
	(tag) =	ssettag s2;
	_ =	strace s9  }
0x27: {  	s1 =	sld [smem:$0x3FAD]  }
0x28: {  	s2 =	sld [smem:$0x3FAE]  }
0x29: {  	s4 =	sld [smem:$0x3FB0]  }
0x2a: {  	p0 =	seq.s32 s5, $0x0;
	s5 =	sld [smem:$0x3FB1]  }
0x2b: {  	s6 =	sld [smem:$0x3FB2]  }
0x2c: {  	s7 =	sld [smem:$0x3FB3]  }
0x2d: {  	s3 =	simm.s32 $0x108;
	s8 =	sld [smem:$0x3FB4]  }
0x2e: {  	s3 =	simm.s32 @!p0 $0x1082;
	s9 =	sld [smem:$0x3FB5]  }
0x2f: {  	lr =	sadd.s32 s0, s3;
	s0 =	sld [smem:$0x3FAC]  }
0x30: {  	s3 =	sld [smem:$0x3FAF]  }
0x31: {  	[smem:$0x3FB8] =	sst s10  }
0x32: {  	s10 =	sld [smem:$0x3FB6];
	_ =	sdelay $0x3  }
0x33: {  	p0 =	seq.s32 s10, $0x1;
	s10 =	sld [smem:$0x3FB8];
	_ =	sdelay $0x3  }
0x34: {  	[smem:$0x3FB8] =	sst s10  }
0x35: {  	s10 =	sld [smem:$0x3FB7];
	_ =	sdelay $0x3  }
0x36: {  	p1 =	seq.s32 s10, $0x1;
	s10 =	sld [smem:$0x3FB8];
	_ =	sdelay $0x3  }
0x37: {  	[smem:$0x3FB8] =	sst s10  }
0x38: {  	s10 =	sld [smem:$0x3FB9]  }
0x39: {  	_ = 	snop;
	(pc) =	sbr.ind lr, $3  }
0x3a: {  	_ = 	snop  }
0x3b: {  	_ = 	snop  }
0x3c: {  	p2 =	seq.s32 s10, $0x1;
	s10 =	sld [smem:$0x3FB8]  }
0x3d: {  	_ =	shalt  }
0x3e: {  	_ =	shalt  }
0x3f: {  	_ =	shalt  }
0x40: {  	_ =	shalt  }
0x41: {  	_ =	shalt  }
0x42: {  	_ =	shalt  }
0x43: {  	_ =	shalt  }
0x44: {  	_ =	shalt  }
0x45: {  	_ =	shalt  }
0x46: {  	_ =	shalt  }
0x47: {  	_ =	shalt  }
0x48: {  	_ =	shalt  }
0x49: {  	_ =	shalt  }
0x4a: {  	_ =	shalt  }
0x4b: {  	_ =	shalt  }
0x4c: {  	_ =	shalt  }
0x4d: {  	_ =	shalt  }
0x4e: {  	_ =	shalt  }
0x4f: {  	_ =	shalt  }
0x50: {  	_ =	shalt  }
0x51: {  	_ =	shalt  }
0x52: {  	_ =	shalt  }
0x53: {  	_ =	shalt  }
0x54: {  	_ =	shalt  }
0x55: {  	_ =	shalt  }
0x56: {  	_ =	shalt  }
0x57: {  	_ =	shalt  }
0x58: {  	_ =	shalt  }
0x59: {  	_ =	shalt  }
0x5a: {  	_ =	shalt  }
0x5b: {  	_ =	shalt  }
0x5c: {  	_ =	shalt  }
0x5d: {  	_ =	shalt  }
0x5e: {  	_ =	shalt  }
0x5f: {  	_ =	shalt  }
0x60: {  	_ =	shalt  }
0x61: {  	_ =	shalt  }
0x62: {  	_ =	shalt  }
0x63: {  	_ =	shalt  }
0x64: {  	_ =	shalt  }
0x65: {  	_ =	shalt  }
0x66: {  	_ =	shalt  }
0x67: {  	_ =	shalt  }
0x68: {  	_ =	shalt  }
0x69: {  	_ =	shalt  }
0x6a: {  	_ =	shalt  }
0x6b: {  	_ =	shalt  }
0x6c: {  	_ =	shalt  }
0x6d: {  	_ =	shalt  }
0x6e: {  	_ =	shalt  }
0x6f: {  	_ =	shalt  }
0x70: {  	_ =	shalt  }
0x71: {  	_ =	shalt  }
0x72: {  	_ =	shalt  }
0x73: {  	_ =	shalt  }
0x74: {  	_ =	shalt  }
0x75: {  	_ =	shalt  }
0x76: {  	_ =	shalt  }
0x77: {  	_ =	shalt  }
0x78: {  	_ =	shalt  }
0x79: {  	_ =	shalt  }
0x7a: {  	_ =	shalt  }
0x7b: {  	_ =	shalt  }
0x7c: {  	_ =	shalt  }
0x7d: {  	_ =	shalt  }
0x7e: {  	_ =	shalt  }
0x7f: {  	_ =	shalt  }
0x80: {  	_ =	shalt  }
0x81: {  	_ =	shalt  }
0x82: {  	_ =	shalt  }
0x83: {  	_ =	shalt  }
0x84: {  	_ =	shalt  }
0x85: {  	_ =	shalt  }
0x86: {  	_ =	shalt  }
0x87: {  	_ =	shalt  }
.Lfunc_end0:
.L_simem_size_0:
called_computation_lowered:
.L_overlay_start_0:
0x88: {  	s2 =	sld [smem:$0x3FD9]  }
0x89: {  	s3 =	sld [smem:$0x3FFE];
	_ =	sdelay $0x1  }
0x8a: {  	s1 =	srdreg.scid  }
0x8b: {  	s0 =	sand.u32 $0x1, s1  }
0x8c: {  	s17 =	sshll.u32 s0, $0xA;
	s2 =	sadd.s32 s3, s2  }
0x8d: {  	s2 =	sadd.s32 s2, s17  }
0x8e: {  	[smem:$0x3FC4] =	sst s2  }
0x8f: {  	_ = 	snop  }
0x90: {  	s2 =	sld [smem:$0x3FC9]  }
0x91: {  	s18 =	sld [smem:$0x3FC8]  }
0x92: {  	s4 =	sld [smem:$0x3FC7]  }
0x93: {  	s5 =	sld [smem:$0x3FC6]  }
0x94: {  	s6 =	sld [smem:$0x3FD0];
	(tm) =	ssettm $0x1  }
0x95: {  	s7 =	sld [smem:$0x3FFB];
	_ =	sdelay $0x3  }
0x96: {  	_ =	strace s7  }
0x97: {  	s7 =	sld [smem:$0x3FFC];
	_ =	sdelay $0x3  }
0x98: {  	_ =	strace s7  }
0x99: {  	s7 =	sld [smem:$0x3FFD];
	_ =	sdelay $0x3  }
0x9a: {  	_ =	strace s7  }
0x9b: {  	_ =	strace $0x8FFFFFFF  }
0x9c: {  	s19 =	sld [smem:$0x3FDB];
	_ =	sdelay $0x1  }
0x9d: {  	s8 =	simm.s32 $_scs_section_size  }
0x9e: {  	s9 =	simm.s32 $_size__tile_overlayer_lowered;
	s10 =	simm.s32 $_tile_overlayer_lowered  }
0x9f: {  	s22 =	simm.s32 $0x1BFF;
	s21 =	sshll.u32 s10, $0x1;
	s7 =	sadd.s32 s8, s19  }
0xa0: {  	s11 =	simm.s32 $0x0;
	s20 =	sshll.u32 s9, $0x1;
	s9 =	sadd.s32 s21, s7  }
0xa1: {  	[timem:s11], [sflag:s22] =	dma.local [hbm:s9], s20  }
0xa2: {  	_ =	swait.ge [sflag:s22], s20  }
0xa3: {  	s8 =	ssub.s32 $0x0, s20;
	[sflag:s22] =	ssyncset.done $0x0  }
0xa4: {  	[sflag:s22] =	ssyncadd.s32 s8;
	_ =	sdelay $0x1  }
0xa5: {  	s23 =	simm.s32 $0x1B8B  }
0xa6: {  	_ =	swait.ge [sflag:s23], $0x1  }
0xa7: {  	[sflag:s23] =	ssyncset.done $0x0  }
0xa8: {  	s25 =	simm.s32 $0x1B8E;
	s24 =	sld [smem:$0x3FFE];
	[sflag:s23] =	ssyncadd.s32 $0xFFFFFFFF  }
0xa9: {  	s26 =	simm.s32 $execute0_lowered;
	[smem:$0x3FD2] =	sst s25  }
0xaa: {  	s9 =	sshll.u32 s26, $0x1;
	_ =	strace $0x80000046;
	[dreg:$0x1] =	wrdreg $0xFFFFFFFF  }
0xab: {  	s28 =	simm.s32 $_size_execute0_lowered;
	s7 =	sadd.s32 s7, s9;
	[dreg:$0x0] =	wrdreg $0x0  }
0xac: {  	s9 =	sshll.u32 s28, $0x1;
	[dreg:$0x2] =	wrdreg s7  }
0xad: {  	[dreg:$0x3] =	wrdreg s9  }
0xae: {  	[dreg:$0x4] =	wrdreg $0xC0  }
0xaf: {  	_ =	task [dreg:s11], $0x5FFFF  }
0xb0: {  	[dreg:$0x1] =	wrdreg $0xFFFFFFFF  }
0xb1: {  	[dreg:$0x0] =	wrdreg $0x60  }
0xb2: {  	[dreg:$0x2] =	wrdreg s5  }
0xb3: {  	[dreg:$0x3] =	wrdreg s4  }
0xb4: {  	[dreg:$0x4] =	wrdreg s18  }
0xb5: {  	[dreg:$0x5] =	wrdreg s2  }
0xb6: {  	[dreg:$0x6] =	wrdreg s6  }
0xb7: {  	[dreg:$0x7] =	wrdreg s24  }
0xb8: {  	[dreg:$0x8] =	wrdreg $0x9  }
0xb9: {  	_ =	task.clear_ibuf [dreg:s11], $0x9FFFF;
	_ =	strace $0x90000046  }
0xba: {  	s29 =	simm.s32 $0x9;
	_ =	strace $0x80000048  }
0xbb: {  	_ =	swait.ge [sflag:s29], $0x1  }
0xbc: {  	[sflag:s29] =	ssyncadd.s32 $0xFFFFFFFF  }
0xbd: {  	_ =	strace $0x90000048  }
0xbe: {  	_ =	sfence  }
0xbf: {  	s30 =	sld [smem:$0x0];
	_ =	sdelay $0x2  }
0xc0: {  	s31 =	sshll.u32 s1, $0xD;
	s1 =	sshrl.u32 s1, $0x2  }
0xc1: {  	s3 =	sand.u32 $0x4000, s31;
	s1 =	sadd.s32 s1, s30  }
0xc2: {  	s0 =	sor.u32 s3, s0;
	s1 =	sshll.u32 s1, $0x11  }
0xc3: {  	s0 =	sor.u32 s1, s0  }
0xc4: {  	s0 =	sadd.s32 $0x8F2B, s0  }
0xc5: {  	[sflag:s0] =	ssyncadd.remote.s32 $0x1  }
0xc6: {  	_ =	sfence.sel $0xFFFF  }
0xc7: {  	[dreg:$0x0] =	wrdreg $0xFFFFFFFF;
	(pc) =	sbr.abs _section_cstart, $3  }
0xc8: {  	[dreg:$0x1] =	wrdreg $0xFFFFFFFF  }
0xc9: {  	_ =	task.clear_ibuf [dreg:s11], $0x2FFFF;
	_ =	strace $0x9FFFFFFF  }
0xca: {  	(tm) =	ssettm $0x7FFFFFFF  }
0xcb: {  	_ =	shalt  }
tec
execute0_lowered:
.L_overlay_start_1:
0x0: {  	(tag) =	ssettag $0x1  }
0x1: {  	s0 =	rddreg [dreg:$0x0]  }
0x2: {  	s2 =	rddreg [dreg:$0x1]  }
0x3: {  	s1 =	rddreg [dreg:$0x2]  }
0x4: {  	s3 =	rddreg [dreg:$0x3]  }
0x5: {  	s4 =	rddreg [dreg:$0x4]  }
0x6: {  	s5 =	rddreg [dreg:$0x5]  }
0x7: {  	s6 =	srdreg.scid;
	s7 =	stileid.u32  }
0x8: {  	s10 =	simm.s32 $0x0;
	s12 =	simm.s32 $0x400;
	s13 =	simm.s32 $0x7A1400  }
0x9: {  	s29 =	simm.s32 $0x8080;
	s15 =	simm.s32 $0x9080;
	s17 =	simm.s32 $0xA080  }
0xa: {  	s20 =	simm.s32 $0xB080;
	s21 =	simm.s32 $0xC080;
	s22 =	simm.s32 $0xE080  }
0xb: {  	s18 =	simm.s32 $0x10080;
	s16 =	simm.s32 $0x11080;
	s31 =	simm.s32 $0x1  }
0xc: {  	s28 =	simm.s32 $0xB080;
	s30 =	simm.s32 $0x13080;
	s6 =	sand.u32 $0x1, s6  }
0xd: {  	s7 =	sshll.u32 s7, $0x8;
	[smem:$0x7FF] =	sst s10;
	s8 =	sshll.u32 s6, $0x7  }
0xe: {  	s6 =	ssub.s32 $0x2, s6;
	_ =	strace $0x80000047;
	s7 =	sor.u32 s8, s7  }
0xf: {  	s9 =	sshrl.u32 s6, $0x1;
	s8 =	sshll.u32 s7, $0x4;
	s7 =	sshrl.u32 s7, $0x3  }
0x10: {  	vm0 =	vmmov $0x1;
	s6 =	ssub.s32 s6, s9;
	s5 =	sadd.s32 s8, s5;
	s1 =	sadd.s32 s1, s7  }
0x11: {  	vm1 =	vcmask $0x308;
	vm2 =	vcmask $0x70C;
	v0 =	vlaneseq.u32;
	s23 =	sadd.s32 s3, s7;
	s24 =	sadd.s32 s4, s8;
	[dreg:$0x7] =	wrdreg s1  }
0x12: {  	vm3 =	vcmask $0xB10;
	vm4 =	vcmask $0xF14;
	vm5 =	vcmask $0x1318;
	s26 =	smax.u32 s6, $0x1;
	s4 =	simm.s32 $0x3;
	[dreg:$0x8] =	wrdreg s23  }
0x13: {  	vm6 =	vcmask $0x171C;
	vm7 =	vcmask $0x1B20;
	vm8 =	vcmask $0x1F24;
	s8 =	simm.s32 $0x4080;
	s7 =	simm.s32 $0x6080;
	[dreg:$0x9] =	wrdreg s24  }
0x14: {  	vm9 =	vcmask $0x2328;
	vm10 =	vcmask $0x272C;
	v0 =	vmul.u32 $0x80, v0;
	s25 =	sadd.s32 $0xC00, s5;
	[dreg:$0xb] =	wrdreg s26;
	s24 =	simm.s32 $0x5080  }
0x15: {  	vm11 =	vcmask $0x2B30;
	vm12 =	vcmask $0x2F34;
	vm13 =	vcmask $0x3338;
	s26 =	simm.s32 $0x7080;
	s23 =	simm.s32 $0xD080;
	s1 =	simm.s32 $0x2  }
0x16: {  	vm14 =	vcmask $0x373C;
	vm15 =	vmmov $0x7fff;
	v1 =	vor.u32 $0x800, v0;
	s5 =	simm.s32 $0x0;
	[dreg:$0xa] =	wrdreg s25;
	s25 =	simm.s32 $0xF080  }
.LBB2_1:
0x17: {  	[dreg:$0xc] =	wrdreg s5  }
0x18: {  	s3 =	rddreg [dreg:$0x7]  }
0x19: {  	[tilespmem:s10], [sflag:$0x3] =	stream.linear.gather [hbm4b:s3+s10], $0x80, $0x38;
	[tilespmem:$0x18100] =	vst v63  }
0x1a: {  	_ =	swait.ge [sflag:s4], $0x80  }
0x1b: {  	[sflag:s4] =	ssyncset.done $0x0  }
0x1c: {  	s19 =	simm.s32 $0x14080;
	s14 =	rddreg [dreg:$0x8];
	[sflag:s4] =	ssyncadd.s32 $0xFFFFFF80  }
0x1d: {  	[tilespmem:s19], [sflag:$0x3] =	stream.linear.gather [hbm4b:s14+s10], $0x80, $0x38;
	[tilespmem:$0x18100] =	vst v63  }
0x1e: {  	_ =	swait.ge [sflag:s4], $0x80  }
0x1f: {  	s11 =	simm.s32 $0x14500;
	[sflag:s4] =	ssyncset.done $0x0  }
0x20: {  	s5 =	simm.s32 $0x480;
	s6 =	simm.s32 $0x0;
	[sflag:s4] =	ssyncadd.s32 $0xFFFFFF80  }
.LBB2_2:
0x21: {  	s3 =	sshra.s32 s6, $0x2  }
0x22: {  	v3 =	vld [tilespmem:s3+$0x0];
	_ =	sdelay $0x4  }
0x23: {  	v2 =	vnsel vm0, $0x0, v3  }
0x24: {  	v2 =	vxor.u32 $0x80000000, v2  }
0x25: {  	(xrf0) =	vmax.scan.msk.u32 $0xffff, v2;
	_ =	sdelay $0x1  }
0x26: {  	v2 =	vsel vm1, $0x0, v3  }
0x27: {  	v2 =	vxor.u32 $0x80000000, v2  }
0x28: {  	(xrf0) =	vmax.scan.msk.u32 $0xffff, v2;
	_ =	sdelay $0x1  }
0x29: {  	v4 =	vsel vm2, $0x0, v3;
	v2, _, _ =	vpop (xrf0)  }
0x2a: {  	(v2sf) =	vpush v2, $0xF;
	v2 =	vxor.u32 $0x80000000, v4  }
0x2b: {  	(xrf0) =	vmax.scan.msk.u32 $0xffff, v2;
	_ =	sdelay $0x1  }
0x2c: {  	v34 =	vsel vm3, $0x0, v3;
	v2, _, _ =	vpop (xrf0)  }
0x2d: {  	(v2sf) =	vpush v2, $0xF;
	v2 =	vxor.u32 $0x80000000, v34  }
0x2e: {  	(xrf0) =	vmax.scan.msk.u32 $0xffff, v2;
	_ =	sdelay $0x1  }
0x2f: {  	v35 =	vsel vm4, $0x0, v3;
	v2, _, _ =	vpop (xrf0)  }
0x30: {  	(v2sf) =	vpush v2, $0xF;
	v2 =	vxor.u32 $0x80000000, v35  }
0x31: {  	(xrf0) =	vmax.scan.msk.u32 $0xffff, v2;
	_ =	sdelay $0x1  }
0x32: {  	v36 =	vsel vm5, $0x0, v3;
	v2, _, _ =	vpop (xrf0)  }
0x33: {  	(v2sf) =	vpush v2, $0xF;
	v2 =	vxor.u32 $0x80000000, v36  }
0x34: {  	(xrf0) =	vmax.scan.msk.u32 $0xffff, v2;
	_ =	sdelay $0x1  }
0x35: {  	v37 =	vsel vm6, $0x0, v3;
	s9 =	spop (v2sf);
	v2, _, _ =	vpop (xrf0)  }
0x36: {  	v4 =	vxor.u32 $0x80000000, v37;
	s4 =	sand.u32 $0xFFFFF80, s9;
	(v2sf) =	vpush v2, $0xF  }
0x37: {  	(xrf0) =	vmax.scan.msk.u32 $0xffff, v4;
	s19 =	sadd.s32 s0, s4  }
0x38: {  	v2 =	vld [tilespmem:s3+$0x14080];
	[tilespmem:s8], [sflag:$0x1] =	stream.strided.gather [hbm4b:s19+s12], $0x1000, s13, s12, $0x38  }
0x39: {  	v5 =	vsel vm7, $0x0, v3;
	s8 =	spop (v2sf);
	v38, _, _ =	vpop (xrf0)  }
0x3a: {  	v39 =	vxor.u32 $0x80000000, v5;
	s4 =	sand.u32 $0xFFFFF80, s8;
	(v2sf) =	vpush v38, $0xF  }
0x3b: {  	(xrf0) =	vmax.scan.msk.u32 $0xffff, v39;
	s3 =	sadd.s32 s0, s4  }
0x3c: {  	[tilespmem:s24], [sflag:$0x1] =	stream.strided.gather [hbm4b:s3+s12], $0x1000, s13, s12, $0x38;
	[tilespmem:$0x18100] =	vst v63  }
0x3d: {  	v40, _, _ =	vpop (xrf0);
	v41 =	vnsel vm0, $0x0, v2;
	s4 =	spop (v2sf)  }
0x3e: {  	v42 =	vxor.u32 $0x80000000, v41;
	(v2sf) =	vpush v40, $0xF;
	s10 =	sand.u32 $0xFFFFF80, s4  }
0x3f: {  	(xrf0) =	vmax.scan.msk.u32 $0xffff, v42;
	s3 =	sadd.s32 s0, s10  }
0x40: {  	[tilespmem:s7], [sflag:$0x1] =	stream.strided.gather [hbm4b:s3+s12], $0x1000, s13, s12, $0x38;
	[tilespmem:$0x18100] =	vst v63  }
0x41: {  	v44 =	vsel vm1, $0x0, v2;
	v43, _, _ =	vpop (xrf0);
	s10 =	spop (v2sf)  }
0x42: {  	v45 =	vxor.u32 $0x80000000, v44;
	(v2sf) =	vpush v43, $0xF;
	s14 =	sand.u32 $0xFFFFF80, s10  }
0x43: {  	(xrf0) =	vmax.scan.msk.u32 $0xffff, v45;
	s3 =	sadd.s32 s0, s14  }
0x44: {  	[tilespmem:s26], [sflag:$0x1] =	stream.strided.gather [hbm4b:s3+s12], $0x1000, s13, s12, $0x38;
	[tilespmem:$0x18100] =	vst v63  }
0x45: {  	v47 =	vsel vm2, $0x0, v2;
	v46, _, _ =	vpop (xrf0);
	s3 =	spop (v2sf)  }
0x46: {  	v48 =	vxor.u32 $0x80000000, v47;
	(v2sf) =	vpush v46, $0xF;
	s19 =	sand.u32 $0xFFFFF80, s3  }
0x47: {  	(xrf0) =	vmax.scan.msk.u32 $0xffff, v48;
	s7 =	sadd.s32 s0, s19  }
0x48: {  	[tilespmem:s29], [sflag:$0x1] =	stream.strided.gather [hbm4b:s7+s12], $0x1000, s13, s12, $0x38;
	[tilespmem:$0x18100] =	vst v63  }
0x49: {  	v50 =	vsel vm3, $0x0, v2;
	v49, _, _ =	vpop (xrf0);
	s14 =	spop (v2sf)  }
0x4a: {  	v51 =	vxor.u32 $0x80000000, v50;
	(v2sf) =	vpush v49, $0xF;
	s24 =	sand.u32 $0xFFFFF80, s14  }
0x4b: {  	(xrf0) =	vmax.scan.msk.u32 $0xffff, v51;
	s7 =	sadd.s32 s0, s24  }
0x4c: {  	[tilespmem:s15], [sflag:$0x1] =	stream.strided.gather [hbm4b:s7+s12], $0x1000, s13, s12, $0x38;
	[tilespmem:$0x18100] =	vst v63  }
0x4d: {  	v53 =	vsel vm4, $0x0, v2;
	v52, _, _ =	vpop (xrf0);
	s15 =	spop (v2sf)  }
0x4e: {  	v54 =	vxor.u32 $0x80000000, v53;
	(v2sf) =	vpush v52, $0xF;
	s26 =	sand.u32 $0xFFFFF80, s15  }
0x4f: {  	(xrf0) =	vmax.scan.msk.u32 $0xffff, v54;
	s7 =	sadd.s32 s0, s26  }
0x50: {  	[tilespmem:s17], [sflag:$0x1] =	stream.strided.gather [hbm4b:s7+s12], $0x1000, s13, s12, $0x38;
	[tilespmem:$0x18100] =	vst v63  }
0x51: {  	v56 =	vsel vm5, $0x0, v2;
	v55, _, _ =	vpop (xrf0);
	s17 =	spop (v2sf)  }
0x52: {  	v57 =	vxor.u32 $0x80000000, v56;
	(v2sf) =	vpush v55, $0xF;
	s19 =	sand.u32 $0xFFFFF80, s17  }
0x53: {  	(xrf0) =	vmax.scan.msk.u32 $0xffff, v57;
	s7 =	sadd.s32 s0, s19  }
0x54: {  	[tilespmem:s20], [sflag:$0x1] =	stream.strided.gather [hbm4b:s7+s12], $0x1000, s13, s12, $0x38;
	[tilespmem:$0x18100] =	vst v63  }
0x55: {  	v59 =	vsel vm6, $0x0, v2;
	v58, _, _ =	vpop (xrf0);
	s19 =	spop (v2sf)  }
0x56: {  	v60 =	vxor.u32 $0x80000000, v59;
	(v2sf) =	vpush v58, $0xF;
	s20 =	sand.u32 $0xFFFFF80, s19  }
0x57: {  	(xrf0) =	vmax.scan.msk.u32 $0xffff, v60;
	s7 =	sadd.s32 s2, s20  }
0x58: {  	[tilespmem:s21], [sflag:$0x2] =	stream.strided.gather [hbm4b:s7+s12], $0x1000, s13, s12, $0x38;
	[tilespmem:$0x18100] =	vst v63  }
0x59: {  	v62 =	vsel vm7, $0x0, v2;
	v61, _, _ =	vpop (xrf0);
	s20 =	spop (v2sf)  }
0x5a: {  	v63 =	vxor.u32 $0x80000000, v62;
	(v2sf) =	vpush v61, $0xF;
	s24 =	sand.u32 $0xFFFFF80, s20  }
0x5b: {  	(xrf0) =	vmax.scan.msk.u32 $0xffff, v63;
	s7 =	sadd.s32 s2, s24  }
0x5c: {  	[tilespmem:s23], [sflag:$0x2] =	stream.strided.gather [hbm4b:s7+s12], $0x1000, s13, s12, $0x38;
	[tilespmem:$0x18100] =	vst v63  }
0x5d: {  	v8, _, _ =	vpop (xrf0);
	s23 =	spop (v2sf)  }
0x5e: {  	(v2sf) =	vpush v8, $0xF;
	s26 =	sand.u32 $0xFFFFF80, s23  }
0x5f: {  	s7 =	sadd.s32 s2, s26  }
0x60: {  	[tilespmem:s22], [sflag:$0x2] =	stream.strided.gather [hbm4b:s7+s12], $0x1000, s13, s12, $0x38;
	[tilespmem:$0x18100] =	vst v63  }
0x61: {  	v9, _, _ =	vpop (xrf0);
	s22 =	spop (v2sf)  }
0x62: {  	(v2sf) =	vpush v9, $0xF;
	s21 =	sand.u32 $0xFFFFF80, s22  }
0x63: {  	s7 =	sadd.s32 s2, s21  }
0x64: {  	[tilespmem:s25], [sflag:$0x2] =	stream.strided.gather [hbm4b:s7+s12], $0x1000, s13, s12, $0x38;
	[tilespmem:$0x18100] =	vst v63  }
0x65: {  	s21 =	spop (v2sf)  }
0x66: {  	s24 =	sand.u32 $0xFFFFF80, s21  }
0x67: {  	s7 =	sadd.s32 s2, s24  }
0x68: {  	[tilespmem:s18], [sflag:$0x2] =	stream.strided.gather [hbm4b:s7+s12], $0x1000, s13, s12, $0x38;
	[tilespmem:$0x18100] =	vst v63  }
0x69: {  	s18 =	spop (v2sf)  }
0x6a: {  	s26 =	sand.u32 $0xFFFFF80, s18  }
0x6b: {  	s7 =	sadd.s32 s2, s26  }
0x6c: {  	[tilespmem:s16], [sflag:$0x2] =	stream.strided.gather [hbm4b:s7+s12], $0x1000, s13, s12, $0x38;
	[tilespmem:$0x18100] =	vst v63  }
0x6d: {  	s16 =	spop (v2sf)  }
0x6e: {  	s24 =	sand.u32 $0xFFFFF80, s16  }
0x6f: {  	s26 =	simm.s32 $0x12080;
	s7 =	sadd.s32 s2, s24  }
0x70: {  	[tilespmem:s26], [sflag:$0x2] =	stream.strided.gather [hbm4b:s7+s12], $0x1000, s13, s12, $0x38;
	[tilespmem:$0x18100] =	vst v63  }
0x71: {  	s7 =	spop (v2sf)  }
0x72: {  	s24 =	sand.u32 $0xFFFFF80, s7  }
0x73: {  	s24 =	sadd.s32 s2, s24  }
0x74: {  	[tilespmem:s30], [sflag:$0x2] =	stream.strided.gather [hbm4b:s24+s12], $0x1000, s13, s12, $0x38;
	[tilespmem:$0x18100] =	vst v63  }
0x75: {  	_ =	swait.ge [sflag:s31], $0x1000  }
0x76: {  	[sflag:s31] =	ssyncset.done $0x0  }
0x77: {  	[sflag:s31] =	ssyncadd.s32 $0xFFFFF000  }
0x78: {  	_ =	swait.ge [sflag:s31], $0x1000  }
0x79: {  	[sflag:s31] =	ssyncset.done $0x0  }
0x7a: {  	[sflag:s31] =	ssyncadd.s32 $0xFFFFF000  }
0x7b: {  	_ =	swait.ge [sflag:s31], $0x1000  }
0x7c: {  	[sflag:s31] =	ssyncset.done $0x0  }
0x7d: {  	[sflag:s31] =	ssyncadd.s32 $0xFFFFF000  }
0x7e: {  	_ =	swait.ge [sflag:s31], $0x1000  }
0x7f: {  	[sflag:s31] =	ssyncset.done $0x0  }
0x80: {  	[sflag:s31] =	ssyncadd.s32 $0xFFFFF000  }
0x81: {  	_ =	swait.ge [sflag:s31], $0x1000  }
0x82: {  	[sflag:s31] =	ssyncset.done $0x0  }
0x83: {  	[sflag:s31] =	ssyncadd.s32 $0xFFFFF000  }
0x84: {  	_ =	swait.ge [sflag:s31], $0x1000  }
0x85: {  	[sflag:s31] =	ssyncset.done $0x0  }
0x86: {  	[sflag:s31] =	ssyncadd.s32 $0xFFFFF000  }
0x87: {  	_ =	swait.ge [sflag:s31], $0x1000  }
0x88: {  	[sflag:s31] =	ssyncset.done $0x0  }
0x89: {  	[sflag:s31] =	ssyncadd.s32 $0xFFFFF000  }
0x8a: {  	_ =	swait.ge [sflag:s31], $0x1000  }
0x8b: {  	[sflag:s31] =	ssyncset.done $0x0  }
0x8c: {  	[sflag:s31] =	ssyncadd.s32 $0xFFFFF000  }
0x8d: {  	_ =	swait.ge [sflag:s1], $0x1000  }
0x8e: {  	[sflag:s1] =	ssyncset.done $0x0  }
0x8f: {  	[sflag:s1] =	ssyncadd.s32 $0xFFFFF000  }
0x90: {  	_ =	swait.ge [sflag:s1], $0x1000  }
0x91: {  	[sflag:s1] =	ssyncset.done $0x0  }
0x92: {  	[sflag:s1] =	ssyncadd.s32 $0xFFFFF000  }
0x93: {  	_ =	swait.ge [sflag:s1], $0x1000  }
0x94: {  	[sflag:s1] =	ssyncset.done $0x0  }
0x95: {  	[sflag:s1] =	ssyncadd.s32 $0xFFFFF000  }
0x96: {  	_ =	swait.ge [sflag:s1], $0x1000  }
0x97: {  	[sflag:s1] =	ssyncset.done $0x0  }
0x98: {  	[sflag:s1] =	ssyncadd.s32 $0xFFFFF000  }
0x99: {  	_ =	swait.ge [sflag:s1], $0x1000  }
0x9a: {  	[sflag:s1] =	ssyncset.done $0x0  }
0x9b: {  	[sflag:s1] =	ssyncadd.s32 $0xFFFFF000  }
0x9c: {  	_ =	swait.ge [sflag:s1], $0x1000  }
0x9d: {  	[sflag:s1] =	ssyncset.done $0x0  }
0x9e: {  	[sflag:s1] =	ssyncadd.s32 $0xFFFFF000  }
0x9f: {  	s9 =	sand.u32 $0x7F, s9;
	_ =	swait.ge [sflag:s1], $0x1000  }
0xa0: {  	v10 =	vor.u32 s9, v0;
	[sflag:s1] =	ssyncset.done $0x0  }
0xa1: {  	[sflag:s1] =	ssyncadd.s32 $0xFFFFF000  }
0xa2: {  	_ =	swait.ge [sflag:s1], $0x1000  }
0xa3: {  	[sflag:s1] =	ssyncset.done $0x0  }
0xa4: {  	s24 =	simm.s32 $0x4080;
	[sflag:s1] =	ssyncadd.s32 $0xFFFFF000  }
0xa5: {  	v4 =	vld.idx.msk [tilespmem:v10+s24+$0x0], $0xffff  }
0xa6: {  	v11 =	vor.u32 s9, v1;
	_ =	sdelay $0x3  }
0xa7: {  	s24 =	simm.s32 $0x4080;
	[tilespmem:s5+$0xFFFFFC00] =	vst v4  }
0xa8: {  	s8 =	sand.u32 $0x7F, s8;
	v4 =	vld.idx.msk [tilespmem:v11+s24+$0x0], $0xffff  }
0xa9: {  	v12 =	vor.u32 s8, v0;
	_ =	sdelay $0x3  }
0xaa: {  	s26 =	simm.s32 $0x5080;
	[tilespmem:s5+$0xFFFFFC10] =	vst v4  }
0xab: {  	v4 =	vld.idx.msk [tilespmem:v12+s26+$0x0], $0xffff  }
0xac: {  	v13 =	vor.u32 s8, v1;
	_ =	sdelay $0x3  }
0xad: {  	[tilespmem:s5+$0xFFFFFC80] =	vst v4  }
0xae: {  	s4 =	sand.u32 $0x7F, s4;
	v4 =	vld.idx.msk [tilespmem:v13+s26+$0x0], $0xffff  }
0xaf: {  	v14 =	vor.u32 s4, v0;
	_ =	sdelay $0x3  }
0xb0: {  	s24 =	simm.s32 $0x6080;
	[tilespmem:s5+$0xFFFFFC90] =	vst v4  }
0xb1: {  	v4 =	vld.idx.msk [tilespmem:v14+s24+$0x0], $0xffff  }
0xb2: {  	v15 =	vor.u32 s4, v1;
	_ =	sdelay $0x3  }
0xb3: {  	s9 =	simm.s32 $0x6080;
	[tilespmem:s5+$0xFFFFFD00] =	vst v4  }
0xb4: {  	s10 =	sand.u32 $0x7F, s10;
	v4 =	vld.idx.msk [tilespmem:v15+s9+$0x0], $0xffff  }
0xb5: {  	v16 =	vor.u32 s10, v0;
	_ =	sdelay $0x3  }
0xb6: {  	s29 =	simm.s32 $0x7080;
	[tilespmem:s5+$0xFFFFFD10] =	vst v4  }
0xb7: {  	v4 =	vld.idx.msk [tilespmem:v16+s29+$0x0], $0xffff  }
0xb8: {  	v17 =	vor.u32 s10, v1;
	_ =	sdelay $0x3  }
0xb9: {  	[tilespmem:s5+$0xFFFFFD80] =	vst v4  }
0xba: {  	s3 =	sand.u32 $0x7F, s3;
	v4 =	vld.idx.msk [tilespmem:v17+s29+$0x0], $0xffff  }
0xbb: {  	v18 =	vor.u32 s3, v0;
	_ =	sdelay $0x3  }
0xbc: {  	s29 =	simm.s32 $0x8080;
	[tilespmem:s5+$0xFFFFFD90] =	vst v4  }
0xbd: {  	v4 =	vld.idx.msk [tilespmem:v18+s29+$0x0], $0xffff  }
0xbe: {  	v19 =	vor.u32 s3, v1;
	_ =	sdelay $0x3  }
0xbf: {  	[tilespmem:s5+$0xFFFFFE00] =	vst v4  }
0xc0: {  	s14 =	sand.u32 $0x7F, s14;
	v4 =	vld.idx.msk [tilespmem:v19+s29+$0x0], $0xffff  }
0xc1: {  	v20 =	vor.u32 s14, v0;
	_ =	sdelay $0x3  }
0xc2: {  	s24 =	simm.s32 $0x9080;
	[tilespmem:s5+$0xFFFFFE10] =	vst v4  }
0xc3: {  	v4 =	vld.idx.msk [tilespmem:v20+s24+$0x0], $0xffff  }
0xc4: {  	v21 =	vor.u32 s14, v1;
	_ =	sdelay $0x3  }
0xc5: {  	s4 =	simm.s32 $0x9080;
	[tilespmem:s5+$0xFFFFFE80] =	vst v4  }
0xc6: {  	s8 =	sand.u32 $0x7F, s15;
	v4 =	vld.idx.msk [tilespmem:v21+s4+$0x0], $0xffff  }
0xc7: {  	v22 =	vor.u32 s8, v0;
	_ =	sdelay $0x3  }
0xc8: {  	s9 =	simm.s32 $0xA080;
	[tilespmem:s5+$0xFFFFFE90] =	vst v4  }
0xc9: {  	v4 =	vld.idx.msk [tilespmem:v22+s9+$0x0], $0xffff  }
0xca: {  	v23 =	vor.u32 s8, v1;
	_ =	sdelay $0x3  }
0xcb: {  	s10 =	simm.s32 $0xA080;
	[tilespmem:s5+$0xFFFFFF00] =	vst v4  }
0xcc: {  	s14 =	sand.u32 $0x7F, s17;
	v4 =	vld.idx.msk [tilespmem:v23+s10+$0x0], $0xffff  }
0xcd: {  	v24 =	vor.u32 s14, v0;
	_ =	sdelay $0x3  }
0xce: {  	[tilespmem:s5+$0xFFFFFF10] =	vst v4  }
0xcf: {  	v4 =	vld.idx.msk [tilespmem:v24+s28+$0x0], $0xffff  }
0xd0: {  	v25 =	vor.u32 s14, v1;
	_ =	sdelay $0x3  }
0xd1: {  	[tilespmem:s5+$0xFFFFFF80] =	vst v4  }
0xd2: {  	s15 =	sand.u32 $0x7F, s19;
	v4 =	vld.idx.msk [tilespmem:v25+s28+$0x0], $0xffff  }
0xd3: {  	v26 =	vor.u32 s15, v0;
	_ =	sdelay $0x3  }
0xd4: {  	s25 =	simm.s32 $0xC080;
	[tilespmem:s5+$0xFFFFFF90] =	vst v4  }
0xd5: {  	v4 =	vld.idx.msk [tilespmem:v26+s25+$0x0], $0xffff  }
0xd6: {  	v27 =	vor.u32 s15, v1;
	_ =	sdelay $0x3  }
0xd7: {  	[tilespmem:s11+$0xFFFFFC00] =	vst v4  }
0xd8: {  	s17 =	sand.u32 $0x7F, s20;
	v4 =	vld.idx.msk [tilespmem:v27+s25+$0x0], $0xffff  }
0xd9: {  	v28 =	vor.u32 s17, v0;
	_ =	sdelay $0x3  }
0xda: {  	s19 =	simm.s32 $0xD080;
	[tilespmem:s11+$0xFFFFFC10] =	vst v4  }
0xdb: {  	v4 =	vld.idx.msk [tilespmem:v28+s19+$0x0], $0xffff  }
0xdc: {  	v29 =	vor.u32 s17, v1;
	_ =	sdelay $0x3  }
0xdd: {  	s20 =	simm.s32 $0xD080;
	[tilespmem:s11+$0xFFFFFC80] =	vst v4  }
0xde: {  	s23 =	sand.u32 $0x7F, s23;
	v4 =	vld.idx.msk [tilespmem:v29+s20+$0x0], $0xffff  }
0xdf: {  	v30 =	vor.u32 s23, v0;
	_ =	sdelay $0x3  }
0xe0: {  	s24 =	simm.s32 $0xE080;
	[tilespmem:s11+$0xFFFFFC90] =	vst v4  }
0xe1: {  	v4 =	vld.idx.msk [tilespmem:v30+s24+$0x0], $0xffff  }
0xe2: {  	v31 =	vor.u32 s23, v1;
	_ =	sdelay $0x3  }
0xe3: {  	s8 =	simm.s32 $0xE080;
	[tilespmem:s11+$0xFFFFFD00] =	vst v4  }
0xe4: {  	s9 =	sand.u32 $0x7F, s22;
	v4 =	vld.idx.msk [tilespmem:v31+s8+$0x0], $0xffff  }
0xe5: {  	v32 =	vor.u32 s9, v0;
	_ =	sdelay $0x3  }
0xe6: {  	s10 =	simm.s32 $0xF080;
	[tilespmem:s11+$0xFFFFFD10] =	vst v4  }
0xe7: {  	v4 =	vld.idx.msk [tilespmem:v32+s10+$0x0], $0xffff  }
0xe8: {  	v33 =	vor.u32 s9, v1;
	_ =	sdelay $0x3  }
0xe9: {  	s14 =	simm.s32 $0xF080;
	[tilespmem:s11+$0xFFFFFD80] =	vst v4  }
0xea: {  	s15 =	sand.u32 $0x7F, s21;
	v4 =	vld.idx.msk [tilespmem:v33+s14+$0x0], $0xffff  }
0xeb: {  	v34 =	vor.u32 s15, v0;
	_ =	sdelay $0x3  }
0xec: {  	s17 =	simm.s32 $0x10080;
	[tilespmem:s11+$0xFFFFFD90] =	vst v4  }
0xed: {  	v4 =	vld.idx.msk [tilespmem:v34+s17+$0x0], $0xffff  }
0xee: {  	v35 =	vor.u32 s15, v1;
	_ =	sdelay $0x3  }
0xef: {  	s19 =	simm.s32 $0x10080;
	[tilespmem:s11+$0xFFFFFE00] =	vst v4  }
0xf0: {  	s20 =	sand.u32 $0x7F, s18;
	v4 =	vld.idx.msk [tilespmem:v35+s19+$0x0], $0xffff  }
0xf1: {  	v36 =	vor.u32 s20, v0;
	_ =	sdelay $0x3  }
0xf2: {  	s21 =	simm.s32 $0x11080;
	[tilespmem:s11+$0xFFFFFE10] =	vst v4  }
0xf3: {  	v4 =	vld.idx.msk [tilespmem:v36+s21+$0x0], $0xffff  }
0xf4: {  	v6 =	vsel vm8, $0x0, v3;
	v37 =	vor.u32 s20, v1  }
0xf5: {  	v6 =	vxor.u32 $0x80000000, v6;
	v40 =	vsel vm9, $0x0, v3  }
0xf6: {  	(xrf0) =	vmax.scan.msk.u32 $0xffff, v6;
	v6 =	vxor.u32 $0x80000000, v40  }
0xf7: {  	v42 =	vsel vm10, $0x0, v3;
	(xrf0) =	vmax.scan.msk.u32 $0xffff, v6  }
0xf8: {  	v43 =	vxor.u32 $0x80000000, v42;
	s22 =	simm.s32 $0x11080;
	[tilespmem:s11+$0xFFFFFE80] =	vst v4  }
0xf9: {  	s23 =	sand.u32 $0x7F, s16;
	(xrf0) =	vmax.scan.msk.u32 $0xffff, v43;
	v4 =	vld.idx.msk [tilespmem:v37+s22+$0x0], $0xffff  }
0xfa: {  	v38 =	vor.u32 s23, v0  }
0xfb: {  	v7 =	vsel vm11, $0x0, v3  }
0xfc: {  	v46 =	vxor.u32 $0x80000000, v7;
	v41, _, _ =	vpop (xrf0)  }
0xfd: {  	v45, _, _ =	vpop (xrf0);
	(xrf0) =	vmax.scan.msk.u32 $0xffff, v46  }
0xfe: {  	v50 =	vsel vm12, $0x0, v3;
	(v2sf) =	vpush v41, $0xF;
	s24 =	simm.s32 $0x12080;
	[tilespmem:s11+$0xFFFFFE90] =	vst v4  }
0xff: {  	v51 =	vxor.u32 $0x80000000, v50;
	(v2sf) =	vpush v45, $0xF;
	v49, _, _ =	vpop (xrf0);
	v4 =	vld.idx.msk [tilespmem:v38+s24+$0x0], $0xffff  }
0x100: {  	v39 =	vor.u32 s23, v1;
	(xrf0) =	vmax.scan.msk.u32 $0xffff, v51;
	(v2sf) =	vpush v49, $0xF;
	_ =	sdelay $0x2  }
0x101: {  	v52, _, _ =	vpop (xrf0)  }
0x102: {  	v53 =	vsel vm13, $0x0, v3;
	(v2sf) =	vpush v52, $0xF;
	s4 =	simm.s32 $0x12080;
	[tilespmem:s11+$0xFFFFFF00] =	vst v4  }
0x103: {  	s8 =	sand.u32 $0x7F, s7;
	v4 =	vxor.u32 $0x80000000, v53;
	v5 =	vld.idx.msk [tilespmem:v39+s4+$0x0], $0xffff  }
0x104: {  	v55 =	vsel vm14, $0x0, v3;
	v54, _, _ =	vpop (xrf0);
	v44 =	vor.u32 s8, v0;
	(xrf0) =	vmax.scan.msk.u32 $0xffff, v4  }
0x105: {  	(v2sf) =	vpush v54, $0xF;
	v4 =	vxor.u32 $0x80000000, v55  }
0x106: {  	(xrf0) =	vmax.scan.msk.u32 $0xffff, v4;
	_ =	sdelay $0x1  }
0x107: {  	v3 =	vsel vm15, $0x0, v3;
	s9 =	simm.s32 $0x13080;
	[tilespmem:s11+$0xFFFFFF10] =	vst v5  }
0x108: {  	v3 =	vxor.u32 $0x80000000, v3;
	v47 =	vld.idx.msk [tilespmem:v44+s9+$0x0], $0xffff  }
0x109: {  	v48 =	vor.u32 s8, v1;
	v56, _, _ =	vpop (xrf0);
	(xrf0) =	vmax.scan.msk.u32 $0xffff, v3  }
0x10a: {  	s8 =	spop (v2sf);
	(v2sf) =	vpush v56, $0xF  }
0x10b: {  	v57 =	vsel vm8, $0x0, v2;
	s7 =	spop (v2sf);
	v3, _, _ =	vpop (xrf0)  }
0x10c: {  	s9 =	spop (v2sf);
	(v2sf) =	vpush v3, $0xF;
	v3 =	vxor.u32 $0x80000000, v57  }
0x10d: {  	s10 =	simm.s32 $0x13080;
	(xrf0) =	vmax.scan.msk.u32 $0xffff, v3;
	[tilespmem:s11+$0xFFFFFF80] =	vst v47  }
0x10e: {  	v5 =	vld.idx.msk [tilespmem:v48+s10+$0x0], $0xffff  }
0x10f: {  	v58 =	vsel vm9, $0x0, v2;
	v3, _, _ =	vpop (xrf0)  }
0x110: {  	s4 =	spop (v2sf);
	(v2sf) =	vpush v3, $0xF;
	v3 =	vxor.u32 $0x80000000, v58;
	_ =	sdelay $0x1  }
0x111: {  	s15 =	simm.s32 $0x4080;
	s14 =	sand.u32 $0xFFFFF80, s8;
	(xrf0) =	vmax.scan.msk.u32 $0xffff, v3  }
0x112: {  	v59 =	vsel vm10, $0x0, v2;
	s16 =	sand.u32 $0xFFFFF80, s7;
	s3 =	sadd.s32 s0, s14;
	s10 =	spop (v2sf);
	v3, _, _ =	vpop (xrf0);
	[tilespmem:s11+$0xFFFFFF90] =	vst v5  }
0x113: {  	(v2sf) =	vpush v3, $0xF;
	v3 =	vxor.u32 $0x80000000, v59;
	[tilespmem:s15], [sflag:$0x1] =	stream.strided.gather [hbm4b:s3+s12], $0x1000, s13, s12, $0x38;
	[tilespmem:$0x18100] =	vst v63  }
0x114: {  	s18 =	simm.s32 $0x6080;
	s17 =	sand.u32 $0xFFFFF80, s9;
	s3 =	sadd.s32 s0, s16;
	(xrf0) =	vmax.scan.msk.u32 $0xffff, v3;
	v3 =	vsel vm11, $0x0, v2  }
0x115: {  	v3 =	vxor.u32 $0x80000000, v3;
	[tilespmem:s26], [sflag:$0x1] =	stream.strided.gather [hbm4b:s3+s12], $0x1000, s13, s12, $0x38;
	[tilespmem:$0x18100] =	vst v63  }
0x116: {  	s19 =	sand.u32 $0xFFFFF80, s4;
	s20 =	sand.u32 $0xFFFFF80, s10;
	s3 =	sadd.s32 s0, s17;
	(xrf0) =	vmax.scan.msk.u32 $0xffff, v3  }
0x117: {  	v60, _, _ =	vpop (xrf0);
	v3 =	vsel vm12, $0x0, v2;
	[tilespmem:s18], [sflag:$0x1] =	stream.strided.gather [hbm4b:s3+s12], $0x1000, s13, s12, $0x38;
	[tilespmem:$0x18100] =	vst v63  }
0x118: {  	s26 =	simm.s32 $0x7080;
	v3 =	vxor.u32 $0x80000000, v3;
	s3 =	sadd.s32 s0, s19;
	s15 =	spop (v2sf);
	(v2sf) =	vpush v60, $0xF  }
0x119: {  	[tilespmem:s26], [sflag:$0x1] =	stream.strided.gather [hbm4b:s3+s12], $0x1000, s13, s12, $0x38;
	[tilespmem:$0x18100] =	vst v63  }
0x11a: {  	(xrf0) =	vmax.scan.msk.u32 $0xffff, v3;
	s21 =	sand.u32 $0xFFFFF80, s15;
	s3 =	sadd.s32 s0, s20  }
0x11b: {  	v3, _, _ =	vpop (xrf0);
	[tilespmem:s29], [sflag:$0x1] =	stream.strided.gather [hbm4b:s3+s12], $0x1000, s13, s12, $0x38;
	[tilespmem:$0x18100] =	vst v63  }
0x11c: {  	s22 =	simm.s32 $0x9080;
	s17 =	spop (v2sf);
	(v2sf) =	vpush v3, $0xF;
	s3 =	sadd.s32 s0, s21  }
0x11d: {  	v61 =	vsel vm13, $0x0, v2;
	v62, _, _ =	vpop (xrf0);
	[tilespmem:s22], [sflag:$0x1] =	stream.strided.gather [hbm4b:s3+s12], $0x1000, s13, s12, $0x38;
	[tilespmem:$0x18100] =	vst v63  }
0x11e: {  	s23 =	sand.u32 $0xFFFFF80, s17;
	v3 =	vxor.u32 $0x80000000, v61;
	(v2sf) =	vpush v62, $0xF;
	s20 =	spop (v2sf)  }
0x11f: {  	s24 =	simm.s32 $0xA080;
	(xrf0) =	vmax.scan.msk.u32 $0xffff, v3;
	s3 =	sadd.s32 s0, s23;
	s16 =	sand.u32 $0xFFFFF80, s20  }
0x120: {  	v63, _, _ =	vpop (xrf0);
	[tilespmem:s24], [sflag:$0x1] =	stream.strided.gather [hbm4b:s3+s12], $0x1000, s13, s12, $0x38;
	[tilespmem:$0x18100] =	vst v63  }
0x121: {  	v3 =	vsel vm14, $0x0, v2;
	(v2sf) =	vpush v63, $0xF;
	s3 =	sadd.s32 s0, s16  }
0x122: {  	v3 =	vxor.u32 $0x80000000, v3;
	[tilespmem:s28], [sflag:$0x1] =	stream.strided.gather [hbm4b:s3+s12], $0x1000, s13, s12, $0x38;
	[tilespmem:$0x18100] =	vst v63  }
0x123: {  	(xrf0) =	vmax.scan.msk.u32 $0xffff, v3;
	s21 =	spop (v2sf)  }
0x124: {  	s18 =	sand.u32 $0xFFFFF80, s21  }
0x125: {  	v2 =	vsel vm15, $0x0, v2;
	v3, _, _ =	vpop (xrf0);
	s3 =	sadd.s32 s2, s18  }
0x126: {  	v2 =	vxor.u32 $0x80000000, v2;
	(v2sf) =	vpush v3, $0xF;
	[tilespmem:s25], [sflag:$0x2] =	stream.strided.gather [hbm4b:s3+s12], $0x1000, s13, s12, $0x38;
	[tilespmem:$0x18100] =	vst v63  }
0x127: {  	(xrf0) =	vmax.scan.msk.u32 $0xffff, v2;
	s23 =	spop (v2sf)  }
0x128: {  	s19 =	sand.u32 $0xFFFFF80, s23  }
0x129: {  	s22 =	simm.s32 $0xD080;
	v2, _, _ =	vpop (xrf0);
	s3 =	sadd.s32 s2, s19  }
0x12a: {  	(v2sf) =	vpush v2, $0xF;
	[tilespmem:s22], [sflag:$0x2] =	stream.strided.gather [hbm4b:s3+s12], $0x1000, s13, s12, $0x38;
	[tilespmem:$0x18100] =	vst v63  }
0x12b: {  	s22 =	spop (v2sf)  }
0x12c: {  	s24 =	sand.u32 $0xFFFFF80, s22  }
0x12d: {  	s25 =	simm.s32 $0xE080;
	v2, _, _ =	vpop (xrf0);
	s19 =	spop (v2sf);
	s3 =	sadd.s32 s2, s24  }
0x12e: {  	(v2sf) =	vpush v2, $0xF;
	[tilespmem:s25], [sflag:$0x2] =	stream.strided.gather [hbm4b:s3+s12], $0x1000, s13, s12, $0x38;
	[tilespmem:$0x18100] =	vst v63  }
0x12f: {  	s14 =	sand.u32 $0xFFFFF80, s19  }
0x130: {  	s16 =	simm.s32 $0xF080;
	s18 =	spop (v2sf);
	s3 =	sadd.s32 s2, s14  }
0x131: {  	[tilespmem:s16], [sflag:$0x2] =	stream.strided.gather [hbm4b:s3+s12], $0x1000, s13, s12, $0x38;
	[tilespmem:$0x18100] =	vst v63  }
0x132: {  	s24 =	sand.u32 $0xFFFFF80, s18  }
0x133: {  	s25 =	simm.s32 $0x10080;
	s3 =	sadd.s32 s2, s24  }
0x134: {  	[tilespmem:s25], [sflag:$0x2] =	stream.strided.gather [hbm4b:s3+s12], $0x1000, s13, s12, $0x38;
	[tilespmem:$0x18100] =	vst v63  }
0x135: {  	s16 =	spop (v2sf)  }
0x136: {  	s24 =	sand.u32 $0xFFFFF80, s16  }
0x137: {  	s25 =	simm.s32 $0x11080;
	s3 =	sadd.s32 s2, s24  }
0x138: {  	[tilespmem:s25], [sflag:$0x2] =	stream.strided.gather [hbm4b:s3+s12], $0x1000, s13, s12, $0x38;
	[tilespmem:$0x18100] =	vst v63  }
0x139: {  	s14 =	spop (v2sf)  }
0x13a: {  	s24 =	sand.u32 $0xFFFFF80, s14  }
0x13b: {  	s25 =	simm.s32 $0x12080;
	s3 =	sadd.s32 s2, s24  }
0x13c: {  	[tilespmem:s25], [sflag:$0x2] =	stream.strided.gather [hbm4b:s3+s12], $0x1000, s13, s12, $0x38;
	[tilespmem:$0x18100] =	vst v63  }
0x13d: {  	s3 =	spop (v2sf)  }
0x13e: {  	s25 =	sand.u32 $0xFFFFF80, s3  }
0x13f: {  	s24 =	sadd.s32 s2, s25;
	s25 =	simm.s32 $0x13080  }
0x140: {  	[tilespmem:s25], [sflag:$0x2] =	stream.strided.gather [hbm4b:s24+s12], $0x1000, s13, s12, $0x38;
	[tilespmem:$0x18100] =	vst v63  }
0x141: {  	_ =	swait.ge [sflag:s31], $0x1000  }
0x142: {  	[sflag:s31] =	ssyncset.done $0x0  }
0x143: {  	[sflag:s31] =	ssyncadd.s32 $0xFFFFF000  }
0x144: {  	_ =	swait.ge [sflag:s31], $0x1000  }
0x145: {  	[sflag:s31] =	ssyncset.done $0x0  }
0x146: {  	[sflag:s31] =	ssyncadd.s32 $0xFFFFF000  }
0x147: {  	_ =	swait.ge [sflag:s31], $0x1000  }
0x148: {  	[sflag:s31] =	ssyncset.done $0x0  }
0x149: {  	[sflag:s31] =	ssyncadd.s32 $0xFFFFF000  }
0x14a: {  	_ =	swait.ge [sflag:s31], $0x1000  }
0x14b: {  	[sflag:s31] =	ssyncset.done $0x0  }
0x14c: {  	[sflag:s31] =	ssyncadd.s32 $0xFFFFF000  }
0x14d: {  	_ =	swait.ge [sflag:s31], $0x1000  }
0x14e: {  	[sflag:s31] =	ssyncset.done $0x0  }
0x14f: {  	[sflag:s31] =	ssyncadd.s32 $0xFFFFF000  }
0x150: {  	_ =	swait.ge [sflag:s31], $0x1000  }
0x151: {  	[sflag:s31] =	ssyncset.done $0x0  }
0x152: {  	[sflag:s31] =	ssyncadd.s32 $0xFFFFF000  }
0x153: {  	_ =	swait.ge [sflag:s31], $0x1000  }
0x154: {  	[sflag:s31] =	ssyncset.done $0x0  }
0x155: {  	[sflag:s31] =	ssyncadd.s32 $0xFFFFF000  }
0x156: {  	_ =	swait.ge [sflag:s31], $0x1000  }
0x157: {  	[sflag:s31] =	ssyncset.done $0x0  }
0x158: {  	[sflag:s31] =	ssyncadd.s32 $0xFFFFF000  }
0x159: {  	_ =	swait.ge [sflag:s1], $0x1000  }
0x15a: {  	[sflag:s1] =	ssyncset.done $0x0  }
0x15b: {  	[sflag:s1] =	ssyncadd.s32 $0xFFFFF000  }
0x15c: {  	_ =	swait.ge [sflag:s1], $0x1000  }
0x15d: {  	[sflag:s1] =	ssyncset.done $0x0  }
0x15e: {  	[sflag:s1] =	ssyncadd.s32 $0xFFFFF000  }
0x15f: {  	_ =	swait.ge [sflag:s1], $0x1000  }
0x160: {  	[sflag:s1] =	ssyncset.done $0x0  }
0x161: {  	[sflag:s1] =	ssyncadd.s32 $0xFFFFF000  }
0x162: {  	_ =	swait.ge [sflag:s1], $0x1000  }
0x163: {  	[sflag:s1] =	ssyncset.done $0x0  }
0x164: {  	[sflag:s1] =	ssyncadd.s32 $0xFFFFF000  }
0x165: {  	_ =	swait.ge [sflag:s1], $0x1000  }
0x166: {  	[sflag:s1] =	ssyncset.done $0x0  }
0x167: {  	[sflag:s1] =	ssyncadd.s32 $0xFFFFF000  }
0x168: {  	_ =	swait.ge [sflag:s1], $0x1000  }
0x169: {  	[sflag:s1] =	ssyncset.done $0x0  }
0x16a: {  	[sflag:s1] =	ssyncadd.s32 $0xFFFFF000  }
0x16b: {  	s8 =	sand.u32 $0x7F, s8;
	_ =	swait.ge [sflag:s1], $0x1000  }
0x16c: {  	v2 =	vor.u32 s8, v0;
	[sflag:s1] =	ssyncset.done $0x0  }
0x16d: {  	[sflag:s1] =	ssyncadd.s32 $0xFFFFF000  }
0x16e: {  	_ =	swait.ge [sflag:s1], $0x1000  }
0x16f: {  	[sflag:s1] =	ssyncset.done $0x0  }
0x170: {  	s25 =	simm.s32 $0x4080;
	[sflag:s1] =	ssyncadd.s32 $0xFFFFF000  }
0x171: {  	v2 =	vld.idx.msk [tilespmem:v2+s25+$0x0], $0xffff  }
0x172: {  	v3 =	vor.u32 s8, v1;
	_ =	sdelay $0x3  }
0x173: {  	s8 =	simm.s32 $0x4080;
	[tilespmem:s5+$0x0] =	vst v2  }
0x174: {  	s7 =	sand.u32 $0x7F, s7;
	v2 =	vld.idx.msk [tilespmem:v3+s8+$0x0], $0xffff  }
0x175: {  	v3 =	vor.u32 s7, v0;
	_ =	sdelay $0x3  }
0x176: {  	s24 =	simm.s32 $0x5080;
	[tilespmem:s5+$0x10] =	vst v2  }
0x177: {  	v2 =	vld.idx.msk [tilespmem:v3+s24+$0x0], $0xffff  }
0x178: {  	v3 =	vor.u32 s7, v1;
	_ =	sdelay $0x3  }
0x179: {  	[tilespmem:s5+$0x80] =	vst v2  }
0x17a: {  	s7 =	sand.u32 $0x7F, s9;
	v2 =	vld.idx.msk [tilespmem:v3+s24+$0x0], $0xffff  }
0x17b: {  	v3 =	vor.u32 s7, v0;
	_ =	sdelay $0x3  }
0x17c: {  	s9 =	simm.s32 $0x6080;
	[tilespmem:s5+$0x90] =	vst v2  }
0x17d: {  	v2 =	vld.idx.msk [tilespmem:v3+s9+$0x0], $0xffff  }
0x17e: {  	v3 =	vor.u32 s7, v1;
	_ =	sdelay $0x3  }
0x17f: {  	s7 =	simm.s32 $0x6080;
	[tilespmem:s5+$0x100] =	vst v2  }
0x180: {  	s4 =	sand.u32 $0x7F, s4;
	v2 =	vld.idx.msk [tilespmem:v3+s7+$0x0], $0xffff  }
0x181: {  	v3 =	vor.u32 s4, v0;
	_ =	sdelay $0x3  }
0x182: {  	[tilespmem:s5+$0x110] =	vst v2  }
0x183: {  	v2 =	vld.idx.msk [tilespmem:v3+s26+$0x0], $0xffff  }
0x184: {  	v3 =	vor.u32 s4, v1;
	_ =	sdelay $0x3  }
0x185: {  	[tilespmem:s5+$0x180] =	vst v2  }
0x186: {  	s10 =	sand.u32 $0x7F, s10;
	v2 =	vld.idx.msk [tilespmem:v3+s26+$0x0], $0xffff  }
0x187: {  	v3 =	vor.u32 s10, v0;
	_ =	sdelay $0x3  }
0x188: {  	[tilespmem:s5+$0x190] =	vst v2  }
0x189: {  	v2 =	vld.idx.msk [tilespmem:v3+s29+$0x0], $0xffff  }
0x18a: {  	v3 =	vor.u32 s10, v1;
	_ =	sdelay $0x3  }
0x18b: {  	[tilespmem:s5+$0x200] =	vst v2  }
0x18c: {  	s10 =	sand.u32 $0x7F, s15;
	v2 =	vld.idx.msk [tilespmem:v3+s29+$0x0], $0xffff  }
0x18d: {  	v3 =	vor.u32 s10, v0;
	_ =	sdelay $0x3  }
0x18e: {  	s15 =	simm.s32 $0x9080;
	[tilespmem:s5+$0x210] =	vst v2  }
0x18f: {  	v2 =	vld.idx.msk [tilespmem:v3+s15+$0x0], $0xffff  }
0x190: {  	v3 =	vor.u32 s10, v1;
	_ =	sdelay $0x3  }
0x191: {  	[tilespmem:s5+$0x280] =	vst v2  }
0x192: {  	s10 =	sand.u32 $0x7F, s17;
	v2 =	vld.idx.msk [tilespmem:v3+s15+$0x0], $0xffff  }
0x193: {  	v3 =	vor.u32 s10, v0;
	_ =	sdelay $0x3  }
0x194: {  	s17 =	simm.s32 $0xA080;
	[tilespmem:s5+$0x290] =	vst v2  }
0x195: {  	v2 =	vld.idx.msk [tilespmem:v3+s17+$0x0], $0xffff  }
0x196: {  	v3 =	vor.u32 s10, v1;
	_ =	sdelay $0x3  }
0x197: {  	[tilespmem:s5+$0x300] =	vst v2  }
0x198: {  	s10 =	sand.u32 $0x7F, s20;
	v2 =	vld.idx.msk [tilespmem:v3+s17+$0x0], $0xffff  }
0x199: {  	v3 =	vor.u32 s10, v0;
	_ =	sdelay $0x3  }
0x19a: {  	s20 =	simm.s32 $0xB080;
	[tilespmem:s5+$0x310] =	vst v2  }
0x19b: {  	v2 =	vld.idx.msk [tilespmem:v3+s20+$0x0], $0xffff  }
0x19c: {  	v3 =	vor.u32 s10, v1;
	_ =	sdelay $0x3  }
0x19d: {  	[tilespmem:s5+$0x380] =	vst v2  }
0x19e: {  	s10 =	sand.u32 $0x7F, s21;
	v2 =	vld.idx.msk [tilespmem:v3+s20+$0x0], $0xffff  }
0x19f: {  	v3 =	vor.u32 s10, v0;
	_ =	sdelay $0x3  }
0x1a0: {  	s21 =	simm.s32 $0xC080;
	[tilespmem:s5+$0x390] =	vst v2  }
0x1a1: {  	v2 =	vld.idx.msk [tilespmem:v3+s21+$0x0], $0xffff  }
0x1a2: {  	v3 =	vor.u32 s10, v1;
	_ =	sdelay $0x3  }
0x1a3: {  	[tilespmem:s11+$0x0] =	vst v2  }
0x1a4: {  	s10 =	sand.u32 $0x7F, s23;
	v2 =	vld.idx.msk [tilespmem:v3+s21+$0x0], $0xffff  }
0x1a5: {  	v3 =	vor.u32 s10, v0;
	_ =	sdelay $0x3  }
0x1a6: {  	s23 =	simm.s32 $0xD080;
	[tilespmem:s11+$0x10] =	vst v2  }
0x1a7: {  	v2 =	vld.idx.msk [tilespmem:v3+s23+$0x0], $0xffff  }
0x1a8: {  	v3 =	vor.u32 s10, v1;
	_ =	sdelay $0x3  }
0x1a9: {  	[tilespmem:s11+$0x80] =	vst v2  }
0x1aa: {  	s10 =	sand.u32 $0x7F, s22;
	v2 =	vld.idx.msk [tilespmem:v3+s23+$0x0], $0xffff  }
0x1ab: {  	v3 =	vor.u32 s10, v0;
	_ =	sdelay $0x3  }
0x1ac: {  	s22 =	simm.s32 $0xE080;
	[tilespmem:s11+$0x90] =	vst v2  }
0x1ad: {  	v2 =	vld.idx.msk [tilespmem:v3+s22+$0x0], $0xffff  }
0x1ae: {  	v3 =	vor.u32 s10, v1;
	_ =	sdelay $0x3  }
0x1af: {  	[tilespmem:s11+$0x100] =	vst v2  }
0x1b0: {  	s10 =	sand.u32 $0x7F, s19;
	v2 =	vld.idx.msk [tilespmem:v3+s22+$0x0], $0xffff  }
0x1b1: {  	v3 =	vor.u32 s10, v0;
	_ =	sdelay $0x3  }
0x1b2: {  	s25 =	simm.s32 $0xF080;
	[tilespmem:s11+$0x110] =	vst v2  }
0x1b3: {  	v2 =	vld.idx.msk [tilespmem:v3+s25+$0x0], $0xffff  }
0x1b4: {  	v3 =	vor.u32 s10, v1;
	_ =	sdelay $0x3  }
0x1b5: {  	[tilespmem:s11+$0x180] =	vst v2  }
0x1b6: {  	s19 =	sand.u32 $0x7F, s18;
	v2 =	vld.idx.msk [tilespmem:v3+s25+$0x0], $0xffff  }
0x1b7: {  	v3 =	vor.u32 s19, v0;
	_ =	sdelay $0x3  }
0x1b8: {  	s18 =	simm.s32 $0x10080;
	[tilespmem:s11+$0x190] =	vst v2  }
0x1b9: {  	v2 =	vld.idx.msk [tilespmem:v3+s18+$0x0], $0xffff  }
0x1ba: {  	v3 =	vor.u32 s19, v1;
	_ =	sdelay $0x3  }
0x1bb: {  	[tilespmem:s11+$0x200] =	vst v2  }
0x1bc: {  	s10 =	sand.u32 $0x7F, s16;
	v2 =	vld.idx.msk [tilespmem:v3+s18+$0x0], $0xffff  }
0x1bd: {  	v3 =	vor.u32 s10, v0;
	_ =	sdelay $0x3  }
0x1be: {  	s16 =	simm.s32 $0x11080;
	[tilespmem:s11+$0x210] =	vst v2  }
0x1bf: {  	v2 =	vld.idx.msk [tilespmem:v3+s16+$0x0], $0xffff  }
0x1c0: {  	v3 =	vor.u32 s10, v1;
	_ =	sdelay $0x3  }
0x1c1: {  	[tilespmem:s11+$0x280] =	vst v2  }
0x1c2: {  	s14 =	sand.u32 $0x7F, s14;
	v2 =	vld.idx.msk [tilespmem:v3+s16+$0x0], $0xffff  }
0x1c3: {  	v3 =	vor.u32 s14, v0;
	_ =	sdelay $0x3  }
0x1c4: {  	s9 =	simm.s32 $0x12080;
	[tilespmem:s11+$0x290] =	vst v2  }
0x1c5: {  	v2 =	vld.idx.msk [tilespmem:v3+s9+$0x0], $0xffff  }
0x1c6: {  	v3 =	vor.u32 s14, v1;
	_ =	sdelay $0x3  }
0x1c7: {  	[tilespmem:s11+$0x300] =	vst v2  }
0x1c8: {  	s3 =	sand.u32 $0x7F, s3;
	v2 =	vld.idx.msk [tilespmem:v3+s9+$0x0], $0xffff  }
0x1c9: {  	v3 =	vor.u32 s3, v0;
	_ =	sdelay $0x3  }
0x1ca: {  	s19 =	simm.s32 $0x13080;
	[tilespmem:s11+$0x310] =	vst v2  }
0x1cb: {  	v2 =	vld.idx.msk [tilespmem:v3+s19+$0x0], $0xffff  }
0x1cc: {  	v3 =	vor.u32 s3, v1;
	_ =	sdelay $0x3  }
0x1cd: {  	[tilespmem:s11+$0x380] =	vst v2  }
0x1ce: {  	p0 =	sne.s32 s6, $0x1C0;
	v2 =	vld.idx.msk [tilespmem:v3+s19+$0x0], $0xffff  }
.Ltmp0:
0x1cf: {  	_ = 	snop;
	(pc) =	sbr.rel @p0 .LBB2_2-.Ltmp0, $2  }
0x1d0: {  	_ =	sdelay $0x2  }
0x1d1: {  	s6 =	sadd.s32 $0x40, s6;
	s5 =	sadd.s32 $0x800, s5;
	[tilespmem:s11+$0x390] =	vst v2;
	s11 =	sadd.s32 $0x800, s11  }
0x1d2: {  	s10 =	simm.s32 $0x0;
	s3 =	rddreg [dreg:$0x9];
	s4 =	simm.s32 $0x80  }
0x1d3: {  	[hbm4b:s3+s10] =	stream.linear.scatter [tilespmem:s4], [sflag:$0x3], $0x4000, $0x38;
	[tilespmem:$0x18100] =	vst v63  }
0x1d4: {  	s4 =	simm.s32 $0x3  }
0x1d5: {  	_ =	swait.ge [sflag:s4], $0x4000  }
0x1d6: {  	[sflag:s4] =	ssyncset.done $0x0  }
0x1d7: {  	s5 =	simm.s32 $0x14100;
	s11 =	rddreg [dreg:$0xa];
	[sflag:s4] =	ssyncadd.s32 $0xFFFFC000  }
0x1d8: {  	[hbm4b:s11+s10] =	stream.linear.scatter [tilespmem:s5], [sflag:$0x3], $0x4000, $0x38;
	[tilespmem:$0x18100] =	vst v63  }
0x1d9: {  	_ =	swait.ge [sflag:s4], $0x4000  }
0x1da: {  	s14 =	rddreg [dreg:$0xc]  }
0x1db: {  	s19 =	rddreg [dreg:$0xb];
	s5 =	sadd.s32 $0x1, s14  }
0x1dc: {  	p0 =	sne.s32 s5, s19  }
.Ltmp1:
0x1dd: {  	_ = 	snop;
	(pc) =	sbr.rel @p0 .LBB2_1-.Ltmp1, $3  }
0x1de: {  	_ =	sdelay $0x1  }
0x1df: {  	[sflag:s4] =	ssyncset.done $0x0  }
0x1e0: {  	[sflag:s4] =	ssyncadd.s32 $0xFFFFC000  }
0x1e1: {  	_ =	sfence.sel $0x180000  }
0x1e2: {  	[bflag:$0x0] =	sbarrier.arrive $0xFFFF  }
0x1e3: {  	_ =	strace $0x90000047  }
0x1e4: {  	s0 =	stileid.u32;
	[bflag:$0x2] =	sbarrier.arrive $0xFFFF  }
0x1e5: {  	p0 =	sne.s32 s0, $0x0;
	s0 =	rddreg [dreg:$0x6]  }
0x1e6: {  	s0 =	sadd.s32 @!p0 $0x100000, s0  }
0x1e7: {  	[sflag:s0] =	ssyncadd.tile.s32 @!p0 $0x1;
	_ =	shalt  }
.Lfunc_end2:
_tile_overlayer_lowered:
.L_overlay_start_2:
0x1e8: {  	(tag) =	ssettag $0x2  }
0x1e9: {  	s0 =	rddreg [dreg:$0x0];
	s2 =	stileid.u32  }
0x1ea: {  	s1 =	rddreg [dreg:$0x1];
	p0 =	sne.s32 s2, $0x0  }
0x1eb: {  	s3 =	rddreg [dreg:$0x2];
	[bflag:$0x3] =	sbarrier.arrive $0xFFFF;
	s2 =	simm.s32 @!p0 $0x1C03  }
0x1ec: {  	[timem:s3], [sflag:s2] =	dma.local @!p0 [hbm:s0], s1  }
0x1ed: {  	s0 =	simm.s32 @!p0 $0x3  }
0x1ee: {  	_ =	swait.ge @!p0 [sflag:s0], s1  }
0x1ef: {  	s1 =	ssub.s32 @!p0 $0x0, s1;
	[sflag:s0] =	ssyncset.done @!p0 $0x0  }
0x1f0: {  	[sflag:s0] =	ssyncadd.s32 @!p0 s1  }
0x1f1: {  	[bflag:$0x3] =	sbarrier.arrive $0xFFFF  }
0x1f2: {  	_ =	shalt  }

</sc_bundles>
